<compile_context>
chip_gen: v7x
topology: tpu7x:2x2x1
jax: 0.10.2.dev20260603
libtpu: 0.0.44.dev20260713+nightly
codegen_flags: <defaults>
</compile_context>

<pallas_src>
import functools

import jax
import jax.numpy as jnp
from jax import lax
from jax.experimental import pallas as pl
from jax.experimental.pallas import tpu as pltpu
from jax.experimental.pallas import tpu_sc as plsc

B = 64
S = 1025
SP = 1152
D = 768
K = 8
NC = 2
NS = 16
L = 16
TCH = 128
BCH = 32
NSTR = 2
HCH = TCH // NSTR


def _dist_body(*refs):
    ys = refs[:NSTR]
    g_ref = refs[NSTR]
    out_ref = refs[NSTR + 1]
    c = pl.program_id(0)
    g = g_ref[...]
    gn = jnp.sqrt(jnp.sum(g * g, axis=2))
    parts = []
    for h, y_ref in enumerate(ys):
        rows = y_ref[...]
        num = jnp.sum(rows * g, axis=2)
        ln = jnp.sqrt(jnp.sum(rows * rows, axis=2))
        dist = num / jnp.maximum(gn * ln, 1e-8)
        rid = (c * TCH + h * HCH
               + lax.broadcasted_iota(jnp.int32, (HCH, BCH), 0))
        valid = (rid > 0) & (rid < S)
        parts.append(jnp.where(valid, dist, -jnp.inf))
    dist = jnp.concatenate(parts, axis=0)
    out_ref[...] = jnp.swapaxes(dist, 0, 1)


_MAXBLK = (S - 1) // HCH


def _distances(y, b0, nb):
    return pl.pallas_call(
        _dist_body,
        grid=(SP // TCH, nb // BCH),
        in_specs=[
            pl.BlockSpec((HCH, BCH, D),
                         lambda c, bc, h=h: (jnp.minimum(NSTR * c + h, _MAXBLK),
                                             bc + b0 // BCH, 0))
            for h in range(NSTR)
        ] + [
            pl.BlockSpec((1, BCH, D), lambda c, bc: (0, bc + b0 // BCH, 0)),
        ],
        out_specs=pl.BlockSpec((BCH, TCH), lambda c, bc: (bc, c)),
        out_shape=jax.ShapeDtypeStruct((nb, SP), jnp.float32),
    )(*([y] * (NSTR + 1)))


@functools.lru_cache(maxsize=None)
def _topk_crop_kernel(b0, nb):
    @functools.partial(
        pl.kernel,
        out_type=jax.ShapeDtypeStruct((nb, K, D), jnp.float32),
        mesh=plsc.VectorSubcoreMesh(core_axis_name="c", subcore_axis_name="s"),
        scratch_types=[
            pltpu.VMEM((SP,), jnp.float32),
            pltpu.VMEM((L,), jnp.int32),
            pltpu.VMEM((L, D), jnp.float32),
            pltpu.SemaphoreType.DMA,
        ],
        compiler_params=pltpu.CompilerParams(needs_layout_passes=False),
    )
    def _topk_crop(dist_hbm, y2d_hbm, out_hbm, dist_v, idx_v, rows_v, sem):
        wid = lax.axis_index("s") * NC + lax.axis_index("c")
        iota = jnp.arange(L, dtype=jnp.int32)
        for i in range(nb // (NC * NS)):
            b = wid * (nb // (NC * NS)) + i
            pltpu.sync_copy(dist_hbm.at[b], dist_v)
            tv, ti = plsc.sort_key_val(dist_v[pl.ds(0, L)], iota,
                                       descending=True)
            for j in range(1, SP // L):
                sv, si = plsc.sort_key_val(dist_v[pl.ds(j * L, L)],
                                           iota + (j * L), descending=True)
                rv = lax.rev(sv, (0,))
                ri = lax.rev(si, (0,))
                m = tv >= rv
                hi = jnp.where(m, tv, rv)
                hx = jnp.where(m, ti, ri)
                tv, ti = plsc.sort_key_val(hi, hx, descending=True)
            idx_v[...] = ti * B + (b0 + b)
            pltpu.async_copy(y2d_hbm.at[idx_v], rows_v, sem).wait()
            pltpu.sync_copy(rows_v.at[pl.ds(0, K)], out_hbm.at[b])

    return _topk_crop


def kernel(x, images):
    del images
    y = jnp.transpose(x, (1, 0, 2))
    y2d = y.reshape(S * B, D)
    dist = _distances(y, 0, B)
    return _topk_crop_kernel(0, B)(dist, y2d)

# --- scband reference (transcript-rebuilt; emitter-appended) ---
"""Pipeline reference for scband-glsim-crop-1159641170176 (READ-ONLY COPY).

The authoritative reference and input builder live on the scoring server;
editing this copy changes nothing except your own understanding.
"""

import jax, jax.numpy as jnp
import numpy as np

DYNAMIC_TOP = 8


def setup_inputs(seed: int = 0) -> dict:
    key = jax.random.key(seed)
    k1, k2 = jax.random.split(key)
    x = jax.random.normal(k1, (64, 1025, 768), dtype=jnp.float32)
    images = jax.random.uniform(k2, (64, 3, 512, 512), dtype=jnp.float32)
    return {"x": x, "images": images}


def reference(x, images):
    # GLSimCrop with cls_token=True, select_top_k=True, sim_metric='cos'
    # g = cls token, l = local tokens
    g = x[:, :1, :]          # [B, 1, D]
    l = x[:, 1:, :]          # [B, S, D]
    # torch F.cosine_similarity(g, l, dim=-1) with eps=1e-8 clamp on denom
    num = jnp.sum(g * l, axis=-1)                          # [B, S]
    g_norm = jnp.sqrt(jnp.sum(g * g, axis=-1))             # [B, 1]
    l_norm = jnp.sqrt(jnp.sum(l * l, axis=-1))             # [B, S]
    denom = jnp.maximum(g_norm * l_norm, 1e-8)
    distances = num / denom                                # [B, S]
    # largest=True for cosine metric
    top, ind = jax.lax.top_k(distances, DYNAMIC_TOP)       # [B, k]
    B, k = ind.shape
    D = l.shape[-1]
    ind_b = jnp.broadcast_to(ind[:, :, None], (B, k, D))
    selected = jnp.take_along_axis(l, ind_b, axis=1)       # [B, k, D]
    # forward (select_top_k path) returns selected only
    return selected

if __name__ == "__main__":
    import jax
    _d = setup_inputs()
    print(jax.jit(kernel)(*tuple(_d.values())))

</pallas_src>

<mosaic_0001>
#map = affine_map<(d0, d1) -> (0, 0)>
#map1 = affine_map<(d0, d1) -> (0, 0, 0)>
module attributes {stable_mosaic.version = 14 : i64} {
  func.func @_topk_crop(%arg0: i32, %arg1: i32, %arg2: memref<64x1152xf32, #tpu.memory_space<hbm>>, %arg3: memref<65600x768xf32, #tpu.memory_space<hbm>>, %arg4: memref<64x8x768xf32, #tpu.memory_space<hbm>>, %arg5: memref<1152xf32, #tpu.memory_space<vmem>>, %arg6: memref<16xi32, #tpu.memory_space<vmem>>, %arg7: memref<16x768xf32, #tpu.memory_space<vmem>>, %arg8: memref<!tpu.dma_semaphore, #tpu.memory_space<semaphore_mem>>) attributes {dimension_semantics = [#tpu.dimension_semantics<core_parallel>, #tpu.dimension_semantics<subcore_parallel>], iteration_bounds = array<i64: 2, 16>, scalar_prefetch = 0 : i64, scratch_operands = 4 : i64, tpu.core_type = #tpu.core_type<sc_vector_subcore>, window_params = [{transform_indices = #map}, {transform_indices = #map}, {transform_indices = #map1}]} {
    %mul3A = arith.constant 2 : i32
    %mul3A_0 = arith.muli %arg1, %mul3A : i32
    %add3A = arith.addi %mul3A_0, %arg0 : i32
    %iota3A = tpu.iota {dimensions = array<i32: 0>} : vector<16xi32>
    %mul3A_1 = arith.constant 2 : i32
    %mul3A_2 = arith.muli %add3A, %mul3A_1 : i32
    %add3A_3 = arith.constant 0 : i32
    %add3A_4 = arith.addi %mul3A_2, %add3A_3 : i32
    "tpu.region"() ({
      %run_scoped3A = tpu.sem_alloc : memref<!tpu.dma_semaphore, #tpu.memory_space<semaphore_mem>>
      %dma_start3A_3735 = arith.constant 0 : i32
      %dma_start3A_3736 = tpu.memref_slice %arg2[%add3A_4, %dma_start3A_3735] : memref<64x1152xf32, #tpu.memory_space<hbm>> -> memref<1x1152xf32, #tpu.memory_space<hbm>>
      %dma_start3A_3737 = tpu.memref_squeeze %dma_start3A_3736 : memref<1x1152xf32, #tpu.memory_space<hbm>> -> memref<1152xf32, #tpu.memory_space<hbm>>
      %dma_start3A_3738 = arith.constant 0 : i32
      %dma_start3A_3739 = tpu.memref_slice %arg2[%add3A_4, %dma_start3A_3738] : memref<64x1152xf32, #tpu.memory_space<hbm>> -> memref<1x1152xf32, #tpu.memory_space<hbm>>
      %dma_start3A_3740 = tpu.memref_squeeze %dma_start3A_3739 : memref<1x1152xf32, #tpu.memory_space<hbm>> -> memref<1152xf32, #tpu.memory_space<hbm>>
      tpu.enqueue_dma source(%dma_start3A_3740 : memref<1152xf32, #tpu.memory_space<hbm>>) target(%arg5 : memref<1152xf32, #tpu.memory_space<vmem>>) target_semaphore(%run_scoped3A : memref<!tpu.dma_semaphore, #tpu.memory_space<semaphore_mem>>)
      %dma_wait3A_3741 = arith.constant 0 : i32
      %dma_wait3A_3742 = tpu.memref_slice %arg2[%add3A_4, %dma_wait3A_3741] : memref<64x1152xf32, #tpu.memory_space<hbm>> -> memref<1x1152xf32, #tpu.memory_space<hbm>>
      %dma_wait3A_3743 = tpu.memref_squeeze %dma_wait3A_3742 : memref<1x1152xf32, #tpu.memory_space<hbm>> -> memref<1152xf32, #tpu.memory_space<hbm>>
      %dma_wait3A_3744 = arith.constant 0 : i32
      %dma_wait3A_3745 = tpu.memref_slice %arg2[%add3A_4, %dma_wait3A_3744] : memref<64x1152xf32, #tpu.memory_space<hbm>> -> memref<1x1152xf32, #tpu.memory_space<hbm>>
      %dma_wait3A_3746 = tpu.memref_squeeze %dma_wait3A_3745 : memref<1x1152xf32, #tpu.memory_space<hbm>> -> memref<1152xf32, #tpu.memory_space<hbm>>
      tpu.wait_dma2 semaphore(%run_scoped3A : memref<!tpu.dma_semaphore, #tpu.memory_space<semaphore_mem>>) src(%dma_wait3A_3746 : memref<1152xf32, #tpu.memory_space<hbm>>) dst(%arg5 : memref<1152xf32, #tpu.memory_space<vmem>>)
      tpu.yield
    }) : () -> ()
    %get3A = arith.constant 0 : index
    %get3A_5 = tpu.vector_load %arg5[%get3A] {strides = array<i32>} : memref<1152xf32, #tpu.memory_space<vmem>>, vector<16xf32>,
    %masked_sort3A = arith.constant dense<true> : vector<16xi1>
    %masked_sort3A_6, %masked_sort3A_7, %masked_sort3A_8 = tpu.sort %get3A_5, %iota3A masked %masked_sort3A {descending = true} : (vector<16xf32>, vector<16xi32>, vector<16xi1>) -> (vector<16xi1>, vector<16xf32>, vector<16xi32>)
    %get3A_9 = arith.constant 16 : index
    %get3A_10 = tpu.vector_load %arg5[%get3A_9] {strides = array<i32>} : memref<1152xf32, #tpu.memory_space<vmem>>, vector<16xf32>,
    %add3A_11 = arith.constant 16 : i32
    %add3A_12 = vector.broadcast %add3A_11 : i32 to vector<16xi32>
    %add3A_13 = arith.addi %iota3A, %add3A_12 : vector<16xi32>
    %masked_sort3A_14 = arith.constant dense<true> : vector<16xi1>
    %masked_sort3A_15, %masked_sort3A_16, %masked_sort3A_17 = tpu.sort %get3A_10, %add3A_13 masked %masked_sort3A_14 {descending = true} : (vector<16xf32>, vector<16xi32>, vector<16xi1>) -> (vector<16xi1>, vector<16xf32>, vector<16xi32>)
    %rev3A = arith.constant 15 : i32
    %rev3A_18 = vector.broadcast %rev3A : i32 to vector<16xi32>
    %rev3A_19 = tpu.iota {dimensions = array<i32: 0>} : vector<16xi32>
    %rev3A_20 = arith.subi %rev3A_18, %rev3A_19 : vector<16xi32>
    %rev3A_21 = tpu.dynamic_gather %masked_sort3A_16[%rev3A_20] in [0] : vector<16xf32>, vector<16xi32> -> vector<16xf32>
    %rev3A_22 = arith.constant 15 : i32
    %rev3A_23 = vector.broadcast %rev3A_22 : i32 to vector<16xi32>
    %rev3A_24 = tpu.iota {dimensions = array<i32: 0>} : vector<16xi32>
    %rev3A_25 = arith.subi %rev3A_23, %rev3A_24 : vector<16xi32>
    %rev3A_26 = tpu.dynamic_gather %masked_sort3A_17[%rev3A_25] in [0] : vector<16xi32>, vector<16xi32> -> vector<16xi32>
    %ge3A = arith.cmpf oge, %masked_sort3A_7, %rev3A_21 : vector<16xf32>
    %select_n3A = arith.select %ge3A, %masked_sort3A_7, %rev3A_21 : vector<16xi1>, vector<16xf32>
    %select_n3A_27 = arith.select %ge3A, %masked_sort3A_8, %rev3A_26 : vector<16xi1>, vector<16xi32>
    %masked_sort3A_28 = arith.constant dense<true> : vector<16xi1>
    %masked_sort3A_29, %masked_sort3A_30, %masked_sort3A_31 = tpu.sort %select_n3A, %select_n3A_27 masked %masked_sort3A_28 {descending = true} : (vector<16xf32>, vector<16xi32>, vector<16xi1>) -> (vector<16xi1>, vector<16xf32>, vector<16xi32>)
    %get3A_32 = arith.constant 32 : index
    %get3A_33 = tpu.vector_load %arg5[%get3A_32] {strides = array<i32>} : memref<1152xf32, #tpu.memory_space<vmem>>, vector<16xf32>,
    %add3A_34 = arith.constant 32 : i32
    %add3A_35 = vector.broadcast %add3A_34 : i32 to vector<16xi32>
    %add3A_36 = arith.addi %iota3A, %add3A_35 : vector<16xi32>
    %masked_sort3A_37 = arith.constant dense<true> : vector<16xi1>
    %masked_sort3A_38, %masked_sort3A_39, %masked_sort3A_40 = tpu.sort %get3A_33, %add3A_36 masked %masked_sort3A_37 {descending = true} : (vector<16xf32>, vector<16xi32>, vector<16xi1>) -> (vector<16xi1>, vector<16xf32>, vector<16xi32>)
    %rev3A_41 = arith.constant 15 : i32
    %rev3A_42 = vector.broadcast %rev3A_41 : i32 to vector<16xi32>
    %rev3A_43 = tpu.iota {dimensions = array<i32: 0>} : vector<16xi32>
    %rev3A_44 = arith.subi %rev3A_42, %rev3A_43 : vector<16xi32>
    %rev3A_45 = tpu.dynamic_gather %masked_sort3A_39[%rev3A_44] in [0] : vector<16xf32>, vector<16xi32> -> vector<16xf32>
    %rev3A_46 = arith.constant 15 : i32
    %rev3A_47 = vector.broadcast %rev3A_46 : i32 to vector<16xi32>
    %rev3A_48 = tpu.iota {dimensions = array<i32: 0>} : vector<16xi32>
    %rev3A_49 = arith.subi %rev3A_47, %rev3A_48 : vector<16xi32>
    %rev3A_50 = tpu.dynamic_gather %masked_sort3A_40[%rev3A_49] in [0] : vector<16xi32>, vector<16xi32> -> vector<16xi32>
    %ge3A_51 = arith.cmpf oge, %masked_sort3A_30, %rev3A_45 : vector<16xf32>
    %select_n3A_52 = arith.select %ge3A_51, %masked_sort3A_30, %rev3A_45 : vector<16xi1>, vector<16xf32>
    %select_n3A_53 = arith.select %ge3A_51, %masked_sort3A_31, %rev3A_50 : vector<16xi1>, vector<16xi32>
    %masked_sort3A_54 = arith.constant dense<true> : vector<16xi1>
    %masked_sort3A_55, %masked_sort3A_56, %masked_sort3A_57 = tpu.sort %select_n3A_52, %select_n3A_53 masked %masked_sort3A_54 {descending = true} : (vector<16xf32>, vector<16xi32>, vector<16xi1>) -> (vector<16xi1>, vector<16xf32>, vector<16xi32>)
    %get3A_58 = arith.constant 48 : index
    %get3A_59 = tpu.vector_load %arg5[%get3A_58] {strides = array<i32>} : memref<1152xf32, #tpu.memory_space<vmem>>, vector<16xf32>,
    %add3A_60 = arith.constant 48 : i32
    %add3A_61 = vector.broadcast %add3A_60 : i32 to vector<16xi32>
    %add3A_62 = arith.addi %iota3A, %add3A_61 : vector<16xi32>
    %masked_sort3A_63 = arith.constant dense<true> : vector<16xi1>
    %masked_sort3A_64, %masked_sort3A_65, %masked_sort3A_66 = tpu.sort %get3A_59, %add3A_62 masked %masked_sort3A_63 {descending = true} : (vector<16xf32>, vector<16xi32>, vector<16xi1>) -> (vector<16xi1>, vector<16xf32>, vector<16xi32>)
    %rev3A_67 = arith.constant 15 : i32
    %rev3A_68 = vector.broadcast %rev3A_67 : i32 to vector<16xi32>
    %rev3A_69 = tpu.iota {dimensions = array<i32: 0>} : vector<16xi32>
    %rev3A_70 = arith.subi %rev3A_68, %rev3A_69 : vector<16xi32>
    %rev3A_71 = tpu.dynamic_gather %masked_sort3A_65[%rev3A_70] in [0] : vector<16xf32>, vector<16xi32> -> vector<16xf32>
    %rev3A_72 = arith.constant 15 : i32
    %rev3A_73 = vector.broadcast %rev3A_72 : i32 to vector<16xi32>
    %rev3A_74 = tpu.iota {dimensions = array<i32: 0>} : vector<16xi32>
    %rev3A_75 = arith.subi %rev3A_73, %rev3A_74 : vector<16xi32>
    %rev3A_76 = tpu.dynamic_gather %masked_sort3A_66[%rev3A_75] in [0] : vector<16xi32>, vector<16xi32> -> vector<16xi32>
    %ge3A_77 = arith.cmpf oge, %masked_sort3A_56, %rev3A_71 : vector<16xf32>
    %select_n3A_78 = arith.select %ge3A_77, %masked_sort3A_56, %rev3A_71 : vector<16xi1>, vector<16xf32>
    %select_n3A_79 = arith.select %ge3A_77, %masked_sort3A_57, %rev3A_76 : vector<16xi1>, vector<16xi32>
    %masked_sort3A_80 = arith.constant dense<true> : vector<16xi1>
    %masked_sort3A_81, %masked_sort3A_82, %masked_sort3A_83 = tpu.sort %select_n3A_78, %select_n3A_79 masked %masked_sort3A_80 {descending = true} : (vector<16xf32>, vector<16xi32>, vector<16xi1>) -> (vector<16xi1>, vector<16xf32>, vector<16xi32>)
    %get3A_84 = arith.constant 64 : index
    %get3A_85 = tpu.vector_load %arg5[%get3A_84] {strides = array<i32>} : memref<1152xf32, #tpu.memory_space<vmem>>, vector<16xf32>,
    %add3A_86 = arith.constant 64 : i32
    %add3A_87 = vector.broadcast %add3A_86 : i32 to vector<16xi32>
    %add3A_88 = arith.addi %iota3A, %add3A_87 : vector<16xi32>
    %masked_sort3A_89 = arith.constant dense<true> : vector<16xi1>
    %masked_sort3A_90, %masked_sort3A_91, %masked_sort3A_92 = tpu.sort %get3A_85, %add3A_88 masked %masked_sort3A_89 {descending = true} : (vector<16xf32>, vector<16xi32>, vector<16xi1>) -> (vector<16xi1>, vector<16xf32>, vector<16xi32>)
    %rev3A_93 = arith.constant 15 : i32
    %rev3A_94 = vector.broadcast %rev3A_93 : i32 to vector<16xi32>
    %rev3A_95 = tpu.iota {dimensions = array<i32: 0>} : vector<16xi32>
    %rev3A_96 = arith.subi %rev3A_94, %rev3A_95 : vector<16xi32>
    %rev3A_97 = tpu.dynamic_gather %masked_sort3A_91[%rev3A_96] in [0] : vector<16xf32>, vector<16xi32> -> vector<16xf32>
    %rev3A_98 = arith.constant 15 : i32
    %rev3A_99 = vector.broadcast %rev3A_98 : i32 to vector<16xi32>
    %rev3A_100 = tpu.iota {dimensions = array<i32: 0>} : vector<16xi32>
    %rev3A_101 = arith.subi %rev3A_99, %rev3A_100 : vector<16xi32>
    %rev3A_102 = tpu.dynamic_gather %masked_sort3A_92[%rev3A_101] in [0] : vector<16xi32>, vector<16xi32> -> vector<16xi32>
    %ge3A_103 = arith.cmpf oge, %masked_sort3A_82, %rev3A_97 : vector<16xf32>
    %select_n3A_104 = arith.select %ge3A_103, %masked_sort3A_82, %rev3A_97 : vector<16xi1>, vector<16xf32>
    %select_n3A_105 = arith.select %ge3A_103, %masked_sort3A_83, %rev3A_102 : vector<16xi1>, vector<16xi32>
    %masked_sort3A_106 = arith.constant dense<true> : vector<16xi1>
    %masked_sort3A_107, %masked_sort3A_108, %masked_sort3A_109 = tpu.sort %select_n3A_104, %select_n3A_105 masked %masked_sort3A_106 {descending = true} : (vector<16xf32>, vector<16xi32>, vector<16xi1>) -> (vector<16xi1>, vector<16xf32>, vector<16xi32>)
    %get3A_110 = arith.constant 80 : index
    %get3A_111 = tpu.vector_load %arg5[%get3A_110] {strides = array<i32>} : memref<1152xf32, #tpu.memory_space<vmem>>, vector<16xf32>,
    %add3A_112 = arith.constant 80 : i32
    %add3A_113 = vector.broadcast %add3A_112 : i32 to vector<16xi32>
    %add3A_114 = arith.addi %iota3A, %add3A_113 : vector<16xi32>
    %masked_sort3A_115 = arith.constant dense<true> : vector<16xi1>
    %masked_sort3A_116, %masked_sort3A_117, %masked_sort3A_118 = tpu.sort %get3A_111, %add3A_114 masked %masked_sort3A_115 {descending = true} : (vector<16xf32>, vector<16xi32>, vector<16xi1>) -> (vector<16xi1>, vector<16xf32>, vector<16xi32>)
    %rev3A_119 = arith.constant 15 : i32
    %rev3A_120 = vector.broadcast %rev3A_119 : i32 to vector<16xi32>
    %rev3A_121 = tpu.iota {dimensions = array<i32: 0>} : vector<16xi32>
    %rev3A_122 = arith.subi %rev3A_120, %rev3A_121 : vector<16xi32>
    %rev3A_123 = tpu.dynamic_gather %masked_sort3A_117[%rev3A_122] in [0] : vector<16xf32>, vector<16xi32> -> vector<16xf32>
    %rev3A_124 = arith.constant 15 : i32
    %rev3A_125 = vector.broadcast %rev3A_124 : i32 to vector<16xi32>
    %rev3A_126 = tpu.iota {dimensions = array<i32: 0>} : vector<16xi32>
    %rev3A_127 = arith.subi %rev3A_125, %rev3A_126 : vector<16xi32>
    %rev3A_128 = tpu.dynamic_gather %masked_sort3A_118[%rev3A_127] in [0] : vector<16xi32>, vector<16xi32> -> vector<16xi32>
    %ge3A_129 = arith.cmpf oge, %masked_sort3A_108, %rev3A_123 : vector<16xf32>
    %select_n3A_130 = arith.select %ge3A_129, %masked_sort3A_108, %rev3A_123 : vector<16xi1>, vector<16xf32>
    %select_n3A_131 = arith.select %ge3A_129, %masked_sort3A_109, %rev3A_128 : vector<16xi1>, vector<16xi32>
    %masked_sort3A_132 = arith.constant dense<true> : vector<16xi1>
    %masked_sort3A_133, %masked_sort3A_134, %masked_sort3A_135 = tpu.sort %select_n3A_130, %select_n3A_131 masked %masked_sort3A_132 {descending = true} : (vector<16xf32>, vector<16xi32>, vector<16xi1>) -> (vector<16xi1>, vector<16xf32>, vector<16xi32>)
    %get3A_136 = arith.constant 96 : index
    %get3A_137 = tpu.vector_load %arg5[%get3A_136] {strides = array<i32>} : memref<1152xf32, #tpu.memory_space<vmem>>, vector<16xf32>,
    %add3A_138 = arith.constant 96 : i32
    %add3A_139 = vector.broadcast %add3A_138 : i32 to vector<16xi32>
    %add3A_140 = arith.addi %iota3A, %add3A_139 : vector<16xi32>
    %masked_sort3A_141 = arith.constant dense<true> : vector<16xi1>
    %masked_sort3A_142, %masked_sort3A_143, %masked_sort3A_144 = tpu.sort %get3A_137, %add3A_140 masked %masked_sort3A_141 {descending = true} : (vector<16xf32>, vector<16xi32>, vector<16xi1>) -> (vector<16xi1>, vector<16xf32>, vector<16xi32>)
    %rev3A_145 = arith.constant 15 : i32
    %rev3A_146 = vector.broadcast %rev3A_145 : i32 to vector<16xi32>
    %rev3A_147 = tpu.iota {dimensions = array<i32: 0>} : vector<16xi32>
    %rev3A_148 = arith.subi %rev3A_146, %rev3A_147 : vector<16xi32>
    %rev3A_149 = tpu.dynamic_gather %masked_sort3A_143[%rev3A_148] in [0] : vector<16xf32>, vector<16xi32> -> vector<16xf32>
    %rev3A_150 = arith.constant 15 : i32
    %rev3A_151 = vector.broadcast %rev3A_150 : i32 to vector<16xi32>
    %rev3A_152 = tpu.iota {dimensions = array<i32: 0>} : vector<16xi32>
    %rev3A_153 = arith.subi %rev3A_151, %rev3A_152 : vector<16xi32>
    %rev3A_154 = tpu.dynamic_gather %masked_sort3A_144[%rev3A_153] in [0] : vector<16xi32>, vector<16xi32> -> vector<16xi32>
    %ge3A_155 = arith.cmpf oge, %masked_sort3A_134, %rev3A_149 : vector<16xf32>
    %select_n3A_156 = arith.select %ge3A_155, %masked_sort3A_134, %rev3A_149 : vector<16xi1>, vector<16xf32>
    %select_n3A_157 = arith.select %ge3A_155, %masked_sort3A_135, %rev3A_154 : vector<16xi1>, vector<16xi32>
    %masked_sort3A_158 = arith.constant dense<true> : vector<16xi1>
    %masked_sort3A_159, %masked_sort3A_160, %masked_sort3A_161 = tpu.sort %select_n3A_156, %select_n3A_157 masked %masked_sort3A_158 {descending = true} : (vector<16xf32>, vector<16xi32>, vector<16xi1>) -> (vector<16xi1>, vector<16xf32>, vector<16xi32>)
    %get3A_162 = arith.constant 112 : index
    %get3A_163 = tpu.vector_load %arg5[%get3A_162] {strides = array<i32>} : memref<1152xf32, #tpu.memory_space<vmem>>, vector<16xf32>,
    %add3A_164 = arith.constant 112 : i32
    %add3A_165 = vector.broadcast %add3A_164 : i32 to vector<16xi32>
    %add3A_166 = arith.addi %iota3A, %add3A_165 : vector<16xi32>
    %masked_sort3A_167 = arith.constant dense<true> : vector<16xi1>
    %masked_sort3A_168, %masked_sort3A_169, %masked_sort3A_170 = tpu.sort %get3A_163, %add3A_166 masked %masked_sort3A_167 {descending = true} : (vector<16xf32>, vector<16xi32>, vector<16xi1>) -> (vector<16xi1>, vector<16xf32>, vector<16xi32>)
    %rev3A_171 = arith.constant 15 : i32
    %rev3A_172 = vector.broadcast %rev3A_171 : i32 to vector<16xi32>
    %rev3A_173 = tpu.iota {dimensions = array<i32: 0>} : vector<16xi32>
    %rev3A_174 = arith.subi %rev3A_172, %rev3A_173 : vector<16xi32>
    %rev3A_175 = tpu.dynamic_gather %masked_sort3A_169[%rev3A_174] in [0] : vector<16xf32>, vector<16xi32> -> vector<16xf32>
    %rev3A_176 = arith.constant 15 : i32
    %rev3A_177 = vector.broadcast %rev3A_176 : i32 to vector<16xi32>
    %rev3A_178 = tpu.iota {dimensions = array<i32: 0>} : vector<16xi32>
    %rev3A_179 = arith.subi %rev3A_177, %rev3A_178 : vector<16xi32>
    %rev3A_180 = tpu.dynamic_gather %masked_sort3A_170[%rev3A_179] in [0] : vector<16xi32>, vector<16xi32> -> vector<16xi32>
    %ge3A_181 = arith.cmpf oge, %masked_sort3A_160, %rev3A_175 : vector<16xf32>
    %select_n3A_182 = arith.select %ge3A_181, %masked_sort3A_160, %rev3A_175 : vector<16xi1>, vector<16xf32>
    %select_n3A_183 = arith.select %ge3A_181, %masked_sort3A_161, %rev3A_180 : vector<16xi1>, vector<16xi32>
    %masked_sort3A_184 = arith.constant dense<true> : vector<16xi1>
    %masked_sort3A_185, %masked_sort3A_186, %masked_sort3A_187 = tpu.sort %select_n3A_182, %select_n3A_183 masked %masked_sort3A_184 {descending = true} : (vector<16xf32>, vector<16xi32>, vector<16xi1>) -> (vector<16xi1>, vector<16xf32>, vector<16xi32>)
    %get3A_188 = arith.constant 128 : index
    %get3A_189 = tpu.vector_load %arg5[%get3A_188] {strides = array<i32>} : memref<1152xf32, #tpu.memory_space<vmem>>, vector<16xf32>,
    %add3A_190 = arith.constant 128 : i32
    %add3A_191 = vector.broadcast %add3A_190 : i32 to vector<16xi32>
    %add3A_192 = arith.addi %iota3A, %add3A_191 : vector<16xi32>
    %masked_sort3A_193 = arith.constant dense<true> : vector<16xi1>
    %masked_sort3A_194, %masked_sort3A_195, %masked_sort3A_196 = tpu.sort %get3A_189, %add3A_192 masked %masked_sort3A_193 {descending = true} : (vector<16xf32>, vector<16xi32>, vector<16xi1>) -> (vector<16xi1>, vector<16xf32>, vector<16xi32>)
    %rev3A_197 = arith.constant 15 : i32
    %rev3A_198 = vector.broadcast %rev3A_197 : i32 to vector<16xi32>
    %rev3A_199 = tpu.iota {dimensions = array<i32: 0>} : vector<16xi32>
    %rev3A_200 = arith.subi %rev3A_198, %rev3A_199 : vector<16xi32>
    %rev3A_201 = tpu.dynamic_gather %masked_sort3A_195[%rev3A_200] in [0] : vector<16xf32>, vector<16xi32> -> vector<16xf32>
    %rev3A_202 = arith.constant 15 : i32
    %rev3A_203 = vector.broadcast %rev3A_202 : i32 to vector<16xi32>
    %rev3A_204 = tpu.iota {dimensions = array<i32: 0>} : vector<16xi32>
    %rev3A_205 = arith.subi %rev3A_203, %rev3A_204 : vector<16xi32>
    %rev3A_206 = tpu.dynamic_gather %masked_sort3A_196[%rev3A_205] in [0] : vector<16xi32>, vector<16xi32> -> vector<16xi32>
    %ge3A_207 = arith.cmpf oge, %masked_sort3A_186, %rev3A_201 : vector<16xf32>
    %select_n3A_208 = arith.select %ge3A_207, %masked_sort3A_186, %rev3A_201 : vector<16xi1>, vector<16xf32>
    %select_n3A_209 = arith.select %ge3A_207, %masked_sort3A_187, %rev3A_206 : vector<16xi1>, vector<16xi32>
    %masked_sort3A_210 = arith.constant dense<true> : vector<16xi1>
    %masked_sort3A_211, %masked_sort3A_212, %masked_sort3A_213 = tpu.sort %select_n3A_208, %select_n3A_209 masked %masked_sort3A_210 {descending = true} : (vector<16xf32>, vector<16xi32>, vector<16xi1>) -> (vector<16xi1>, vector<16xf32>, vector<16xi32>)
    %get3A_214 = arith.constant 144 : index
    %get3A_215 = tpu.vector_load %arg5[%get3A_214] {strides = array<i32>} : memref<1152xf32, #tpu.memory_space<vmem>>, vector<16xf32>,
    %add3A_216 = arith.constant 144 : i32
    %add3A_217 = vector.broadcast %add3A_216 : i32 to vector<16xi32>
    %add3A_218 = arith.addi %iota3A, %add3A_217 : vector<16xi32>
    %masked_sort3A_219 = arith.constant dense<true> : vector<16xi1>
    %masked_sort3A_220, %masked_sort3A_221, %masked_sort3A_222 = tpu.sort %get3A_215, %add3A_218 masked %masked_sort3A_219 {descending = true} : (vector<16xf32>, vector<16xi32>, vector<16xi1>) -> (vector<16xi1>, vector<16xf32>, vector<16xi32>)
    %rev3A_223 = arith.constant 15 : i32
    %rev3A_224 = vector.broadcast %rev3A_223 : i32 to vector<16xi32>
    %rev3A_225 = tpu.iota {dimensions = array<i32: 0>} : vector<16xi32>
    %rev3A_226 = arith.subi %rev3A_224, %rev3A_225 : vector<16xi32>
    %rev3A_227 = tpu.dynamic_gather %masked_sort3A_221[%rev3A_226] in [0] : vector<16xf32>, vector<16xi32> -> vector<16xf32>
    %rev3A_228 = arith.constant 15 : i32
    %rev3A_229 = vector.broadcast %rev3A_228 : i32 to vector<16xi32>
    %rev3A_230 = tpu.iota {dimensions = array<i32: 0>} : vector<16xi32>
    %rev3A_231 = arith.subi %rev3A_229, %rev3A_230 : vector<16xi32>
    %rev3A_232 = tpu.dynamic_gather %masked_sort3A_222[%rev3A_231] in [0] : vector<16xi32>, vector<16xi32> -> vector<16xi32>
    %ge3A_233 = arith.cmpf oge, %masked_sort3A_212, %rev3A_227 : vector<16xf32>
    %select_n3A_234 = arith.select %ge3A_233, %masked_sort3A_212, %rev3A_227 : vector<16xi1>, vector<16xf32>
    %select_n3A_235 = arith.select %ge3A_233, %masked_sort3A_213, %rev3A_232 : vector<16xi1>, vector<16xi32>
    %masked_sort3A_236 = arith.constant dense<true> : vector<16xi1>
    %masked_sort3A_237, %masked_sort3A_238, %masked_sort3A_239 = tpu.sort %select_n3A_234, %select_n3A_235 masked %masked_sort3A_236 {descending = true} : (vector<16xf32>, vector<16xi32>, vector<16xi1>) -> (vector<16xi1>, vector<16xf32>, vector<16xi32>)
    %get3A_240 = arith.constant 160 : index
    %get3A_241 = tpu.vector_load %arg5[%get3A_240] {strides = array<i32>} : memref<1152xf32, #tpu.memory_space<vmem>>, vector<16xf32>,
    %add3A_242 = arith.constant 160 : i32
    %add3A_243 = vector.broadcast %add3A_242 : i32 to vector<16xi32>
    %add3A_244 = arith.addi %iota3A, %add3A_243 : vector<16xi32>
    %masked_sort3A_245 = arith.constant dense<true> : vector<16xi1>
    %masked_sort3A_246, %masked_sort3A_247, %masked_sort3A_248 = tpu.sort %get3A_241, %add3A_244 masked %masked_sort3A_245 {descending = true} : (vector<16xf32>, vector<16xi32>, vector<16xi1>) -> (vector<16xi1>, vector<16xf32>, vector<16xi32>)
    %rev3A_249 = arith.constant 15 : i32
    %rev3A_250 = vector.broadcast %rev3A_249 : i32 to vector<16xi32>
    %rev3A_251 = tpu.iota {dimensions = array<i32: 0>} : vector<16xi32>
    %rev3A_252 = arith.subi %rev3A_250, %rev3A_251 : vector<16xi32>
    %rev3A_253 = tpu.dynamic_gather %masked_sort3A_247[%rev3A_252] in [0] : vector<16xf32>, vector<16xi32> -> vector<16xf32>
    %rev3A_254 = arith.constant 15 : i32
    %rev3A_255 = vector.broadcast %rev3A_254 : i32 to vector<16xi32>
    %rev3A_256 = tpu.iota {dimensions = array<i32: 0>} : vector<16xi32>
    %rev3A_257 = arith.subi %rev3A_255, %rev3A_256 : vector<16xi32>
    %rev3A_258 = tpu.dynamic_gather %masked_sort3A_248[%rev3A_257] in [0] : vector<16xi32>, vector<16xi32> -> vector<16xi32>
    %ge3A_259 = arith.cmpf oge, %masked_sort3A_238, %rev3A_253 : vector<16xf32>
    %select_n3A_260 = arith.select %ge3A_259, %masked_sort3A_238, %rev3A_253 : vector<16xi1>, vector<16xf32>
    %select_n3A_261 = arith.select %ge3A_259, %masked_sort3A_239, %rev3A_258 : vector<16xi1>, vector<16xi32>
    %masked_sort3A_262 = arith.constant dense<true> : vector<16xi1>
    %masked_sort3A_263, %masked_sort3A_264, %masked_sort3A_265 = tpu.sort %select_n3A_260, %select_n3A_261 masked %masked_sort3A_262 {descending = true} : (vector<16xf32>, vector<16xi32>, vector<16xi1>) -> (vector<16xi1>, vector<16xf32>, vector<16xi32>)
    %get3A_266 = arith.constant 176 : index
    %get3A_267 = tpu.vector_load %arg5[%get3A_266] {strides = array<i32>} : memref<1152xf32, #tpu.memory_space<vmem>>, vector<16xf32>,
    %add3A_268 = arith.constant 176 : i32
    %add3A_269 = vector.broadcast %add3A_268 : i32 to vector<16xi32>
    %add3A_270 = arith.addi %iota3A, %add3A_269 : vector<16xi32>
    %masked_sort3A_271 = arith.constant dense<true> : vector<16xi1>
    %masked_sort3A_272, %masked_sort3A_273, %masked_sort3A_274 = tpu.sort %get3A_267, %add3A_270 masked %masked_sort3A_271 {descending = true} : (vector<16xf32>, vector<16xi32>, vector<16xi1>) -> (vector<16xi1>, vector<16xf32>, vector<16xi32>)
    %rev3A_275 = arith.constant 15 : i32
    %rev3A_276 = vector.broadcast %rev3A_275 : i32 to vector<16xi32>
    %rev3A_277 = tpu.iota {dimensions = array<i32: 0>} : vector<16xi32>
    %rev3A_278 = arith.subi %rev3A_276, %rev3A_277 : vector<16xi32>
    %rev3A_279 = tpu.dynamic_gather %masked_sort3A_273[%rev3A_278] in [0] : vector<16xf32>, vector<16xi32> -> vector<16xf32>
    %rev3A_280 = arith.constant 15 : i32
    %rev3A_281 = vector.broadcast %rev3A_280 : i32 to vector<16xi32>
    %rev3A_282 = tpu.iota {dimensions = array<i32: 0>} : vector<16xi32>
    %rev3A_283 = arith.subi %rev3A_281, %rev3A_282 : vector<16xi32>
    %rev3A_284 = tpu.dynamic_gather %masked_sort3A_274[%rev3A_283] in [0] : vector<16xi32>, vector<16xi32> -> vector<16xi32>
    %ge3A_285 = arith.cmpf oge, %masked_sort3A_264, %rev3A_279 : vector<16xf32>
    %select_n3A_286 = arith.select %ge3A_285, %masked_sort3A_264, %rev3A_279 : vector<16xi1>, vector<16xf32>
    %select_n3A_287 = arith.select %ge3A_285, %masked_sort3A_265, %rev3A_284 : vector<16xi1>, vector<16xi32>
    %masked_sort3A_288 = arith.constant dense<true> : vector<16xi1>
    %masked_sort3A_289, %masked_sort3A_290, %masked_sort3A_291 = tpu.sort %select_n3A_286, %select_n3A_287 masked %masked_sort3A_288 {descending = true} : (vector<16xf32>, vector<16xi32>, vector<16xi1>) -> (vector<16xi1>, vector<16xf32>, vector<16xi32>)
    %get3A_292 = arith.constant 192 : index
    %get3A_293 = tpu.vector_load %arg5[%get3A_292] {strides = array<i32>} : memref<1152xf32, #tpu.memory_space<vmem>>, vector<16xf32>,
    %add3A_294 = arith.constant 192 : i32
    %add3A_295 = vector.broadcast %add3A_294 : i32 to vector<16xi32>
    %add3A_296 = arith.addi %iota3A, %add3A_295 : vector<16xi32>
    %masked_sort3A_297 = arith.constant dense<true> : vector<16xi1>
    %masked_sort3A_298, %masked_sort3A_299, %masked_sort3A_300 = tpu.sort %get3A_293, %add3A_296 masked %masked_sort3A_297 {descending = true} : (vector<16xf32>, vector<16xi32>, vector<16xi1>) -> (vector<16xi1>, vector<16xf32>, vector<16xi32>)
    %rev3A_301 = arith.constant 15 : i32
    %rev3A_302 = vector.broadcast %rev3A_301 : i32 to vector<16xi32>
    %rev3A_303 = tpu.iota {dimensions = array<i32: 0>} : vector<16xi32>
    %rev3A_304 = arith.subi %rev3A_302, %rev3A_303 : vector<16xi32>
    %rev3A_305 = tpu.dynamic_gather %masked_sort3A_299[%rev3A_304] in [0] : vector<16xf32>, vector<16xi32> -> vector<16xf32>
    %rev3A_306 = arith.constant 15 : i32
    %rev3A_307 = vector.broadcast %rev3A_306 : i32 to vector<16xi32>
    %rev3A_308 = tpu.iota {dimensions = array<i32: 0>} : vector<16xi32>
    %rev3A_309 = arith.subi %rev3A_307, %rev3A_308 : vector<16xi32>
    %rev3A_310 = tpu.dynamic_gather %masked_sort3A_300[%rev3A_309] in [0] : vector<16xi32>, vector<16xi32> -> vector<16xi32>
    %ge3A_311 = arith.cmpf oge, %masked_sort3A_290, %rev3A_305 : vector<16xf32>
    %select_n3A_312 = arith.select %ge3A_311, %masked_sort3A_290, %rev3A_305 : vector<16xi1>, vector<16xf32>
    %select_n3A_313 = arith.select %ge3A_311, %masked_sort3A_291, %rev3A_310 : vector<16xi1>, vector<16xi32>
    %masked_sort3A_314 = arith.constant dense<true> : vector<16xi1>
    %masked_sort3A_315, %masked_sort3A_316, %masked_sort3A_317 = tpu.sort %select_n3A_312, %select_n3A_313 masked %masked_sort3A_314 {descending = true} : (vector<16xf32>, vector<16xi32>, vector<16xi1>) -> (vector<16xi1>, vector<16xf32>, vector<16xi32>)
    %get3A_318 = arith.constant 208 : index
    %get3A_319 = tpu.vector_load %arg5[%get3A_318] {strides = array<i32>} : memref<1152xf32, #tpu.memory_space<vmem>>, vector<16xf32>,
    %add3A_320 = arith.constant 208 : i32
    %add3A_321 = vector.broadcast %add3A_320 : i32 to vector<16xi32>
    %add3A_322 = arith.addi %iota3A, %add3A_321 : vector<16xi32>
    %masked_sort3A_323 = arith.constant dense<true> : vector<16xi1>
    %masked_sort3A_324, %masked_sort3A_325, %masked_sort3A_326 = tpu.sort %get3A_319, %add3A_322 masked %masked_sort3A_323 {descending = true} : (vector<16xf32>, vector<16xi32>, vector<16xi1>) -> (vector<16xi1>, vector<16xf32>, vector<16xi32>)
    %rev3A_327 = arith.constant 15 : i32
    %rev3A_328 = vector.broadcast %rev3A_327 : i32 to vector<16xi32>
    %rev3A_329 = tpu.iota {dimensions = array<i32: 0>} : vector<16xi32>
    %rev3A_330 = arith.subi %rev3A_328, %rev3A_329 : vector<16xi32>
    %rev3A_331 = tpu.dynamic_gather %masked_sort3A_325[%rev3A_330] in [0] : vector<16xf32>, vector<16xi32> -> vector<16xf32>
    %rev3A_332 = arith.constant 15 : i32
    %rev3A_333 = vector.broadcast %rev3A_332 : i32 to vector<16xi32>
    %rev3A_334 = tpu.iota {dimensions = array<i32: 0>} : vector<16xi32>
    %rev3A_335 = arith.subi %rev3A_333, %rev3A_334 : vector<16xi32>
    %rev3A_336 = tpu.dynamic_gather %masked_sort3A_326[%rev3A_335] in [0] : vector<16xi32>, vector<16xi32> -> vector<16xi32>
    %ge3A_337 = arith.cmpf oge, %masked_sort3A_316, %rev3A_331 : vector<16xf32>
    %select_n3A_338 = arith.select %ge3A_337, %masked_sort3A_316, %rev3A_331 : vector<16xi1>, vector<16xf32>
    %select_n3A_339 = arith.select %ge3A_337, %masked_sort3A_317, %rev3A_336 : vector<16xi1>, vector<16xi32>
    %masked_sort3A_340 = arith.constant dense<true> : vector<16xi1>
    %masked_sort3A_341, %masked_sort3A_342, %masked_sort3A_343 = tpu.sort %select_n3A_338, %select_n3A_339 masked %masked_sort3A_340 {descending = true} : (vector<16xf32>, vector<16xi32>, vector<16xi1>) -> (vector<16xi1>, vector<16xf32>, vector<16xi32>)
    %get3A_344 = arith.constant 224 : index
    %get3A_345 = tpu.vector_load %arg5[%get3A_344] {strides = array<i32>} : memref<1152xf32, #tpu.memory_space<vmem>>, vector<16xf32>,
    %add3A_346 = arith.constant 224 : i32
    %add3A_347 = vector.broadcast %add3A_346 : i32 to vector<16xi32>
    %add3A_348 = arith.addi %iota3A, %add3A_347 : vector<16xi32>
    %masked_sort3A_349 = arith.constant dense<true> : vector<16xi1>
    %masked_sort3A_350, %masked_sort3A_351, %masked_sort3A_352 = tpu.sort %get3A_345, %add3A_348 masked %masked_sort3A_349 {descending = true} : (vector<16xf32>, vector<16xi32>, vector<16xi1>) -> (vector<16xi1>, vector<16xf32>, vector<16xi32>)
    %rev3A_353 = arith.constant 15 : i32
    %rev3A_354 = vector.broadcast %rev3A_353 : i32 to vector<16xi32>
    %rev3A_355 = tpu.iota {dimensions = array<i32: 0>} : vector<16xi32>
    %rev3A_356 = arith.subi %rev3A_354, %rev3A_355 : vector<16xi32>
    %rev3A_357 = tpu.dynamic_gather %masked_sort3A_351[%rev3A_356] in [0] : vector<16xf32>, vector<16xi32> -> vector<16xf32>
    %rev3A_358 = arith.constant 15 : i32
    %rev3A_359 = vector.broadcast %rev3A_358 : i32 to vector<16xi32>
    %rev3A_360 = tpu.iota {dimensions = array<i32: 0>} : vector<16xi32>
    %rev3A_361 = arith.subi %rev3A_359, %rev3A_360 : vector<16xi32>
    %rev3A_362 = tpu.dynamic_gather %masked_sort3A_352[%rev3A_361] in [0] : vector<16xi32>, vector<16xi32> -> vector<16xi32>
    %ge3A_363 = arith.cmpf oge, %masked_sort3A_342, %rev3A_357 : vector<16xf32>
    %select_n3A_364 = arith.select %ge3A_363, %masked_sort3A_342, %rev3A_357 : vector<16xi1>, vector<16xf32>
    %select_n3A_365 = arith.select %ge3A_363, %masked_sort3A_343, %rev3A_362 : vector<16xi1>, vector<16xi32>
    %masked_sort3A_366 = arith.constant dense<true> : vector<16xi1>
    %masked_sort3A_367, %masked_sort3A_368, %masked_sort3A_369 = tpu.sort %select_n3A_364, %select_n3A_365 masked %masked_sort3A_366 {descending = true} : (vector<16xf32>, vector<16xi32>, vector<16xi1>) -> (vector<16xi1>, vector<16xf32>, vector<16xi32>)
    %get3A_370 = arith.constant 240 : index
    %get3A_371 = tpu.vector_load %arg5[%get3A_370] {strides = array<i32>} : memref<1152xf32, #tpu.memory_space<vmem>>, vector<16xf32>,
    %add3A_372 = arith.constant 240 : i32
    %add3A_373 = vector.broadcast %add3A_372 : i32 to vector<16xi32>
    %add3A_374 = arith.addi %iota3A, %add3A_373 : vector<16xi32>
    %masked_sort3A_375 = arith.constant dense<true> : vector<16xi1>
    %masked_sort3A_376, %masked_sort3A_377, %masked_sort3A_378 = tpu.sort %get3A_371, %add3A_374 masked %masked_sort3A_375 {descending = true} : (vector<16xf32>, vector<16xi32>, vector<16xi1>) -> (vector<16xi1>, vector<16xf32>, vector<16xi32>)
    %rev3A_379 = arith.constant 15 : i32
    %rev3A_380 = vector.broadcast %rev3A_379 : i32 to vector<16xi32>
    %rev3A_381 = tpu.iota {dimensions = array<i32: 0>} : vector<16xi32>
    %rev3A_382 = arith.subi %rev3A_380, %rev3A_381 : vector<16xi32>
    %rev3A_383 = tpu.dynamic_gather %masked_sort3A_377[%rev3A_382] in [0] : vector<16xf32>, vector<16xi32> -> vector<16xf32>
    %rev3A_384 = arith.constant 15 : i32
    %rev3A_385 = vector.broadcast %rev3A_384 : i32 to vector<16xi32>
    %rev3A_386 = tpu.iota {dimensions = array<i32: 0>} : vector<16xi32>
    %rev3A_387 = arith.subi %rev3A_385, %rev3A_386 : vector<16xi32>
    %rev3A_388 = tpu.dynamic_gather %masked_sort3A_378[%rev3A_387] in [0] : vector<16xi32>, vector<16xi32> -> vector<16xi32>
    %ge3A_389 = arith.cmpf oge, %masked_sort3A_368, %rev3A_383 : vector<16xf32>
    %select_n3A_390 = arith.select %ge3A_389, %masked_sort3A_368, %rev3A_383 : vector<16xi1>, vector<16xf32>
    %select_n3A_391 = arith.select %ge3A_389, %masked_sort3A_369, %rev3A_388 : vector<16xi1>, vector<16xi32>
    %masked_sort3A_392 = arith.constant dense<true> : vector<16xi1>
    %masked_sort3A_393, %masked_sort3A_394, %masked_sort3A_395 = tpu.sort %select_n3A_390, %select_n3A_391 masked %masked_sort3A_392 {descending = true} : (vector<16xf32>, vector<16xi32>, vector<16xi1>) -> (vector<16xi1>, vector<16xf32>, vector<16xi32>)
    %get3A_396 = arith.constant 256 : index
    %get3A_397 = tpu.vector_load %arg5[%get3A_396] {strides = array<i32>} : memref<1152xf32, #tpu.memory_space<vmem>>, vector<16xf32>,
    %add3A_398 = arith.constant 256 : i32
    %add3A_399 = vector.broadcast %add3A_398 : i32 to vector<16xi32>
    %add3A_400 = arith.addi %iota3A, %add3A_399 : vector<16xi32>
    %masked_sort3A_401 = arith.constant dense<true> : vector<16xi1>
    %masked_sort3A_402, %masked_sort3A_403, %masked_sort3A_404 = tpu.sort %get3A_397, %add3A_400 masked %masked_sort3A_401 {descending = true} : (vector<16xf32>, vector<16xi32>, vector<16xi1>) -> (vector<16xi1>, vector<16xf32>, vector<16xi32>)
    %rev3A_405 = arith.constant 15 : i32
    %rev3A_406 = vector.broadcast %rev3A_405 : i32 to vector<16xi32>
    %rev3A_407 = tpu.iota {dimensions = array<i32: 0>} : vector<16xi32>
    %rev3A_408 = arith.subi %rev3A_406, %rev3A_407 : vector<16xi32>
    %rev3A_409 = tpu.dynamic_gather %masked_sort3A_403[%rev3A_408] in [0] : vector<16xf32>, vector<16xi32> -> vector<16xf32>
    %rev3A_410 = arith.constant 15 : i32
    %rev3A_411 = vector.broadcast %rev3A_410 : i32 to vector<16xi32>
    %rev3A_412 = tpu.iota {dimensions = array<i32: 0>} : vector<16xi32>
    %rev3A_413 = arith.subi %rev3A_411, %rev3A_412 : vector<16xi32>
    %rev3A_414 = tpu.dynamic_gather %masked_sort3A_404[%rev3A_413] in [0] : vector<16xi32>, vector<16xi32> -> vector<16xi32>
    %ge3A_415 = arith.cmpf oge, %masked_sort3A_394, %rev3A_409 : vector<16xf32>
    %select_n3A_416 = arith.select %ge3A_415, %masked_sort3A_394, %rev3A_409 : vector<16xi1>, vector<16xf32>
    %select_n3A_417 = arith.select %ge3A_415, %masked_sort3A_395, %rev3A_414 : vector<16xi1>, vector<16xi32>
    %masked_sort3A_418 = arith.constant dense<true> : vector<16xi1>
    %masked_sort3A_419, %masked_sort3A_420, %masked_sort3A_421 = tpu.sort %select_n3A_416, %select_n3A_417 masked %masked_sort3A_418 {descending = true} : (vector<16xf32>, vector<16xi32>, vector<16xi1>) -> (vector<16xi1>, vector<16xf32>, vector<16xi32>)
    %get3A_422 = arith.constant 272 : index
    %get3A_423 = tpu.vector_load %arg5[%get3A_422] {strides = array<i32>} : memref<1152xf32, #tpu.memory_space<vmem>>, vector<16xf32>,
    %add3A_424 = arith.constant 272 : i32
    %add3A_425 = vector.broadcast %add3A_424 : i32 to vector<16xi32>
    %add3A_426 = arith.addi %iota3A, %add3A_425 : vector<16xi32>
    %masked_sort3A_427 = arith.constant dense<true> : vector<16xi1>
    %masked_sort3A_428, %masked_sort3A_429, %masked_sort3A_430 = tpu.sort %get3A_423, %add3A_426 masked %masked_sort3A_427 {descending = true} : (vector<16xf32>, vector<16xi32>, vector<16xi1>) -> (vector<16xi1>, vector<16xf32>, vector<16xi32>)
    %rev3A_431 = arith.constant 15 : i32
    %rev3A_432 = vector.broadcast %rev3A_431 : i32 to vector<16xi32>
    %rev3A_433 = tpu.iota {dimensions = array<i32: 0>} : vector<16xi32>
    %rev3A_434 = arith.subi %rev3A_432, %rev3A_433 : vector<16xi32>
    %rev3A_435 = tpu.dynamic_gather %masked_sort3A_429[%rev3A_434] in [0] : vector<16xf32>, vector<16xi32> -> vector<16xf32>
    %rev3A_436 = arith.constant 15 : i32
    %rev3A_437 = vector.broadcast %rev3A_436 : i32 to vector<16xi32>
    %rev3A_438 = tpu.iota {dimensions = array<i32: 0>} : vector<16xi32>
    %rev3A_439 = arith.subi %rev3A_437, %rev3A_438 : vector<16xi32>
    %rev3A_440 = tpu.dynamic_gather %masked_sort3A_430[%rev3A_439] in [0] : vector<16xi32>, vector<16xi32> -> vector<16xi32>
    %ge3A_441 = arith.cmpf oge, %masked_sort3A_420, %rev3A_435 : vector<16xf32>
    %select_n3A_442 = arith.select %ge3A_441, %masked_sort3A_420, %rev3A_435 : vector<16xi1>, vector<16xf32>
    %select_n3A_443 = arith.select %ge3A_441, %masked_sort3A_421, %rev3A_440 : vector<16xi1>, vector<16xi32>
    %masked_sort3A_444 = arith.constant dense<true> : vector<16xi1>
    %masked_sort3A_445, %masked_sort3A_446, %masked_sort3A_447 = tpu.sort %select_n3A_442, %select_n3A_443 masked %masked_sort3A_444 {descending = true} : (vector<16xf32>, vector<16xi32>, vector<16xi1>) -> (vector<16xi1>, vector<16xf32>, vector<16xi32>)
    %get3A_448 = arith.constant 288 : index
    %get3A_449 = tpu.vector_load %arg5[%get3A_448] {strides = array<i32>} : memref<1152xf32, #tpu.memory_space<vmem>>, vector<16xf32>,
    %add3A_450 = arith.constant 288 : i32
    %add3A_451 = vector.broadcast %add3A_450 : i32 to vector<16xi32>
    %add3A_452 = arith.addi %iota3A, %add3A_451 : vector<16xi32>
    %masked_sort3A_453 = arith.constant dense<true> : vector<16xi1>
    %masked_sort3A_454, %masked_sort3A_455, %masked_sort3A_456 = tpu.sort %get3A_449, %add3A_452 masked %masked_sort3A_453 {descending = true} : (vector<16xf32>, vector<16xi32>, vector<16xi1>) -> (vector<16xi1>, vector<16xf32>, vector<16xi32>)
    %rev3A_457 = arith.constant 15 : i32
    %rev3A_458 = vector.broadcast %rev3A_457 : i32 to vector<16xi32>
    %rev3A_459 = tpu.iota {dimensions = array<i32: 0>} : vector<16xi32>
    %rev3A_460 = arith.subi %rev3A_458, %rev3A_459 : vector<16xi32>
    %rev3A_461 = tpu.dynamic_gather %masked_sort3A_455[%rev3A_460] in [0] : vector<16xf32>, vector<16xi32> -> vector<16xf32>
    %rev3A_462 = arith.constant 15 : i32
    %rev3A_463 = vector.broadcast %rev3A_462 : i32 to vector<16xi32>
    %rev3A_464 = tpu.iota {dimensions = array<i32: 0>} : vector<16xi32>
    %rev3A_465 = arith.subi %rev3A_463, %rev3A_464 : vector<16xi32>
    %rev3A_466 = tpu.dynamic_gather %masked_sort3A_456[%rev3A_465] in [0] : vector<16xi32>, vector<16xi32> -> vector<16xi32>
    %ge3A_467 = arith.cmpf oge, %masked_sort3A_446, %rev3A_461 : vector<16xf32>
    %select_n3A_468 = arith.select %ge3A_467, %masked_sort3A_446, %rev3A_461 : vector<16xi1>, vector<16xf32>
    %select_n3A_469 = arith.select %ge3A_467, %masked_sort3A_447, %rev3A_466 : vector<16xi1>, vector<16xi32>
    %masked_sort3A_470 = arith.constant dense<true> : vector<16xi1>
    %masked_sort3A_471, %masked_sort3A_472, %masked_sort3A_473 = tpu.sort %select_n3A_468, %select_n3A_469 masked %masked_sort3A_470 {descending = true} : (vector<16xf32>, vector<16xi32>, vector<16xi1>) -> (vector<16xi1>, vector<16xf32>, vector<16xi32>)
    %get3A_474 = arith.constant 304 : index
    %get3A_475 = tpu.vector_load %arg5[%get3A_474] {strides = array<i32>} : memref<1152xf32, #tpu.memory_space<vmem>>, vector<16xf32>,
    %add3A_476 = arith.constant 304 : i32
    %add3A_477 = vector.broadcast %add3A_476 : i32 to vector<16xi32>
    %add3A_478 = arith.addi %iota3A, %add3A_477 : vector<16xi32>
    %masked_sort3A_479 = arith.constant dense<true> : vector<16xi1>
    %masked_sort3A_480, %masked_sort3A_481, %masked_sort3A_482 = tpu.sort %get3A_475, %add3A_478 masked %masked_sort3A_479 {descending = true} : (vector<16xf32>, vector<16xi32>, vector<16xi1>) -> (vector<16xi1>, vector<16xf32>, vector<16xi32>)
    %rev3A_483 = arith.constant 15 : i32
    %rev3A_484 = vector.broadcast %rev3A_483 : i32 to vector<16xi32>
    %rev3A_485 = tpu.iota {dimensions = array<i32: 0>} : vector<16xi32>
    %rev3A_486 = arith.subi %rev3A_484, %rev3A_485 : vector<16xi32>
    %rev3A_487 = tpu.dynamic_gather %masked_sort3A_481[%rev3A_486] in [0] : vector<16xf32>, vector<16xi32> -> vector<16xf32>
    %rev3A_488 = arith.constant 15 : i32
    %rev3A_489 = vector.broadcast %rev3A_488 : i32 to vector<16xi32>
    %rev3A_490 = tpu.iota {dimensions = array<i32: 0>} : vector<16xi32>
    %rev3A_491 = arith.subi %rev3A_489, %rev3A_490 : vector<16xi32>
    %rev3A_492 = tpu.dynamic_gather %masked_sort3A_482[%rev3A_491] in [0] : vector<16xi32>, vector<16xi32> -> vector<16xi32>
    %ge3A_493 = arith.cmpf oge, %masked_sort3A_472, %rev3A_487 : vector<16xf32>
    %select_n3A_494 = arith.select %ge3A_493, %masked_sort3A_472, %rev3A_487 : vector<16xi1>, vector<16xf32>
    %select_n3A_495 = arith.select %ge3A_493, %masked_sort3A_473, %rev3A_492 : vector<16xi1>, vector<16xi32>
    %masked_sort3A_496 = arith.constant dense<true> : vector<16xi1>
    %masked_sort3A_497, %masked_sort3A_498, %masked_sort3A_499 = tpu.sort %select_n3A_494, %select_n3A_495 masked %masked_sort3A_496 {descending = true} : (vector<16xf32>, vector<16xi32>, vector<16xi1>) -> (vector<16xi1>, vector<16xf32>, vector<16xi32>)
    %get3A_500 = arith.constant 320 : index
    %get3A_501 = tpu.vector_load %arg5[%get3A_500] {strides = array<i32>} : memref<1152xf32, #tpu.memory_space<vmem>>, vector<16xf32>,
    %add3A_502 = arith.constant 320 : i32
    %add3A_503 = vector.broadcast %add3A_502 : i32 to vector<16xi32>
    %add3A_504 = arith.addi %iota3A, %add3A_503 : vector<16xi32>
    %masked_sort3A_505 = arith.constant dense<true> : vector<16xi1>
    %masked_sort3A_506, %masked_sort3A_507, %masked_sort3A_508 = tpu.sort %get3A_501, %add3A_504 masked %masked_sort3A_505 {descending = true} : (vector<16xf32>, vector<16xi32>, vector<16xi1>) -> (vector<16xi1>, vector<16xf32>, vector<16xi32>)
    %rev3A_509 = arith.constant 15 : i32
    %rev3A_510 = vector.broadcast %rev3A_509 : i32 to vector<16xi32>
    %rev3A_511 = tpu.iota {dimensions = array<i32: 0>} : vector<16xi32>
    %rev3A_512 = arith.subi %rev3A_510, %rev3A_511 : vector<16xi32>
    %rev3A_513 = tpu.dynamic_gather %masked_sort3A_507[%rev3A_512] in [0] : vector<16xf32>, vector<16xi32> -> vector<16xf32>
    %rev3A_514 = arith.constant 15 : i32
    %rev3A_515 = vector.broadcast %rev3A_514 : i32 to vector<16xi32>
    %rev3A_516 = tpu.iota {dimensions = array<i32: 0>} : vector<16xi32>
    %rev3A_517 = arith.subi %rev3A_515, %rev3A_516 : vector<16xi32>
    %rev3A_518 = tpu.dynamic_gather %masked_sort3A_508[%rev3A_517] in [0] : vector<16xi32>, vector<16xi32> -> vector<16xi32>
    %ge3A_519 = arith.cmpf oge, %masked_sort3A_498, %rev3A_513 : vector<16xf32>
    %select_n3A_520 = arith.select %ge3A_519, %masked_sort3A_498, %rev3A_513 : vector<16xi1>, vector<16xf32>
    %select_n3A_521 = arith.select %ge3A_519, %masked_sort3A_499, %rev3A_518 : vector<16xi1>, vector<16xi32>
    %masked_sort3A_522 = arith.constant dense<true> : vector<16xi1>
    %masked_sort3A_523, %masked_sort3A_524, %masked_sort3A_525 = tpu.sort %select_n3A_520, %select_n3A_521 masked %masked_sort3A_522 {descending = true} : (vector<16xf32>, vector<16xi32>, vector<16xi1>) -> (vector<16xi1>, vector<16xf32>, vector<16xi32>)
    %get3A_526 = arith.constant 336 : index
    %get3A_527 = tpu.vector_load %arg5[%get3A_526] {strides = array<i32>} : memref<1152xf32, #tpu.memory_space<vmem>>, vector<16xf32>,
    %add3A_528 = arith.constant 336 : i32
    %add3A_529 = vector.broadcast %add3A_528 : i32 to vector<16xi32>
    %add3A_530 = arith.addi %iota3A, %add3A_529 : vector<16xi32>
    %masked_sort3A_531 = arith.constant dense<true> : vector<16xi1>
    %masked_sort3A_532, %masked_sort3A_533, %masked_sort3A_534 = tpu.sort %get3A_527, %add3A_530 masked %masked_sort3A_531 {descending = true} : (vector<16xf32>, vector<16xi32>, vector<16xi1>) -> (vector<16xi1>, vector<16xf32>, vector<16xi32>)
    %rev3A_535 = arith.constant 15 : i32
    %rev3A_536 = vector.broadcast %rev3A_535 : i32 to vector<16xi32>
    %rev3A_537 = tpu.iota {dimensions = array<i32: 0>} : vector<16xi32>
    %rev3A_538 = arith.subi %rev3A_536, %rev3A_537 : vector<16xi32>
    %rev3A_539 = tpu.dynamic_gather %masked_sort3A_533[%rev3A_538] in [0] : vector<16xf32>, vector<16xi32> -> vector<16xf32>
    %rev3A_540 = arith.constant 15 : i32
    %rev3A_541 = vector.broadcast %rev3A_540 : i32 to vector<16xi32>
    %rev3A_542 = tpu.iota {dimensions = array<i32: 0>} : vector<16xi32>
    %rev3A_543 = arith.subi %rev3A_541, %rev3A_542 : vector<16xi32>
    %rev3A_544 = tpu.dynamic_gather %masked_sort3A_534[%rev3A_543] in [0] : vector<16xi32>, vector<16xi32> -> vector<16xi32>
    %ge3A_545 = arith.cmpf oge, %masked_sort3A_524, %rev3A_539 : vector<16xf32>
    %select_n3A_546 = arith.select %ge3A_545, %masked_sort3A_524, %rev3A_539 : vector<16xi1>, vector<16xf32>
    %select_n3A_547 = arith.select %ge3A_545, %masked_sort3A_525, %rev3A_544 : vector<16xi1>, vector<16xi32>
    %masked_sort3A_548 = arith.constant dense<true> : vector<16xi1>
    %masked_sort3A_549, %masked_sort3A_550, %masked_sort3A_551 = tpu.sort %select_n3A_546, %select_n3A_547 masked %masked_sort3A_548 {descending = true} : (vector<16xf32>, vector<16xi32>, vector<16xi1>) -> (vector<16xi1>, vector<16xf32>, vector<16xi32>)
    %get3A_552 = arith.constant 352 : index
    %get3A_553 = tpu.vector_load %arg5[%get3A_552] {strides = array<i32>} : memref<1152xf32, #tpu.memory_space<vmem>>, vector<16xf32>,
    %add3A_554 = arith.constant 352 : i32
    %add3A_555 = vector.broadcast %add3A_554 : i32 to vector<16xi32>
    %add3A_556 = arith.addi %iota3A, %add3A_555 : vector<16xi32>
    %masked_sort3A_557 = arith.constant dense<true> : vector<16xi1>
    %masked_sort3A_558, %masked_sort3A_559, %masked_sort3A_560 = tpu.sort %get3A_553, %add3A_556 masked %masked_sort3A_557 {descending = true} : (vector<16xf32>, vector<16xi32>, vector<16xi1>) -> (vector<16xi1>, vector<16xf32>, vector<16xi32>)
    %rev3A_561 = arith.constant 15 : i32
    %rev3A_562 = vector.broadcast %rev3A_561 : i32 to vector<16xi32>
    %rev3A_563 = tpu.iota {dimensions = array<i32: 0>} : vector<16xi32>
    %rev3A_564 = arith.subi %rev3A_562, %rev3A_563 : vector<16xi32>
    %rev3A_565 = tpu.dynamic_gather %masked_sort3A_559[%rev3A_564] in [0] : vector<16xf32>, vector<16xi32> -> vector<16xf32>
    %rev3A_566 = arith.constant 15 : i32
    %rev3A_567 = vector.broadcast %rev3A_566 : i32 to vector<16xi32>
    %rev3A_568 = tpu.iota {dimensions = array<i32: 0>} : vector<16xi32>
    %rev3A_569 = arith.subi %rev3A_567, %rev3A_568 : vector<16xi32>
    %rev3A_570 = tpu.dynamic_gather %masked_sort3A_560[%rev3A_569] in [0] : vector<16xi32>, vector<16xi32> -> vector<16xi32>
    %ge3A_571 = arith.cmpf oge, %masked_sort3A_550, %rev3A_565 : vector<16xf32>
    %select_n3A_572 = arith.select %ge3A_571, %masked_sort3A_550, %rev3A_565 : vector<16xi1>, vector<16xf32>
    %select_n3A_573 = arith.select %ge3A_571, %masked_sort3A_551, %rev3A_570 : vector<16xi1>, vector<16xi32>
    %masked_sort3A_574 = arith.constant dense<true> : vector<16xi1>
    %masked_sort3A_575, %masked_sort3A_576, %masked_sort3A_577 = tpu.sort %select_n3A_572, %select_n3A_573 masked %masked_sort3A_574 {descending = true} : (vector<16xf32>, vector<16xi32>, vector<16xi1>) -> (vector<16xi1>, vector<16xf32>, vector<16xi32>)
    %get3A_578 = arith.constant 368 : index
    %get3A_579 = tpu.vector_load %arg5[%get3A_578] {strides = array<i32>} : memref<1152xf32, #tpu.memory_space<vmem>>, vector<16xf32>,
    %add3A_580 = arith.constant 368 : i32
    %add3A_581 = vector.broadcast %add3A_580 : i32 to vector<16xi32>
    %add3A_582 = arith.addi %iota3A, %add3A_581 : vector<16xi32>
    %masked_sort3A_583 = arith.constant dense<true> : vector<16xi1>
    %masked_sort3A_584, %masked_sort3A_585, %masked_sort3A_586 = tpu.sort %get3A_579, %add3A_582 masked %masked_sort3A_583 {descending = true} : (vector<16xf32>, vector<16xi32>, vector<16xi1>) -> (vector<16xi1>, vector<16xf32>, vector<16xi32>)
    %rev3A_587 = arith.constant 15 : i32
    %rev3A_588 = vector.broadcast %rev3A_587 : i32 to vector<16xi32>
    %rev3A_589 = tpu.iota {dimensions = array<i32: 0>} : vector<16xi32>
    %rev3A_590 = arith.subi %rev3A_588, %rev3A_589 : vector<16xi32>
    %rev3A_591 = tpu.dynamic_gather %masked_sort3A_585[%rev3A_590] in [0] : vector<16xf32>, vector<16xi32> -> vector<16xf32>
    %rev3A_592 = arith.constant 15 : i32
    %rev3A_593 = vector.broadcast %rev3A_592 : i32 to vector<16xi32>
    %rev3A_594 = tpu.iota {dimensions = array<i32: 0>} : vector<16xi32>
    %rev3A_595 = arith.subi %rev3A_593, %rev3A_594 : vector<16xi32>
    %rev3A_596 = tpu.dynamic_gather %masked_sort3A_586[%rev3A_595] in [0] : vector<16xi32>, vector<16xi32> -> vector<16xi32>
    %ge3A_597 = arith.cmpf oge, %masked_sort3A_576, %rev3A_591 : vector<16xf32>
    %select_n3A_598 = arith.select %ge3A_597, %masked_sort3A_576, %rev3A_591 : vector<16xi1>, vector<16xf32>
    %select_n3A_599 = arith.select %ge3A_597, %masked_sort3A_577, %rev3A_596 : vector<16xi1>, vector<16xi32>
    %masked_sort3A_600 = arith.constant dense<true> : vector<16xi1>
    %masked_sort3A_601, %masked_sort3A_602, %masked_sort3A_603 = tpu.sort %select_n3A_598, %select_n3A_599 masked %masked_sort3A_600 {descending = true} : (vector<16xf32>, vector<16xi32>, vector<16xi1>) -> (vector<16xi1>, vector<16xf32>, vector<16xi32>)
    %get3A_604 = arith.constant 384 : index
    %get3A_605 = tpu.vector_load %arg5[%get3A_604] {strides = array<i32>} : memref<1152xf32, #tpu.memory_space<vmem>>, vector<16xf32>,
    %add3A_606 = arith.constant 384 : i32
    %add3A_607 = vector.broadcast %add3A_606 : i32 to vector<16xi32>
    %add3A_608 = arith.addi %iota3A, %add3A_607 : vector<16xi32>
    %masked_sort3A_609 = arith.constant dense<true> : vector<16xi1>
    %masked_sort3A_610, %masked_sort3A_611, %masked_sort3A_612 = tpu.sort %get3A_605, %add3A_608 masked %masked_sort3A_609 {descending = true} : (vector<16xf32>, vector<16xi32>, vector<16xi1>) -> (vector<16xi1>, vector<16xf32>, vector<16xi32>)
    %rev3A_613 = arith.constant 15 : i32
    %rev3A_614 = vector.broadcast %rev3A_613 : i32 to vector<16xi32>
    %rev3A_615 = tpu.iota {dimensions = array<i32: 0>} : vector<16xi32>
    %rev3A_616 = arith.subi %rev3A_614, %rev3A_615 : vector<16xi32>
    %rev3A_617 = tpu.dynamic_gather %masked_sort3A_611[%rev3A_616] in [0] : vector<16xf32>, vector<16xi32> -> vector<16xf32>
    %rev3A_618 = arith.constant 15 : i32
    %rev3A_619 = vector.broadcast %rev3A_618 : i32 to vector<16xi32>
    %rev3A_620 = tpu.iota {dimensions = array<i32: 0>} : vector<16xi32>
    %rev3A_621 = arith.subi %rev3A_619, %rev3A_620 : vector<16xi32>
    %rev3A_622 = tpu.dynamic_gather %masked_sort3A_612[%rev3A_621] in [0] : vector<16xi32>, vector<16xi32> -> vector<16xi32>
    %ge3A_623 = arith.cmpf oge, %masked_sort3A_602, %rev3A_617 : vector<16xf32>
    %select_n3A_624 = arith.select %ge3A_623, %masked_sort3A_602, %rev3A_617 : vector<16xi1>, vector<16xf32>
    %select_n3A_625 = arith.select %ge3A_623, %masked_sort3A_603, %rev3A_622 : vector<16xi1>, vector<16xi32>
    %masked_sort3A_626 = arith.constant dense<true> : vector<16xi1>
    %masked_sort3A_627, %masked_sort3A_628, %masked_sort3A_629 = tpu.sort %select_n3A_624, %select_n3A_625 masked %masked_sort3A_626 {descending = true} : (vector<16xf32>, vector<16xi32>, vector<16xi1>) -> (vector<16xi1>, vector<16xf32>, vector<16xi32>)
    %get3A_630 = arith.constant 400 : index
    %get3A_631 = tpu.vector_load %arg5[%get3A_630] {strides = array<i32>} : memref<1152xf32, #tpu.memory_space<vmem>>, vector<16xf32>,
    %add3A_632 = arith.constant 400 : i32
    %add3A_633 = vector.broadcast %add3A_632 : i32 to vector<16xi32>
    %add3A_634 = arith.addi %iota3A, %add3A_633 : vector<16xi32>
    %masked_sort3A_635 = arith.constant dense<true> : vector<16xi1>
    %masked_sort3A_636, %masked_sort3A_637, %masked_sort3A_638 = tpu.sort %get3A_631, %add3A_634 masked %masked_sort3A_635 {descending = true} : (vector<16xf32>, vector<16xi32>, vector<16xi1>) -> (vector<16xi1>, vector<16xf32>, vector<16xi32>)
    %rev3A_639 = arith.constant 15 : i32
    %rev3A_640 = vector.broadcast %rev3A_639 : i32 to vector<16xi32>
    %rev3A_641 = tpu.iota {dimensions = array<i32: 0>} : vector<16xi32>
    %rev3A_642 = arith.subi %rev3A_640, %rev3A_641 : vector<16xi32>
    %rev3A_643 = tpu.dynamic_gather %masked_sort3A_637[%rev3A_642] in [0] : vector<16xf32>, vector<16xi32> -> vector<16xf32>
    %rev3A_644 = arith.constant 15 : i32
    %rev3A_645 = vector.broadcast %rev3A_644 : i32 to vector<16xi32>
    %rev3A_646 = tpu.iota {dimensions = array<i32: 0>} : vector<16xi32>
    %rev3A_647 = arith.subi %rev3A_645, %rev3A_646 : vector<16xi32>
    %rev3A_648 = tpu.dynamic_gather %masked_sort3A_638[%rev3A_647] in [0] : vector<16xi32>, vector<16xi32> -> vector<16xi32>
    %ge3A_649 = arith.cmpf oge, %masked_sort3A_628, %rev3A_643 : vector<16xf32>
    %select_n3A_650 = arith.select %ge3A_649, %masked_sort3A_628, %rev3A_643 : vector<16xi1>, vector<16xf32>
    %select_n3A_651 = arith.select %ge3A_649, %masked_sort3A_629, %rev3A_648 : vector<16xi1>, vector<16xi32>
    %masked_sort3A_652 = arith.constant dense<true> : vector<16xi1>
    %masked_sort3A_653, %masked_sort3A_654, %masked_sort3A_655 = tpu.sort %select_n3A_650, %select_n3A_651 masked %masked_sort3A_652 {descending = true} : (vector<16xf32>, vector<16xi32>, vector<16xi1>) -> (vector<16xi1>, vector<16xf32>, vector<16xi32>)
    %get3A_656 = arith.constant 416 : index
    %get3A_657 = tpu.vector_load %arg5[%get3A_656] {strides = array<i32>} : memref<1152xf32, #tpu.memory_space<vmem>>, vector<16xf32>,
    %add3A_658 = arith.constant 416 : i32
    %add3A_659 = vector.broadcast %add3A_658 : i32 to vector<16xi32>
    %add3A_660 = arith.addi %iota3A, %add3A_659 : vector<16xi32>
    %masked_sort3A_661 = arith.constant dense<true> : vector<16xi1>
    %masked_sort3A_662, %masked_sort3A_663, %masked_sort3A_664 = tpu.sort %get3A_657, %add3A_660 masked %masked_sort3A_661 {descending = true} : (vector<16xf32>, vector<16xi32>, vector<16xi1>) -> (vector<16xi1>, vector<16xf32>, vector<16xi32>)
    %rev3A_665 = arith.constant 15 : i32
    %rev3A_666 = vector.broadcast %rev3A_665 : i32 to vector<16xi32>
    %rev3A_667 = tpu.iota {dimensions = array<i32: 0>} : vector<16xi32>
    %rev3A_668 = arith.subi %rev3A_666, %rev3A_667 : vector<16xi32>
    %rev3A_669 = tpu.dynamic_gather %masked_sort3A_663[%rev3A_668] in [0] : vector<16xf32>, vector<16xi32> -> vector<16xf32>
    %rev3A_670 = arith.constant 15 : i32
    %rev3A_671 = vector.broadcast %rev3A_670 : i32 to vector<16xi32>
    %rev3A_672 = tpu.iota {dimensions = array<i32: 0>} : vector<16xi32>
    %rev3A_673 = arith.subi %rev3A_671, %rev3A_672 : vector<16xi32>
    %rev3A_674 = tpu.dynamic_gather %masked_sort3A_664[%rev3A_673] in [0] : vector<16xi32>, vector<16xi32> -> vector<16xi32>
    %ge3A_675 = arith.cmpf oge, %masked_sort3A_654, %rev3A_669 : vector<16xf32>
    %select_n3A_676 = arith.select %ge3A_675, %masked_sort3A_654, %rev3A_669 : vector<16xi1>, vector<16xf32>
    %select_n3A_677 = arith.select %ge3A_675, %masked_sort3A_655, %rev3A_674 : vector<16xi1>, vector<16xi32>
    %masked_sort3A_678 = arith.constant dense<true> : vector<16xi1>
    %masked_sort3A_679, %masked_sort3A_680, %masked_sort3A_681 = tpu.sort %select_n3A_676, %select_n3A_677 masked %masked_sort3A_678 {descending = true} : (vector<16xf32>, vector<16xi32>, vector<16xi1>) -> (vector<16xi1>, vector<16xf32>, vector<16xi32>)
    %get3A_682 = arith.constant 432 : index
    %get3A_683 = tpu.vector_load %arg5[%get3A_682] {strides = array<i32>} : memref<1152xf32, #tpu.memory_space<vmem>>, vector<16xf32>,
    %add3A_684 = arith.constant 432 : i32
    %add3A_685 = vector.broadcast %add3A_684 : i32 to vector<16xi32>
    %add3A_686 = arith.addi %iota3A, %add3A_685 : vector<16xi32>
    %masked_sort3A_687 = arith.constant dense<true> : vector<16xi1>
    %masked_sort3A_688, %masked_sort3A_689, %masked_sort3A_690 = tpu.sort %get3A_683, %add3A_686 masked %masked_sort3A_687 {descending = true} : (vector<16xf32>, vector<16xi32>, vector<16xi1>) -> (vector<16xi1>, vector<16xf32>, vector<16xi32>)
    %rev3A_691 = arith.constant 15 : i32
    %rev3A_692 = vector.broadcast %rev3A_691 : i32 to vector<16xi32>
    %rev3A_693 = tpu.iota {dimensions = array<i32: 0>} : vector<16xi32>
    %rev3A_694 = arith.subi %rev3A_692, %rev3A_693 : vector<16xi32>
    %rev3A_695 = tpu.dynamic_gather %masked_sort3A_689[%rev3A_694] in [0] : vector<16xf32>, vector<16xi32> -> vector<16xf32>
    %rev3A_696 = arith.constant 15 : i32
    %rev3A_697 = vector.broadcast %rev3A_696 : i32 to vector<16xi32>
    %rev3A_698 = tpu.iota {dimensions = array<i32: 0>} : vector<16xi32>
    %rev3A_699 = arith.subi %rev3A_697, %rev3A_698 : vector<16xi32>
    %rev3A_700 = tpu.dynamic_gather %masked_sort3A_690[%rev3A_699] in [0] : vector<16xi32>, vector<16xi32> -> vector<16xi32>
    %ge3A_701 = arith.cmpf oge, %masked_sort3A_680, %rev3A_695 : vector<16xf32>
    %select_n3A_702 = arith.select %ge3A_701, %masked_sort3A_680, %rev3A_695 : vector<16xi1>, vector<16xf32>
    %select_n3A_703 = arith.select %ge3A_701, %masked_sort3A_681, %rev3A_700 : vector<16xi1>, vector<16xi32>
    %masked_sort3A_704 = arith.constant dense<true> : vector<16xi1>
    %masked_sort3A_705, %masked_sort3A_706, %masked_sort3A_707 = tpu.sort %select_n3A_702, %select_n3A_703 masked %masked_sort3A_704 {descending = true} : (vector<16xf32>, vector<16xi32>, vector<16xi1>) -> (vector<16xi1>, vector<16xf32>, vector<16xi32>)
    %get3A_708 = arith.constant 448 : index
    %get3A_709 = tpu.vector_load %arg5[%get3A_708] {strides = array<i32>} : memref<1152xf32, #tpu.memory_space<vmem>>, vector<16xf32>,
    %add3A_710 = arith.constant 448 : i32
    %add3A_711 = vector.broadcast %add3A_710 : i32 to vector<16xi32>
    %add3A_712 = arith.addi %iota3A, %add3A_711 : vector<16xi32>
    %masked_sort3A_713 = arith.constant dense<true> : vector<16xi1>
    %masked_sort3A_714, %masked_sort3A_715, %masked_sort3A_716 = tpu.sort %get3A_709, %add3A_712 masked %masked_sort3A_713 {descending = true} : (vector<16xf32>, vector<16xi32>, vector<16xi1>) -> (vector<16xi1>, vector<16xf32>, vector<16xi32>)
    %rev3A_717 = arith.constant 15 : i32
    %rev3A_718 = vector.broadcast %rev3A_717 : i32 to vector<16xi32>
    %rev3A_719 = tpu.iota {dimensions = array<i32: 0>} : vector<16xi32>
    %rev3A_720 = arith.subi %rev3A_718, %rev3A_719 : vector<16xi32>
    %rev3A_721 = tpu.dynamic_gather %masked_sort3A_715[%rev3A_720] in [0] : vector<16xf32>, vector<16xi32> -> vector<16xf32>
    %rev3A_722 = arith.constant 15 : i32
    %rev3A_723 = vector.broadcast %rev3A_722 : i32 to vector<16xi32>
    %rev3A_724 = tpu.iota {dimensions = array<i32: 0>} : vector<16xi32>
    %rev3A_725 = arith.subi %rev3A_723, %rev3A_724 : vector<16xi32>
    %rev3A_726 = tpu.dynamic_gather %masked_sort3A_716[%rev3A_725] in [0] : vector<16xi32>, vector<16xi32> -> vector<16xi32>
    %ge3A_727 = arith.cmpf oge, %masked_sort3A_706, %rev3A_721 : vector<16xf32>
    %select_n3A_728 = arith.select %ge3A_727, %masked_sort3A_706, %rev3A_721 : vector<16xi1>, vector<16xf32>
    %select_n3A_729 = arith.select %ge3A_727, %masked_sort3A_707, %rev3A_726 : vector<16xi1>, vector<16xi32>
    %masked_sort3A_730 = arith.constant dense<true> : vector<16xi1>
    %masked_sort3A_731, %masked_sort3A_732, %masked_sort3A_733 = tpu.sort %select_n3A_728, %select_n3A_729 masked %masked_sort3A_730 {descending = true} : (vector<16xf32>, vector<16xi32>, vector<16xi1>) -> (vector<16xi1>, vector<16xf32>, vector<16xi32>)
    %get3A_734 = arith.constant 464 : index
    %get3A_735 = tpu.vector_load %arg5[%get3A_734] {strides = array<i32>} : memref<1152xf32, #tpu.memory_space<vmem>>, vector<16xf32>,
    %add3A_736 = arith.constant 464 : i32
    %add3A_737 = vector.broadcast %add3A_736 : i32 to vector<16xi32>
    %add3A_738 = arith.addi %iota3A, %add3A_737 : vector<16xi32>
    %masked_sort3A_739 = arith.constant dense<true> : vector<16xi1>
    %masked_sort3A_740, %masked_sort3A_741, %masked_sort3A_742 = tpu.sort %get3A_735, %add3A_738 masked %masked_sort3A_739 {descending = true} : (vector<16xf32>, vector<16xi32>, vector<16xi1>) -> (vector<16xi1>, vector<16xf32>, vector<16xi32>)
    %rev3A_743 = arith.constant 15 : i32
    %rev3A_744 = vector.broadcast %rev3A_743 : i32 to vector<16xi32>
    %rev3A_745 = tpu.iota {dimensions = array<i32: 0>} : vector<16xi32>
    %rev3A_746 = arith.subi %rev3A_744, %rev3A_745 : vector<16xi32>
    %rev3A_747 = tpu.dynamic_gather %masked_sort3A_741[%rev3A_746] in [0] : vector<16xf32>, vector<16xi32> -> vector<16xf32>
    %rev3A_748 = arith.constant 15 : i32
    %rev3A_749 = vector.broadcast %rev3A_748 : i32 to vector<16xi32>
    %rev3A_750 = tpu.iota {dimensions = array<i32: 0>} : vector<16xi32>
    %rev3A_751 = arith.subi %rev3A_749, %rev3A_750 : vector<16xi32>
    %rev3A_752 = tpu.dynamic_gather %masked_sort3A_742[%rev3A_751] in [0] : vector<16xi32>, vector<16xi32> -> vector<16xi32>
    %ge3A_753 = arith.cmpf oge, %masked_sort3A_732, %rev3A_747 : vector<16xf32>
    %select_n3A_754 = arith.select %ge3A_753, %masked_sort3A_732, %rev3A_747 : vector<16xi1>, vector<16xf32>
    %select_n3A_755 = arith.select %ge3A_753, %masked_sort3A_733, %rev3A_752 : vector<16xi1>, vector<16xi32>
    %masked_sort3A_756 = arith.constant dense<true> : vector<16xi1>
    %masked_sort3A_757, %masked_sort3A_758, %masked_sort3A_759 = tpu.sort %select_n3A_754, %select_n3A_755 masked %masked_sort3A_756 {descending = true} : (vector<16xf32>, vector<16xi32>, vector<16xi1>) -> (vector<16xi1>, vector<16xf32>, vector<16xi32>)
    %get3A_760 = arith.constant 480 : index
    %get3A_761 = tpu.vector_load %arg5[%get3A_760] {strides = array<i32>} : memref<1152xf32, #tpu.memory_space<vmem>>, vector<16xf32>,
    %add3A_762 = arith.constant 480 : i32
    %add3A_763 = vector.broadcast %add3A_762 : i32 to vector<16xi32>
    %add3A_764 = arith.addi %iota3A, %add3A_763 : vector<16xi32>
    %masked_sort3A_765 = arith.constant dense<true> : vector<16xi1>
    %masked_sort3A_766, %masked_sort3A_767, %masked_sort3A_768 = tpu.sort %get3A_761, %add3A_764 masked %masked_sort3A_765 {descending = true} : (vector<16xf32>, vector<16xi32>, vector<16xi1>) -> (vector<16xi1>, vector<16xf32>, vector<16xi32>)
    %rev3A_769 = arith.constant 15 : i32
    %rev3A_770 = vector.broadcast %rev3A_769 : i32 to vector<16xi32>
    %rev3A_771 = tpu.iota {dimensions = array<i32: 0>} : vector<16xi32>
    %rev3A_772 = arith.subi %rev3A_770, %rev3A_771 : vector<16xi32>
    %rev3A_773 = tpu.dynamic_gather %masked_sort3A_767[%rev3A_772] in [0] : vector<16xf32>, vector<16xi32> -> vector<16xf32>
    %rev3A_774 = arith.constant 15 : i32
    %rev3A_775 = vector.broadcast %rev3A_774 : i32 to vector<16xi32>
    %rev3A_776 = tpu.iota {dimensions = array<i32: 0>} : vector<16xi32>
    %rev3A_777 = arith.subi %rev3A_775, %rev3A_776 : vector<16xi32>
    %rev3A_778 = tpu.dynamic_gather %masked_sort3A_768[%rev3A_777] in [0] : vector<16xi32>, vector<16xi32> -> vector<16xi32>
    %ge3A_779 = arith.cmpf oge, %masked_sort3A_758, %rev3A_773 : vector<16xf32>
    %select_n3A_780 = arith.select %ge3A_779, %masked_sort3A_758, %rev3A_773 : vector<16xi1>, vector<16xf32>
    %select_n3A_781 = arith.select %ge3A_779, %masked_sort3A_759, %rev3A_778 : vector<16xi1>, vector<16xi32>
    %masked_sort3A_782 = arith.constant dense<true> : vector<16xi1>
    %masked_sort3A_783, %masked_sort3A_784, %masked_sort3A_785 = tpu.sort %select_n3A_780, %select_n3A_781 masked %masked_sort3A_782 {descending = true} : (vector<16xf32>, vector<16xi32>, vector<16xi1>) -> (vector<16xi1>, vector<16xf32>, vector<16xi32>)
    %get3A_786 = arith.constant 496 : index
    %get3A_787 = tpu.vector_load %arg5[%get3A_786] {strides = array<i32>} : memref<1152xf32, #tpu.memory_space<vmem>>, vector<16xf32>,
    %add3A_788 = arith.constant 496 : i32
    %add3A_789 = vector.broadcast %add3A_788 : i32 to vector<16xi32>
    %add3A_790 = arith.addi %iota3A, %add3A_789 : vector<16xi32>
    %masked_sort3A_791 = arith.constant dense<true> : vector<16xi1>
    %masked_sort3A_792, %masked_sort3A_793, %masked_sort3A_794 = tpu.sort %get3A_787, %add3A_790 masked %masked_sort3A_791 {descending = true} : (vector<16xf32>, vector<16xi32>, vector<16xi1>) -> (vector<16xi1>, vector<16xf32>, vector<16xi32>)
    %rev3A_795 = arith.constant 15 : i32
    %rev3A_796 = vector.broadcast %rev3A_795 : i32 to vector<16xi32>
    %rev3A_797 = tpu.iota {dimensions = array<i32: 0>} : vector<16xi32>
    %rev3A_798 = arith.subi %rev3A_796, %rev3A_797 : vector<16xi32>
    %rev3A_799 = tpu.dynamic_gather %masked_sort3A_793[%rev3A_798] in [0] : vector<16xf32>, vector<16xi32> -> vector<16xf32>
    %rev3A_800 = arith.constant 15 : i32
    %rev3A_801 = vector.broadcast %rev3A_800 : i32 to vector<16xi32>
    %rev3A_802 = tpu.iota {dimensions = array<i32: 0>} : vector<16xi32>
    %rev3A_803 = arith.subi %rev3A_801, %rev3A_802 : vector<16xi32>
    %rev3A_804 = tpu.dynamic_gather %masked_sort3A_794[%rev3A_803] in [0] : vector<16xi32>, vector<16xi32> -> vector<16xi32>
    %ge3A_805 = arith.cmpf oge, %masked_sort3A_784, %rev3A_799 : vector<16xf32>
    %select_n3A_806 = arith.select %ge3A_805, %masked_sort3A_784, %rev3A_799 : vector<16xi1>, vector<16xf32>
    %select_n3A_807 = arith.select %ge3A_805, %masked_sort3A_785, %rev3A_804 : vector<16xi1>, vector<16xi32>
    %masked_sort3A_808 = arith.constant dense<true> : vector<16xi1>
    %masked_sort3A_809, %masked_sort3A_810, %masked_sort3A_811 = tpu.sort %select_n3A_806, %select_n3A_807 masked %masked_sort3A_808 {descending = true} : (vector<16xf32>, vector<16xi32>, vector<16xi1>) -> (vector<16xi1>, vector<16xf32>, vector<16xi32>)
    %get3A_812 = arith.constant 512 : index
    %get3A_813 = tpu.vector_load %arg5[%get3A_812] {strides = array<i32>} : memref<1152xf32, #tpu.memory_space<vmem>>, vector<16xf32>,
    %add3A_814 = arith.constant 512 : i32
    %add3A_815 = vector.broadcast %add3A_814 : i32 to vector<16xi32>
    %add3A_816 = arith.addi %iota3A, %add3A_815 : vector<16xi32>
    %masked_sort3A_817 = arith.constant dense<true> : vector<16xi1>
    %masked_sort3A_818, %masked_sort3A_819, %masked_sort3A_820 = tpu.sort %get3A_813, %add3A_816 masked %masked_sort3A_817 {descending = true} : (vector<16xf32>, vector<16xi32>, vector<16xi1>) -> (vector<16xi1>, vector<16xf32>, vector<16xi32>)
    %rev3A_821 = arith.constant 15 : i32
    %rev3A_822 = vector.broadcast %rev3A_821 : i32 to vector<16xi32>
    %rev3A_823 = tpu.iota {dimensions = array<i32: 0>} : vector<16xi32>
    %rev3A_824 = arith.subi %rev3A_822, %rev3A_823 : vector<16xi32>
    %rev3A_825 = tpu.dynamic_gather %masked_sort3A_819[%rev3A_824] in [0] : vector<16xf32>, vector<16xi32> -> vector<16xf32>
    %rev3A_826 = arith.constant 15 : i32
    %rev3A_827 = vector.broadcast %rev3A_826 : i32 to vector<16xi32>
    %rev3A_828 = tpu.iota {dimensions = array<i32: 0>} : vector<16xi32>
    %rev3A_829 = arith.subi %rev3A_827, %rev3A_828 : vector<16xi32>
    %rev3A_830 = tpu.dynamic_gather %masked_sort3A_820[%rev3A_829] in [0] : vector<16xi32>, vector<16xi32> -> vector<16xi32>
    %ge3A_831 = arith.cmpf oge, %masked_sort3A_810, %rev3A_825 : vector<16xf32>
    %select_n3A_832 = arith.select %ge3A_831, %masked_sort3A_810, %rev3A_825 : vector<16xi1>, vector<16xf32>
    %select_n3A_833 = arith.select %ge3A_831, %masked_sort3A_811, %rev3A_830 : vector<16xi1>, vector<16xi32>
    %masked_sort3A_834 = arith.constant dense<true> : vector<16xi1>
    %masked_sort3A_835, %masked_sort3A_836, %masked_sort3A_837 = tpu.sort %select_n3A_832, %select_n3A_833 masked %masked_sort3A_834 {descending = true} : (vector<16xf32>, vector<16xi32>, vector<16xi1>) -> (vector<16xi1>, vector<16xf32>, vector<16xi32>)
    %get3A_838 = arith.constant 528 : index
    %get3A_839 = tpu.vector_load %arg5[%get3A_838] {strides = array<i32>} : memref<1152xf32, #tpu.memory_space<vmem>>, vector<16xf32>,
    %add3A_840 = arith.constant 528 : i32
    %add3A_841 = vector.broadcast %add3A_840 : i32 to vector<16xi32>
    %add3A_842 = arith.addi %iota3A, %add3A_841 : vector<16xi32>
    %masked_sort3A_843 = arith.constant dense<true> : vector<16xi1>
    %masked_sort3A_844, %masked_sort3A_845, %masked_sort3A_846 = tpu.sort %get3A_839, %add3A_842 masked %masked_sort3A_843 {descending = true} : (vector<16xf32>, vector<16xi32>, vector<16xi1>) -> (vector<16xi1>, vector<16xf32>, vector<16xi32>)
    %rev3A_847 = arith.constant 15 : i32
    %rev3A_848 = vector.broadcast %rev3A_847 : i32 to vector<16xi32>
    %rev3A_849 = tpu.iota {dimensions = array<i32: 0>} : vector<16xi32>
    %rev3A_850 = arith.subi %rev3A_848, %rev3A_849 : vector<16xi32>
    %rev3A_851 = tpu.dynamic_gather %masked_sort3A_845[%rev3A_850] in [0] : vector<16xf32>, vector<16xi32> -> vector<16xf32>
    %rev3A_852 = arith.constant 15 : i32
    %rev3A_853 = vector.broadcast %rev3A_852 : i32 to vector<16xi32>
    %rev3A_854 = tpu.iota {dimensions = array<i32: 0>} : vector<16xi32>
    %rev3A_855 = arith.subi %rev3A_853, %rev3A_854 : vector<16xi32>
    %rev3A_856 = tpu.dynamic_gather %masked_sort3A_846[%rev3A_855] in [0] : vector<16xi32>, vector<16xi32> -> vector<16xi32>
    %ge3A_857 = arith.cmpf oge, %masked_sort3A_836, %rev3A_851 : vector<16xf32>
    %select_n3A_858 = arith.select %ge3A_857, %masked_sort3A_836, %rev3A_851 : vector<16xi1>, vector<16xf32>
    %select_n3A_859 = arith.select %ge3A_857, %masked_sort3A_837, %rev3A_856 : vector<16xi1>, vector<16xi32>
    %masked_sort3A_860 = arith.constant dense<true> : vector<16xi1>
    %masked_sort3A_861, %masked_sort3A_862, %masked_sort3A_863 = tpu.sort %select_n3A_858, %select_n3A_859 masked %masked_sort3A_860 {descending = true} : (vector<16xf32>, vector<16xi32>, vector<16xi1>) -> (vector<16xi1>, vector<16xf32>, vector<16xi32>)
    %get3A_864 = arith.constant 544 : index
    %get3A_865 = tpu.vector_load %arg5[%get3A_864] {strides = array<i32>} : memref<1152xf32, #tpu.memory_space<vmem>>, vector<16xf32>,
    %add3A_866 = arith.constant 544 : i32
    %add3A_867 = vector.broadcast %add3A_866 : i32 to vector<16xi32>
    %add3A_868 = arith.addi %iota3A, %add3A_867 : vector<16xi32>
    %masked_sort3A_869 = arith.constant dense<true> : vector<16xi1>
    %masked_sort3A_870, %masked_sort3A_871, %masked_sort3A_872 = tpu.sort %get3A_865, %add3A_868 masked %masked_sort3A_869 {descending = true} : (vector<16xf32>, vector<16xi32>, vector<16xi1>) -> (vector<16xi1>, vector<16xf32>, vector<16xi32>)
    %rev3A_873 = arith.constant 15 : i32
    %rev3A_874 = vector.broadcast %rev3A_873 : i32 to vector<16xi32>
    %rev3A_875 = tpu.iota {dimensions = array<i32: 0>} : vector<16xi32>
    %rev3A_876 = arith.subi %rev3A_874, %rev3A_875 : vector<16xi32>
    %rev3A_877 = tpu.dynamic_gather %masked_sort3A_871[%rev3A_876] in [0] : vector<16xf32>, vector<16xi32> -> vector<16xf32>
    %rev3A_878 = arith.constant 15 : i32
    %rev3A_879 = vector.broadcast %rev3A_878 : i32 to vector<16xi32>
    %rev3A_880 = tpu.iota {dimensions = array<i32: 0>} : vector<16xi32>
    %rev3A_881 = arith.subi %rev3A_879, %rev3A_880 : vector<16xi32>
    %rev3A_882 = tpu.dynamic_gather %masked_sort3A_872[%rev3A_881] in [0] : vector<16xi32>, vector<16xi32> -> vector<16xi32>
    %ge3A_883 = arith.cmpf oge, %masked_sort3A_862, %rev3A_877 : vector<16xf32>
    %select_n3A_884 = arith.select %ge3A_883, %masked_sort3A_862, %rev3A_877 : vector<16xi1>, vector<16xf32>
    %select_n3A_885 = arith.select %ge3A_883, %masked_sort3A_863, %rev3A_882 : vector<16xi1>, vector<16xi32>
    %masked_sort3A_886 = arith.constant dense<true> : vector<16xi1>
    %masked_sort3A_887, %masked_sort3A_888, %masked_sort3A_889 = tpu.sort %select_n3A_884, %select_n3A_885 masked %masked_sort3A_886 {descending = true} : (vector<16xf32>, vector<16xi32>, vector<16xi1>) -> (vector<16xi1>, vector<16xf32>, vector<16xi32>)
    %get3A_890 = arith.constant 560 : index
    %get3A_891 = tpu.vector_load %arg5[%get3A_890] {strides = array<i32>} : memref<1152xf32, #tpu.memory_space<vmem>>, vector<16xf32>,
    %add3A_892 = arith.constant 560 : i32
    %add3A_893 = vector.broadcast %add3A_892 : i32 to vector<16xi32>
    %add3A_894 = arith.addi %iota3A, %add3A_893 : vector<16xi32>
    %masked_sort3A_895 = arith.constant dense<true> : vector<16xi1>
    %masked_sort3A_896, %masked_sort3A_897, %masked_sort3A_898 = tpu.sort %get3A_891, %add3A_894 masked %masked_sort3A_895 {descending = true} : (vector<16xf32>, vector<16xi32>, vector<16xi1>) -> (vector<16xi1>, vector<16xf32>, vector<16xi32>)
    %rev3A_899 = arith.constant 15 : i32
    %rev3A_900 = vector.broadcast %rev3A_899 : i32 to vector<16xi32>
    %rev3A_901 = tpu.iota {dimensions = array<i32: 0>} : vector<16xi32>
    %rev3A_902 = arith.subi %rev3A_900, %rev3A_901 : vector<16xi32>
    %rev3A_903 = tpu.dynamic_gather %masked_sort3A_897[%rev3A_902] in [0] : vector<16xf32>, vector<16xi32> -> vector<16xf32>
    %rev3A_904 = arith.constant 15 : i32
    %rev3A_905 = vector.broadcast %rev3A_904 : i32 to vector<16xi32>
    %rev3A_906 = tpu.iota {dimensions = array<i32: 0>} : vector<16xi32>
    %rev3A_907 = arith.subi %rev3A_905, %rev3A_906 : vector<16xi32>
    %rev3A_908 = tpu.dynamic_gather %masked_sort3A_898[%rev3A_907] in [0] : vector<16xi32>, vector<16xi32> -> vector<16xi32>
    %ge3A_909 = arith.cmpf oge, %masked_sort3A_888, %rev3A_903 : vector<16xf32>
    %select_n3A_910 = arith.select %ge3A_909, %masked_sort3A_888, %rev3A_903 : vector<16xi1>, vector<16xf32>
    %select_n3A_911 = arith.select %ge3A_909, %masked_sort3A_889, %rev3A_908 : vector<16xi1>, vector<16xi32>
    %masked_sort3A_912 = arith.constant dense<true> : vector<16xi1>
    %masked_sort3A_913, %masked_sort3A_914, %masked_sort3A_915 = tpu.sort %select_n3A_910, %select_n3A_911 masked %masked_sort3A_912 {descending = true} : (vector<16xf32>, vector<16xi32>, vector<16xi1>) -> (vector<16xi1>, vector<16xf32>, vector<16xi32>)
    %get3A_916 = arith.constant 576 : index
    %get3A_917 = tpu.vector_load %arg5[%get3A_916] {strides = array<i32>} : memref<1152xf32, #tpu.memory_space<vmem>>, vector<16xf32>,
    %add3A_918 = arith.constant 576 : i32
    %add3A_919 = vector.broadcast %add3A_918 : i32 to vector<16xi32>
    %add3A_920 = arith.addi %iota3A, %add3A_919 : vector<16xi32>
    %masked_sort3A_921 = arith.constant dense<true> : vector<16xi1>
    %masked_sort3A_922, %masked_sort3A_923, %masked_sort3A_924 = tpu.sort %get3A_917, %add3A_920 masked %masked_sort3A_921 {descending = true} : (vector<16xf32>, vector<16xi32>, vector<16xi1>) -> (vector<16xi1>, vector<16xf32>, vector<16xi32>)
    %rev3A_925 = arith.constant 15 : i32
    %rev3A_926 = vector.broadcast %rev3A_925 : i32 to vector<16xi32>
    %rev3A_927 = tpu.iota {dimensions = array<i32: 0>} : vector<16xi32>
    %rev3A_928 = arith.subi %rev3A_926, %rev3A_927 : vector<16xi32>
    %rev3A_929 = tpu.dynamic_gather %masked_sort3A_923[%rev3A_928] in [0] : vector<16xf32>, vector<16xi32> -> vector<16xf32>
    %rev3A_930 = arith.constant 15 : i32
    %rev3A_931 = vector.broadcast %rev3A_930 : i32 to vector<16xi32>
    %rev3A_932 = tpu.iota {dimensions = array<i32: 0>} : vector<16xi32>
    %rev3A_933 = arith.subi %rev3A_931, %rev3A_932 : vector<16xi32>
    %rev3A_934 = tpu.dynamic_gather %masked_sort3A_924[%rev3A_933] in [0] : vector<16xi32>, vector<16xi32> -> vector<16xi32>
    %ge3A_935 = arith.cmpf oge, %masked_sort3A_914, %rev3A_929 : vector<16xf32>
    %select_n3A_936 = arith.select %ge3A_935, %masked_sort3A_914, %rev3A_929 : vector<16xi1>, vector<16xf32>
    %select_n3A_937 = arith.select %ge3A_935, %masked_sort3A_915, %rev3A_934 : vector<16xi1>, vector<16xi32>
    %masked_sort3A_938 = arith.constant dense<true> : vector<16xi1>
    %masked_sort3A_939, %masked_sort3A_940, %masked_sort3A_941 = tpu.sort %select_n3A_936, %select_n3A_937 masked %masked_sort3A_938 {descending = true} : (vector<16xf32>, vector<16xi32>, vector<16xi1>) -> (vector<16xi1>, vector<16xf32>, vector<16xi32>)
    %get3A_942 = arith.constant 592 : index
    %get3A_943 = tpu.vector_load %arg5[%get3A_942] {strides = array<i32>} : memref<1152xf32, #tpu.memory_space<vmem>>, vector<16xf32>,
    %add3A_944 = arith.constant 592 : i32
    %add3A_945 = vector.broadcast %add3A_944 : i32 to vector<16xi32>
    %add3A_946 = arith.addi %iota3A, %add3A_945 : vector<16xi32>
    %masked_sort3A_947 = arith.constant dense<true> : vector<16xi1>
    %masked_sort3A_948, %masked_sort3A_949, %masked_sort3A_950 = tpu.sort %get3A_943, %add3A_946 masked %masked_sort3A_947 {descending = true} : (vector<16xf32>, vector<16xi32>, vector<16xi1>) -> (vector<16xi1>, vector<16xf32>, vector<16xi32>)
    %rev3A_951 = arith.constant 15 : i32
    %rev3A_952 = vector.broadcast %rev3A_951 : i32 to vector<16xi32>
    %rev3A_953 = tpu.iota {dimensions = array<i32: 0>} : vector<16xi32>
    %rev3A_954 = arith.subi %rev3A_952, %rev3A_953 : vector<16xi32>
    %rev3A_955 = tpu.dynamic_gather %masked_sort3A_949[%rev3A_954] in [0] : vector<16xf32>, vector<16xi32> -> vector<16xf32>
    %rev3A_956 = arith.constant 15 : i32
    %rev3A_957 = vector.broadcast %rev3A_956 : i32 to vector<16xi32>
    %rev3A_958 = tpu.iota {dimensions = array<i32: 0>} : vector<16xi32>
    %rev3A_959 = arith.subi %rev3A_957, %rev3A_958 : vector<16xi32>
    %rev3A_960 = tpu.dynamic_gather %masked_sort3A_950[%rev3A_959] in [0] : vector<16xi32>, vector<16xi32> -> vector<16xi32>
    %ge3A_961 = arith.cmpf oge, %masked_sort3A_940, %rev3A_955 : vector<16xf32>
    %select_n3A_962 = arith.select %ge3A_961, %masked_sort3A_940, %rev3A_955 : vector<16xi1>, vector<16xf32>
    %select_n3A_963 = arith.select %ge3A_961, %masked_sort3A_941, %rev3A_960 : vector<16xi1>, vector<16xi32>
    %masked_sort3A_964 = arith.constant dense<true> : vector<16xi1>
    %masked_sort3A_965, %masked_sort3A_966, %masked_sort3A_967 = tpu.sort %select_n3A_962, %select_n3A_963 masked %masked_sort3A_964 {descending = true} : (vector<16xf32>, vector<16xi32>, vector<16xi1>) -> (vector<16xi1>, vector<16xf32>, vector<16xi32>)
    %get3A_968 = arith.constant 608 : index
    %get3A_969 = tpu.vector_load %arg5[%get3A_968] {strides = array<i32>} : memref<1152xf32, #tpu.memory_space<vmem>>, vector<16xf32>,
    %add3A_970 = arith.constant 608 : i32
    %add3A_971 = vector.broadcast %add3A_970 : i32 to vector<16xi32>
    %add3A_972 = arith.addi %iota3A, %add3A_971 : vector<16xi32>
    %masked_sort3A_973 = arith.constant dense<true> : vector<16xi1>
    %masked_sort3A_974, %masked_sort3A_975, %masked_sort3A_976 = tpu.sort %get3A_969, %add3A_972 masked %masked_sort3A_973 {descending = true} : (vector<16xf32>, vector<16xi32>, vector<16xi1>) -> (vector<16xi1>, vector<16xf32>, vector<16xi32>)
    %rev3A_977 = arith.constant 15 : i32
    %rev3A_978 = vector.broadcast %rev3A_977 : i32 to vector<16xi32>
    %rev3A_979 = tpu.iota {dimensions = array<i32: 0>} : vector<16xi32>
    %rev3A_980 = arith.subi %rev3A_978, %rev3A_979 : vector<16xi32>
    %rev3A_981 = tpu.dynamic_gather %masked_sort3A_975[%rev3A_980] in [0] : vector<16xf32>, vector<16xi32> -> vector<16xf32>
    %rev3A_982 = arith.constant 15 : i32
    %rev3A_983 = vector.broadcast %rev3A_982 : i32 to vector<16xi32>
    %rev3A_984 = tpu.iota {dimensions = array<i32: 0>} : vector<16xi32>
    %rev3A_985 = arith.subi %rev3A_983, %rev3A_984 : vector<16xi32>
    %rev3A_986 = tpu.dynamic_gather %masked_sort3A_976[%rev3A_985] in [0] : vector<16xi32>, vector<16xi32> -> vector<16xi32>
    %ge3A_987 = arith.cmpf oge, %masked_sort3A_966, %rev3A_981 : vector<16xf32>
    %select_n3A_988 = arith.select %ge3A_987, %masked_sort3A_966, %rev3A_981 : vector<16xi1>, vector<16xf32>
    %select_n3A_989 = arith.select %ge3A_987, %masked_sort3A_967, %rev3A_986 : vector<16xi1>, vector<16xi32>
    %masked_sort3A_990 = arith.constant dense<true> : vector<16xi1>
    %masked_sort3A_991, %masked_sort3A_992, %masked_sort3A_993 = tpu.sort %select_n3A_988, %select_n3A_989 masked %masked_sort3A_990 {descending = true} : (vector<16xf32>, vector<16xi32>, vector<16xi1>) -> (vector<16xi1>, vector<16xf32>, vector<16xi32>)
    %get3A_994 = arith.constant 624 : index
    %get3A_995 = tpu.vector_load %arg5[%get3A_994] {strides = array<i32>} : memref<1152xf32, #tpu.memory_space<vmem>>, vector<16xf32>,
    %add3A_996 = arith.constant 624 : i32
    %add3A_997 = vector.broadcast %add3A_996 : i32 to vector<16xi32>
    %add3A_998 = arith.addi %iota3A, %add3A_997 : vector<16xi32>
    %masked_sort3A_999 = arith.constant dense<true> : vector<16xi1>
    %masked_sort3A_1000, %masked_sort3A_1001, %masked_sort3A_1002 = tpu.sort %get3A_995, %add3A_998 masked %masked_sort3A_999 {descending = true} : (vector<16xf32>, vector<16xi32>, vector<16xi1>) -> (vector<16xi1>, vector<16xf32>, vector<16xi32>)
    %rev3A_1003 = arith.constant 15 : i32
    %rev3A_1004 = vector.broadcast %rev3A_1003 : i32 to vector<16xi32>
    %rev3A_1005 = tpu.iota {dimensions = array<i32: 0>} : vector<16xi32>
    %rev3A_1006 = arith.subi %rev3A_1004, %rev3A_1005 : vector<16xi32>
    %rev3A_1007 = tpu.dynamic_gather %masked_sort3A_1001[%rev3A_1006] in [0] : vector<16xf32>, vector<16xi32> -> vector<16xf32>
    %rev3A_1008 = arith.constant 15 : i32
    %rev3A_1009 = vector.broadcast %rev3A_1008 : i32 to vector<16xi32>
    %rev3A_1010 = tpu.iota {dimensions = array<i32: 0>} : vector<16xi32>
    %rev3A_1011 = arith.subi %rev3A_1009, %rev3A_1010 : vector<16xi32>
    %rev3A_1012 = tpu.dynamic_gather %masked_sort3A_1002[%rev3A_1011] in [0] : vector<16xi32>, vector<16xi32> -> vector<16xi32>
    %ge3A_1013 = arith.cmpf oge, %masked_sort3A_992, %rev3A_1007 : vector<16xf32>
    %select_n3A_1014 = arith.select %ge3A_1013, %masked_sort3A_992, %rev3A_1007 : vector<16xi1>, vector<16xf32>
    %select_n3A_1015 = arith.select %ge3A_1013, %masked_sort3A_993, %rev3A_1012 : vector<16xi1>, vector<16xi32>
    %masked_sort3A_1016 = arith.constant dense<true> : vector<16xi1>
    %masked_sort3A_1017, %masked_sort3A_1018, %masked_sort3A_1019 = tpu.sort %select_n3A_1014, %select_n3A_1015 masked %masked_sort3A_1016 {descending = true} : (vector<16xf32>, vector<16xi32>, vector<16xi1>) -> (vector<16xi1>, vector<16xf32>, vector<16xi32>)
    %get3A_1020 = arith.constant 640 : index
    %get3A_1021 = tpu.vector_load %arg5[%get3A_1020] {strides = array<i32>} : memref<1152xf32, #tpu.memory_space<vmem>>, vector<16xf32>,
    %add3A_1022 = arith.constant 640 : i32
    %add3A_1023 = vector.broadcast %add3A_1022 : i32 to vector<16xi32>
    %add3A_1024 = arith.addi %iota3A, %add3A_1023 : vector<16xi32>
    %masked_sort3A_1025 = arith.constant dense<true> : vector<16xi1>
    %masked_sort3A_1026, %masked_sort3A_1027, %masked_sort3A_1028 = tpu.sort %get3A_1021, %add3A_1024 masked %masked_sort3A_1025 {descending = true} : (vector<16xf32>, vector<16xi32>, vector<16xi1>) -> (vector<16xi1>, vector<16xf32>, vector<16xi32>)
    %rev3A_1029 = arith.constant 15 : i32
    %rev3A_1030 = vector.broadcast %rev3A_1029 : i32 to vector<16xi32>
    %rev3A_1031 = tpu.iota {dimensions = array<i32: 0>} : vector<16xi32>
    %rev3A_1032 = arith.subi %rev3A_1030, %rev3A_1031 : vector<16xi32>
    %rev3A_1033 = tpu.dynamic_gather %masked_sort3A_1027[%rev3A_1032] in [0] : vector<16xf32>, vector<16xi32> -> vector<16xf32>
    %rev3A_1034 = arith.constant 15 : i32
    %rev3A_1035 = vector.broadcast %rev3A_1034 : i32 to vector<16xi32>
    %rev3A_1036 = tpu.iota {dimensions = array<i32: 0>} : vector<16xi32>
    %rev3A_1037 = arith.subi %rev3A_1035, %rev3A_1036 : vector<16xi32>
    %rev3A_1038 = tpu.dynamic_gather %masked_sort3A_1028[%rev3A_1037] in [0] : vector<16xi32>, vector<16xi32> -> vector<16xi32>
    %ge3A_1039 = arith.cmpf oge, %masked_sort3A_1018, %rev3A_1033 : vector<16xf32>
    %select_n3A_1040 = arith.select %ge3A_1039, %masked_sort3A_1018, %rev3A_1033 : vector<16xi1>, vector<16xf32>
    %select_n3A_1041 = arith.select %ge3A_1039, %masked_sort3A_1019, %rev3A_1038 : vector<16xi1>, vector<16xi32>
    %masked_sort3A_1042 = arith.constant dense<true> : vector<16xi1>
    %masked_sort3A_1043, %masked_sort3A_1044, %masked_sort3A_1045 = tpu.sort %select_n3A_1040, %select_n3A_1041 masked %masked_sort3A_1042 {descending = true} : (vector<16xf32>, vector<16xi32>, vector<16xi1>) -> (vector<16xi1>, vector<16xf32>, vector<16xi32>)
    %get3A_1046 = arith.constant 656 : index
    %get3A_1047 = tpu.vector_load %arg5[%get3A_1046] {strides = array<i32>} : memref<1152xf32, #tpu.memory_space<vmem>>, vector<16xf32>,
    %add3A_1048 = arith.constant 656 : i32
    %add3A_1049 = vector.broadcast %add3A_1048 : i32 to vector<16xi32>
    %add3A_1050 = arith.addi %iota3A, %add3A_1049 : vector<16xi32>
    %masked_sort3A_1051 = arith.constant dense<true> : vector<16xi1>
    %masked_sort3A_1052, %masked_sort3A_1053, %masked_sort3A_1054 = tpu.sort %get3A_1047, %add3A_1050 masked %masked_sort3A_1051 {descending = true} : (vector<16xf32>, vector<16xi32>, vector<16xi1>) -> (vector<16xi1>, vector<16xf32>, vector<16xi32>)
    %rev3A_1055 = arith.constant 15 : i32
    %rev3A_1056 = vector.broadcast %rev3A_1055 : i32 to vector<16xi32>
    %rev3A_1057 = tpu.iota {dimensions = array<i32: 0>} : vector<16xi32>
    %rev3A_1058 = arith.subi %rev3A_1056, %rev3A_1057 : vector<16xi32>
    %rev3A_1059 = tpu.dynamic_gather %masked_sort3A_1053[%rev3A_1058] in [0] : vector<16xf32>, vector<16xi32> -> vector<16xf32>
    %rev3A_1060 = arith.constant 15 : i32
    %rev3A_1061 = vector.broadcast %rev3A_1060 : i32 to vector<16xi32>
    %rev3A_1062 = tpu.iota {dimensions = array<i32: 0>} : vector<16xi32>
    %rev3A_1063 = arith.subi %rev3A_1061, %rev3A_1062 : vector<16xi32>
    %rev3A_1064 = tpu.dynamic_gather %masked_sort3A_1054[%rev3A_1063] in [0] : vector<16xi32>, vector<16xi32> -> vector<16xi32>
    %ge3A_1065 = arith.cmpf oge, %masked_sort3A_1044, %rev3A_1059 : vector<16xf32>
    %select_n3A_1066 = arith.select %ge3A_1065, %masked_sort3A_1044, %rev3A_1059 : vector<16xi1>, vector<16xf32>
    %select_n3A_1067 = arith.select %ge3A_1065, %masked_sort3A_1045, %rev3A_1064 : vector<16xi1>, vector<16xi32>
    %masked_sort3A_1068 = arith.constant dense<true> : vector<16xi1>
    %masked_sort3A_1069, %masked_sort3A_1070, %masked_sort3A_1071 = tpu.sort %select_n3A_1066, %select_n3A_1067 masked %masked_sort3A_1068 {descending = true} : (vector<16xf32>, vector<16xi32>, vector<16xi1>) -> (vector<16xi1>, vector<16xf32>, vector<16xi32>)
    %get3A_1072 = arith.constant 672 : index
    %get3A_1073 = tpu.vector_load %arg5[%get3A_1072] {strides = array<i32>} : memref<1152xf32, #tpu.memory_space<vmem>>, vector<16xf32>,
    %add3A_1074 = arith.constant 672 : i32
    %add3A_1075 = vector.broadcast %add3A_1074 : i32 to vector<16xi32>
    %add3A_1076 = arith.addi %iota3A, %add3A_1075 : vector<16xi32>
    %masked_sort3A_1077 = arith.constant dense<true> : vector<16xi1>
    %masked_sort3A_1078, %masked_sort3A_1079, %masked_sort3A_1080 = tpu.sort %get3A_1073, %add3A_1076 masked %masked_sort3A_1077 {descending = true} : (vector<16xf32>, vector<16xi32>, vector<16xi1>) -> (vector<16xi1>, vector<16xf32>, vector<16xi32>)
    %rev3A_1081 = arith.constant 15 : i32
    %rev3A_1082 = vector.broadcast %rev3A_1081 : i32 to vector<16xi32>
    %rev3A_1083 = tpu.iota {dimensions = array<i32: 0>} : vector<16xi32>
    %rev3A_1084 = arith.subi %rev3A_1082, %rev3A_1083 : vector<16xi32>
    %rev3A_1085 = tpu.dynamic_gather %masked_sort3A_1079[%rev3A_1084] in [0] : vector<16xf32>, vector<16xi32> -> vector<16xf32>
    %rev3A_1086 = arith.constant 15 : i32
    %rev3A_1087 = vector.broadcast %rev3A_1086 : i32 to vector<16xi32>
    %rev3A_1088 = tpu.iota {dimensions = array<i32: 0>} : vector<16xi32>
    %rev3A_1089 = arith.subi %rev3A_1087, %rev3A_1088 : vector<16xi32>
    %rev3A_1090 = tpu.dynamic_gather %masked_sort3A_1080[%rev3A_1089] in [0] : vector<16xi32>, vector<16xi32> -> vector<16xi32>
    %ge3A_1091 = arith.cmpf oge, %masked_sort3A_1070, %rev3A_1085 : vector<16xf32>
    %select_n3A_1092 = arith.select %ge3A_1091, %masked_sort3A_1070, %rev3A_1085 : vector<16xi1>, vector<16xf32>
    %select_n3A_1093 = arith.select %ge3A_1091, %masked_sort3A_1071, %rev3A_1090 : vector<16xi1>, vector<16xi32>
    %masked_sort3A_1094 = arith.constant dense<true> : vector<16xi1>
    %masked_sort3A_1095, %masked_sort3A_1096, %masked_sort3A_1097 = tpu.sort %select_n3A_1092, %select_n3A_1093 masked %masked_sort3A_1094 {descending = true} : (vector<16xf32>, vector<16xi32>, vector<16xi1>) -> (vector<16xi1>, vector<16xf32>, vector<16xi32>)
    %get3A_1098 = arith.constant 688 : index
    %get3A_1099 = tpu.vector_load %arg5[%get3A_1098] {strides = array<i32>} : memref<1152xf32, #tpu.memory_space<vmem>>, vector<16xf32>,
    %add3A_1100 = arith.constant 688 : i32
    %add3A_1101 = vector.broadcast %add3A_1100 : i32 to vector<16xi32>
    %add3A_1102 = arith.addi %iota3A, %add3A_1101 : vector<16xi32>
    %masked_sort3A_1103 = arith.constant dense<true> : vector<16xi1>
    %masked_sort3A_1104, %masked_sort3A_1105, %masked_sort3A_1106 = tpu.sort %get3A_1099, %add3A_1102 masked %masked_sort3A_1103 {descending = true} : (vector<16xf32>, vector<16xi32>, vector<16xi1>) -> (vector<16xi1>, vector<16xf32>, vector<16xi32>)
    %rev3A_1107 = arith.constant 15 : i32
    %rev3A_1108 = vector.broadcast %rev3A_1107 : i32 to vector<16xi32>
    %rev3A_1109 = tpu.iota {dimensions = array<i32: 0>} : vector<16xi32>
    %rev3A_1110 = arith.subi %rev3A_1108, %rev3A_1109 : vector<16xi32>
    %rev3A_1111 = tpu.dynamic_gather %masked_sort3A_1105[%rev3A_1110] in [0] : vector<16xf32>, vector<16xi32> -> vector<16xf32>
    %rev3A_1112 = arith.constant 15 : i32
    %rev3A_1113 = vector.broadcast %rev3A_1112 : i32 to vector<16xi32>
    %rev3A_1114 = tpu.iota {dimensions = array<i32: 0>} : vector<16xi32>
    %rev3A_1115 = arith.subi %rev3A_1113, %rev3A_1114 : vector<16xi32>
    %rev3A_1116 = tpu.dynamic_gather %masked_sort3A_1106[%rev3A_1115] in [0] : vector<16xi32>, vector<16xi32> -> vector<16xi32>
    %ge3A_1117 = arith.cmpf oge, %masked_sort3A_1096, %rev3A_1111 : vector<16xf32>
    %select_n3A_1118 = arith.select %ge3A_1117, %masked_sort3A_1096, %rev3A_1111 : vector<16xi1>, vector<16xf32>
    %select_n3A_1119 = arith.select %ge3A_1117, %masked_sort3A_1097, %rev3A_1116 : vector<16xi1>, vector<16xi32>
    %masked_sort3A_1120 = arith.constant dense<true> : vector<16xi1>
    %masked_sort3A_1121, %masked_sort3A_1122, %masked_sort3A_1123 = tpu.sort %select_n3A_1118, %select_n3A_1119 masked %masked_sort3A_1120 {descending = true} : (vector<16xf32>, vector<16xi32>, vector<16xi1>) -> (vector<16xi1>, vector<16xf32>, vector<16xi32>)
    %get3A_1124 = arith.constant 704 : index
    %get3A_1125 = tpu.vector_load %arg5[%get3A_1124] {strides = array<i32>} : memref<1152xf32, #tpu.memory_space<vmem>>, vector<16xf32>,
    %add3A_1126 = arith.constant 704 : i32
    %add3A_1127 = vector.broadcast %add3A_1126 : i32 to vector<16xi32>
    %add3A_1128 = arith.addi %iota3A, %add3A_1127 : vector<16xi32>
    %masked_sort3A_1129 = arith.constant dense<true> : vector<16xi1>
    %masked_sort3A_1130, %masked_sort3A_1131, %masked_sort3A_1132 = tpu.sort %get3A_1125, %add3A_1128 masked %masked_sort3A_1129 {descending = true} : (vector<16xf32>, vector<16xi32>, vector<16xi1>) -> (vector<16xi1>, vector<16xf32>, vector<16xi32>)
    %rev3A_1133 = arith.constant 15 : i32
    %rev3A_1134 = vector.broadcast %rev3A_1133 : i32 to vector<16xi32>
    %rev3A_1135 = tpu.iota {dimensions = array<i32: 0>} : vector<16xi32>
    %rev3A_1136 = arith.subi %rev3A_1134, %rev3A_1135 : vector<16xi32>
    %rev3A_1137 = tpu.dynamic_gather %masked_sort3A_1131[%rev3A_1136] in [0] : vector<16xf32>, vector<16xi32> -> vector<16xf32>
    %rev3A_1138 = arith.constant 15 : i32
    %rev3A_1139 = vector.broadcast %rev3A_1138 : i32 to vector<16xi32>
    %rev3A_1140 = tpu.iota {dimensions = array<i32: 0>} : vector<16xi32>
    %rev3A_1141 = arith.subi %rev3A_1139, %rev3A_1140 : vector<16xi32>
    %rev3A_1142 = tpu.dynamic_gather %masked_sort3A_1132[%rev3A_1141] in [0] : vector<16xi32>, vector<16xi32> -> vector<16xi32>
    %ge3A_1143 = arith.cmpf oge, %masked_sort3A_1122, %rev3A_1137 : vector<16xf32>
    %select_n3A_1144 = arith.select %ge3A_1143, %masked_sort3A_1122, %rev3A_1137 : vector<16xi1>, vector<16xf32>
    %select_n3A_1145 = arith.select %ge3A_1143, %masked_sort3A_1123, %rev3A_1142 : vector<16xi1>, vector<16xi32>
    %masked_sort3A_1146 = arith.constant dense<true> : vector<16xi1>
    %masked_sort3A_1147, %masked_sort3A_1148, %masked_sort3A_1149 = tpu.sort %select_n3A_1144, %select_n3A_1145 masked %masked_sort3A_1146 {descending = true} : (vector<16xf32>, vector<16xi32>, vector<16xi1>) -> (vector<16xi1>, vector<16xf32>, vector<16xi32>)
    %get3A_1150 = arith.constant 720 : index
    %get3A_1151 = tpu.vector_load %arg5[%get3A_1150] {strides = array<i32>} : memref<1152xf32, #tpu.memory_space<vmem>>, vector<16xf32>,
    %add3A_1152 = arith.constant 720 : i32
    %add3A_1153 = vector.broadcast %add3A_1152 : i32 to vector<16xi32>
    %add3A_1154 = arith.addi %iota3A, %add3A_1153 : vector<16xi32>
    %masked_sort3A_1155 = arith.constant dense<true> : vector<16xi1>
    %masked_sort3A_1156, %masked_sort3A_1157, %masked_sort3A_1158 = tpu.sort %get3A_1151, %add3A_1154 masked %masked_sort3A_1155 {descending = true} : (vector<16xf32>, vector<16xi32>, vector<16xi1>) -> (vector<16xi1>, vector<16xf32>, vector<16xi32>)
    %rev3A_1159 = arith.constant 15 : i32
    %rev3A_1160 = vector.broadcast %rev3A_1159 : i32 to vector<16xi32>
    %rev3A_1161 = tpu.iota {dimensions = array<i32: 0>} : vector<16xi32>
    %rev3A_1162 = arith.subi %rev3A_1160, %rev3A_1161 : vector<16xi32>
    %rev3A_1163 = tpu.dynamic_gather %masked_sort3A_1157[%rev3A_1162] in [0] : vector<16xf32>, vector<16xi32> -> vector<16xf32>
    %rev3A_1164 = arith.constant 15 : i32
    %rev3A_1165 = vector.broadcast %rev3A_1164 : i32 to vector<16xi32>
    %rev3A_1166 = tpu.iota {dimensions = array<i32: 0>} : vector<16xi32>
    %rev3A_1167 = arith.subi %rev3A_1165, %rev3A_1166 : vector<16xi32>
    %rev3A_1168 = tpu.dynamic_gather %masked_sort3A_1158[%rev3A_1167] in [0] : vector<16xi32>, vector<16xi32> -> vector<16xi32>
    %ge3A_1169 = arith.cmpf oge, %masked_sort3A_1148, %rev3A_1163 : vector<16xf32>
    %select_n3A_1170 = arith.select %ge3A_1169, %masked_sort3A_1148, %rev3A_1163 : vector<16xi1>, vector<16xf32>
    %select_n3A_1171 = arith.select %ge3A_1169, %masked_sort3A_1149, %rev3A_1168 : vector<16xi1>, vector<16xi32>
    %masked_sort3A_1172 = arith.constant dense<true> : vector<16xi1>
    %masked_sort3A_1173, %masked_sort3A_1174, %masked_sort3A_1175 = tpu.sort %select_n3A_1170, %select_n3A_1171 masked %masked_sort3A_1172 {descending = true} : (vector<16xf32>, vector<16xi32>, vector<16xi1>) -> (vector<16xi1>, vector<16xf32>, vector<16xi32>)
    %get3A_1176 = arith.constant 736 : index
    %get3A_1177 = tpu.vector_load %arg5[%get3A_1176] {strides = array<i32>} : memref<1152xf32, #tpu.memory_space<vmem>>, vector<16xf32>,
    %add3A_1178 = arith.constant 736 : i32
    %add3A_1179 = vector.broadcast %add3A_1178 : i32 to vector<16xi32>
    %add3A_1180 = arith.addi %iota3A, %add3A_1179 : vector<16xi32>
    %masked_sort3A_1181 = arith.constant dense<true> : vector<16xi1>
    %masked_sort3A_1182, %masked_sort3A_1183, %masked_sort3A_1184 = tpu.sort %get3A_1177, %add3A_1180 masked %masked_sort3A_1181 {descending = true} : (vector<16xf32>, vector<16xi32>, vector<16xi1>) -> (vector<16xi1>, vector<16xf32>, vector<16xi32>)
    %rev3A_1185 = arith.constant 15 : i32
    %rev3A_1186 = vector.broadcast %rev3A_1185 : i32 to vector<16xi32>
    %rev3A_1187 = tpu.iota {dimensions = array<i32: 0>} : vector<16xi32>
    %rev3A_1188 = arith.subi %rev3A_1186, %rev3A_1187 : vector<16xi32>
    %rev3A_1189 = tpu.dynamic_gather %masked_sort3A_1183[%rev3A_1188] in [0] : vector<16xf32>, vector<16xi32> -> vector<16xf32>
    %rev3A_1190 = arith.constant 15 : i32
    %rev3A_1191 = vector.broadcast %rev3A_1190 : i32 to vector<16xi32>
    %rev3A_1192 = tpu.iota {dimensions = array<i32: 0>} : vector<16xi32>
    %rev3A_1193 = arith.subi %rev3A_1191, %rev3A_1192 : vector<16xi32>
    %rev3A_1194 = tpu.dynamic_gather %masked_sort3A_1184[%rev3A_1193] in [0] : vector<16xi32>, vector<16xi32> -> vector<16xi32>
    %ge3A_1195 = arith.cmpf oge, %masked_sort3A_1174, %rev3A_1189 : vector<16xf32>
    %select_n3A_1196 = arith.select %ge3A_1195, %masked_sort3A_1174, %rev3A_1189 : vector<16xi1>, vector<16xf32>
    %select_n3A_1197 = arith.select %ge3A_1195, %masked_sort3A_1175, %rev3A_1194 : vector<16xi1>, vector<16xi32>
    %masked_sort3A_1198 = arith.constant dense<true> : vector<16xi1>
    %masked_sort3A_1199, %masked_sort3A_1200, %masked_sort3A_1201 = tpu.sort %select_n3A_1196, %select_n3A_1197 masked %masked_sort3A_1198 {descending = true} : (vector<16xf32>, vector<16xi32>, vector<16xi1>) -> (vector<16xi1>, vector<16xf32>, vector<16xi32>)
    %get3A_1202 = arith.constant 752 : index
    %get3A_1203 = tpu.vector_load %arg5[%get3A_1202] {strides = array<i32>} : memref<1152xf32, #tpu.memory_space<vmem>>, vector<16xf32>,
    %add3A_1204 = arith.constant 752 : i32
    %add3A_1205 = vector.broadcast %add3A_1204 : i32 to vector<16xi32>
    %add3A_1206 = arith.addi %iota3A, %add3A_1205 : vector<16xi32>
    %masked_sort3A_1207 = arith.constant dense<true> : vector<16xi1>
    %masked_sort3A_1208, %masked_sort3A_1209, %masked_sort3A_1210 = tpu.sort %get3A_1203, %add3A_1206 masked %masked_sort3A_1207 {descending = true} : (vector<16xf32>, vector<16xi32>, vector<16xi1>) -> (vector<16xi1>, vector<16xf32>, vector<16xi32>)
    %rev3A_1211 = arith.constant 15 : i32
    %rev3A_1212 = vector.broadcast %rev3A_1211 : i32 to vector<16xi32>
    %rev3A_1213 = tpu.iota {dimensions = array<i32: 0>} : vector<16xi32>
    %rev3A_1214 = arith.subi %rev3A_1212, %rev3A_1213 : vector<16xi32>
    %rev3A_1215 = tpu.dynamic_gather %masked_sort3A_1209[%rev3A_1214] in [0] : vector<16xf32>, vector<16xi32> -> vector<16xf32>
    %rev3A_1216 = arith.constant 15 : i32
    %rev3A_1217 = vector.broadcast %rev3A_1216 : i32 to vector<16xi32>
    %rev3A_1218 = tpu.iota {dimensions = array<i32: 0>} : vector<16xi32>
    %rev3A_1219 = arith.subi %rev3A_1217, %rev3A_1218 : vector<16xi32>
    %rev3A_1220 = tpu.dynamic_gather %masked_sort3A_1210[%rev3A_1219] in [0] : vector<16xi32>, vector<16xi32> -> vector<16xi32>
    %ge3A_1221 = arith.cmpf oge, %masked_sort3A_1200, %rev3A_1215 : vector<16xf32>
    %select_n3A_1222 = arith.select %ge3A_1221, %masked_sort3A_1200, %rev3A_1215 : vector<16xi1>, vector<16xf32>
    %select_n3A_1223 = arith.select %ge3A_1221, %masked_sort3A_1201, %rev3A_1220 : vector<16xi1>, vector<16xi32>
    %masked_sort3A_1224 = arith.constant dense<true> : vector<16xi1>
    %masked_sort3A_1225, %masked_sort3A_1226, %masked_sort3A_1227 = tpu.sort %select_n3A_1222, %select_n3A_1223 masked %masked_sort3A_1224 {descending = true} : (vector<16xf32>, vector<16xi32>, vector<16xi1>) -> (vector<16xi1>, vector<16xf32>, vector<16xi32>)
    %get3A_1228 = arith.constant 768 : index
    %get3A_1229 = tpu.vector_load %arg5[%get3A_1228] {strides = array<i32>} : memref<1152xf32, #tpu.memory_space<vmem>>, vector<16xf32>,
    %add3A_1230 = arith.constant 768 : i32
    %add3A_1231 = vector.broadcast %add3A_1230 : i32 to vector<16xi32>
    %add3A_1232 = arith.addi %iota3A, %add3A_1231 : vector<16xi32>
    %masked_sort3A_1233 = arith.constant dense<true> : vector<16xi1>
    %masked_sort3A_1234, %masked_sort3A_1235, %masked_sort3A_1236 = tpu.sort %get3A_1229, %add3A_1232 masked %masked_sort3A_1233 {descending = true} : (vector<16xf32>, vector<16xi32>, vector<16xi1>) -> (vector<16xi1>, vector<16xf32>, vector<16xi32>)
    %rev3A_1237 = arith.constant 15 : i32
    %rev3A_1238 = vector.broadcast %rev3A_1237 : i32 to vector<16xi32>
    %rev3A_1239 = tpu.iota {dimensions = array<i32: 0>} : vector<16xi32>
    %rev3A_1240 = arith.subi %rev3A_1238, %rev3A_1239 : vector<16xi32>
    %rev3A_1241 = tpu.dynamic_gather %masked_sort3A_1235[%rev3A_1240] in [0] : vector<16xf32>, vector<16xi32> -> vector<16xf32>
    %rev3A_1242 = arith.constant 15 : i32
    %rev3A_1243 = vector.broadcast %rev3A_1242 : i32 to vector<16xi32>
    %rev3A_1244 = tpu.iota {dimensions = array<i32: 0>} : vector<16xi32>
    %rev3A_1245 = arith.subi %rev3A_1243, %rev3A_1244 : vector<16xi32>
    %rev3A_1246 = tpu.dynamic_gather %masked_sort3A_1236[%rev3A_1245] in [0] : vector<16xi32>, vector<16xi32> -> vector<16xi32>
    %ge3A_1247 = arith.cmpf oge, %masked_sort3A_1226, %rev3A_1241 : vector<16xf32>
    %select_n3A_1248 = arith.select %ge3A_1247, %masked_sort3A_1226, %rev3A_1241 : vector<16xi1>, vector<16xf32>
    %select_n3A_1249 = arith.select %ge3A_1247, %masked_sort3A_1227, %rev3A_1246 : vector<16xi1>, vector<16xi32>
    %masked_sort3A_1250 = arith.constant dense<true> : vector<16xi1>
    %masked_sort3A_1251, %masked_sort3A_1252, %masked_sort3A_1253 = tpu.sort %select_n3A_1248, %select_n3A_1249 masked %masked_sort3A_1250 {descending = true} : (vector<16xf32>, vector<16xi32>, vector<16xi1>) -> (vector<16xi1>, vector<16xf32>, vector<16xi32>)
    %get3A_1254 = arith.constant 784 : index
    %get3A_1255 = tpu.vector_load %arg5[%get3A_1254] {strides = array<i32>} : memref<1152xf32, #tpu.memory_space<vmem>>, vector<16xf32>,
    %add3A_1256 = arith.constant 784 : i32
    %add3A_1257 = vector.broadcast %add3A_1256 : i32 to vector<16xi32>
    %add3A_1258 = arith.addi %iota3A, %add3A_1257 : vector<16xi32>
    %masked_sort3A_1259 = arith.constant dense<true> : vector<16xi1>
    %masked_sort3A_1260, %masked_sort3A_1261, %masked_sort3A_1262 = tpu.sort %get3A_1255, %add3A_1258 masked %masked_sort3A_1259 {descending = true} : (vector<16xf32>, vector<16xi32>, vector<16xi1>) -> (vector<16xi1>, vector<16xf32>, vector<16xi32>)
    %rev3A_1263 = arith.constant 15 : i32
    %rev3A_1264 = vector.broadcast %rev3A_1263 : i32 to vector<16xi32>
    %rev3A_1265 = tpu.iota {dimensions = array<i32: 0>} : vector<16xi32>
    %rev3A_1266 = arith.subi %rev3A_1264, %rev3A_1265 : vector<16xi32>
    %rev3A_1267 = tpu.dynamic_gather %masked_sort3A_1261[%rev3A_1266] in [0] : vector<16xf32>, vector<16xi32> -> vector<16xf32>
    %rev3A_1268 = arith.constant 15 : i32
    %rev3A_1269 = vector.broadcast %rev3A_1268 : i32 to vector<16xi32>
    %rev3A_1270 = tpu.iota {dimensions = array<i32: 0>} : vector<16xi32>
    %rev3A_1271 = arith.subi %rev3A_1269, %rev3A_1270 : vector<16xi32>
    %rev3A_1272 = tpu.dynamic_gather %masked_sort3A_1262[%rev3A_1271] in [0] : vector<16xi32>, vector<16xi32> -> vector<16xi32>
    %ge3A_1273 = arith.cmpf oge, %masked_sort3A_1252, %rev3A_1267 : vector<16xf32>
    %select_n3A_1274 = arith.select %ge3A_1273, %masked_sort3A_1252, %rev3A_1267 : vector<16xi1>, vector<16xf32>
    %select_n3A_1275 = arith.select %ge3A_1273, %masked_sort3A_1253, %rev3A_1272 : vector<16xi1>, vector<16xi32>
    %masked_sort3A_1276 = arith.constant dense<true> : vector<16xi1>
    %masked_sort3A_1277, %masked_sort3A_1278, %masked_sort3A_1279 = tpu.sort %select_n3A_1274, %select_n3A_1275 masked %masked_sort3A_1276 {descending = true} : (vector<16xf32>, vector<16xi32>, vector<16xi1>) -> (vector<16xi1>, vector<16xf32>, vector<16xi32>)
    %get3A_1280 = arith.constant 800 : index
    %get3A_1281 = tpu.vector_load %arg5[%get3A_1280] {strides = array<i32>} : memref<1152xf32, #tpu.memory_space<vmem>>, vector<16xf32>,
    %add3A_1282 = arith.constant 800 : i32
    %add3A_1283 = vector.broadcast %add3A_1282 : i32 to vector<16xi32>
    %add3A_1284 = arith.addi %iota3A, %add3A_1283 : vector<16xi32>
    %masked_sort3A_1285 = arith.constant dense<true> : vector<16xi1>
    %masked_sort3A_1286, %masked_sort3A_1287, %masked_sort3A_1288 = tpu.sort %get3A_1281, %add3A_1284 masked %masked_sort3A_1285 {descending = true} : (vector<16xf32>, vector<16xi32>, vector<16xi1>) -> (vector<16xi1>, vector<16xf32>, vector<16xi32>)
    %rev3A_1289 = arith.constant 15 : i32
    %rev3A_1290 = vector.broadcast %rev3A_1289 : i32 to vector<16xi32>
    %rev3A_1291 = tpu.iota {dimensions = array<i32: 0>} : vector<16xi32>
    %rev3A_1292 = arith.subi %rev3A_1290, %rev3A_1291 : vector<16xi32>
    %rev3A_1293 = tpu.dynamic_gather %masked_sort3A_1287[%rev3A_1292] in [0] : vector<16xf32>, vector<16xi32> -> vector<16xf32>
    %rev3A_1294 = arith.constant 15 : i32
    %rev3A_1295 = vector.broadcast %rev3A_1294 : i32 to vector<16xi32>
    %rev3A_1296 = tpu.iota {dimensions = array<i32: 0>} : vector<16xi32>
    %rev3A_1297 = arith.subi %rev3A_1295, %rev3A_1296 : vector<16xi32>
    %rev3A_1298 = tpu.dynamic_gather %masked_sort3A_1288[%rev3A_1297] in [0] : vector<16xi32>, vector<16xi32> -> vector<16xi32>
    %ge3A_1299 = arith.cmpf oge, %masked_sort3A_1278, %rev3A_1293 : vector<16xf32>
    %select_n3A_1300 = arith.select %ge3A_1299, %masked_sort3A_1278, %rev3A_1293 : vector<16xi1>, vector<16xf32>
    %select_n3A_1301 = arith.select %ge3A_1299, %masked_sort3A_1279, %rev3A_1298 : vector<16xi1>, vector<16xi32>
    %masked_sort3A_1302 = arith.constant dense<true> : vector<16xi1>
    %masked_sort3A_1303, %masked_sort3A_1304, %masked_sort3A_1305 = tpu.sort %select_n3A_1300, %select_n3A_1301 masked %masked_sort3A_1302 {descending = true} : (vector<16xf32>, vector<16xi32>, vector<16xi1>) -> (vector<16xi1>, vector<16xf32>, vector<16xi32>)
    %get3A_1306 = arith.constant 816 : index
    %get3A_1307 = tpu.vector_load %arg5[%get3A_1306] {strides = array<i32>} : memref<1152xf32, #tpu.memory_space<vmem>>, vector<16xf32>,
    %add3A_1308 = arith.constant 816 : i32
    %add3A_1309 = vector.broadcast %add3A_1308 : i32 to vector<16xi32>
    %add3A_1310 = arith.addi %iota3A, %add3A_1309 : vector<16xi32>
    %masked_sort3A_1311 = arith.constant dense<true> : vector<16xi1>
    %masked_sort3A_1312, %masked_sort3A_1313, %masked_sort3A_1314 = tpu.sort %get3A_1307, %add3A_1310 masked %masked_sort3A_1311 {descending = true} : (vector<16xf32>, vector<16xi32>, vector<16xi1>) -> (vector<16xi1>, vector<16xf32>, vector<16xi32>)
    %rev3A_1315 = arith.constant 15 : i32
    %rev3A_1316 = vector.broadcast %rev3A_1315 : i32 to vector<16xi32>
    %rev3A_1317 = tpu.iota {dimensions = array<i32: 0>} : vector<16xi32>
    %rev3A_1318 = arith.subi %rev3A_1316, %rev3A_1317 : vector<16xi32>
    %rev3A_1319 = tpu.dynamic_gather %masked_sort3A_1313[%rev3A_1318] in [0] : vector<16xf32>, vector<16xi32> -> vector<16xf32>
    %rev3A_1320 = arith.constant 15 : i32
    %rev3A_1321 = vector.broadcast %rev3A_1320 : i32 to vector<16xi32>
    %rev3A_1322 = tpu.iota {dimensions = array<i32: 0>} : vector<16xi32>
    %rev3A_1323 = arith.subi %rev3A_1321, %rev3A_1322 : vector<16xi32>
    %rev3A_1324 = tpu.dynamic_gather %masked_sort3A_1314[%rev3A_1323] in [0] : vector<16xi32>, vector<16xi32> -> vector<16xi32>
    %ge3A_1325 = arith.cmpf oge, %masked_sort3A_1304, %rev3A_1319 : vector<16xf32>
    %select_n3A_1326 = arith.select %ge3A_1325, %masked_sort3A_1304, %rev3A_1319 : vector<16xi1>, vector<16xf32>
    %select_n3A_1327 = arith.select %ge3A_1325, %masked_sort3A_1305, %rev3A_1324 : vector<16xi1>, vector<16xi32>
    %masked_sort3A_1328 = arith.constant dense<true> : vector<16xi1>
    %masked_sort3A_1329, %masked_sort3A_1330, %masked_sort3A_1331 = tpu.sort %select_n3A_1326, %select_n3A_1327 masked %masked_sort3A_1328 {descending = true} : (vector<16xf32>, vector<16xi32>, vector<16xi1>) -> (vector<16xi1>, vector<16xf32>, vector<16xi32>)
    %get3A_1332 = arith.constant 832 : index
    %get3A_1333 = tpu.vector_load %arg5[%get3A_1332] {strides = array<i32>} : memref<1152xf32, #tpu.memory_space<vmem>>, vector<16xf32>,
    %add3A_1334 = arith.constant 832 : i32
    %add3A_1335 = vector.broadcast %add3A_1334 : i32 to vector<16xi32>
    %add3A_1336 = arith.addi %iota3A, %add3A_1335 : vector<16xi32>
    %masked_sort3A_1337 = arith.constant dense<true> : vector<16xi1>
    %masked_sort3A_1338, %masked_sort3A_1339, %masked_sort3A_1340 = tpu.sort %get3A_1333, %add3A_1336 masked %masked_sort3A_1337 {descending = true} : (vector<16xf32>, vector<16xi32>, vector<16xi1>) -> (vector<16xi1>, vector<16xf32>, vector<16xi32>)
    %rev3A_1341 = arith.constant 15 : i32
    %rev3A_1342 = vector.broadcast %rev3A_1341 : i32 to vector<16xi32>
    %rev3A_1343 = tpu.iota {dimensions = array<i32: 0>} : vector<16xi32>
    %rev3A_1344 = arith.subi %rev3A_1342, %rev3A_1343 : vector<16xi32>
    %rev3A_1345 = tpu.dynamic_gather %masked_sort3A_1339[%rev3A_1344] in [0] : vector<16xf32>, vector<16xi32> -> vector<16xf32>
    %rev3A_1346 = arith.constant 15 : i32
    %rev3A_1347 = vector.broadcast %rev3A_1346 : i32 to vector<16xi32>
    %rev3A_1348 = tpu.iota {dimensions = array<i32: 0>} : vector<16xi32>
    %rev3A_1349 = arith.subi %rev3A_1347, %rev3A_1348 : vector<16xi32>
    %rev3A_1350 = tpu.dynamic_gather %masked_sort3A_1340[%rev3A_1349] in [0] : vector<16xi32>, vector<16xi32> -> vector<16xi32>
    %ge3A_1351 = arith.cmpf oge, %masked_sort3A_1330, %rev3A_1345 : vector<16xf32>
    %select_n3A_1352 = arith.select %ge3A_1351, %masked_sort3A_1330, %rev3A_1345 : vector<16xi1>, vector<16xf32>
    %select_n3A_1353 = arith.select %ge3A_1351, %masked_sort3A_1331, %rev3A_1350 : vector<16xi1>, vector<16xi32>
    %masked_sort3A_1354 = arith.constant dense<true> : vector<16xi1>
    %masked_sort3A_1355, %masked_sort3A_1356, %masked_sort3A_1357 = tpu.sort %select_n3A_1352, %select_n3A_1353 masked %masked_sort3A_1354 {descending = true} : (vector<16xf32>, vector<16xi32>, vector<16xi1>) -> (vector<16xi1>, vector<16xf32>, vector<16xi32>)
    %get3A_1358 = arith.constant 848 : index
    %get3A_1359 = tpu.vector_load %arg5[%get3A_1358] {strides = array<i32>} : memref<1152xf32, #tpu.memory_space<vmem>>, vector<16xf32>,
    %add3A_1360 = arith.constant 848 : i32
    %add3A_1361 = vector.broadcast %add3A_1360 : i32 to vector<16xi32>
    %add3A_1362 = arith.addi %iota3A, %add3A_1361 : vector<16xi32>
    %masked_sort3A_1363 = arith.constant dense<true> : vector<16xi1>
    %masked_sort3A_1364, %masked_sort3A_1365, %masked_sort3A_1366 = tpu.sort %get3A_1359, %add3A_1362 masked %masked_sort3A_1363 {descending = true} : (vector<16xf32>, vector<16xi32>, vector<16xi1>) -> (vector<16xi1>, vector<16xf32>, vector<16xi32>)
    %rev3A_1367 = arith.constant 15 : i32
    %rev3A_1368 = vector.broadcast %rev3A_1367 : i32 to vector<16xi32>
    %rev3A_1369 = tpu.iota {dimensions = array<i32: 0>} : vector<16xi32>
    %rev3A_1370 = arith.subi %rev3A_1368, %rev3A_1369 : vector<16xi32>
    %rev3A_1371 = tpu.dynamic_gather %masked_sort3A_1365[%rev3A_1370] in [0] : vector<16xf32>, vector<16xi32> -> vector<16xf32>
    %rev3A_1372 = arith.constant 15 : i32
    %rev3A_1373 = vector.broadcast %rev3A_1372 : i32 to vector<16xi32>
    %rev3A_1374 = tpu.iota {dimensions = array<i32: 0>} : vector<16xi32>
    %rev3A_1375 = arith.subi %rev3A_1373, %rev3A_1374 : vector<16xi32>
    %rev3A_1376 = tpu.dynamic_gather %masked_sort3A_1366[%rev3A_1375] in [0] : vector<16xi32>, vector<16xi32> -> vector<16xi32>
    %ge3A_1377 = arith.cmpf oge, %masked_sort3A_1356, %rev3A_1371 : vector<16xf32>
    %select_n3A_1378 = arith.select %ge3A_1377, %masked_sort3A_1356, %rev3A_1371 : vector<16xi1>, vector<16xf32>
    %select_n3A_1379 = arith.select %ge3A_1377, %masked_sort3A_1357, %rev3A_1376 : vector<16xi1>, vector<16xi32>
    %masked_sort3A_1380 = arith.constant dense<true> : vector<16xi1>
    %masked_sort3A_1381, %masked_sort3A_1382, %masked_sort3A_1383 = tpu.sort %select_n3A_1378, %select_n3A_1379 masked %masked_sort3A_1380 {descending = true} : (vector<16xf32>, vector<16xi32>, vector<16xi1>) -> (vector<16xi1>, vector<16xf32>, vector<16xi32>)
    %get3A_1384 = arith.constant 864 : index
    %get3A_1385 = tpu.vector_load %arg5[%get3A_1384] {strides = array<i32>} : memref<1152xf32, #tpu.memory_space<vmem>>, vector<16xf32>,
    %add3A_1386 = arith.constant 864 : i32
    %add3A_1387 = vector.broadcast %add3A_1386 : i32 to vector<16xi32>
    %add3A_1388 = arith.addi %iota3A, %add3A_1387 : vector<16xi32>
    %masked_sort3A_1389 = arith.constant dense<true> : vector<16xi1>
    %masked_sort3A_1390, %masked_sort3A_1391, %masked_sort3A_1392 = tpu.sort %get3A_1385, %add3A_1388 masked %masked_sort3A_1389 {descending = true} : (vector<16xf32>, vector<16xi32>, vector<16xi1>) -> (vector<16xi1>, vector<16xf32>, vector<16xi32>)
    %rev3A_1393 = arith.constant 15 : i32
    %rev3A_1394 = vector.broadcast %rev3A_1393 : i32 to vector<16xi32>
    %rev3A_1395 = tpu.iota {dimensions = array<i32: 0>} : vector<16xi32>
    %rev3A_1396 = arith.subi %rev3A_1394, %rev3A_1395 : vector<16xi32>
    %rev3A_1397 = tpu.dynamic_gather %masked_sort3A_1391[%rev3A_1396] in [0] : vector<16xf32>, vector<16xi32> -> vector<16xf32>
    %rev3A_1398 = arith.constant 15 : i32
    %rev3A_1399 = vector.broadcast %rev3A_1398 : i32 to vector<16xi32>
    %rev3A_1400 = tpu.iota {dimensions = array<i32: 0>} : vector<16xi32>
    %rev3A_1401 = arith.subi %rev3A_1399, %rev3A_1400 : vector<16xi32>
    %rev3A_1402 = tpu.dynamic_gather %masked_sort3A_1392[%rev3A_1401] in [0] : vector<16xi32>, vector<16xi32> -> vector<16xi32>
    %ge3A_1403 = arith.cmpf oge, %masked_sort3A_1382, %rev3A_1397 : vector<16xf32>
    %select_n3A_1404 = arith.select %ge3A_1403, %masked_sort3A_1382, %rev3A_1397 : vector<16xi1>, vector<16xf32>
    %select_n3A_1405 = arith.select %ge3A_1403, %masked_sort3A_1383, %rev3A_1402 : vector<16xi1>, vector<16xi32>
    %masked_sort3A_1406 = arith.constant dense<true> : vector<16xi1>
    %masked_sort3A_1407, %masked_sort3A_1408, %masked_sort3A_1409 = tpu.sort %select_n3A_1404, %select_n3A_1405 masked %masked_sort3A_1406 {descending = true} : (vector<16xf32>, vector<16xi32>, vector<16xi1>) -> (vector<16xi1>, vector<16xf32>, vector<16xi32>)
    %get3A_1410 = arith.constant 880 : index
    %get3A_1411 = tpu.vector_load %arg5[%get3A_1410] {strides = array<i32>} : memref<1152xf32, #tpu.memory_space<vmem>>, vector<16xf32>,
    %add3A_1412 = arith.constant 880 : i32
    %add3A_1413 = vector.broadcast %add3A_1412 : i32 to vector<16xi32>
    %add3A_1414 = arith.addi %iota3A, %add3A_1413 : vector<16xi32>
    %masked_sort3A_1415 = arith.constant dense<true> : vector<16xi1>
    %masked_sort3A_1416, %masked_sort3A_1417, %masked_sort3A_1418 = tpu.sort %get3A_1411, %add3A_1414 masked %masked_sort3A_1415 {descending = true} : (vector<16xf32>, vector<16xi32>, vector<16xi1>) -> (vector<16xi1>, vector<16xf32>, vector<16xi32>)
    %rev3A_1419 = arith.constant 15 : i32
    %rev3A_1420 = vector.broadcast %rev3A_1419 : i32 to vector<16xi32>
    %rev3A_1421 = tpu.iota {dimensions = array<i32: 0>} : vector<16xi32>
    %rev3A_1422 = arith.subi %rev3A_1420, %rev3A_1421 : vector<16xi32>
    %rev3A_1423 = tpu.dynamic_gather %masked_sort3A_1417[%rev3A_1422] in [0] : vector<16xf32>, vector<16xi32> -> vector<16xf32>
    %rev3A_1424 = arith.constant 15 : i32
    %rev3A_1425 = vector.broadcast %rev3A_1424 : i32 to vector<16xi32>
    %rev3A_1426 = tpu.iota {dimensions = array<i32: 0>} : vector<16xi32>
    %rev3A_1427 = arith.subi %rev3A_1425, %rev3A_1426 : vector<16xi32>
    %rev3A_1428 = tpu.dynamic_gather %masked_sort3A_1418[%rev3A_1427] in [0] : vector<16xi32>, vector<16xi32> -> vector<16xi32>
    %ge3A_1429 = arith.cmpf oge, %masked_sort3A_1408, %rev3A_1423 : vector<16xf32>
    %select_n3A_1430 = arith.select %ge3A_1429, %masked_sort3A_1408, %rev3A_1423 : vector<16xi1>, vector<16xf32>
    %select_n3A_1431 = arith.select %ge3A_1429, %masked_sort3A_1409, %rev3A_1428 : vector<16xi1>, vector<16xi32>
    %masked_sort3A_1432 = arith.constant dense<true> : vector<16xi1>
    %masked_sort3A_1433, %masked_sort3A_1434, %masked_sort3A_1435 = tpu.sort %select_n3A_1430, %select_n3A_1431 masked %masked_sort3A_1432 {descending = true} : (vector<16xf32>, vector<16xi32>, vector<16xi1>) -> (vector<16xi1>, vector<16xf32>, vector<16xi32>)
    %get3A_1436 = arith.constant 896 : index
    %get3A_1437 = tpu.vector_load %arg5[%get3A_1436] {strides = array<i32>} : memref<1152xf32, #tpu.memory_space<vmem>>, vector<16xf32>,
    %add3A_1438 = arith.constant 896 : i32
    %add3A_1439 = vector.broadcast %add3A_1438 : i32 to vector<16xi32>
    %add3A_1440 = arith.addi %iota3A, %add3A_1439 : vector<16xi32>
    %masked_sort3A_1441 = arith.constant dense<true> : vector<16xi1>
    %masked_sort3A_1442, %masked_sort3A_1443, %masked_sort3A_1444 = tpu.sort %get3A_1437, %add3A_1440 masked %masked_sort3A_1441 {descending = true} : (vector<16xf32>, vector<16xi32>, vector<16xi1>) -> (vector<16xi1>, vector<16xf32>, vector<16xi32>)
    %rev3A_1445 = arith.constant 15 : i32
    %rev3A_1446 = vector.broadcast %rev3A_1445 : i32 to vector<16xi32>
    %rev3A_1447 = tpu.iota {dimensions = array<i32: 0>} : vector<16xi32>
    %rev3A_1448 = arith.subi %rev3A_1446, %rev3A_1447 : vector<16xi32>
    %rev3A_1449 = tpu.dynamic_gather %masked_sort3A_1443[%rev3A_1448] in [0] : vector<16xf32>, vector<16xi32> -> vector<16xf32>
    %rev3A_1450 = arith.constant 15 : i32
    %rev3A_1451 = vector.broadcast %rev3A_1450 : i32 to vector<16xi32>
    %rev3A_1452 = tpu.iota {dimensions = array<i32: 0>} : vector<16xi32>
    %rev3A_1453 = arith.subi %rev3A_1451, %rev3A_1452 : vector<16xi32>
    %rev3A_1454 = tpu.dynamic_gather %masked_sort3A_1444[%rev3A_1453] in [0] : vector<16xi32>, vector<16xi32> -> vector<16xi32>
    %ge3A_1455 = arith.cmpf oge, %masked_sort3A_1434, %rev3A_1449 : vector<16xf32>
    %select_n3A_1456 = arith.select %ge3A_1455, %masked_sort3A_1434, %rev3A_1449 : vector<16xi1>, vector<16xf32>
    %select_n3A_1457 = arith.select %ge3A_1455, %masked_sort3A_1435, %rev3A_1454 : vector<16xi1>, vector<16xi32>
    %masked_sort3A_1458 = arith.constant dense<true> : vector<16xi1>
    %masked_sort3A_1459, %masked_sort3A_1460, %masked_sort3A_1461 = tpu.sort %select_n3A_1456, %select_n3A_1457 masked %masked_sort3A_1458 {descending = true} : (vector<16xf32>, vector<16xi32>, vector<16xi1>) -> (vector<16xi1>, vector<16xf32>, vector<16xi32>)
    %get3A_1462 = arith.constant 912 : index
    %get3A_1463 = tpu.vector_load %arg5[%get3A_1462] {strides = array<i32>} : memref<1152xf32, #tpu.memory_space<vmem>>, vector<16xf32>,
    %add3A_1464 = arith.constant 912 : i32
    %add3A_1465 = vector.broadcast %add3A_1464 : i32 to vector<16xi32>
    %add3A_1466 = arith.addi %iota3A, %add3A_1465 : vector<16xi32>
    %masked_sort3A_1467 = arith.constant dense<true> : vector<16xi1>
    %masked_sort3A_1468, %masked_sort3A_1469, %masked_sort3A_1470 = tpu.sort %get3A_1463, %add3A_1466 masked %masked_sort3A_1467 {descending = true} : (vector<16xf32>, vector<16xi32>, vector<16xi1>) -> (vector<16xi1>, vector<16xf32>, vector<16xi32>)
    %rev3A_1471 = arith.constant 15 : i32
    %rev3A_1472 = vector.broadcast %rev3A_1471 : i32 to vector<16xi32>
    %rev3A_1473 = tpu.iota {dimensions = array<i32: 0>} : vector<16xi32>
    %rev3A_1474 = arith.subi %rev3A_1472, %rev3A_1473 : vector<16xi32>
    %rev3A_1475 = tpu.dynamic_gather %masked_sort3A_1469[%rev3A_1474] in [0] : vector<16xf32>, vector<16xi32> -> vector<16xf32>
    %rev3A_1476 = arith.constant 15 : i32
    %rev3A_1477 = vector.broadcast %rev3A_1476 : i32 to vector<16xi32>
    %rev3A_1478 = tpu.iota {dimensions = array<i32: 0>} : vector<16xi32>
    %rev3A_1479 = arith.subi %rev3A_1477, %rev3A_1478 : vector<16xi32>
    %rev3A_1480 = tpu.dynamic_gather %masked_sort3A_1470[%rev3A_1479] in [0] : vector<16xi32>, vector<16xi32> -> vector<16xi32>
    %ge3A_1481 = arith.cmpf oge, %masked_sort3A_1460, %rev3A_1475 : vector<16xf32>
    %select_n3A_1482 = arith.select %ge3A_1481, %masked_sort3A_1460, %rev3A_1475 : vector<16xi1>, vector<16xf32>
    %select_n3A_1483 = arith.select %ge3A_1481, %masked_sort3A_1461, %rev3A_1480 : vector<16xi1>, vector<16xi32>
    %masked_sort3A_1484 = arith.constant dense<true> : vector<16xi1>
    %masked_sort3A_1485, %masked_sort3A_1486, %masked_sort3A_1487 = tpu.sort %select_n3A_1482, %select_n3A_1483 masked %masked_sort3A_1484 {descending = true} : (vector<16xf32>, vector<16xi32>, vector<16xi1>) -> (vector<16xi1>, vector<16xf32>, vector<16xi32>)
    %get3A_1488 = arith.constant 928 : index
    %get3A_1489 = tpu.vector_load %arg5[%get3A_1488] {strides = array<i32>} : memref<1152xf32, #tpu.memory_space<vmem>>, vector<16xf32>,
    %add3A_1490 = arith.constant 928 : i32
    %add3A_1491 = vector.broadcast %add3A_1490 : i32 to vector<16xi32>
    %add3A_1492 = arith.addi %iota3A, %add3A_1491 : vector<16xi32>
    %masked_sort3A_1493 = arith.constant dense<true> : vector<16xi1>
    %masked_sort3A_1494, %masked_sort3A_1495, %masked_sort3A_1496 = tpu.sort %get3A_1489, %add3A_1492 masked %masked_sort3A_1493 {descending = true} : (vector<16xf32>, vector<16xi32>, vector<16xi1>) -> (vector<16xi1>, vector<16xf32>, vector<16xi32>)
    %rev3A_1497 = arith.constant 15 : i32
    %rev3A_1498 = vector.broadcast %rev3A_1497 : i32 to vector<16xi32>
    %rev3A_1499 = tpu.iota {dimensions = array<i32: 0>} : vector<16xi32>
    %rev3A_1500 = arith.subi %rev3A_1498, %rev3A_1499 : vector<16xi32>
    %rev3A_1501 = tpu.dynamic_gather %masked_sort3A_1495[%rev3A_1500] in [0] : vector<16xf32>, vector<16xi32> -> vector<16xf32>
    %rev3A_1502 = arith.constant 15 : i32
    %rev3A_1503 = vector.broadcast %rev3A_1502 : i32 to vector<16xi32>
    %rev3A_1504 = tpu.iota {dimensions = array<i32: 0>} : vector<16xi32>
    %rev3A_1505 = arith.subi %rev3A_1503, %rev3A_1504 : vector<16xi32>
    %rev3A_1506 = tpu.dynamic_gather %masked_sort3A_1496[%rev3A_1505] in [0] : vector<16xi32>, vector<16xi32> -> vector<16xi32>
    %ge3A_1507 = arith.cmpf oge, %masked_sort3A_1486, %rev3A_1501 : vector<16xf32>
    %select_n3A_1508 = arith.select %ge3A_1507, %masked_sort3A_1486, %rev3A_1501 : vector<16xi1>, vector<16xf32>
    %select_n3A_1509 = arith.select %ge3A_1507, %masked_sort3A_1487, %rev3A_1506 : vector<16xi1>, vector<16xi32>
    %masked_sort3A_1510 = arith.constant dense<true> : vector<16xi1>
    %masked_sort3A_1511, %masked_sort3A_1512, %masked_sort3A_1513 = tpu.sort %select_n3A_1508, %select_n3A_1509 masked %masked_sort3A_1510 {descending = true} : (vector<16xf32>, vector<16xi32>, vector<16xi1>) -> (vector<16xi1>, vector<16xf32>, vector<16xi32>)
    %get3A_1514 = arith.constant 944 : index
    %get3A_1515 = tpu.vector_load %arg5[%get3A_1514] {strides = array<i32>} : memref<1152xf32, #tpu.memory_space<vmem>>, vector<16xf32>,
    %add3A_1516 = arith.constant 944 : i32
    %add3A_1517 = vector.broadcast %add3A_1516 : i32 to vector<16xi32>
    %add3A_1518 = arith.addi %iota3A, %add3A_1517 : vector<16xi32>
    %masked_sort3A_1519 = arith.constant dense<true> : vector<16xi1>
    %masked_sort3A_1520, %masked_sort3A_1521, %masked_sort3A_1522 = tpu.sort %get3A_1515, %add3A_1518 masked %masked_sort3A_1519 {descending = true} : (vector<16xf32>, vector<16xi32>, vector<16xi1>) -> (vector<16xi1>, vector<16xf32>, vector<16xi32>)
    %rev3A_1523 = arith.constant 15 : i32
    %rev3A_1524 = vector.broadcast %rev3A_1523 : i32 to vector<16xi32>
    %rev3A_1525 = tpu.iota {dimensions = array<i32: 0>} : vector<16xi32>
    %rev3A_1526 = arith.subi %rev3A_1524, %rev3A_1525 : vector<16xi32>
    %rev3A_1527 = tpu.dynamic_gather %masked_sort3A_1521[%rev3A_1526] in [0] : vector<16xf32>, vector<16xi32> -> vector<16xf32>
    %rev3A_1528 = arith.constant 15 : i32
    %rev3A_1529 = vector.broadcast %rev3A_1528 : i32 to vector<16xi32>
    %rev3A_1530 = tpu.iota {dimensions = array<i32: 0>} : vector<16xi32>
    %rev3A_1531 = arith.subi %rev3A_1529, %rev3A_1530 : vector<16xi32>
    %rev3A_1532 = tpu.dynamic_gather %masked_sort3A_1522[%rev3A_1531] in [0] : vector<16xi32>, vector<16xi32> -> vector<16xi32>
    %ge3A_1533 = arith.cmpf oge, %masked_sort3A_1512, %rev3A_1527 : vector<16xf32>
    %select_n3A_1534 = arith.select %ge3A_1533, %masked_sort3A_1512, %rev3A_1527 : vector<16xi1>, vector<16xf32>
    %select_n3A_1535 = arith.select %ge3A_1533, %masked_sort3A_1513, %rev3A_1532 : vector<16xi1>, vector<16xi32>
    %masked_sort3A_1536 = arith.constant dense<true> : vector<16xi1>
    %masked_sort3A_1537, %masked_sort3A_1538, %masked_sort3A_1539 = tpu.sort %select_n3A_1534, %select_n3A_1535 masked %masked_sort3A_1536 {descending = true} : (vector<16xf32>, vector<16xi32>, vector<16xi1>) -> (vector<16xi1>, vector<16xf32>, vector<16xi32>)
    %get3A_1540 = arith.constant 960 : index
    %get3A_1541 = tpu.vector_load %arg5[%get3A_1540] {strides = array<i32>} : memref<1152xf32, #tpu.memory_space<vmem>>, vector<16xf32>,
    %add3A_1542 = arith.constant 960 : i32
    %add3A_1543 = vector.broadcast %add3A_1542 : i32 to vector<16xi32>
    %add3A_1544 = arith.addi %iota3A, %add3A_1543 : vector<16xi32>
    %masked_sort3A_1545 = arith.constant dense<true> : vector<16xi1>
    %masked_sort3A_1546, %masked_sort3A_1547, %masked_sort3A_1548 = tpu.sort %get3A_1541, %add3A_1544 masked %masked_sort3A_1545 {descending = true} : (vector<16xf32>, vector<16xi32>, vector<16xi1>) -> (vector<16xi1>, vector<16xf32>, vector<16xi32>)
    %rev3A_1549 = arith.constant 15 : i32
    %rev3A_1550 = vector.broadcast %rev3A_1549 : i32 to vector<16xi32>
    %rev3A_1551 = tpu.iota {dimensions = array<i32: 0>} : vector<16xi32>
    %rev3A_1552 = arith.subi %rev3A_1550, %rev3A_1551 : vector<16xi32>
    %rev3A_1553 = tpu.dynamic_gather %masked_sort3A_1547[%rev3A_1552] in [0] : vector<16xf32>, vector<16xi32> -> vector<16xf32>
    %rev3A_1554 = arith.constant 15 : i32
    %rev3A_1555 = vector.broadcast %rev3A_1554 : i32 to vector<16xi32>
    %rev3A_1556 = tpu.iota {dimensions = array<i32: 0>} : vector<16xi32>
    %rev3A_1557 = arith.subi %rev3A_1555, %rev3A_1556 : vector<16xi32>
    %rev3A_1558 = tpu.dynamic_gather %masked_sort3A_1548[%rev3A_1557] in [0] : vector<16xi32>, vector<16xi32> -> vector<16xi32>
    %ge3A_1559 = arith.cmpf oge, %masked_sort3A_1538, %rev3A_1553 : vector<16xf32>
    %select_n3A_1560 = arith.select %ge3A_1559, %masked_sort3A_1538, %rev3A_1553 : vector<16xi1>, vector<16xf32>
    %select_n3A_1561 = arith.select %ge3A_1559, %masked_sort3A_1539, %rev3A_1558 : vector<16xi1>, vector<16xi32>
    %masked_sort3A_1562 = arith.constant dense<true> : vector<16xi1>
    %masked_sort3A_1563, %masked_sort3A_1564, %masked_sort3A_1565 = tpu.sort %select_n3A_1560, %select_n3A_1561 masked %masked_sort3A_1562 {descending = true} : (vector<16xf32>, vector<16xi32>, vector<16xi1>) -> (vector<16xi1>, vector<16xf32>, vector<16xi32>)
    %get3A_1566 = arith.constant 976 : index
    %get3A_1567 = tpu.vector_load %arg5[%get3A_1566] {strides = array<i32>} : memref<1152xf32, #tpu.memory_space<vmem>>, vector<16xf32>,
    %add3A_1568 = arith.constant 976 : i32
    %add3A_1569 = vector.broadcast %add3A_1568 : i32 to vector<16xi32>
    %add3A_1570 = arith.addi %iota3A, %add3A_1569 : vector<16xi32>
    %masked_sort3A_1571 = arith.constant dense<true> : vector<16xi1>
    %masked_sort3A_1572, %masked_sort3A_1573, %masked_sort3A_1574 = tpu.sort %get3A_1567, %add3A_1570 masked %masked_sort3A_1571 {descending = true} : (vector<16xf32>, vector<16xi32>, vector<16xi1>) -> (vector<16xi1>, vector<16xf32>, vector<16xi32>)
    %rev3A_1575 = arith.constant 15 : i32
    %rev3A_1576 = vector.broadcast %rev3A_1575 : i32 to vector<16xi32>
    %rev3A_1577 = tpu.iota {dimensions = array<i32: 0>} : vector<16xi32>
    %rev3A_1578 = arith.subi %rev3A_1576, %rev3A_1577 : vector<16xi32>
    %rev3A_1579 = tpu.dynamic_gather %masked_sort3A_1573[%rev3A_1578] in [0] : vector<16xf32>, vector<16xi32> -> vector<16xf32>
    %rev3A_1580 = arith.constant 15 : i32
    %rev3A_1581 = vector.broadcast %rev3A_1580 : i32 to vector<16xi32>
    %rev3A_1582 = tpu.iota {dimensions = array<i32: 0>} : vector<16xi32>
    %rev3A_1583 = arith.subi %rev3A_1581, %rev3A_1582 : vector<16xi32>
    %rev3A_1584 = tpu.dynamic_gather %masked_sort3A_1574[%rev3A_1583] in [0] : vector<16xi32>, vector<16xi32> -> vector<16xi32>
    %ge3A_1585 = arith.cmpf oge, %masked_sort3A_1564, %rev3A_1579 : vector<16xf32>
    %select_n3A_1586 = arith.select %ge3A_1585, %masked_sort3A_1564, %rev3A_1579 : vector<16xi1>, vector<16xf32>
    %select_n3A_1587 = arith.select %ge3A_1585, %masked_sort3A_1565, %rev3A_1584 : vector<16xi1>, vector<16xi32>
    %masked_sort3A_1588 = arith.constant dense<true> : vector<16xi1>
    %masked_sort3A_1589, %masked_sort3A_1590, %masked_sort3A_1591 = tpu.sort %select_n3A_1586, %select_n3A_1587 masked %masked_sort3A_1588 {descending = true} : (vector<16xf32>, vector<16xi32>, vector<16xi1>) -> (vector<16xi1>, vector<16xf32>, vector<16xi32>)
    %get3A_1592 = arith.constant 992 : index
    %get3A_1593 = tpu.vector_load %arg5[%get3A_1592] {strides = array<i32>} : memref<1152xf32, #tpu.memory_space<vmem>>, vector<16xf32>,
    %add3A_1594 = arith.constant 992 : i32
    %add3A_1595 = vector.broadcast %add3A_1594 : i32 to vector<16xi32>
    %add3A_1596 = arith.addi %iota3A, %add3A_1595 : vector<16xi32>
    %masked_sort3A_1597 = arith.constant dense<true> : vector<16xi1>
    %masked_sort3A_1598, %masked_sort3A_1599, %masked_sort3A_1600 = tpu.sort %get3A_1593, %add3A_1596 masked %masked_sort3A_1597 {descending = true} : (vector<16xf32>, vector<16xi32>, vector<16xi1>) -> (vector<16xi1>, vector<16xf32>, vector<16xi32>)
    %rev3A_1601 = arith.constant 15 : i32
    %rev3A_1602 = vector.broadcast %rev3A_1601 : i32 to vector<16xi32>
    %rev3A_1603 = tpu.iota {dimensions = array<i32: 0>} : vector<16xi32>
    %rev3A_1604 = arith.subi %rev3A_1602, %rev3A_1603 : vector<16xi32>
    %rev3A_1605 = tpu.dynamic_gather %masked_sort3A_1599[%rev3A_1604] in [0] : vector<16xf32>, vector<16xi32> -> vector<16xf32>
    %rev3A_1606 = arith.constant 15 : i32
    %rev3A_1607 = vector.broadcast %rev3A_1606 : i32 to vector<16xi32>
    %rev3A_1608 = tpu.iota {dimensions = array<i32: 0>} : vector<16xi32>
    %rev3A_1609 = arith.subi %rev3A_1607, %rev3A_1608 : vector<16xi32>
    %rev3A_1610 = tpu.dynamic_gather %masked_sort3A_1600[%rev3A_1609] in [0] : vector<16xi32>, vector<16xi32> -> vector<16xi32>
    %ge3A_1611 = arith.cmpf oge, %masked_sort3A_1590, %rev3A_1605 : vector<16xf32>
    %select_n3A_1612 = arith.select %ge3A_1611, %masked_sort3A_1590, %rev3A_1605 : vector<16xi1>, vector<16xf32>
    %select_n3A_1613 = arith.select %ge3A_1611, %masked_sort3A_1591, %rev3A_1610 : vector<16xi1>, vector<16xi32>
    %masked_sort3A_1614 = arith.constant dense<true> : vector<16xi1>
    %masked_sort3A_1615, %masked_sort3A_1616, %masked_sort3A_1617 = tpu.sort %select_n3A_1612, %select_n3A_1613 masked %masked_sort3A_1614 {descending = true} : (vector<16xf32>, vector<16xi32>, vector<16xi1>) -> (vector<16xi1>, vector<16xf32>, vector<16xi32>)
    %get3A_1618 = arith.constant 1008 : index
    %get3A_1619 = tpu.vector_load %arg5[%get3A_1618] {strides = array<i32>} : memref<1152xf32, #tpu.memory_space<vmem>>, vector<16xf32>,
    %add3A_1620 = arith.constant 1008 : i32
    %add3A_1621 = vector.broadcast %add3A_1620 : i32 to vector<16xi32>
    %add3A_1622 = arith.addi %iota3A, %add3A_1621 : vector<16xi32>
    %masked_sort3A_1623 = arith.constant dense<true> : vector<16xi1>
    %masked_sort3A_1624, %masked_sort3A_1625, %masked_sort3A_1626 = tpu.sort %get3A_1619, %add3A_1622 masked %masked_sort3A_1623 {descending = true} : (vector<16xf32>, vector<16xi32>, vector<16xi1>) -> (vector<16xi1>, vector<16xf32>, vector<16xi32>)
    %rev3A_1627 = arith.constant 15 : i32
    %rev3A_1628 = vector.broadcast %rev3A_1627 : i32 to vector<16xi32>
    %rev3A_1629 = tpu.iota {dimensions = array<i32: 0>} : vector<16xi32>
    %rev3A_1630 = arith.subi %rev3A_1628, %rev3A_1629 : vector<16xi32>
    %rev3A_1631 = tpu.dynamic_gather %masked_sort3A_1625[%rev3A_1630] in [0] : vector<16xf32>, vector<16xi32> -> vector<16xf32>
    %rev3A_1632 = arith.constant 15 : i32
    %rev3A_1633 = vector.broadcast %rev3A_1632 : i32 to vector<16xi32>
    %rev3A_1634 = tpu.iota {dimensions = array<i32: 0>} : vector<16xi32>
    %rev3A_1635 = arith.subi %rev3A_1633, %rev3A_1634 : vector<16xi32>
    %rev3A_1636 = tpu.dynamic_gather %masked_sort3A_1626[%rev3A_1635] in [0] : vector<16xi32>, vector<16xi32> -> vector<16xi32>
    %ge3A_1637 = arith.cmpf oge, %masked_sort3A_1616, %rev3A_1631 : vector<16xf32>
    %select_n3A_1638 = arith.select %ge3A_1637, %masked_sort3A_1616, %rev3A_1631 : vector<16xi1>, vector<16xf32>
    %select_n3A_1639 = arith.select %ge3A_1637, %masked_sort3A_1617, %rev3A_1636 : vector<16xi1>, vector<16xi32>
    %masked_sort3A_1640 = arith.constant dense<true> : vector<16xi1>
    %masked_sort3A_1641, %masked_sort3A_1642, %masked_sort3A_1643 = tpu.sort %select_n3A_1638, %select_n3A_1639 masked %masked_sort3A_1640 {descending = true} : (vector<16xf32>, vector<16xi32>, vector<16xi1>) -> (vector<16xi1>, vector<16xf32>, vector<16xi32>)
    %get3A_1644 = arith.constant 1024 : index
    %get3A_1645 = tpu.vector_load %arg5[%get3A_1644] {strides = array<i32>} : memref<1152xf32, #tpu.memory_space<vmem>>, vector<16xf32>,
    %add3A_1646 = arith.constant 1024 : i32
    %add3A_1647 = vector.broadcast %add3A_1646 : i32 to vector<16xi32>
    %add3A_1648 = arith.addi %iota3A, %add3A_1647 : vector<16xi32>
    %masked_sort3A_1649 = arith.constant dense<true> : vector<16xi1>
    %masked_sort3A_1650, %masked_sort3A_1651, %masked_sort3A_1652 = tpu.sort %get3A_1645, %add3A_1648 masked %masked_sort3A_1649 {descending = true} : (vector<16xf32>, vector<16xi32>, vector<16xi1>) -> (vector<16xi1>, vector<16xf32>, vector<16xi32>)
    %rev3A_1653 = arith.constant 15 : i32
    %rev3A_1654 = vector.broadcast %rev3A_1653 : i32 to vector<16xi32>
    %rev3A_1655 = tpu.iota {dimensions = array<i32: 0>} : vector<16xi32>
    %rev3A_1656 = arith.subi %rev3A_1654, %rev3A_1655 : vector<16xi32>
    %rev3A_1657 = tpu.dynamic_gather %masked_sort3A_1651[%rev3A_1656] in [0] : vector<16xf32>, vector<16xi32> -> vector<16xf32>
    %rev3A_1658 = arith.constant 15 : i32
    %rev3A_1659 = vector.broadcast %rev3A_1658 : i32 to vector<16xi32>
    %rev3A_1660 = tpu.iota {dimensions = array<i32: 0>} : vector<16xi32>
    %rev3A_1661 = arith.subi %rev3A_1659, %rev3A_1660 : vector<16xi32>
    %rev3A_1662 = tpu.dynamic_gather %masked_sort3A_1652[%rev3A_1661] in [0] : vector<16xi32>, vector<16xi32> -> vector<16xi32>
    %ge3A_1663 = arith.cmpf oge, %masked_sort3A_1642, %rev3A_1657 : vector<16xf32>
    %select_n3A_1664 = arith.select %ge3A_1663, %masked_sort3A_1642, %rev3A_1657 : vector<16xi1>, vector<16xf32>
    %select_n3A_1665 = arith.select %ge3A_1663, %masked_sort3A_1643, %rev3A_1662 : vector<16xi1>, vector<16xi32>
    %masked_sort3A_1666 = arith.constant dense<true> : vector<16xi1>
    %masked_sort3A_1667, %masked_sort3A_1668, %masked_sort3A_1669 = tpu.sort %select_n3A_1664, %select_n3A_1665 masked %masked_sort3A_1666 {descending = true} : (vector<16xf32>, vector<16xi32>, vector<16xi1>) -> (vector<16xi1>, vector<16xf32>, vector<16xi32>)
    %get3A_1670 = arith.constant 1040 : index
    %get3A_1671 = tpu.vector_load %arg5[%get3A_1670] {strides = array<i32>} : memref<1152xf32, #tpu.memory_space<vmem>>, vector<16xf32>,
    %add3A_1672 = arith.constant 1040 : i32
    %add3A_1673 = vector.broadcast %add3A_1672 : i32 to vector<16xi32>
    %add3A_1674 = arith.addi %iota3A, %add3A_1673 : vector<16xi32>
    %masked_sort3A_1675 = arith.constant dense<true> : vector<16xi1>
    %masked_sort3A_1676, %masked_sort3A_1677, %masked_sort3A_1678 = tpu.sort %get3A_1671, %add3A_1674 masked %masked_sort3A_1675 {descending = true} : (vector<16xf32>, vector<16xi32>, vector<16xi1>) -> (vector<16xi1>, vector<16xf32>, vector<16xi32>)
    %rev3A_1679 = arith.constant 15 : i32
    %rev3A_1680 = vector.broadcast %rev3A_1679 : i32 to vector<16xi32>
    %rev3A_1681 = tpu.iota {dimensions = array<i32: 0>} : vector<16xi32>
    %rev3A_1682 = arith.subi %rev3A_1680, %rev3A_1681 : vector<16xi32>
    %rev3A_1683 = tpu.dynamic_gather %masked_sort3A_1677[%rev3A_1682] in [0] : vector<16xf32>, vector<16xi32> -> vector<16xf32>
    %rev3A_1684 = arith.constant 15 : i32
    %rev3A_1685 = vector.broadcast %rev3A_1684 : i32 to vector<16xi32>
    %rev3A_1686 = tpu.iota {dimensions = array<i32: 0>} : vector<16xi32>
    %rev3A_1687 = arith.subi %rev3A_1685, %rev3A_1686 : vector<16xi32>
    %rev3A_1688 = tpu.dynamic_gather %masked_sort3A_1678[%rev3A_1687] in [0] : vector<16xi32>, vector<16xi32> -> vector<16xi32>
    %ge3A_1689 = arith.cmpf oge, %masked_sort3A_1668, %rev3A_1683 : vector<16xf32>
    %select_n3A_1690 = arith.select %ge3A_1689, %masked_sort3A_1668, %rev3A_1683 : vector<16xi1>, vector<16xf32>
    %select_n3A_1691 = arith.select %ge3A_1689, %masked_sort3A_1669, %rev3A_1688 : vector<16xi1>, vector<16xi32>
    %masked_sort3A_1692 = arith.constant dense<true> : vector<16xi1>
    %masked_sort3A_1693, %masked_sort3A_1694, %masked_sort3A_1695 = tpu.sort %select_n3A_1690, %select_n3A_1691 masked %masked_sort3A_1692 {descending = true} : (vector<16xf32>, vector<16xi32>, vector<16xi1>) -> (vector<16xi1>, vector<16xf32>, vector<16xi32>)
    %get3A_1696 = arith.constant 1056 : index
    %get3A_1697 = tpu.vector_load %arg5[%get3A_1696] {strides = array<i32>} : memref<1152xf32, #tpu.memory_space<vmem>>, vector<16xf32>,
    %add3A_1698 = arith.constant 1056 : i32
    %add3A_1699 = vector.broadcast %add3A_1698 : i32 to vector<16xi32>
    %add3A_1700 = arith.addi %iota3A, %add3A_1699 : vector<16xi32>
    %masked_sort3A_1701 = arith.constant dense<true> : vector<16xi1>
    %masked_sort3A_1702, %masked_sort3A_1703, %masked_sort3A_1704 = tpu.sort %get3A_1697, %add3A_1700 masked %masked_sort3A_1701 {descending = true} : (vector<16xf32>, vector<16xi32>, vector<16xi1>) -> (vector<16xi1>, vector<16xf32>, vector<16xi32>)
    %rev3A_1705 = arith.constant 15 : i32
    %rev3A_1706 = vector.broadcast %rev3A_1705 : i32 to vector<16xi32>
    %rev3A_1707 = tpu.iota {dimensions = array<i32: 0>} : vector<16xi32>
    %rev3A_1708 = arith.subi %rev3A_1706, %rev3A_1707 : vector<16xi32>
    %rev3A_1709 = tpu.dynamic_gather %masked_sort3A_1703[%rev3A_1708] in [0] : vector<16xf32>, vector<16xi32> -> vector<16xf32>
    %rev3A_1710 = arith.constant 15 : i32
    %rev3A_1711 = vector.broadcast %rev3A_1710 : i32 to vector<16xi32>
    %rev3A_1712 = tpu.iota {dimensions = array<i32: 0>} : vector<16xi32>
    %rev3A_1713 = arith.subi %rev3A_1711, %rev3A_1712 : vector<16xi32>
    %rev3A_1714 = tpu.dynamic_gather %masked_sort3A_1704[%rev3A_1713] in [0] : vector<16xi32>, vector<16xi32> -> vector<16xi32>
    %ge3A_1715 = arith.cmpf oge, %masked_sort3A_1694, %rev3A_1709 : vector<16xf32>
    %select_n3A_1716 = arith.select %ge3A_1715, %masked_sort3A_1694, %rev3A_1709 : vector<16xi1>, vector<16xf32>
    %select_n3A_1717 = arith.select %ge3A_1715, %masked_sort3A_1695, %rev3A_1714 : vector<16xi1>, vector<16xi32>
    %masked_sort3A_1718 = arith.constant dense<true> : vector<16xi1>
    %masked_sort3A_1719, %masked_sort3A_1720, %masked_sort3A_1721 = tpu.sort %select_n3A_1716, %select_n3A_1717 masked %masked_sort3A_1718 {descending = true} : (vector<16xf32>, vector<16xi32>, vector<16xi1>) -> (vector<16xi1>, vector<16xf32>, vector<16xi32>)
    %get3A_1722 = arith.constant 1072 : index
    %get3A_1723 = tpu.vector_load %arg5[%get3A_1722] {strides = array<i32>} : memref<1152xf32, #tpu.memory_space<vmem>>, vector<16xf32>,
    %add3A_1724 = arith.constant 1072 : i32
    %add3A_1725 = vector.broadcast %add3A_1724 : i32 to vector<16xi32>
    %add3A_1726 = arith.addi %iota3A, %add3A_1725 : vector<16xi32>
    %masked_sort3A_1727 = arith.constant dense<true> : vector<16xi1>
    %masked_sort3A_1728, %masked_sort3A_1729, %masked_sort3A_1730 = tpu.sort %get3A_1723, %add3A_1726 masked %masked_sort3A_1727 {descending = true} : (vector<16xf32>, vector<16xi32>, vector<16xi1>) -> (vector<16xi1>, vector<16xf32>, vector<16xi32>)
    %rev3A_1731 = arith.constant 15 : i32
    %rev3A_1732 = vector.broadcast %rev3A_1731 : i32 to vector<16xi32>
    %rev3A_1733 = tpu.iota {dimensions = array<i32: 0>} : vector<16xi32>
    %rev3A_1734 = arith.subi %rev3A_1732, %rev3A_1733 : vector<16xi32>
    %rev3A_1735 = tpu.dynamic_gather %masked_sort3A_1729[%rev3A_1734] in [0] : vector<16xf32>, vector<16xi32> -> vector<16xf32>
    %rev3A_1736 = arith.constant 15 : i32
    %rev3A_1737 = vector.broadcast %rev3A_1736 : i32 to vector<16xi32>
    %rev3A_1738 = tpu.iota {dimensions = array<i32: 0>} : vector<16xi32>
    %rev3A_1739 = arith.subi %rev3A_1737, %rev3A_1738 : vector<16xi32>
    %rev3A_1740 = tpu.dynamic_gather %masked_sort3A_1730[%rev3A_1739] in [0] : vector<16xi32>, vector<16xi32> -> vector<16xi32>
    %ge3A_1741 = arith.cmpf oge, %masked_sort3A_1720, %rev3A_1735 : vector<16xf32>
    %select_n3A_1742 = arith.select %ge3A_1741, %masked_sort3A_1720, %rev3A_1735 : vector<16xi1>, vector<16xf32>
    %select_n3A_1743 = arith.select %ge3A_1741, %masked_sort3A_1721, %rev3A_1740 : vector<16xi1>, vector<16xi32>
    %masked_sort3A_1744 = arith.constant dense<true> : vector<16xi1>
    %masked_sort3A_1745, %masked_sort3A_1746, %masked_sort3A_1747 = tpu.sort %select_n3A_1742, %select_n3A_1743 masked %masked_sort3A_1744 {descending = true} : (vector<16xf32>, vector<16xi32>, vector<16xi1>) -> (vector<16xi1>, vector<16xf32>, vector<16xi32>)
    %get3A_1748 = arith.constant 1088 : index
    %get3A_1749 = tpu.vector_load %arg5[%get3A_1748] {strides = array<i32>} : memref<1152xf32, #tpu.memory_space<vmem>>, vector<16xf32>,
    %add3A_1750 = arith.constant 1088 : i32
    %add3A_1751 = vector.broadcast %add3A_1750 : i32 to vector<16xi32>
    %add3A_1752 = arith.addi %iota3A, %add3A_1751 : vector<16xi32>
    %masked_sort3A_1753 = arith.constant dense<true> : vector<16xi1>
    %masked_sort3A_1754, %masked_sort3A_1755, %masked_sort3A_1756 = tpu.sort %get3A_1749, %add3A_1752 masked %masked_sort3A_1753 {descending = true} : (vector<16xf32>, vector<16xi32>, vector<16xi1>) -> (vector<16xi1>, vector<16xf32>, vector<16xi32>)
    %rev3A_1757 = arith.constant 15 : i32
    %rev3A_1758 = vector.broadcast %rev3A_1757 : i32 to vector<16xi32>
    %rev3A_1759 = tpu.iota {dimensions = array<i32: 0>} : vector<16xi32>
    %rev3A_1760 = arith.subi %rev3A_1758, %rev3A_1759 : vector<16xi32>
    %rev3A_1761 = tpu.dynamic_gather %masked_sort3A_1755[%rev3A_1760] in [0] : vector<16xf32>, vector<16xi32> -> vector<16xf32>
    %rev3A_1762 = arith.constant 15 : i32
    %rev3A_1763 = vector.broadcast %rev3A_1762 : i32 to vector<16xi32>
    %rev3A_1764 = tpu.iota {dimensions = array<i32: 0>} : vector<16xi32>
    %rev3A_1765 = arith.subi %rev3A_1763, %rev3A_1764 : vector<16xi32>
    %rev3A_1766 = tpu.dynamic_gather %masked_sort3A_1756[%rev3A_1765] in [0] : vector<16xi32>, vector<16xi32> -> vector<16xi32>
    %ge3A_1767 = arith.cmpf oge, %masked_sort3A_1746, %rev3A_1761 : vector<16xf32>
    %select_n3A_1768 = arith.select %ge3A_1767, %masked_sort3A_1746, %rev3A_1761 : vector<16xi1>, vector<16xf32>
    %select_n3A_1769 = arith.select %ge3A_1767, %masked_sort3A_1747, %rev3A_1766 : vector<16xi1>, vector<16xi32>
    %masked_sort3A_1770 = arith.constant dense<true> : vector<16xi1>
    %masked_sort3A_1771, %masked_sort3A_1772, %masked_sort3A_1773 = tpu.sort %select_n3A_1768, %select_n3A_1769 masked %masked_sort3A_1770 {descending = true} : (vector<16xf32>, vector<16xi32>, vector<16xi1>) -> (vector<16xi1>, vector<16xf32>, vector<16xi32>)
    %get3A_1774 = arith.constant 1104 : index
    %get3A_1775 = tpu.vector_load %arg5[%get3A_1774] {strides = array<i32>} : memref<1152xf32, #tpu.memory_space<vmem>>, vector<16xf32>,
    %add3A_1776 = arith.constant 1104 : i32
    %add3A_1777 = vector.broadcast %add3A_1776 : i32 to vector<16xi32>
    %add3A_1778 = arith.addi %iota3A, %add3A_1777 : vector<16xi32>
    %masked_sort3A_1779 = arith.constant dense<true> : vector<16xi1>
    %masked_sort3A_1780, %masked_sort3A_1781, %masked_sort3A_1782 = tpu.sort %get3A_1775, %add3A_1778 masked %masked_sort3A_1779 {descending = true} : (vector<16xf32>, vector<16xi32>, vector<16xi1>) -> (vector<16xi1>, vector<16xf32>, vector<16xi32>)
    %rev3A_1783 = arith.constant 15 : i32
    %rev3A_1784 = vector.broadcast %rev3A_1783 : i32 to vector<16xi32>
    %rev3A_1785 = tpu.iota {dimensions = array<i32: 0>} : vector<16xi32>
    %rev3A_1786 = arith.subi %rev3A_1784, %rev3A_1785 : vector<16xi32>
    %rev3A_1787 = tpu.dynamic_gather %masked_sort3A_1781[%rev3A_1786] in [0] : vector<16xf32>, vector<16xi32> -> vector<16xf32>
    %rev3A_1788 = arith.constant 15 : i32
    %rev3A_1789 = vector.broadcast %rev3A_1788 : i32 to vector<16xi32>
    %rev3A_1790 = tpu.iota {dimensions = array<i32: 0>} : vector<16xi32>
    %rev3A_1791 = arith.subi %rev3A_1789, %rev3A_1790 : vector<16xi32>
    %rev3A_1792 = tpu.dynamic_gather %masked_sort3A_1782[%rev3A_1791] in [0] : vector<16xi32>, vector<16xi32> -> vector<16xi32>
    %ge3A_1793 = arith.cmpf oge, %masked_sort3A_1772, %rev3A_1787 : vector<16xf32>
    %select_n3A_1794 = arith.select %ge3A_1793, %masked_sort3A_1772, %rev3A_1787 : vector<16xi1>, vector<16xf32>
    %select_n3A_1795 = arith.select %ge3A_1793, %masked_sort3A_1773, %rev3A_1792 : vector<16xi1>, vector<16xi32>
    %masked_sort3A_1796 = arith.constant dense<true> : vector<16xi1>
    %masked_sort3A_1797, %masked_sort3A_1798, %masked_sort3A_1799 = tpu.sort %select_n3A_1794, %select_n3A_1795 masked %masked_sort3A_1796 {descending = true} : (vector<16xf32>, vector<16xi32>, vector<16xi1>) -> (vector<16xi1>, vector<16xf32>, vector<16xi32>)
    %get3A_1800 = arith.constant 1120 : index
    %get3A_1801 = tpu.vector_load %arg5[%get3A_1800] {strides = array<i32>} : memref<1152xf32, #tpu.memory_space<vmem>>, vector<16xf32>,
    %add3A_1802 = arith.constant 1120 : i32
    %add3A_1803 = vector.broadcast %add3A_1802 : i32 to vector<16xi32>
    %add3A_1804 = arith.addi %iota3A, %add3A_1803 : vector<16xi32>
    %masked_sort3A_1805 = arith.constant dense<true> : vector<16xi1>
    %masked_sort3A_1806, %masked_sort3A_1807, %masked_sort3A_1808 = tpu.sort %get3A_1801, %add3A_1804 masked %masked_sort3A_1805 {descending = true} : (vector<16xf32>, vector<16xi32>, vector<16xi1>) -> (vector<16xi1>, vector<16xf32>, vector<16xi32>)
    %rev3A_1809 = arith.constant 15 : i32
    %rev3A_1810 = vector.broadcast %rev3A_1809 : i32 to vector<16xi32>
    %rev3A_1811 = tpu.iota {dimensions = array<i32: 0>} : vector<16xi32>
    %rev3A_1812 = arith.subi %rev3A_1810, %rev3A_1811 : vector<16xi32>
    %rev3A_1813 = tpu.dynamic_gather %masked_sort3A_1807[%rev3A_1812] in [0] : vector<16xf32>, vector<16xi32> -> vector<16xf32>
    %rev3A_1814 = arith.constant 15 : i32
    %rev3A_1815 = vector.broadcast %rev3A_1814 : i32 to vector<16xi32>
    %rev3A_1816 = tpu.iota {dimensions = array<i32: 0>} : vector<16xi32>
    %rev3A_1817 = arith.subi %rev3A_1815, %rev3A_1816 : vector<16xi32>
    %rev3A_1818 = tpu.dynamic_gather %masked_sort3A_1808[%rev3A_1817] in [0] : vector<16xi32>, vector<16xi32> -> vector<16xi32>
    %ge3A_1819 = arith.cmpf oge, %masked_sort3A_1798, %rev3A_1813 : vector<16xf32>
    %select_n3A_1820 = arith.select %ge3A_1819, %masked_sort3A_1798, %rev3A_1813 : vector<16xi1>, vector<16xf32>
    %select_n3A_1821 = arith.select %ge3A_1819, %masked_sort3A_1799, %rev3A_1818 : vector<16xi1>, vector<16xi32>
    %masked_sort3A_1822 = arith.constant dense<true> : vector<16xi1>
    %masked_sort3A_1823, %masked_sort3A_1824, %masked_sort3A_1825 = tpu.sort %select_n3A_1820, %select_n3A_1821 masked %masked_sort3A_1822 {descending = true} : (vector<16xf32>, vector<16xi32>, vector<16xi1>) -> (vector<16xi1>, vector<16xf32>, vector<16xi32>)
    %get3A_1826 = arith.constant 1136 : index
    %get3A_1827 = tpu.vector_load %arg5[%get3A_1826] {strides = array<i32>} : memref<1152xf32, #tpu.memory_space<vmem>>, vector<16xf32>,
    %add3A_1828 = arith.constant 1136 : i32
    %add3A_1829 = vector.broadcast %add3A_1828 : i32 to vector<16xi32>
    %add3A_1830 = arith.addi %iota3A, %add3A_1829 : vector<16xi32>
    %masked_sort3A_1831 = arith.constant dense<true> : vector<16xi1>
    %masked_sort3A_1832, %masked_sort3A_1833, %masked_sort3A_1834 = tpu.sort %get3A_1827, %add3A_1830 masked %masked_sort3A_1831 {descending = true} : (vector<16xf32>, vector<16xi32>, vector<16xi1>) -> (vector<16xi1>, vector<16xf32>, vector<16xi32>)
    %rev3A_1835 = arith.constant 15 : i32
    %rev3A_1836 = vector.broadcast %rev3A_1835 : i32 to vector<16xi32>
    %rev3A_1837 = tpu.iota {dimensions = array<i32: 0>} : vector<16xi32>
    %rev3A_1838 = arith.subi %rev3A_1836, %rev3A_1837 : vector<16xi32>
    %rev3A_1839 = tpu.dynamic_gather %masked_sort3A_1833[%rev3A_1838] in [0] : vector<16xf32>, vector<16xi32> -> vector<16xf32>
    %rev3A_1840 = arith.constant 15 : i32
    %rev3A_1841 = vector.broadcast %rev3A_1840 : i32 to vector<16xi32>
    %rev3A_1842 = tpu.iota {dimensions = array<i32: 0>} : vector<16xi32>
    %rev3A_1843 = arith.subi %rev3A_1841, %rev3A_1842 : vector<16xi32>
    %rev3A_1844 = tpu.dynamic_gather %masked_sort3A_1834[%rev3A_1843] in [0] : vector<16xi32>, vector<16xi32> -> vector<16xi32>
    %ge3A_1845 = arith.cmpf oge, %masked_sort3A_1824, %rev3A_1839 : vector<16xf32>
    %select_n3A_1846 = arith.select %ge3A_1845, %masked_sort3A_1824, %rev3A_1839 : vector<16xi1>, vector<16xf32>
    %select_n3A_1847 = arith.select %ge3A_1845, %masked_sort3A_1825, %rev3A_1844 : vector<16xi1>, vector<16xi32>
    %masked_sort3A_1848 = arith.constant dense<true> : vector<16xi1>
    %masked_sort3A_1849, %masked_sort3A_1850, %masked_sort3A_1851 = tpu.sort %select_n3A_1846, %select_n3A_1847 masked %masked_sort3A_1848 {descending = true} : (vector<16xf32>, vector<16xi32>, vector<16xi1>) -> (vector<16xi1>, vector<16xf32>, vector<16xi32>)
    %mul3A_1852 = arith.constant 64 : i32
    %mul3A_1853 = vector.broadcast %mul3A_1852 : i32 to vector<16xi32>
    %mul3A_1854 = arith.muli %masked_sort3A_1851, %mul3A_1853 : vector<16xi32>
    %add3A_1855 = arith.constant 0 : i32
    %add3A_1856 = arith.addi %add3A_1855, %add3A_4 : i32
    %add3A_1857 = vector.broadcast %add3A_1856 : i32 to vector<16xi32>
    %add3A_1858 = arith.addi %mul3A_1854, %add3A_1857 : vector<16xi32>
    %swap3A = arith.constant 0 : index
    %swap3A_1859 = tpu.vector_load %arg6[%swap3A] {strides = array<i32>} : memref<16xi32, #tpu.memory_space<vmem>>, vector<16xi32>,
    tpu.vector_store %arg6[%swap3A], %add3A_1858 {strides = array<i32>} : memref<16xi32, #tpu.memory_space<vmem>>, vector<16xi32>,
    %dma_start3A = arith.constant 0 : i32
    %dma_start3A_1860 = arith.constant 0 : i32
    %dma_start3A_1861 = tpu.memref_slice %arg3[%dma_start3A, %dma_start3A_1860] : memref<65600x768xf32, #tpu.memory_space<hbm>> -> memref<65600x768xf32, #tpu.memory_space<hbm>>
    tpu.enqueue_indirect_dma source(%dma_start3A_1861 : memref<65600x768xf32, #tpu.memory_space<hbm>>) target(%arg7 : memref<16x768xf32, #tpu.memory_space<vmem>>) offsets(%arg6 : memref<16xi32, #tpu.memory_space<vmem>>) semaphore(%arg8 : memref<!tpu.dma_semaphore, #tpu.memory_space<semaphore_mem>>)
    %dma_wait3A = arith.constant 0 : i32
    %dma_wait3A_1862 = arith.constant 0 : i32
    %dma_wait3A_1863 = tpu.memref_slice %arg3[%dma_wait3A, %dma_wait3A_1862] : memref<65600x768xf32, #tpu.memory_space<hbm>> -> memref<65600x768xf32, #tpu.memory_space<hbm>>
    tpu.wait_indirect_dma semaphore(%arg8 : memref<!tpu.dma_semaphore, #tpu.memory_space<semaphore_mem>>) src(%dma_wait3A_1863 : memref<65600x768xf32, #tpu.memory_space<hbm>>) dst(%arg7 : memref<16x768xf32, #tpu.memory_space<vmem>>)
    "tpu.region"() ({
      %run_scoped3A = tpu.sem_alloc : memref<!tpu.dma_semaphore, #tpu.memory_space<semaphore_mem>>
      %dma_start3A_3735 = arith.constant 0 : i32
      %dma_start3A_3736 = arith.constant 0 : i32
      %dma_start3A_3737 = tpu.memref_slice %arg7[%dma_start3A_3735, %dma_start3A_3736] : memref<16x768xf32, #tpu.memory_space<vmem>> -> memref<8x768xf32, #tpu.memory_space<vmem>>
      %dma_start3A_3738 = arith.constant 0 : i32
      %dma_start3A_3739 = arith.constant 0 : i32
      %dma_start3A_3740 = tpu.memref_slice %arg4[%add3A_4, %dma_start3A_3738, %dma_start3A_3739] : memref<64x8x768xf32, #tpu.memory_space<hbm>> -> memref<1x8x768xf32, #tpu.memory_space<hbm>>
      %dma_start3A_3741 = tpu.memref_squeeze %dma_start3A_3740 : memref<1x8x768xf32, #tpu.memory_space<hbm>> -> memref<8x768xf32, #tpu.memory_space<hbm>>
      %dma_start3A_3742 = arith.constant 0 : i32
      %dma_start3A_3743 = arith.constant 0 : i32
      %dma_start3A_3744 = tpu.memref_slice %arg4[%add3A_4, %dma_start3A_3742, %dma_start3A_3743] : memref<64x8x768xf32, #tpu.memory_space<hbm>> -> memref<1x8x768xf32, #tpu.memory_space<hbm>>
      %dma_start3A_3745 = tpu.memref_squeeze %dma_start3A_3744 : memref<1x8x768xf32, #tpu.memory_space<hbm>> -> memref<8x768xf32, #tpu.memory_space<hbm>>
      %dma_start3A_3746 = arith.constant 0 : i32
      %dma_start3A_3747 = arith.constant 0 : i32
      %dma_start3A_3748 = tpu.memref_slice %arg7[%dma_start3A_3746, %dma_start3A_3747] : memref<16x768xf32, #tpu.memory_space<vmem>> -> memref<8x768xf32, #tpu.memory_space<vmem>>
      tpu.enqueue_dma source(%dma_start3A_3748 : memref<8x768xf32, #tpu.memory_space<vmem>>) target(%dma_start3A_3745 : memref<8x768xf32, #tpu.memory_space<hbm>>) target_semaphore(%run_scoped3A : memref<!tpu.dma_semaphore, #tpu.memory_space<semaphore_mem>>)
      %dma_wait3A_3749 = arith.constant 0 : i32
      %dma_wait3A_3750 = arith.constant 0 : i32
      %dma_wait3A_3751 = tpu.memref_slice %arg7[%dma_wait3A_3749, %dma_wait3A_3750] : memref<16x768xf32, #tpu.memory_space<vmem>> -> memref<8x768xf32, #tpu.memory_space<vmem>>
      %dma_wait3A_3752 = arith.constant 0 : i32
      %dma_wait3A_3753 = arith.constant 0 : i32
      %dma_wait3A_3754 = tpu.memref_slice %arg4[%add3A_4, %dma_wait3A_3752, %dma_wait3A_3753] : memref<64x8x768xf32, #tpu.memory_space<hbm>> -> memref<1x8x768xf32, #tpu.memory_space<hbm>>
      %dma_wait3A_3755 = tpu.memref_squeeze %dma_wait3A_3754 : memref<1x8x768xf32, #tpu.memory_space<hbm>> -> memref<8x768xf32, #tpu.memory_space<hbm>>
      %dma_wait3A_3756 = arith.constant 0 : i32
      %dma_wait3A_3757 = arith.constant 0 : i32
      %dma_wait3A_3758 = tpu.memref_slice %arg4[%add3A_4, %dma_wait3A_3756, %dma_wait3A_3757] : memref<64x8x768xf32, #tpu.memory_space<hbm>> -> memref<1x8x768xf32, #tpu.memory_space<hbm>>
      %dma_wait3A_3759 = tpu.memref_squeeze %dma_wait3A_3758 : memref<1x8x768xf32, #tpu.memory_space<hbm>> -> memref<8x768xf32, #tpu.memory_space<hbm>>
      %dma_wait3A_3760 = arith.constant 0 : i32
      %dma_wait3A_3761 = arith.constant 0 : i32
      %dma_wait3A_3762 = tpu.memref_slice %arg7[%dma_wait3A_3760, %dma_wait3A_3761] : memref<16x768xf32, #tpu.memory_space<vmem>> -> memref<8x768xf32, #tpu.memory_space<vmem>>
      tpu.wait_dma2 semaphore(%run_scoped3A : memref<!tpu.dma_semaphore, #tpu.memory_space<semaphore_mem>>) src(%dma_wait3A_3762 : memref<8x768xf32, #tpu.memory_space<vmem>>) dst(%dma_wait3A_3759 : memref<8x768xf32, #tpu.memory_space<hbm>>)
      tpu.yield
    }) : () -> ()
    %mul3A_1864 = arith.constant 2 : i32
    %mul3A_1865 = arith.muli %add3A, %mul3A_1864 : i32
    %add3A_1866 = arith.constant 1 : i32
    %add3A_1867 = arith.addi %mul3A_1865, %add3A_1866 : i32
    "tpu.region"() ({
      %run_scoped3A = tpu.sem_alloc : memref<!tpu.dma_semaphore, #tpu.memory_space<semaphore_mem>>
      %dma_start3A_3735 = arith.constant 0 : i32
      %dma_start3A_3736 = tpu.memref_slice %arg2[%add3A_1867, %dma_start3A_3735] : memref<64x1152xf32, #tpu.memory_space<hbm>> -> memref<1x1152xf32, #tpu.memory_space<hbm>>
      %dma_start3A_3737 = tpu.memref_squeeze %dma_start3A_3736 : memref<1x1152xf32, #tpu.memory_space<hbm>> -> memref<1152xf32, #tpu.memory_space<hbm>>
      %dma_start3A_3738 = arith.constant 0 : i32
      %dma_start3A_3739 = tpu.memref_slice %arg2[%add3A_1867, %dma_start3A_3738] : memref<64x1152xf32, #tpu.memory_space<hbm>> -> memref<1x1152xf32, #tpu.memory_space<hbm>>
      %dma_start3A_3740 = tpu.memref_squeeze %dma_start3A_3739 : memref<1x1152xf32, #tpu.memory_space<hbm>> -> memref<1152xf32, #tpu.memory_space<hbm>>
      tpu.enqueue_dma source(%dma_start3A_3740 : memref<1152xf32, #tpu.memory_space<hbm>>) target(%arg5 : memref<1152xf32, #tpu.memory_space<vmem>>) target_semaphore(%run_scoped3A : memref<!tpu.dma_semaphore, #tpu.memory_space<semaphore_mem>>)
      %dma_wait3A_3741 = arith.constant 0 : i32
      %dma_wait3A_3742 = tpu.memref_slice %arg2[%add3A_1867, %dma_wait3A_3741] : memref<64x1152xf32, #tpu.memory_space<hbm>> -> memref<1x1152xf32, #tpu.memory_space<hbm>>
      %dma_wait3A_3743 = tpu.memref_squeeze %dma_wait3A_3742 : memref<1x1152xf32, #tpu.memory_space<hbm>> -> memref<1152xf32, #tpu.memory_space<hbm>>
      %dma_wait3A_3744 = arith.constant 0 : i32
      %dma_wait3A_3745 = tpu.memref_slice %arg2[%add3A_1867, %dma_wait3A_3744] : memref<64x1152xf32, #tpu.memory_space<hbm>> -> memref<1x1152xf32, #tpu.memory_space<hbm>>
      %dma_wait3A_3746 = tpu.memref_squeeze %dma_wait3A_3745 : memref<1x1152xf32, #tpu.memory_space<hbm>> -> memref<1152xf32, #tpu.memory_space<hbm>>
      tpu.wait_dma2 semaphore(%run_scoped3A : memref<!tpu.dma_semaphore, #tpu.memory_space<semaphore_mem>>) src(%dma_wait3A_3746 : memref<1152xf32, #tpu.memory_space<hbm>>) dst(%arg5 : memref<1152xf32, #tpu.memory_space<vmem>>)
      tpu.yield
    }) : () -> ()
    %get3A_1868 = arith.constant 0 : index
    %get3A_1869 = tpu.vector_load %arg5[%get3A_1868] {strides = array<i32>} : memref<1152xf32, #tpu.memory_space<vmem>>, vector<16xf32>,
    %masked_sort3A_1870 = arith.constant dense<true> : vector<16xi1>
    %masked_sort3A_1871, %masked_sort3A_1872, %masked_sort3A_1873 = tpu.sort %get3A_1869, %iota3A masked %masked_sort3A_1870 {descending = true} : (vector<16xf32>, vector<16xi32>, vector<16xi1>) -> (vector<16xi1>, vector<16xf32>, vector<16xi32>)
    %get3A_1874 = arith.constant 16 : index
    %get3A_1875 = tpu.vector_load %arg5[%get3A_1874] {strides = array<i32>} : memref<1152xf32, #tpu.memory_space<vmem>>, vector<16xf32>,
    %add3A_1876 = arith.constant 16 : i32
    %add3A_1877 = vector.broadcast %add3A_1876 : i32 to vector<16xi32>
    %add3A_1878 = arith.addi %iota3A, %add3A_1877 : vector<16xi32>
    %masked_sort3A_1879 = arith.constant dense<true> : vector<16xi1>
    %masked_sort3A_1880, %masked_sort3A_1881, %masked_sort3A_1882 = tpu.sort %get3A_1875, %add3A_1878 masked %masked_sort3A_1879 {descending = true} : (vector<16xf32>, vector<16xi32>, vector<16xi1>) -> (vector<16xi1>, vector<16xf32>, vector<16xi32>)
    %rev3A_1883 = arith.constant 15 : i32
    %rev3A_1884 = vector.broadcast %rev3A_1883 : i32 to vector<16xi32>
    %rev3A_1885 = tpu.iota {dimensions = array<i32: 0>} : vector<16xi32>
    %rev3A_1886 = arith.subi %rev3A_1884, %rev3A_1885 : vector<16xi32>
    %rev3A_1887 = tpu.dynamic_gather %masked_sort3A_1881[%rev3A_1886] in [0] : vector<16xf32>, vector<16xi32> -> vector<16xf32>
    %rev3A_1888 = arith.constant 15 : i32
    %rev3A_1889 = vector.broadcast %rev3A_1888 : i32 to vector<16xi32>
    %rev3A_1890 = tpu.iota {dimensions = array<i32: 0>} : vector<16xi32>
    %rev3A_1891 = arith.subi %rev3A_1889, %rev3A_1890 : vector<16xi32>
    %rev3A_1892 = tpu.dynamic_gather %masked_sort3A_1882[%rev3A_1891] in [0] : vector<16xi32>, vector<16xi32> -> vector<16xi32>
    %ge3A_1893 = arith.cmpf oge, %masked_sort3A_1872, %rev3A_1887 : vector<16xf32>
    %select_n3A_1894 = arith.select %ge3A_1893, %masked_sort3A_1872, %rev3A_1887 : vector<16xi1>, vector<16xf32>
    %select_n3A_1895 = arith.select %ge3A_1893, %masked_sort3A_1873, %rev3A_1892 : vector<16xi1>, vector<16xi32>
    %masked_sort3A_1896 = arith.constant dense<true> : vector<16xi1>
    %masked_sort3A_1897, %masked_sort3A_1898, %masked_sort3A_1899 = tpu.sort %select_n3A_1894, %select_n3A_1895 masked %masked_sort3A_1896 {descending = true} : (vector<16xf32>, vector<16xi32>, vector<16xi1>) -> (vector<16xi1>, vector<16xf32>, vector<16xi32>)
    %get3A_1900 = arith.constant 32 : index
    %get3A_1901 = tpu.vector_load %arg5[%get3A_1900] {strides = array<i32>} : memref<1152xf32, #tpu.memory_space<vmem>>, vector<16xf32>,
    %add3A_1902 = arith.constant 32 : i32
    %add3A_1903 = vector.broadcast %add3A_1902 : i32 to vector<16xi32>
    %add3A_1904 = arith.addi %iota3A, %add3A_1903 : vector<16xi32>
    %masked_sort3A_1905 = arith.constant dense<true> : vector<16xi1>
    %masked_sort3A_1906, %masked_sort3A_1907, %masked_sort3A_1908 = tpu.sort %get3A_1901, %add3A_1904 masked %masked_sort3A_1905 {descending = true} : (vector<16xf32>, vector<16xi32>, vector<16xi1>) -> (vector<16xi1>, vector<16xf32>, vector<16xi32>)
    %rev3A_1909 = arith.constant 15 : i32
    %rev3A_1910 = vector.broadcast %rev3A_1909 : i32 to vector<16xi32>
    %rev3A_1911 = tpu.iota {dimensions = array<i32: 0>} : vector<16xi32>
    %rev3A_1912 = arith.subi %rev3A_1910, %rev3A_1911 : vector<16xi32>
    %rev3A_1913 = tpu.dynamic_gather %masked_sort3A_1907[%rev3A_1912] in [0] : vector<16xf32>, vector<16xi32> -> vector<16xf32>
    %rev3A_1914 = arith.constant 15 : i32
    %rev3A_1915 = vector.broadcast %rev3A_1914 : i32 to vector<16xi32>
    %rev3A_1916 = tpu.iota {dimensions = array<i32: 0>} : vector<16xi32>
    %rev3A_1917 = arith.subi %rev3A_1915, %rev3A_1916 : vector<16xi32>
    %rev3A_1918 = tpu.dynamic_gather %masked_sort3A_1908[%rev3A_1917] in [0] : vector<16xi32>, vector<16xi32> -> vector<16xi32>
    %ge3A_1919 = arith.cmpf oge, %masked_sort3A_1898, %rev3A_1913 : vector<16xf32>
    %select_n3A_1920 = arith.select %ge3A_1919, %masked_sort3A_1898, %rev3A_1913 : vector<16xi1>, vector<16xf32>
    %select_n3A_1921 = arith.select %ge3A_1919, %masked_sort3A_1899, %rev3A_1918 : vector<16xi1>, vector<16xi32>
    %masked_sort3A_1922 = arith.constant dense<true> : vector<16xi1>
    %masked_sort3A_1923, %masked_sort3A_1924, %masked_sort3A_1925 = tpu.sort %select_n3A_1920, %select_n3A_1921 masked %masked_sort3A_1922 {descending = true} : (vector<16xf32>, vector<16xi32>, vector<16xi1>) -> (vector<16xi1>, vector<16xf32>, vector<16xi32>)
    %get3A_1926 = arith.constant 48 : index
    %get3A_1927 = tpu.vector_load %arg5[%get3A_1926] {strides = array<i32>} : memref<1152xf32, #tpu.memory_space<vmem>>, vector<16xf32>,
    %add3A_1928 = arith.constant 48 : i32
    %add3A_1929 = vector.broadcast %add3A_1928 : i32 to vector<16xi32>
    %add3A_1930 = arith.addi %iota3A, %add3A_1929 : vector<16xi32>
    %masked_sort3A_1931 = arith.constant dense<true> : vector<16xi1>
    %masked_sort3A_1932, %masked_sort3A_1933, %masked_sort3A_1934 = tpu.sort %get3A_1927, %add3A_1930 masked %masked_sort3A_1931 {descending = true} : (vector<16xf32>, vector<16xi32>, vector<16xi1>) -> (vector<16xi1>, vector<16xf32>, vector<16xi32>)
    %rev3A_1935 = arith.constant 15 : i32
    %rev3A_1936 = vector.broadcast %rev3A_1935 : i32 to vector<16xi32>
    %rev3A_1937 = tpu.iota {dimensions = array<i32: 0>} : vector<16xi32>
    %rev3A_1938 = arith.subi %rev3A_1936, %rev3A_1937 : vector<16xi32>
    %rev3A_1939 = tpu.dynamic_gather %masked_sort3A_1933[%rev3A_1938] in [0] : vector<16xf32>, vector<16xi32> -> vector<16xf32>
    %rev3A_1940 = arith.constant 15 : i32
    %rev3A_1941 = vector.broadcast %rev3A_1940 : i32 to vector<16xi32>
    %rev3A_1942 = tpu.iota {dimensions = array<i32: 0>} : vector<16xi32>
    %rev3A_1943 = arith.subi %rev3A_1941, %rev3A_1942 : vector<16xi32>
    %rev3A_1944 = tpu.dynamic_gather %masked_sort3A_1934[%rev3A_1943] in [0] : vector<16xi32>, vector<16xi32> -> vector<16xi32>
    %ge3A_1945 = arith.cmpf oge, %masked_sort3A_1924, %rev3A_1939 : vector<16xf32>
    %select_n3A_1946 = arith.select %ge3A_1945, %masked_sort3A_1924, %rev3A_1939 : vector<16xi1>, vector<16xf32>
    %select_n3A_1947 = arith.select %ge3A_1945, %masked_sort3A_1925, %rev3A_1944 : vector<16xi1>, vector<16xi32>
    %masked_sort3A_1948 = arith.constant dense<true> : vector<16xi1>
    %masked_sort3A_1949, %masked_sort3A_1950, %masked_sort3A_1951 = tpu.sort %select_n3A_1946, %select_n3A_1947 masked %masked_sort3A_1948 {descending = true} : (vector<16xf32>, vector<16xi32>, vector<16xi1>) -> (vector<16xi1>, vector<16xf32>, vector<16xi32>)
    %get3A_1952 = arith.constant 64 : index
    %get3A_1953 = tpu.vector_load %arg5[%get3A_1952] {strides = array<i32>} : memref<1152xf32, #tpu.memory_space<vmem>>, vector<16xf32>,
    %add3A_1954 = arith.constant 64 : i32
    %add3A_1955 = vector.broadcast %add3A_1954 : i32 to vector<16xi32>
    %add3A_1956 = arith.addi %iota3A, %add3A_1955 : vector<16xi32>
    %masked_sort3A_1957 = arith.constant dense<true> : vector<16xi1>
    %masked_sort3A_1958, %masked_sort3A_1959, %masked_sort3A_1960 = tpu.sort %get3A_1953, %add3A_1956 masked %masked_sort3A_1957 {descending = true} : (vector<16xf32>, vector<16xi32>, vector<16xi1>) -> (vector<16xi1>, vector<16xf32>, vector<16xi32>)
    %rev3A_1961 = arith.constant 15 : i32
    %rev3A_1962 = vector.broadcast %rev3A_1961 : i32 to vector<16xi32>
    %rev3A_1963 = tpu.iota {dimensions = array<i32: 0>} : vector<16xi32>
    %rev3A_1964 = arith.subi %rev3A_1962, %rev3A_1963 : vector<16xi32>
    %rev3A_1965 = tpu.dynamic_gather %masked_sort3A_1959[%rev3A_1964] in [0] : vector<16xf32>, vector<16xi32> -> vector<16xf32>
    %rev3A_1966 = arith.constant 15 : i32
    %rev3A_1967 = vector.broadcast %rev3A_1966 : i32 to vector<16xi32>
    %rev3A_1968 = tpu.iota {dimensions = array<i32: 0>} : vector<16xi32>
    %rev3A_1969 = arith.subi %rev3A_1967, %rev3A_1968 : vector<16xi32>
    %rev3A_1970 = tpu.dynamic_gather %masked_sort3A_1960[%rev3A_1969] in [0] : vector<16xi32>, vector<16xi32> -> vector<16xi32>
    %ge3A_1971 = arith.cmpf oge, %masked_sort3A_1950, %rev3A_1965 : vector<16xf32>
    %select_n3A_1972 = arith.select %ge3A_1971, %masked_sort3A_1950, %rev3A_1965 : vector<16xi1>, vector<16xf32>
    %select_n3A_1973 = arith.select %ge3A_1971, %masked_sort3A_1951, %rev3A_1970 : vector<16xi1>, vector<16xi32>
    %masked_sort3A_1974 = arith.constant dense<true> : vector<16xi1>
    %masked_sort3A_1975, %masked_sort3A_1976, %masked_sort3A_1977 = tpu.sort %select_n3A_1972, %select_n3A_1973 masked %masked_sort3A_1974 {descending = true} : (vector<16xf32>, vector<16xi32>, vector<16xi1>) -> (vector<16xi1>, vector<16xf32>, vector<16xi32>)
    %get3A_1978 = arith.constant 80 : index
    %get3A_1979 = tpu.vector_load %arg5[%get3A_1978] {strides = array<i32>} : memref<1152xf32, #tpu.memory_space<vmem>>, vector<16xf32>,
    %add3A_1980 = arith.constant 80 : i32
    %add3A_1981 = vector.broadcast %add3A_1980 : i32 to vector<16xi32>
    %add3A_1982 = arith.addi %iota3A, %add3A_1981 : vector<16xi32>
    %masked_sort3A_1983 = arith.constant dense<true> : vector<16xi1>
    %masked_sort3A_1984, %masked_sort3A_1985, %masked_sort3A_1986 = tpu.sort %get3A_1979, %add3A_1982 masked %masked_sort3A_1983 {descending = true} : (vector<16xf32>, vector<16xi32>, vector<16xi1>) -> (vector<16xi1>, vector<16xf32>, vector<16xi32>)
    %rev3A_1987 = arith.constant 15 : i32
    %rev3A_1988 = vector.broadcast %rev3A_1987 : i32 to vector<16xi32>
    %rev3A_1989 = tpu.iota {dimensions = array<i32: 0>} : vector<16xi32>
    %rev3A_1990 = arith.subi %rev3A_1988, %rev3A_1989 : vector<16xi32>
    %rev3A_1991 = tpu.dynamic_gather %masked_sort3A_1985[%rev3A_1990] in [0] : vector<16xf32>, vector<16xi32> -> vector<16xf32>
    %rev3A_1992 = arith.constant 15 : i32
    %rev3A_1993 = vector.broadcast %rev3A_1992 : i32 to vector<16xi32>
    %rev3A_1994 = tpu.iota {dimensions = array<i32: 0>} : vector<16xi32>
    %rev3A_1995 = arith.subi %rev3A_1993, %rev3A_1994 : vector<16xi32>
    %rev3A_1996 = tpu.dynamic_gather %masked_sort3A_1986[%rev3A_1995] in [0] : vector<16xi32>, vector<16xi32> -> vector<16xi32>
    %ge3A_1997 = arith.cmpf oge, %masked_sort3A_1976, %rev3A_1991 : vector<16xf32>
    %select_n3A_1998 = arith.select %ge3A_1997, %masked_sort3A_1976, %rev3A_1991 : vector<16xi1>, vector<16xf32>
    %select_n3A_1999 = arith.select %ge3A_1997, %masked_sort3A_1977, %rev3A_1996 : vector<16xi1>, vector<16xi32>
    %masked_sort3A_2000 = arith.constant dense<true> : vector<16xi1>
    %masked_sort3A_2001, %masked_sort3A_2002, %masked_sort3A_2003 = tpu.sort %select_n3A_1998, %select_n3A_1999 masked %masked_sort3A_2000 {descending = true} : (vector<16xf32>, vector<16xi32>, vector<16xi1>) -> (vector<16xi1>, vector<16xf32>, vector<16xi32>)
    %get3A_2004 = arith.constant 96 : index
    %get3A_2005 = tpu.vector_load %arg5[%get3A_2004] {strides = array<i32>} : memref<1152xf32, #tpu.memory_space<vmem>>, vector<16xf32>,
    %add3A_2006 = arith.constant 96 : i32
    %add3A_2007 = vector.broadcast %add3A_2006 : i32 to vector<16xi32>
    %add3A_2008 = arith.addi %iota3A, %add3A_2007 : vector<16xi32>
    %masked_sort3A_2009 = arith.constant dense<true> : vector<16xi1>
    %masked_sort3A_2010, %masked_sort3A_2011, %masked_sort3A_2012 = tpu.sort %get3A_2005, %add3A_2008 masked %masked_sort3A_2009 {descending = true} : (vector<16xf32>, vector<16xi32>, vector<16xi1>) -> (vector<16xi1>, vector<16xf32>, vector<16xi32>)
    %rev3A_2013 = arith.constant 15 : i32
    %rev3A_2014 = vector.broadcast %rev3A_2013 : i32 to vector<16xi32>
    %rev3A_2015 = tpu.iota {dimensions = array<i32: 0>} : vector<16xi32>
    %rev3A_2016 = arith.subi %rev3A_2014, %rev3A_2015 : vector<16xi32>
    %rev3A_2017 = tpu.dynamic_gather %masked_sort3A_2011[%rev3A_2016] in [0] : vector<16xf32>, vector<16xi32> -> vector<16xf32>
    %rev3A_2018 = arith.constant 15 : i32
    %rev3A_2019 = vector.broadcast %rev3A_2018 : i32 to vector<16xi32>
    %rev3A_2020 = tpu.iota {dimensions = array<i32: 0>} : vector<16xi32>
    %rev3A_2021 = arith.subi %rev3A_2019, %rev3A_2020 : vector<16xi32>
    %rev3A_2022 = tpu.dynamic_gather %masked_sort3A_2012[%rev3A_2021] in [0] : vector<16xi32>, vector<16xi32> -> vector<16xi32>
    %ge3A_2023 = arith.cmpf oge, %masked_sort3A_2002, %rev3A_2017 : vector<16xf32>
    %select_n3A_2024 = arith.select %ge3A_2023, %masked_sort3A_2002, %rev3A_2017 : vector<16xi1>, vector<16xf32>
    %select_n3A_2025 = arith.select %ge3A_2023, %masked_sort3A_2003, %rev3A_2022 : vector<16xi1>, vector<16xi32>
    %masked_sort3A_2026 = arith.constant dense<true> : vector<16xi1>
    %masked_sort3A_2027, %masked_sort3A_2028, %masked_sort3A_2029 = tpu.sort %select_n3A_2024, %select_n3A_2025 masked %masked_sort3A_2026 {descending = true} : (vector<16xf32>, vector<16xi32>, vector<16xi1>) -> (vector<16xi1>, vector<16xf32>, vector<16xi32>)
    %get3A_2030 = arith.constant 112 : index
    %get3A_2031 = tpu.vector_load %arg5[%get3A_2030] {strides = array<i32>} : memref<1152xf32, #tpu.memory_space<vmem>>, vector<16xf32>,
    %add3A_2032 = arith.constant 112 : i32
    %add3A_2033 = vector.broadcast %add3A_2032 : i32 to vector<16xi32>
    %add3A_2034 = arith.addi %iota3A, %add3A_2033 : vector<16xi32>
    %masked_sort3A_2035 = arith.constant dense<true> : vector<16xi1>
    %masked_sort3A_2036, %masked_sort3A_2037, %masked_sort3A_2038 = tpu.sort %get3A_2031, %add3A_2034 masked %masked_sort3A_2035 {descending = true} : (vector<16xf32>, vector<16xi32>, vector<16xi1>) -> (vector<16xi1>, vector<16xf32>, vector<16xi32>)
    %rev3A_2039 = arith.constant 15 : i32
    %rev3A_2040 = vector.broadcast %rev3A_2039 : i32 to vector<16xi32>
    %rev3A_2041 = tpu.iota {dimensions = array<i32: 0>} : vector<16xi32>
    %rev3A_2042 = arith.subi %rev3A_2040, %rev3A_2041 : vector<16xi32>
    %rev3A_2043 = tpu.dynamic_gather %masked_sort3A_2037[%rev3A_2042] in [0] : vector<16xf32>, vector<16xi32> -> vector<16xf32>
    %rev3A_2044 = arith.constant 15 : i32
    %rev3A_2045 = vector.broadcast %rev3A_2044 : i32 to vector<16xi32>
    %rev3A_2046 = tpu.iota {dimensions = array<i32: 0>} : vector<16xi32>
    %rev3A_2047 = arith.subi %rev3A_2045, %rev3A_2046 : vector<16xi32>
    %rev3A_2048 = tpu.dynamic_gather %masked_sort3A_2038[%rev3A_2047] in [0] : vector<16xi32>, vector<16xi32> -> vector<16xi32>
    %ge3A_2049 = arith.cmpf oge, %masked_sort3A_2028, %rev3A_2043 : vector<16xf32>
    %select_n3A_2050 = arith.select %ge3A_2049, %masked_sort3A_2028, %rev3A_2043 : vector<16xi1>, vector<16xf32>
    %select_n3A_2051 = arith.select %ge3A_2049, %masked_sort3A_2029, %rev3A_2048 : vector<16xi1>, vector<16xi32>
    %masked_sort3A_2052 = arith.constant dense<true> : vector<16xi1>
    %masked_sort3A_2053, %masked_sort3A_2054, %masked_sort3A_2055 = tpu.sort %select_n3A_2050, %select_n3A_2051 masked %masked_sort3A_2052 {descending = true} : (vector<16xf32>, vector<16xi32>, vector<16xi1>) -> (vector<16xi1>, vector<16xf32>, vector<16xi32>)
    %get3A_2056 = arith.constant 128 : index
    %get3A_2057 = tpu.vector_load %arg5[%get3A_2056] {strides = array<i32>} : memref<1152xf32, #tpu.memory_space<vmem>>, vector<16xf32>,
    %add3A_2058 = arith.constant 128 : i32
    %add3A_2059 = vector.broadcast %add3A_2058 : i32 to vector<16xi32>
    %add3A_2060 = arith.addi %iota3A, %add3A_2059 : vector<16xi32>
    %masked_sort3A_2061 = arith.constant dense<true> : vector<16xi1>
    %masked_sort3A_2062, %masked_sort3A_2063, %masked_sort3A_2064 = tpu.sort %get3A_2057, %add3A_2060 masked %masked_sort3A_2061 {descending = true} : (vector<16xf32>, vector<16xi32>, vector<16xi1>) -> (vector<16xi1>, vector<16xf32>, vector<16xi32>)
    %rev3A_2065 = arith.constant 15 : i32
    %rev3A_2066 = vector.broadcast %rev3A_2065 : i32 to vector<16xi32>
    %rev3A_2067 = tpu.iota {dimensions = array<i32: 0>} : vector<16xi32>
    %rev3A_2068 = arith.subi %rev3A_2066, %rev3A_2067 : vector<16xi32>
    %rev3A_2069 = tpu.dynamic_gather %masked_sort3A_2063[%rev3A_2068] in [0] : vector<16xf32>, vector<16xi32> -> vector<16xf32>
    %rev3A_2070 = arith.constant 15 : i32
    %rev3A_2071 = vector.broadcast %rev3A_2070 : i32 to vector<16xi32>
    %rev3A_2072 = tpu.iota {dimensions = array<i32: 0>} : vector<16xi32>
    %rev3A_2073 = arith.subi %rev3A_2071, %rev3A_2072 : vector<16xi32>
    %rev3A_2074 = tpu.dynamic_gather %masked_sort3A_2064[%rev3A_2073] in [0] : vector<16xi32>, vector<16xi32> -> vector<16xi32>
    %ge3A_2075 = arith.cmpf oge, %masked_sort3A_2054, %rev3A_2069 : vector<16xf32>
    %select_n3A_2076 = arith.select %ge3A_2075, %masked_sort3A_2054, %rev3A_2069 : vector<16xi1>, vector<16xf32>
    %select_n3A_2077 = arith.select %ge3A_2075, %masked_sort3A_2055, %rev3A_2074 : vector<16xi1>, vector<16xi32>
    %masked_sort3A_2078 = arith.constant dense<true> : vector<16xi1>
    %masked_sort3A_2079, %masked_sort3A_2080, %masked_sort3A_2081 = tpu.sort %select_n3A_2076, %select_n3A_2077 masked %masked_sort3A_2078 {descending = true} : (vector<16xf32>, vector<16xi32>, vector<16xi1>) -> (vector<16xi1>, vector<16xf32>, vector<16xi32>)
    %get3A_2082 = arith.constant 144 : index
    %get3A_2083 = tpu.vector_load %arg5[%get3A_2082] {strides = array<i32>} : memref<1152xf32, #tpu.memory_space<vmem>>, vector<16xf32>,
    %add3A_2084 = arith.constant 144 : i32
    %add3A_2085 = vector.broadcast %add3A_2084 : i32 to vector<16xi32>
    %add3A_2086 = arith.addi %iota3A, %add3A_2085 : vector<16xi32>
    %masked_sort3A_2087 = arith.constant dense<true> : vector<16xi1>
    %masked_sort3A_2088, %masked_sort3A_2089, %masked_sort3A_2090 = tpu.sort %get3A_2083, %add3A_2086 masked %masked_sort3A_2087 {descending = true} : (vector<16xf32>, vector<16xi32>, vector<16xi1>) -> (vector<16xi1>, vector<16xf32>, vector<16xi32>)
    %rev3A_2091 = arith.constant 15 : i32
    %rev3A_2092 = vector.broadcast %rev3A_2091 : i32 to vector<16xi32>
    %rev3A_2093 = tpu.iota {dimensions = array<i32: 0>} : vector<16xi32>
    %rev3A_2094 = arith.subi %rev3A_2092, %rev3A_2093 : vector<16xi32>
    %rev3A_2095 = tpu.dynamic_gather %masked_sort3A_2089[%rev3A_2094] in [0] : vector<16xf32>, vector<16xi32> -> vector<16xf32>
    %rev3A_2096 = arith.constant 15 : i32
    %rev3A_2097 = vector.broadcast %rev3A_2096 : i32 to vector<16xi32>
    %rev3A_2098 = tpu.iota {dimensions = array<i32: 0>} : vector<16xi32>
    %rev3A_2099 = arith.subi %rev3A_2097, %rev3A_2098 : vector<16xi32>
    %rev3A_2100 = tpu.dynamic_gather %masked_sort3A_2090[%rev3A_2099] in [0] : vector<16xi32>, vector<16xi32> -> vector<16xi32>
    %ge3A_2101 = arith.cmpf oge, %masked_sort3A_2080, %rev3A_2095 : vector<16xf32>
    %select_n3A_2102 = arith.select %ge3A_2101, %masked_sort3A_2080, %rev3A_2095 : vector<16xi1>, vector<16xf32>
    %select_n3A_2103 = arith.select %ge3A_2101, %masked_sort3A_2081, %rev3A_2100 : vector<16xi1>, vector<16xi32>
    %masked_sort3A_2104 = arith.constant dense<true> : vector<16xi1>
    %masked_sort3A_2105, %masked_sort3A_2106, %masked_sort3A_2107 = tpu.sort %select_n3A_2102, %select_n3A_2103 masked %masked_sort3A_2104 {descending = true} : (vector<16xf32>, vector<16xi32>, vector<16xi1>) -> (vector<16xi1>, vector<16xf32>, vector<16xi32>)
    %get3A_2108 = arith.constant 160 : index
    %get3A_2109 = tpu.vector_load %arg5[%get3A_2108] {strides = array<i32>} : memref<1152xf32, #tpu.memory_space<vmem>>, vector<16xf32>,
    %add3A_2110 = arith.constant 160 : i32
    %add3A_2111 = vector.broadcast %add3A_2110 : i32 to vector<16xi32>
    %add3A_2112 = arith.addi %iota3A, %add3A_2111 : vector<16xi32>
    %masked_sort3A_2113 = arith.constant dense<true> : vector<16xi1>
    %masked_sort3A_2114, %masked_sort3A_2115, %masked_sort3A_2116 = tpu.sort %get3A_2109, %add3A_2112 masked %masked_sort3A_2113 {descending = true} : (vector<16xf32>, vector<16xi32>, vector<16xi1>) -> (vector<16xi1>, vector<16xf32>, vector<16xi32>)
    %rev3A_2117 = arith.constant 15 : i32
    %rev3A_2118 = vector.broadcast %rev3A_2117 : i32 to vector<16xi32>
    %rev3A_2119 = tpu.iota {dimensions = array<i32: 0>} : vector<16xi32>
    %rev3A_2120 = arith.subi %rev3A_2118, %rev3A_2119 : vector<16xi32>
    %rev3A_2121 = tpu.dynamic_gather %masked_sort3A_2115[%rev3A_2120] in [0] : vector<16xf32>, vector<16xi32> -> vector<16xf32>
    %rev3A_2122 = arith.constant 15 : i32
    %rev3A_2123 = vector.broadcast %rev3A_2122 : i32 to vector<16xi32>
    %rev3A_2124 = tpu.iota {dimensions = array<i32: 0>} : vector<16xi32>
    %rev3A_2125 = arith.subi %rev3A_2123, %rev3A_2124 : vector<16xi32>
    %rev3A_2126 = tpu.dynamic_gather %masked_sort3A_2116[%rev3A_2125] in [0] : vector<16xi32>, vector<16xi32> -> vector<16xi32>
    %ge3A_2127 = arith.cmpf oge, %masked_sort3A_2106, %rev3A_2121 : vector<16xf32>
    %select_n3A_2128 = arith.select %ge3A_2127, %masked_sort3A_2106, %rev3A_2121 : vector<16xi1>, vector<16xf32>
    %select_n3A_2129 = arith.select %ge3A_2127, %masked_sort3A_2107, %rev3A_2126 : vector<16xi1>, vector<16xi32>
    %masked_sort3A_2130 = arith.constant dense<true> : vector<16xi1>
    %masked_sort3A_2131, %masked_sort3A_2132, %masked_sort3A_2133 = tpu.sort %select_n3A_2128, %select_n3A_2129 masked %masked_sort3A_2130 {descending = true} : (vector<16xf32>, vector<16xi32>, vector<16xi1>) -> (vector<16xi1>, vector<16xf32>, vector<16xi32>)
    %get3A_2134 = arith.constant 176 : index
    %get3A_2135 = tpu.vector_load %arg5[%get3A_2134] {strides = array<i32>} : memref<1152xf32, #tpu.memory_space<vmem>>, vector<16xf32>,
    %add3A_2136 = arith.constant 176 : i32
    %add3A_2137 = vector.broadcast %add3A_2136 : i32 to vector<16xi32>
    %add3A_2138 = arith.addi %iota3A, %add3A_2137 : vector<16xi32>
    %masked_sort3A_2139 = arith.constant dense<true> : vector<16xi1>
    %masked_sort3A_2140, %masked_sort3A_2141, %masked_sort3A_2142 = tpu.sort %get3A_2135, %add3A_2138 masked %masked_sort3A_2139 {descending = true} : (vector<16xf32>, vector<16xi32>, vector<16xi1>) -> (vector<16xi1>, vector<16xf32>, vector<16xi32>)
    %rev3A_2143 = arith.constant 15 : i32
    %rev3A_2144 = vector.broadcast %rev3A_2143 : i32 to vector<16xi32>
    %rev3A_2145 = tpu.iota {dimensions = array<i32: 0>} : vector<16xi32>
    %rev3A_2146 = arith.subi %rev3A_2144, %rev3A_2145 : vector<16xi32>
    %rev3A_2147 = tpu.dynamic_gather %masked_sort3A_2141[%rev3A_2146] in [0] : vector<16xf32>, vector<16xi32> -> vector<16xf32>
    %rev3A_2148 = arith.constant 15 : i32
    %rev3A_2149 = vector.broadcast %rev3A_2148 : i32 to vector<16xi32>
    %rev3A_2150 = tpu.iota {dimensions = array<i32: 0>} : vector<16xi32>
    %rev3A_2151 = arith.subi %rev3A_2149, %rev3A_2150 : vector<16xi32>
    %rev3A_2152 = tpu.dynamic_gather %masked_sort3A_2142[%rev3A_2151] in [0] : vector<16xi32>, vector<16xi32> -> vector<16xi32>
    %ge3A_2153 = arith.cmpf oge, %masked_sort3A_2132, %rev3A_2147 : vector<16xf32>
    %select_n3A_2154 = arith.select %ge3A_2153, %masked_sort3A_2132, %rev3A_2147 : vector<16xi1>, vector<16xf32>
    %select_n3A_2155 = arith.select %ge3A_2153, %masked_sort3A_2133, %rev3A_2152 : vector<16xi1>, vector<16xi32>
    %masked_sort3A_2156 = arith.constant dense<true> : vector<16xi1>
    %masked_sort3A_2157, %masked_sort3A_2158, %masked_sort3A_2159 = tpu.sort %select_n3A_2154, %select_n3A_2155 masked %masked_sort3A_2156 {descending = true} : (vector<16xf32>, vector<16xi32>, vector<16xi1>) -> (vector<16xi1>, vector<16xf32>, vector<16xi32>)
    %get3A_2160 = arith.constant 192 : index
    %get3A_2161 = tpu.vector_load %arg5[%get3A_2160] {strides = array<i32>} : memref<1152xf32, #tpu.memory_space<vmem>>, vector<16xf32>,
    %add3A_2162 = arith.constant 192 : i32
    %add3A_2163 = vector.broadcast %add3A_2162 : i32 to vector<16xi32>
    %add3A_2164 = arith.addi %iota3A, %add3A_2163 : vector<16xi32>
    %masked_sort3A_2165 = arith.constant dense<true> : vector<16xi1>
    %masked_sort3A_2166, %masked_sort3A_2167, %masked_sort3A_2168 = tpu.sort %get3A_2161, %add3A_2164 masked %masked_sort3A_2165 {descending = true} : (vector<16xf32>, vector<16xi32>, vector<16xi1>) -> (vector<16xi1>, vector<16xf32>, vector<16xi32>)
    %rev3A_2169 = arith.constant 15 : i32
    %rev3A_2170 = vector.broadcast %rev3A_2169 : i32 to vector<16xi32>
    %rev3A_2171 = tpu.iota {dimensions = array<i32: 0>} : vector<16xi32>
    %rev3A_2172 = arith.subi %rev3A_2170, %rev3A_2171 : vector<16xi32>
    %rev3A_2173 = tpu.dynamic_gather %masked_sort3A_2167[%rev3A_2172] in [0] : vector<16xf32>, vector<16xi32> -> vector<16xf32>
    %rev3A_2174 = arith.constant 15 : i32
    %rev3A_2175 = vector.broadcast %rev3A_2174 : i32 to vector<16xi32>
    %rev3A_2176 = tpu.iota {dimensions = array<i32: 0>} : vector<16xi32>
    %rev3A_2177 = arith.subi %rev3A_2175, %rev3A_2176 : vector<16xi32>
    %rev3A_2178 = tpu.dynamic_gather %masked_sort3A_2168[%rev3A_2177] in [0] : vector<16xi32>, vector<16xi32> -> vector<16xi32>
    %ge3A_2179 = arith.cmpf oge, %masked_sort3A_2158, %rev3A_2173 : vector<16xf32>
    %select_n3A_2180 = arith.select %ge3A_2179, %masked_sort3A_2158, %rev3A_2173 : vector<16xi1>, vector<16xf32>
    %select_n3A_2181 = arith.select %ge3A_2179, %masked_sort3A_2159, %rev3A_2178 : vector<16xi1>, vector<16xi32>
    %masked_sort3A_2182 = arith.constant dense<true> : vector<16xi1>
    %masked_sort3A_2183, %masked_sort3A_2184, %masked_sort3A_2185 = tpu.sort %select_n3A_2180, %select_n3A_2181 masked %masked_sort3A_2182 {descending = true} : (vector<16xf32>, vector<16xi32>, vector<16xi1>) -> (vector<16xi1>, vector<16xf32>, vector<16xi32>)
    %get3A_2186 = arith.constant 208 : index
    %get3A_2187 = tpu.vector_load %arg5[%get3A_2186] {strides = array<i32>} : memref<1152xf32, #tpu.memory_space<vmem>>, vector<16xf32>,
    %add3A_2188 = arith.constant 208 : i32
    %add3A_2189 = vector.broadcast %add3A_2188 : i32 to vector<16xi32>
    %add3A_2190 = arith.addi %iota3A, %add3A_2189 : vector<16xi32>
    %masked_sort3A_2191 = arith.constant dense<true> : vector<16xi1>
    %masked_sort3A_2192, %masked_sort3A_2193, %masked_sort3A_2194 = tpu.sort %get3A_2187, %add3A_2190 masked %masked_sort3A_2191 {descending = true} : (vector<16xf32>, vector<16xi32>, vector<16xi1>) -> (vector<16xi1>, vector<16xf32>, vector<16xi32>)
    %rev3A_2195 = arith.constant 15 : i32
    %rev3A_2196 = vector.broadcast %rev3A_2195 : i32 to vector<16xi32>
    %rev3A_2197 = tpu.iota {dimensions = array<i32: 0>} : vector<16xi32>
    %rev3A_2198 = arith.subi %rev3A_2196, %rev3A_2197 : vector<16xi32>
    %rev3A_2199 = tpu.dynamic_gather %masked_sort3A_2193[%rev3A_2198] in [0] : vector<16xf32>, vector<16xi32> -> vector<16xf32>
    %rev3A_2200 = arith.constant 15 : i32
    %rev3A_2201 = vector.broadcast %rev3A_2200 : i32 to vector<16xi32>
    %rev3A_2202 = tpu.iota {dimensions = array<i32: 0>} : vector<16xi32>
    %rev3A_2203 = arith.subi %rev3A_2201, %rev3A_2202 : vector<16xi32>
    %rev3A_2204 = tpu.dynamic_gather %masked_sort3A_2194[%rev3A_2203] in [0] : vector<16xi32>, vector<16xi32> -> vector<16xi32>
    %ge3A_2205 = arith.cmpf oge, %masked_sort3A_2184, %rev3A_2199 : vector<16xf32>
    %select_n3A_2206 = arith.select %ge3A_2205, %masked_sort3A_2184, %rev3A_2199 : vector<16xi1>, vector<16xf32>
    %select_n3A_2207 = arith.select %ge3A_2205, %masked_sort3A_2185, %rev3A_2204 : vector<16xi1>, vector<16xi32>
    %masked_sort3A_2208 = arith.constant dense<true> : vector<16xi1>
    %masked_sort3A_2209, %masked_sort3A_2210, %masked_sort3A_2211 = tpu.sort %select_n3A_2206, %select_n3A_2207 masked %masked_sort3A_2208 {descending = true} : (vector<16xf32>, vector<16xi32>, vector<16xi1>) -> (vector<16xi1>, vector<16xf32>, vector<16xi32>)
    %get3A_2212 = arith.constant 224 : index
    %get3A_2213 = tpu.vector_load %arg5[%get3A_2212] {strides = array<i32>} : memref<1152xf32, #tpu.memory_space<vmem>>, vector<16xf32>,
    %add3A_2214 = arith.constant 224 : i32
    %add3A_2215 = vector.broadcast %add3A_2214 : i32 to vector<16xi32>
    %add3A_2216 = arith.addi %iota3A, %add3A_2215 : vector<16xi32>
    %masked_sort3A_2217 = arith.constant dense<true> : vector<16xi1>
    %masked_sort3A_2218, %masked_sort3A_2219, %masked_sort3A_2220 = tpu.sort %get3A_2213, %add3A_2216 masked %masked_sort3A_2217 {descending = true} : (vector<16xf32>, vector<16xi32>, vector<16xi1>) -> (vector<16xi1>, vector<16xf32>, vector<16xi32>)
    %rev3A_2221 = arith.constant 15 : i32
    %rev3A_2222 = vector.broadcast %rev3A_2221 : i32 to vector<16xi32>
    %rev3A_2223 = tpu.iota {dimensions = array<i32: 0>} : vector<16xi32>
    %rev3A_2224 = arith.subi %rev3A_2222, %rev3A_2223 : vector<16xi32>
    %rev3A_2225 = tpu.dynamic_gather %masked_sort3A_2219[%rev3A_2224] in [0] : vector<16xf32>, vector<16xi32> -> vector<16xf32>
    %rev3A_2226 = arith.constant 15 : i32
    %rev3A_2227 = vector.broadcast %rev3A_2226 : i32 to vector<16xi32>
    %rev3A_2228 = tpu.iota {dimensions = array<i32: 0>} : vector<16xi32>
    %rev3A_2229 = arith.subi %rev3A_2227, %rev3A_2228 : vector<16xi32>
    %rev3A_2230 = tpu.dynamic_gather %masked_sort3A_2220[%rev3A_2229] in [0] : vector<16xi32>, vector<16xi32> -> vector<16xi32>
    %ge3A_2231 = arith.cmpf oge, %masked_sort3A_2210, %rev3A_2225 : vector<16xf32>
    %select_n3A_2232 = arith.select %ge3A_2231, %masked_sort3A_2210, %rev3A_2225 : vector<16xi1>, vector<16xf32>
    %select_n3A_2233 = arith.select %ge3A_2231, %masked_sort3A_2211, %rev3A_2230 : vector<16xi1>, vector<16xi32>
    %masked_sort3A_2234 = arith.constant dense<true> : vector<16xi1>
    %masked_sort3A_2235, %masked_sort3A_2236, %masked_sort3A_2237 = tpu.sort %select_n3A_2232, %select_n3A_2233 masked %masked_sort3A_2234 {descending = true} : (vector<16xf32>, vector<16xi32>, vector<16xi1>) -> (vector<16xi1>, vector<16xf32>, vector<16xi32>)
    %get3A_2238 = arith.constant 240 : index
    %get3A_2239 = tpu.vector_load %arg5[%get3A_2238] {strides = array<i32>} : memref<1152xf32, #tpu.memory_space<vmem>>, vector<16xf32>,
    %add3A_2240 = arith.constant 240 : i32
    %add3A_2241 = vector.broadcast %add3A_2240 : i32 to vector<16xi32>
    %add3A_2242 = arith.addi %iota3A, %add3A_2241 : vector<16xi32>
    %masked_sort3A_2243 = arith.constant dense<true> : vector<16xi1>
    %masked_sort3A_2244, %masked_sort3A_2245, %masked_sort3A_2246 = tpu.sort %get3A_2239, %add3A_2242 masked %masked_sort3A_2243 {descending = true} : (vector<16xf32>, vector<16xi32>, vector<16xi1>) -> (vector<16xi1>, vector<16xf32>, vector<16xi32>)
    %rev3A_2247 = arith.constant 15 : i32
    %rev3A_2248 = vector.broadcast %rev3A_2247 : i32 to vector<16xi32>
    %rev3A_2249 = tpu.iota {dimensions = array<i32: 0>} : vector<16xi32>
    %rev3A_2250 = arith.subi %rev3A_2248, %rev3A_2249 : vector<16xi32>
    %rev3A_2251 = tpu.dynamic_gather %masked_sort3A_2245[%rev3A_2250] in [0] : vector<16xf32>, vector<16xi32> -> vector<16xf32>
    %rev3A_2252 = arith.constant 15 : i32
    %rev3A_2253 = vector.broadcast %rev3A_2252 : i32 to vector<16xi32>
    %rev3A_2254 = tpu.iota {dimensions = array<i32: 0>} : vector<16xi32>
    %rev3A_2255 = arith.subi %rev3A_2253, %rev3A_2254 : vector<16xi32>
    %rev3A_2256 = tpu.dynamic_gather %masked_sort3A_2246[%rev3A_2255] in [0] : vector<16xi32>, vector<16xi32> -> vector<16xi32>
    %ge3A_2257 = arith.cmpf oge, %masked_sort3A_2236, %rev3A_2251 : vector<16xf32>
    %select_n3A_2258 = arith.select %ge3A_2257, %masked_sort3A_2236, %rev3A_2251 : vector<16xi1>, vector<16xf32>
    %select_n3A_2259 = arith.select %ge3A_2257, %masked_sort3A_2237, %rev3A_2256 : vector<16xi1>, vector<16xi32>
    %masked_sort3A_2260 = arith.constant dense<true> : vector<16xi1>
    %masked_sort3A_2261, %masked_sort3A_2262, %masked_sort3A_2263 = tpu.sort %select_n3A_2258, %select_n3A_2259 masked %masked_sort3A_2260 {descending = true} : (vector<16xf32>, vector<16xi32>, vector<16xi1>) -> (vector<16xi1>, vector<16xf32>, vector<16xi32>)
    %get3A_2264 = arith.constant 256 : index
    %get3A_2265 = tpu.vector_load %arg5[%get3A_2264] {strides = array<i32>} : memref<1152xf32, #tpu.memory_space<vmem>>, vector<16xf32>,
    %add3A_2266 = arith.constant 256 : i32
    %add3A_2267 = vector.broadcast %add3A_2266 : i32 to vector<16xi32>
    %add3A_2268 = arith.addi %iota3A, %add3A_2267 : vector<16xi32>
    %masked_sort3A_2269 = arith.constant dense<true> : vector<16xi1>
    %masked_sort3A_2270, %masked_sort3A_2271, %masked_sort3A_2272 = tpu.sort %get3A_2265, %add3A_2268 masked %masked_sort3A_2269 {descending = true} : (vector<16xf32>, vector<16xi32>, vector<16xi1>) -> (vector<16xi1>, vector<16xf32>, vector<16xi32>)
    %rev3A_2273 = arith.constant 15 : i32
    %rev3A_2274 = vector.broadcast %rev3A_2273 : i32 to vector<16xi32>
    %rev3A_2275 = tpu.iota {dimensions = array<i32: 0>} : vector<16xi32>
    %rev3A_2276 = arith.subi %rev3A_2274, %rev3A_2275 : vector<16xi32>
    %rev3A_2277 = tpu.dynamic_gather %masked_sort3A_2271[%rev3A_2276] in [0] : vector<16xf32>, vector<16xi32> -> vector<16xf32>
    %rev3A_2278 = arith.constant 15 : i32
    %rev3A_2279 = vector.broadcast %rev3A_2278 : i32 to vector<16xi32>
    %rev3A_2280 = tpu.iota {dimensions = array<i32: 0>} : vector<16xi32>
    %rev3A_2281 = arith.subi %rev3A_2279, %rev3A_2280 : vector<16xi32>
    %rev3A_2282 = tpu.dynamic_gather %masked_sort3A_2272[%rev3A_2281] in [0] : vector<16xi32>, vector<16xi32> -> vector<16xi32>
    %ge3A_2283 = arith.cmpf oge, %masked_sort3A_2262, %rev3A_2277 : vector<16xf32>
    %select_n3A_2284 = arith.select %ge3A_2283, %masked_sort3A_2262, %rev3A_2277 : vector<16xi1>, vector<16xf32>
    %select_n3A_2285 = arith.select %ge3A_2283, %masked_sort3A_2263, %rev3A_2282 : vector<16xi1>, vector<16xi32>
    %masked_sort3A_2286 = arith.constant dense<true> : vector<16xi1>
    %masked_sort3A_2287, %masked_sort3A_2288, %masked_sort3A_2289 = tpu.sort %select_n3A_2284, %select_n3A_2285 masked %masked_sort3A_2286 {descending = true} : (vector<16xf32>, vector<16xi32>, vector<16xi1>) -> (vector<16xi1>, vector<16xf32>, vector<16xi32>)
    %get3A_2290 = arith.constant 272 : index
    %get3A_2291 = tpu.vector_load %arg5[%get3A_2290] {strides = array<i32>} : memref<1152xf32, #tpu.memory_space<vmem>>, vector<16xf32>,
    %add3A_2292 = arith.constant 272 : i32
    %add3A_2293 = vector.broadcast %add3A_2292 : i32 to vector<16xi32>
    %add3A_2294 = arith.addi %iota3A, %add3A_2293 : vector<16xi32>
    %masked_sort3A_2295 = arith.constant dense<true> : vector<16xi1>
    %masked_sort3A_2296, %masked_sort3A_2297, %masked_sort3A_2298 = tpu.sort %get3A_2291, %add3A_2294 masked %masked_sort3A_2295 {descending = true} : (vector<16xf32>, vector<16xi32>, vector<16xi1>) -> (vector<16xi1>, vector<16xf32>, vector<16xi32>)
    %rev3A_2299 = arith.constant 15 : i32
    %rev3A_2300 = vector.broadcast %rev3A_2299 : i32 to vector<16xi32>
    %rev3A_2301 = tpu.iota {dimensions = array<i32: 0>} : vector<16xi32>
    %rev3A_2302 = arith.subi %rev3A_2300, %rev3A_2301 : vector<16xi32>
    %rev3A_2303 = tpu.dynamic_gather %masked_sort3A_2297[%rev3A_2302] in [0] : vector<16xf32>, vector<16xi32> -> vector<16xf32>
    %rev3A_2304 = arith.constant 15 : i32
    %rev3A_2305 = vector.broadcast %rev3A_2304 : i32 to vector<16xi32>
    %rev3A_2306 = tpu.iota {dimensions = array<i32: 0>} : vector<16xi32>
    %rev3A_2307 = arith.subi %rev3A_2305, %rev3A_2306 : vector<16xi32>
    %rev3A_2308 = tpu.dynamic_gather %masked_sort3A_2298[%rev3A_2307] in [0] : vector<16xi32>, vector<16xi32> -> vector<16xi32>
    %ge3A_2309 = arith.cmpf oge, %masked_sort3A_2288, %rev3A_2303 : vector<16xf32>
    %select_n3A_2310 = arith.select %ge3A_2309, %masked_sort3A_2288, %rev3A_2303 : vector<16xi1>, vector<16xf32>
    %select_n3A_2311 = arith.select %ge3A_2309, %masked_sort3A_2289, %rev3A_2308 : vector<16xi1>, vector<16xi32>
    %masked_sort3A_2312 = arith.constant dense<true> : vector<16xi1>
    %masked_sort3A_2313, %masked_sort3A_2314, %masked_sort3A_2315 = tpu.sort %select_n3A_2310, %select_n3A_2311 masked %masked_sort3A_2312 {descending = true} : (vector<16xf32>, vector<16xi32>, vector<16xi1>) -> (vector<16xi1>, vector<16xf32>, vector<16xi32>)
    %get3A_2316 = arith.constant 288 : index
    %get3A_2317 = tpu.vector_load %arg5[%get3A_2316] {strides = array<i32>} : memref<1152xf32, #tpu.memory_space<vmem>>, vector<16xf32>,
    %add3A_2318 = arith.constant 288 : i32
    %add3A_2319 = vector.broadcast %add3A_2318 : i32 to vector<16xi32>
    %add3A_2320 = arith.addi %iota3A, %add3A_2319 : vector<16xi32>
    %masked_sort3A_2321 = arith.constant dense<true> : vector<16xi1>
    %masked_sort3A_2322, %masked_sort3A_2323, %masked_sort3A_2324 = tpu.sort %get3A_2317, %add3A_2320 masked %masked_sort3A_2321 {descending = true} : (vector<16xf32>, vector<16xi32>, vector<16xi1>) -> (vector<16xi1>, vector<16xf32>, vector<16xi32>)
    %rev3A_2325 = arith.constant 15 : i32
    %rev3A_2326 = vector.broadcast %rev3A_2325 : i32 to vector<16xi32>
    %rev3A_2327 = tpu.iota {dimensions = array<i32: 0>} : vector<16xi32>
    %rev3A_2328 = arith.subi %rev3A_2326, %rev3A_2327 : vector<16xi32>
    %rev3A_2329 = tpu.dynamic_gather %masked_sort3A_2323[%rev3A_2328] in [0] : vector<16xf32>, vector<16xi32> -> vector<16xf32>
    %rev3A_2330 = arith.constant 15 : i32
    %rev3A_2331 = vector.broadcast %rev3A_2330 : i32 to vector<16xi32>
    %rev3A_2332 = tpu.iota {dimensions = array<i32: 0>} : vector<16xi32>
    %rev3A_2333 = arith.subi %rev3A_2331, %rev3A_2332 : vector<16xi32>
    %rev3A_2334 = tpu.dynamic_gather %masked_sort3A_2324[%rev3A_2333] in [0] : vector<16xi32>, vector<16xi32> -> vector<16xi32>
    %ge3A_2335 = arith.cmpf oge, %masked_sort3A_2314, %rev3A_2329 : vector<16xf32>
    %select_n3A_2336 = arith.select %ge3A_2335, %masked_sort3A_2314, %rev3A_2329 : vector<16xi1>, vector<16xf32>
    %select_n3A_2337 = arith.select %ge3A_2335, %masked_sort3A_2315, %rev3A_2334 : vector<16xi1>, vector<16xi32>
    %masked_sort3A_2338 = arith.constant dense<true> : vector<16xi1>
    %masked_sort3A_2339, %masked_sort3A_2340, %masked_sort3A_2341 = tpu.sort %select_n3A_2336, %select_n3A_2337 masked %masked_sort3A_2338 {descending = true} : (vector<16xf32>, vector<16xi32>, vector<16xi1>) -> (vector<16xi1>, vector<16xf32>, vector<16xi32>)
    %get3A_2342 = arith.constant 304 : index
    %get3A_2343 = tpu.vector_load %arg5[%get3A_2342] {strides = array<i32>} : memref<1152xf32, #tpu.memory_space<vmem>>, vector<16xf32>,
    %add3A_2344 = arith.constant 304 : i32
    %add3A_2345 = vector.broadcast %add3A_2344 : i32 to vector<16xi32>
    %add3A_2346 = arith.addi %iota3A, %add3A_2345 : vector<16xi32>
    %masked_sort3A_2347 = arith.constant dense<true> : vector<16xi1>
    %masked_sort3A_2348, %masked_sort3A_2349, %masked_sort3A_2350 = tpu.sort %get3A_2343, %add3A_2346 masked %masked_sort3A_2347 {descending = true} : (vector<16xf32>, vector<16xi32>, vector<16xi1>) -> (vector<16xi1>, vector<16xf32>, vector<16xi32>)
    %rev3A_2351 = arith.constant 15 : i32
    %rev3A_2352 = vector.broadcast %rev3A_2351 : i32 to vector<16xi32>
    %rev3A_2353 = tpu.iota {dimensions = array<i32: 0>} : vector<16xi32>
    %rev3A_2354 = arith.subi %rev3A_2352, %rev3A_2353 : vector<16xi32>
    %rev3A_2355 = tpu.dynamic_gather %masked_sort3A_2349[%rev3A_2354] in [0] : vector<16xf32>, vector<16xi32> -> vector<16xf32>
    %rev3A_2356 = arith.constant 15 : i32
    %rev3A_2357 = vector.broadcast %rev3A_2356 : i32 to vector<16xi32>
    %rev3A_2358 = tpu.iota {dimensions = array<i32: 0>} : vector<16xi32>
    %rev3A_2359 = arith.subi %rev3A_2357, %rev3A_2358 : vector<16xi32>
    %rev3A_2360 = tpu.dynamic_gather %masked_sort3A_2350[%rev3A_2359] in [0] : vector<16xi32>, vector<16xi32> -> vector<16xi32>
    %ge3A_2361 = arith.cmpf oge, %masked_sort3A_2340, %rev3A_2355 : vector<16xf32>
    %select_n3A_2362 = arith.select %ge3A_2361, %masked_sort3A_2340, %rev3A_2355 : vector<16xi1>, vector<16xf32>
    %select_n3A_2363 = arith.select %ge3A_2361, %masked_sort3A_2341, %rev3A_2360 : vector<16xi1>, vector<16xi32>
    %masked_sort3A_2364 = arith.constant dense<true> : vector<16xi1>
    %masked_sort3A_2365, %masked_sort3A_2366, %masked_sort3A_2367 = tpu.sort %select_n3A_2362, %select_n3A_2363 masked %masked_sort3A_2364 {descending = true} : (vector<16xf32>, vector<16xi32>, vector<16xi1>) -> (vector<16xi1>, vector<16xf32>, vector<16xi32>)
    %get3A_2368 = arith.constant 320 : index
    %get3A_2369 = tpu.vector_load %arg5[%get3A_2368] {strides = array<i32>} : memref<1152xf32, #tpu.memory_space<vmem>>, vector<16xf32>,
    %add3A_2370 = arith.constant 320 : i32
    %add3A_2371 = vector.broadcast %add3A_2370 : i32 to vector<16xi32>
    %add3A_2372 = arith.addi %iota3A, %add3A_2371 : vector<16xi32>
    %masked_sort3A_2373 = arith.constant dense<true> : vector<16xi1>
    %masked_sort3A_2374, %masked_sort3A_2375, %masked_sort3A_2376 = tpu.sort %get3A_2369, %add3A_2372 masked %masked_sort3A_2373 {descending = true} : (vector<16xf32>, vector<16xi32>, vector<16xi1>) -> (vector<16xi1>, vector<16xf32>, vector<16xi32>)
    %rev3A_2377 = arith.constant 15 : i32
    %rev3A_2378 = vector.broadcast %rev3A_2377 : i32 to vector<16xi32>
    %rev3A_2379 = tpu.iota {dimensions = array<i32: 0>} : vector<16xi32>
    %rev3A_2380 = arith.subi %rev3A_2378, %rev3A_2379 : vector<16xi32>
    %rev3A_2381 = tpu.dynamic_gather %masked_sort3A_2375[%rev3A_2380] in [0] : vector<16xf32>, vector<16xi32> -> vector<16xf32>
    %rev3A_2382 = arith.constant 15 : i32
    %rev3A_2383 = vector.broadcast %rev3A_2382 : i32 to vector<16xi32>
    %rev3A_2384 = tpu.iota {dimensions = array<i32: 0>} : vector<16xi32>
    %rev3A_2385 = arith.subi %rev3A_2383, %rev3A_2384 : vector<16xi32>
    %rev3A_2386 = tpu.dynamic_gather %masked_sort3A_2376[%rev3A_2385] in [0] : vector<16xi32>, vector<16xi32> -> vector<16xi32>
    %ge3A_2387 = arith.cmpf oge, %masked_sort3A_2366, %rev3A_2381 : vector<16xf32>
    %select_n3A_2388 = arith.select %ge3A_2387, %masked_sort3A_2366, %rev3A_2381 : vector<16xi1>, vector<16xf32>
    %select_n3A_2389 = arith.select %ge3A_2387, %masked_sort3A_2367, %rev3A_2386 : vector<16xi1>, vector<16xi32>
    %masked_sort3A_2390 = arith.constant dense<true> : vector<16xi1>
    %masked_sort3A_2391, %masked_sort3A_2392, %masked_sort3A_2393 = tpu.sort %select_n3A_2388, %select_n3A_2389 masked %masked_sort3A_2390 {descending = true} : (vector<16xf32>, vector<16xi32>, vector<16xi1>) -> (vector<16xi1>, vector<16xf32>, vector<16xi32>)
    %get3A_2394 = arith.constant 336 : index
    %get3A_2395 = tpu.vector_load %arg5[%get3A_2394] {strides = array<i32>} : memref<1152xf32, #tpu.memory_space<vmem>>, vector<16xf32>,
    %add3A_2396 = arith.constant 336 : i32
    %add3A_2397 = vector.broadcast %add3A_2396 : i32 to vector<16xi32>
    %add3A_2398 = arith.addi %iota3A, %add3A_2397 : vector<16xi32>
    %masked_sort3A_2399 = arith.constant dense<true> : vector<16xi1>
    %masked_sort3A_2400, %masked_sort3A_2401, %masked_sort3A_2402 = tpu.sort %get3A_2395, %add3A_2398 masked %masked_sort3A_2399 {descending = true} : (vector<16xf32>, vector<16xi32>, vector<16xi1>) -> (vector<16xi1>, vector<16xf32>, vector<16xi32>)
    %rev3A_2403 = arith.constant 15 : i32
    %rev3A_2404 = vector.broadcast %rev3A_2403 : i32 to vector<16xi32>
    %rev3A_2405 = tpu.iota {dimensions = array<i32: 0>} : vector<16xi32>
    %rev3A_2406 = arith.subi %rev3A_2404, %rev3A_2405 : vector<16xi32>
    %rev3A_2407 = tpu.dynamic_gather %masked_sort3A_2401[%rev3A_2406] in [0] : vector<16xf32>, vector<16xi32> -> vector<16xf32>
    %rev3A_2408 = arith.constant 15 : i32
    %rev3A_2409 = vector.broadcast %rev3A_2408 : i32 to vector<16xi32>
    %rev3A_2410 = tpu.iota {dimensions = array<i32: 0>} : vector<16xi32>
    %rev3A_2411 = arith.subi %rev3A_2409, %rev3A_2410 : vector<16xi32>
    %rev3A_2412 = tpu.dynamic_gather %masked_sort3A_2402[%rev3A_2411] in [0] : vector<16xi32>, vector<16xi32> -> vector<16xi32>
    %ge3A_2413 = arith.cmpf oge, %masked_sort3A_2392, %rev3A_2407 : vector<16xf32>
    %select_n3A_2414 = arith.select %ge3A_2413, %masked_sort3A_2392, %rev3A_2407 : vector<16xi1>, vector<16xf32>
    %select_n3A_2415 = arith.select %ge3A_2413, %masked_sort3A_2393, %rev3A_2412 : vector<16xi1>, vector<16xi32>
    %masked_sort3A_2416 = arith.constant dense<true> : vector<16xi1>
    %masked_sort3A_2417, %masked_sort3A_2418, %masked_sort3A_2419 = tpu.sort %select_n3A_2414, %select_n3A_2415 masked %masked_sort3A_2416 {descending = true} : (vector<16xf32>, vector<16xi32>, vector<16xi1>) -> (vector<16xi1>, vector<16xf32>, vector<16xi32>)
    %get3A_2420 = arith.constant 352 : index
    %get3A_2421 = tpu.vector_load %arg5[%get3A_2420] {strides = array<i32>} : memref<1152xf32, #tpu.memory_space<vmem>>, vector<16xf32>,
    %add3A_2422 = arith.constant 352 : i32
    %add3A_2423 = vector.broadcast %add3A_2422 : i32 to vector<16xi32>
    %add3A_2424 = arith.addi %iota3A, %add3A_2423 : vector<16xi32>
    %masked_sort3A_2425 = arith.constant dense<true> : vector<16xi1>
    %masked_sort3A_2426, %masked_sort3A_2427, %masked_sort3A_2428 = tpu.sort %get3A_2421, %add3A_2424 masked %masked_sort3A_2425 {descending = true} : (vector<16xf32>, vector<16xi32>, vector<16xi1>) -> (vector<16xi1>, vector<16xf32>, vector<16xi32>)
    %rev3A_2429 = arith.constant 15 : i32
    %rev3A_2430 = vector.broadcast %rev3A_2429 : i32 to vector<16xi32>
    %rev3A_2431 = tpu.iota {dimensions = array<i32: 0>} : vector<16xi32>
    %rev3A_2432 = arith.subi %rev3A_2430, %rev3A_2431 : vector<16xi32>
    %rev3A_2433 = tpu.dynamic_gather %masked_sort3A_2427[%rev3A_2432] in [0] : vector<16xf32>, vector<16xi32> -> vector<16xf32>
    %rev3A_2434 = arith.constant 15 : i32
    %rev3A_2435 = vector.broadcast %rev3A_2434 : i32 to vector<16xi32>
    %rev3A_2436 = tpu.iota {dimensions = array<i32: 0>} : vector<16xi32>
    %rev3A_2437 = arith.subi %rev3A_2435, %rev3A_2436 : vector<16xi32>
    %rev3A_2438 = tpu.dynamic_gather %masked_sort3A_2428[%rev3A_2437] in [0] : vector<16xi32>, vector<16xi32> -> vector<16xi32>
    %ge3A_2439 = arith.cmpf oge, %masked_sort3A_2418, %rev3A_2433 : vector<16xf32>
    %select_n3A_2440 = arith.select %ge3A_2439, %masked_sort3A_2418, %rev3A_2433 : vector<16xi1>, vector<16xf32>
    %select_n3A_2441 = arith.select %ge3A_2439, %masked_sort3A_2419, %rev3A_2438 : vector<16xi1>, vector<16xi32>
    %masked_sort3A_2442 = arith.constant dense<true> : vector<16xi1>
    %masked_sort3A_2443, %masked_sort3A_2444, %masked_sort3A_2445 = tpu.sort %select_n3A_2440, %select_n3A_2441 masked %masked_sort3A_2442 {descending = true} : (vector<16xf32>, vector<16xi32>, vector<16xi1>) -> (vector<16xi1>, vector<16xf32>, vector<16xi32>)
    %get3A_2446 = arith.constant 368 : index
    %get3A_2447 = tpu.vector_load %arg5[%get3A_2446] {strides = array<i32>} : memref<1152xf32, #tpu.memory_space<vmem>>, vector<16xf32>,
    %add3A_2448 = arith.constant 368 : i32
    %add3A_2449 = vector.broadcast %add3A_2448 : i32 to vector<16xi32>
    %add3A_2450 = arith.addi %iota3A, %add3A_2449 : vector<16xi32>
    %masked_sort3A_2451 = arith.constant dense<true> : vector<16xi1>
    %masked_sort3A_2452, %masked_sort3A_2453, %masked_sort3A_2454 = tpu.sort %get3A_2447, %add3A_2450 masked %masked_sort3A_2451 {descending = true} : (vector<16xf32>, vector<16xi32>, vector<16xi1>) -> (vector<16xi1>, vector<16xf32>, vector<16xi32>)
    %rev3A_2455 = arith.constant 15 : i32
    %rev3A_2456 = vector.broadcast %rev3A_2455 : i32 to vector<16xi32>
    %rev3A_2457 = tpu.iota {dimensions = array<i32: 0>} : vector<16xi32>
    %rev3A_2458 = arith.subi %rev3A_2456, %rev3A_2457 : vector<16xi32>
    %rev3A_2459 = tpu.dynamic_gather %masked_sort3A_2453[%rev3A_2458] in [0] : vector<16xf32>, vector<16xi32> -> vector<16xf32>
    %rev3A_2460 = arith.constant 15 : i32
    %rev3A_2461 = vector.broadcast %rev3A_2460 : i32 to vector<16xi32>
    %rev3A_2462 = tpu.iota {dimensions = array<i32: 0>} : vector<16xi32>
    %rev3A_2463 = arith.subi %rev3A_2461, %rev3A_2462 : vector<16xi32>
    %rev3A_2464 = tpu.dynamic_gather %masked_sort3A_2454[%rev3A_2463] in [0] : vector<16xi32>, vector<16xi32> -> vector<16xi32>
    %ge3A_2465 = arith.cmpf oge, %masked_sort3A_2444, %rev3A_2459 : vector<16xf32>
    %select_n3A_2466 = arith.select %ge3A_2465, %masked_sort3A_2444, %rev3A_2459 : vector<16xi1>, vector<16xf32>
    %select_n3A_2467 = arith.select %ge3A_2465, %masked_sort3A_2445, %rev3A_2464 : vector<16xi1>, vector<16xi32>
    %masked_sort3A_2468 = arith.constant dense<true> : vector<16xi1>
    %masked_sort3A_2469, %masked_sort3A_2470, %masked_sort3A_2471 = tpu.sort %select_n3A_2466, %select_n3A_2467 masked %masked_sort3A_2468 {descending = true} : (vector<16xf32>, vector<16xi32>, vector<16xi1>) -> (vector<16xi1>, vector<16xf32>, vector<16xi32>)
    %get3A_2472 = arith.constant 384 : index
    %get3A_2473 = tpu.vector_load %arg5[%get3A_2472] {strides = array<i32>} : memref<1152xf32, #tpu.memory_space<vmem>>, vector<16xf32>,
    %add3A_2474 = arith.constant 384 : i32
    %add3A_2475 = vector.broadcast %add3A_2474 : i32 to vector<16xi32>
    %add3A_2476 = arith.addi %iota3A, %add3A_2475 : vector<16xi32>
    %masked_sort3A_2477 = arith.constant dense<true> : vector<16xi1>
    %masked_sort3A_2478, %masked_sort3A_2479, %masked_sort3A_2480 = tpu.sort %get3A_2473, %add3A_2476 masked %masked_sort3A_2477 {descending = true} : (vector<16xf32>, vector<16xi32>, vector<16xi1>) -> (vector<16xi1>, vector<16xf32>, vector<16xi32>)
    %rev3A_2481 = arith.constant 15 : i32
    %rev3A_2482 = vector.broadcast %rev3A_2481 : i32 to vector<16xi32>
    %rev3A_2483 = tpu.iota {dimensions = array<i32: 0>} : vector<16xi32>
    %rev3A_2484 = arith.subi %rev3A_2482, %rev3A_2483 : vector<16xi32>
    %rev3A_2485 = tpu.dynamic_gather %masked_sort3A_2479[%rev3A_2484] in [0] : vector<16xf32>, vector<16xi32> -> vector<16xf32>
    %rev3A_2486 = arith.constant 15 : i32
    %rev3A_2487 = vector.broadcast %rev3A_2486 : i32 to vector<16xi32>
    %rev3A_2488 = tpu.iota {dimensions = array<i32: 0>} : vector<16xi32>
    %rev3A_2489 = arith.subi %rev3A_2487, %rev3A_2488 : vector<16xi32>
    %rev3A_2490 = tpu.dynamic_gather %masked_sort3A_2480[%rev3A_2489] in [0] : vector<16xi32>, vector<16xi32> -> vector<16xi32>
    %ge3A_2491 = arith.cmpf oge, %masked_sort3A_2470, %rev3A_2485 : vector<16xf32>
    %select_n3A_2492 = arith.select %ge3A_2491, %masked_sort3A_2470, %rev3A_2485 : vector<16xi1>, vector<16xf32>
    %select_n3A_2493 = arith.select %ge3A_2491, %masked_sort3A_2471, %rev3A_2490 : vector<16xi1>, vector<16xi32>
    %masked_sort3A_2494 = arith.constant dense<true> : vector<16xi1>
    %masked_sort3A_2495, %masked_sort3A_2496, %masked_sort3A_2497 = tpu.sort %select_n3A_2492, %select_n3A_2493 masked %masked_sort3A_2494 {descending = true} : (vector<16xf32>, vector<16xi32>, vector<16xi1>) -> (vector<16xi1>, vector<16xf32>, vector<16xi32>)
    %get3A_2498 = arith.constant 400 : index
    %get3A_2499 = tpu.vector_load %arg5[%get3A_2498] {strides = array<i32>} : memref<1152xf32, #tpu.memory_space<vmem>>, vector<16xf32>,
    %add3A_2500 = arith.constant 400 : i32
    %add3A_2501 = vector.broadcast %add3A_2500 : i32 to vector<16xi32>
    %add3A_2502 = arith.addi %iota3A, %add3A_2501 : vector<16xi32>
    %masked_sort3A_2503 = arith.constant dense<true> : vector<16xi1>
    %masked_sort3A_2504, %masked_sort3A_2505, %masked_sort3A_2506 = tpu.sort %get3A_2499, %add3A_2502 masked %masked_sort3A_2503 {descending = true} : (vector<16xf32>, vector<16xi32>, vector<16xi1>) -> (vector<16xi1>, vector<16xf32>, vector<16xi32>)
    %rev3A_2507 = arith.constant 15 : i32
    %rev3A_2508 = vector.broadcast %rev3A_2507 : i32 to vector<16xi32>
    %rev3A_2509 = tpu.iota {dimensions = array<i32: 0>} : vector<16xi32>
    %rev3A_2510 = arith.subi %rev3A_2508, %rev3A_2509 : vector<16xi32>
    %rev3A_2511 = tpu.dynamic_gather %masked_sort3A_2505[%rev3A_2510] in [0] : vector<16xf32>, vector<16xi32> -> vector<16xf32>
    %rev3A_2512 = arith.constant 15 : i32
    %rev3A_2513 = vector.broadcast %rev3A_2512 : i32 to vector<16xi32>
    %rev3A_2514 = tpu.iota {dimensions = array<i32: 0>} : vector<16xi32>
    %rev3A_2515 = arith.subi %rev3A_2513, %rev3A_2514 : vector<16xi32>
    %rev3A_2516 = tpu.dynamic_gather %masked_sort3A_2506[%rev3A_2515] in [0] : vector<16xi32>, vector<16xi32> -> vector<16xi32>
    %ge3A_2517 = arith.cmpf oge, %masked_sort3A_2496, %rev3A_2511 : vector<16xf32>
    %select_n3A_2518 = arith.select %ge3A_2517, %masked_sort3A_2496, %rev3A_2511 : vector<16xi1>, vector<16xf32>
    %select_n3A_2519 = arith.select %ge3A_2517, %masked_sort3A_2497, %rev3A_2516 : vector<16xi1>, vector<16xi32>
    %masked_sort3A_2520 = arith.constant dense<true> : vector<16xi1>
    %masked_sort3A_2521, %masked_sort3A_2522, %masked_sort3A_2523 = tpu.sort %select_n3A_2518, %select_n3A_2519 masked %masked_sort3A_2520 {descending = true} : (vector<16xf32>, vector<16xi32>, vector<16xi1>) -> (vector<16xi1>, vector<16xf32>, vector<16xi32>)
    %get3A_2524 = arith.constant 416 : index
    %get3A_2525 = tpu.vector_load %arg5[%get3A_2524] {strides = array<i32>} : memref<1152xf32, #tpu.memory_space<vmem>>, vector<16xf32>,
    %add3A_2526 = arith.constant 416 : i32
    %add3A_2527 = vector.broadcast %add3A_2526 : i32 to vector<16xi32>
    %add3A_2528 = arith.addi %iota3A, %add3A_2527 : vector<16xi32>
    %masked_sort3A_2529 = arith.constant dense<true> : vector<16xi1>
    %masked_sort3A_2530, %masked_sort3A_2531, %masked_sort3A_2532 = tpu.sort %get3A_2525, %add3A_2528 masked %masked_sort3A_2529 {descending = true} : (vector<16xf32>, vector<16xi32>, vector<16xi1>) -> (vector<16xi1>, vector<16xf32>, vector<16xi32>)
    %rev3A_2533 = arith.constant 15 : i32
    %rev3A_2534 = vector.broadcast %rev3A_2533 : i32 to vector<16xi32>
    %rev3A_2535 = tpu.iota {dimensions = array<i32: 0>} : vector<16xi32>
    %rev3A_2536 = arith.subi %rev3A_2534, %rev3A_2535 : vector<16xi32>
    %rev3A_2537 = tpu.dynamic_gather %masked_sort3A_2531[%rev3A_2536] in [0] : vector<16xf32>, vector<16xi32> -> vector<16xf32>
    %rev3A_2538 = arith.constant 15 : i32
    %rev3A_2539 = vector.broadcast %rev3A_2538 : i32 to vector<16xi32>
    %rev3A_2540 = tpu.iota {dimensions = array<i32: 0>} : vector<16xi32>
    %rev3A_2541 = arith.subi %rev3A_2539, %rev3A_2540 : vector<16xi32>
    %rev3A_2542 = tpu.dynamic_gather %masked_sort3A_2532[%rev3A_2541] in [0] : vector<16xi32>, vector<16xi32> -> vector<16xi32>
    %ge3A_2543 = arith.cmpf oge, %masked_sort3A_2522, %rev3A_2537 : vector<16xf32>
    %select_n3A_2544 = arith.select %ge3A_2543, %masked_sort3A_2522, %rev3A_2537 : vector<16xi1>, vector<16xf32>
    %select_n3A_2545 = arith.select %ge3A_2543, %masked_sort3A_2523, %rev3A_2542 : vector<16xi1>, vector<16xi32>
    %masked_sort3A_2546 = arith.constant dense<true> : vector<16xi1>
    %masked_sort3A_2547, %masked_sort3A_2548, %masked_sort3A_2549 = tpu.sort %select_n3A_2544, %select_n3A_2545 masked %masked_sort3A_2546 {descending = true} : (vector<16xf32>, vector<16xi32>, vector<16xi1>) -> (vector<16xi1>, vector<16xf32>, vector<16xi32>)
    %get3A_2550 = arith.constant 432 : index
    %get3A_2551 = tpu.vector_load %arg5[%get3A_2550] {strides = array<i32>} : memref<1152xf32, #tpu.memory_space<vmem>>, vector<16xf32>,
    %add3A_2552 = arith.constant 432 : i32
    %add3A_2553 = vector.broadcast %add3A_2552 : i32 to vector<16xi32>
    %add3A_2554 = arith.addi %iota3A, %add3A_2553 : vector<16xi32>
    %masked_sort3A_2555 = arith.constant dense<true> : vector<16xi1>
    %masked_sort3A_2556, %masked_sort3A_2557, %masked_sort3A_2558 = tpu.sort %get3A_2551, %add3A_2554 masked %masked_sort3A_2555 {descending = true} : (vector<16xf32>, vector<16xi32>, vector<16xi1>) -> (vector<16xi1>, vector<16xf32>, vector<16xi32>)
    %rev3A_2559 = arith.constant 15 : i32
    %rev3A_2560 = vector.broadcast %rev3A_2559 : i32 to vector<16xi32>
    %rev3A_2561 = tpu.iota {dimensions = array<i32: 0>} : vector<16xi32>
    %rev3A_2562 = arith.subi %rev3A_2560, %rev3A_2561 : vector<16xi32>
    %rev3A_2563 = tpu.dynamic_gather %masked_sort3A_2557[%rev3A_2562] in [0] : vector<16xf32>, vector<16xi32> -> vector<16xf32>
    %rev3A_2564 = arith.constant 15 : i32
    %rev3A_2565 = vector.broadcast %rev3A_2564 : i32 to vector<16xi32>
    %rev3A_2566 = tpu.iota {dimensions = array<i32: 0>} : vector<16xi32>
    %rev3A_2567 = arith.subi %rev3A_2565, %rev3A_2566 : vector<16xi32>
    %rev3A_2568 = tpu.dynamic_gather %masked_sort3A_2558[%rev3A_2567] in [0] : vector<16xi32>, vector<16xi32> -> vector<16xi32>
    %ge3A_2569 = arith.cmpf oge, %masked_sort3A_2548, %rev3A_2563 : vector<16xf32>
    %select_n3A_2570 = arith.select %ge3A_2569, %masked_sort3A_2548, %rev3A_2563 : vector<16xi1>, vector<16xf32>
    %select_n3A_2571 = arith.select %ge3A_2569, %masked_sort3A_2549, %rev3A_2568 : vector<16xi1>, vector<16xi32>
    %masked_sort3A_2572 = arith.constant dense<true> : vector<16xi1>
    %masked_sort3A_2573, %masked_sort3A_2574, %masked_sort3A_2575 = tpu.sort %select_n3A_2570, %select_n3A_2571 masked %masked_sort3A_2572 {descending = true} : (vector<16xf32>, vector<16xi32>, vector<16xi1>) -> (vector<16xi1>, vector<16xf32>, vector<16xi32>)
    %get3A_2576 = arith.constant 448 : index
    %get3A_2577 = tpu.vector_load %arg5[%get3A_2576] {strides = array<i32>} : memref<1152xf32, #tpu.memory_space<vmem>>, vector<16xf32>,
    %add3A_2578 = arith.constant 448 : i32
    %add3A_2579 = vector.broadcast %add3A_2578 : i32 to vector<16xi32>
    %add3A_2580 = arith.addi %iota3A, %add3A_2579 : vector<16xi32>
    %masked_sort3A_2581 = arith.constant dense<true> : vector<16xi1>
    %masked_sort3A_2582, %masked_sort3A_2583, %masked_sort3A_2584 = tpu.sort %get3A_2577, %add3A_2580 masked %masked_sort3A_2581 {descending = true} : (vector<16xf32>, vector<16xi32>, vector<16xi1>) -> (vector<16xi1>, vector<16xf32>, vector<16xi32>)
    %rev3A_2585 = arith.constant 15 : i32
    %rev3A_2586 = vector.broadcast %rev3A_2585 : i32 to vector<16xi32>
    %rev3A_2587 = tpu.iota {dimensions = array<i32: 0>} : vector<16xi32>
    %rev3A_2588 = arith.subi %rev3A_2586, %rev3A_2587 : vector<16xi32>
    %rev3A_2589 = tpu.dynamic_gather %masked_sort3A_2583[%rev3A_2588] in [0] : vector<16xf32>, vector<16xi32> -> vector<16xf32>
    %rev3A_2590 = arith.constant 15 : i32
    %rev3A_2591 = vector.broadcast %rev3A_2590 : i32 to vector<16xi32>
    %rev3A_2592 = tpu.iota {dimensions = array<i32: 0>} : vector<16xi32>
    %rev3A_2593 = arith.subi %rev3A_2591, %rev3A_2592 : vector<16xi32>
    %rev3A_2594 = tpu.dynamic_gather %masked_sort3A_2584[%rev3A_2593] in [0] : vector<16xi32>, vector<16xi32> -> vector<16xi32>
    %ge3A_2595 = arith.cmpf oge, %masked_sort3A_2574, %rev3A_2589 : vector<16xf32>
    %select_n3A_2596 = arith.select %ge3A_2595, %masked_sort3A_2574, %rev3A_2589 : vector<16xi1>, vector<16xf32>
    %select_n3A_2597 = arith.select %ge3A_2595, %masked_sort3A_2575, %rev3A_2594 : vector<16xi1>, vector<16xi32>
    %masked_sort3A_2598 = arith.constant dense<true> : vector<16xi1>
    %masked_sort3A_2599, %masked_sort3A_2600, %masked_sort3A_2601 = tpu.sort %select_n3A_2596, %select_n3A_2597 masked %masked_sort3A_2598 {descending = true} : (vector<16xf32>, vector<16xi32>, vector<16xi1>) -> (vector<16xi1>, vector<16xf32>, vector<16xi32>)
    %get3A_2602 = arith.constant 464 : index
    %get3A_2603 = tpu.vector_load %arg5[%get3A_2602] {strides = array<i32>} : memref<1152xf32, #tpu.memory_space<vmem>>, vector<16xf32>,
    %add3A_2604 = arith.constant 464 : i32
    %add3A_2605 = vector.broadcast %add3A_2604 : i32 to vector<16xi32>
    %add3A_2606 = arith.addi %iota3A, %add3A_2605 : vector<16xi32>
    %masked_sort3A_2607 = arith.constant dense<true> : vector<16xi1>
    %masked_sort3A_2608, %masked_sort3A_2609, %masked_sort3A_2610 = tpu.sort %get3A_2603, %add3A_2606 masked %masked_sort3A_2607 {descending = true} : (vector<16xf32>, vector<16xi32>, vector<16xi1>) -> (vector<16xi1>, vector<16xf32>, vector<16xi32>)
    %rev3A_2611 = arith.constant 15 : i32
    %rev3A_2612 = vector.broadcast %rev3A_2611 : i32 to vector<16xi32>
    %rev3A_2613 = tpu.iota {dimensions = array<i32: 0>} : vector<16xi32>
    %rev3A_2614 = arith.subi %rev3A_2612, %rev3A_2613 : vector<16xi32>
    %rev3A_2615 = tpu.dynamic_gather %masked_sort3A_2609[%rev3A_2614] in [0] : vector<16xf32>, vector<16xi32> -> vector<16xf32>
    %rev3A_2616 = arith.constant 15 : i32
    %rev3A_2617 = vector.broadcast %rev3A_2616 : i32 to vector<16xi32>
    %rev3A_2618 = tpu.iota {dimensions = array<i32: 0>} : vector<16xi32>
    %rev3A_2619 = arith.subi %rev3A_2617, %rev3A_2618 : vector<16xi32>
    %rev3A_2620 = tpu.dynamic_gather %masked_sort3A_2610[%rev3A_2619] in [0] : vector<16xi32>, vector<16xi32> -> vector<16xi32>
    %ge3A_2621 = arith.cmpf oge, %masked_sort3A_2600, %rev3A_2615 : vector<16xf32>
    %select_n3A_2622 = arith.select %ge3A_2621, %masked_sort3A_2600, %rev3A_2615 : vector<16xi1>, vector<16xf32>
    %select_n3A_2623 = arith.select %ge3A_2621, %masked_sort3A_2601, %rev3A_2620 : vector<16xi1>, vector<16xi32>
    %masked_sort3A_2624 = arith.constant dense<true> : vector<16xi1>
    %masked_sort3A_2625, %masked_sort3A_2626, %masked_sort3A_2627 = tpu.sort %select_n3A_2622, %select_n3A_2623 masked %masked_sort3A_2624 {descending = true} : (vector<16xf32>, vector<16xi32>, vector<16xi1>) -> (vector<16xi1>, vector<16xf32>, vector<16xi32>)
    %get3A_2628 = arith.constant 480 : index
    %get3A_2629 = tpu.vector_load %arg5[%get3A_2628] {strides = array<i32>} : memref<1152xf32, #tpu.memory_space<vmem>>, vector<16xf32>,
    %add3A_2630 = arith.constant 480 : i32
    %add3A_2631 = vector.broadcast %add3A_2630 : i32 to vector<16xi32>
    %add3A_2632 = arith.addi %iota3A, %add3A_2631 : vector<16xi32>
    %masked_sort3A_2633 = arith.constant dense<true> : vector<16xi1>
    %masked_sort3A_2634, %masked_sort3A_2635, %masked_sort3A_2636 = tpu.sort %get3A_2629, %add3A_2632 masked %masked_sort3A_2633 {descending = true} : (vector<16xf32>, vector<16xi32>, vector<16xi1>) -> (vector<16xi1>, vector<16xf32>, vector<16xi32>)
    %rev3A_2637 = arith.constant 15 : i32
    %rev3A_2638 = vector.broadcast %rev3A_2637 : i32 to vector<16xi32>
    %rev3A_2639 = tpu.iota {dimensions = array<i32: 0>} : vector<16xi32>
    %rev3A_2640 = arith.subi %rev3A_2638, %rev3A_2639 : vector<16xi32>
    %rev3A_2641 = tpu.dynamic_gather %masked_sort3A_2635[%rev3A_2640] in [0] : vector<16xf32>, vector<16xi32> -> vector<16xf32>
    %rev3A_2642 = arith.constant 15 : i32
    %rev3A_2643 = vector.broadcast %rev3A_2642 : i32 to vector<16xi32>
    %rev3A_2644 = tpu.iota {dimensions = array<i32: 0>} : vector<16xi32>
    %rev3A_2645 = arith.subi %rev3A_2643, %rev3A_2644 : vector<16xi32>
    %rev3A_2646 = tpu.dynamic_gather %masked_sort3A_2636[%rev3A_2645] in [0] : vector<16xi32>, vector<16xi32> -> vector<16xi32>
    %ge3A_2647 = arith.cmpf oge, %masked_sort3A_2626, %rev3A_2641 : vector<16xf32>
    %select_n3A_2648 = arith.select %ge3A_2647, %masked_sort3A_2626, %rev3A_2641 : vector<16xi1>, vector<16xf32>
    %select_n3A_2649 = arith.select %ge3A_2647, %masked_sort3A_2627, %rev3A_2646 : vector<16xi1>, vector<16xi32>
    %masked_sort3A_2650 = arith.constant dense<true> : vector<16xi1>
    %masked_sort3A_2651, %masked_sort3A_2652, %masked_sort3A_2653 = tpu.sort %select_n3A_2648, %select_n3A_2649 masked %masked_sort3A_2650 {descending = true} : (vector<16xf32>, vector<16xi32>, vector<16xi1>) -> (vector<16xi1>, vector<16xf32>, vector<16xi32>)
    %get3A_2654 = arith.constant 496 : index
    %get3A_2655 = tpu.vector_load %arg5[%get3A_2654] {strides = array<i32>} : memref<1152xf32, #tpu.memory_space<vmem>>, vector<16xf32>,
    %add3A_2656 = arith.constant 496 : i32
    %add3A_2657 = vector.broadcast %add3A_2656 : i32 to vector<16xi32>
    %add3A_2658 = arith.addi %iota3A, %add3A_2657 : vector<16xi32>
    %masked_sort3A_2659 = arith.constant dense<true> : vector<16xi1>
    %masked_sort3A_2660, %masked_sort3A_2661, %masked_sort3A_2662 = tpu.sort %get3A_2655, %add3A_2658 masked %masked_sort3A_2659 {descending = true} : (vector<16xf32>, vector<16xi32>, vector<16xi1>) -> (vector<16xi1>, vector<16xf32>, vector<16xi32>)
    %rev3A_2663 = arith.constant 15 : i32
    %rev3A_2664 = vector.broadcast %rev3A_2663 : i32 to vector<16xi32>
    %rev3A_2665 = tpu.iota {dimensions = array<i32: 0>} : vector<16xi32>
    %rev3A_2666 = arith.subi %rev3A_2664, %rev3A_2665 : vector<16xi32>
    %rev3A_2667 = tpu.dynamic_gather %masked_sort3A_2661[%rev3A_2666] in [0] : vector<16xf32>, vector<16xi32> -> vector<16xf32>
    %rev3A_2668 = arith.constant 15 : i32
    %rev3A_2669 = vector.broadcast %rev3A_2668 : i32 to vector<16xi32>
    %rev3A_2670 = tpu.iota {dimensions = array<i32: 0>} : vector<16xi32>
    %rev3A_2671 = arith.subi %rev3A_2669, %rev3A_2670 : vector<16xi32>
    %rev3A_2672 = tpu.dynamic_gather %masked_sort3A_2662[%rev3A_2671] in [0] : vector<16xi32>, vector<16xi32> -> vector<16xi32>
    %ge3A_2673 = arith.cmpf oge, %masked_sort3A_2652, %rev3A_2667 : vector<16xf32>
    %select_n3A_2674 = arith.select %ge3A_2673, %masked_sort3A_2652, %rev3A_2667 : vector<16xi1>, vector<16xf32>
    %select_n3A_2675 = arith.select %ge3A_2673, %masked_sort3A_2653, %rev3A_2672 : vector<16xi1>, vector<16xi32>
    %masked_sort3A_2676 = arith.constant dense<true> : vector<16xi1>
    %masked_sort3A_2677, %masked_sort3A_2678, %masked_sort3A_2679 = tpu.sort %select_n3A_2674, %select_n3A_2675 masked %masked_sort3A_2676 {descending = true} : (vector<16xf32>, vector<16xi32>, vector<16xi1>) -> (vector<16xi1>, vector<16xf32>, vector<16xi32>)
    %get3A_2680 = arith.constant 512 : index
    %get3A_2681 = tpu.vector_load %arg5[%get3A_2680] {strides = array<i32>} : memref<1152xf32, #tpu.memory_space<vmem>>, vector<16xf32>,
    %add3A_2682 = arith.constant 512 : i32
    %add3A_2683 = vector.broadcast %add3A_2682 : i32 to vector<16xi32>
    %add3A_2684 = arith.addi %iota3A, %add3A_2683 : vector<16xi32>
    %masked_sort3A_2685 = arith.constant dense<true> : vector<16xi1>
    %masked_sort3A_2686, %masked_sort3A_2687, %masked_sort3A_2688 = tpu.sort %get3A_2681, %add3A_2684 masked %masked_sort3A_2685 {descending = true} : (vector<16xf32>, vector<16xi32>, vector<16xi1>) -> (vector<16xi1>, vector<16xf32>, vector<16xi32>)
    %rev3A_2689 = arith.constant 15 : i32
    %rev3A_2690 = vector.broadcast %rev3A_2689 : i32 to vector<16xi32>
    %rev3A_2691 = tpu.iota {dimensions = array<i32: 0>} : vector<16xi32>
    %rev3A_2692 = arith.subi %rev3A_2690, %rev3A_2691 : vector<16xi32>
    %rev3A_2693 = tpu.dynamic_gather %masked_sort3A_2687[%rev3A_2692] in [0] : vector<16xf32>, vector<16xi32> -> vector<16xf32>
    %rev3A_2694 = arith.constant 15 : i32
    %rev3A_2695 = vector.broadcast %rev3A_2694 : i32 to vector<16xi32>
    %rev3A_2696 = tpu.iota {dimensions = array<i32: 0>} : vector<16xi32>
    %rev3A_2697 = arith.subi %rev3A_2695, %rev3A_2696 : vector<16xi32>
    %rev3A_2698 = tpu.dynamic_gather %masked_sort3A_2688[%rev3A_2697] in [0] : vector<16xi32>, vector<16xi32> -> vector<16xi32>
    %ge3A_2699 = arith.cmpf oge, %masked_sort3A_2678, %rev3A_2693 : vector<16xf32>
    %select_n3A_2700 = arith.select %ge3A_2699, %masked_sort3A_2678, %rev3A_2693 : vector<16xi1>, vector<16xf32>
    %select_n3A_2701 = arith.select %ge3A_2699, %masked_sort3A_2679, %rev3A_2698 : vector<16xi1>, vector<16xi32>
    %masked_sort3A_2702 = arith.constant dense<true> : vector<16xi1>
    %masked_sort3A_2703, %masked_sort3A_2704, %masked_sort3A_2705 = tpu.sort %select_n3A_2700, %select_n3A_2701 masked %masked_sort3A_2702 {descending = true} : (vector<16xf32>, vector<16xi32>, vector<16xi1>) -> (vector<16xi1>, vector<16xf32>, vector<16xi32>)
    %get3A_2706 = arith.constant 528 : index
    %get3A_2707 = tpu.vector_load %arg5[%get3A_2706] {strides = array<i32>} : memref<1152xf32, #tpu.memory_space<vmem>>, vector<16xf32>,
    %add3A_2708 = arith.constant 528 : i32
    %add3A_2709 = vector.broadcast %add3A_2708 : i32 to vector<16xi32>
    %add3A_2710 = arith.addi %iota3A, %add3A_2709 : vector<16xi32>
    %masked_sort3A_2711 = arith.constant dense<true> : vector<16xi1>
    %masked_sort3A_2712, %masked_sort3A_2713, %masked_sort3A_2714 = tpu.sort %get3A_2707, %add3A_2710 masked %masked_sort3A_2711 {descending = true} : (vector<16xf32>, vector<16xi32>, vector<16xi1>) -> (vector<16xi1>, vector<16xf32>, vector<16xi32>)
    %rev3A_2715 = arith.constant 15 : i32
    %rev3A_2716 = vector.broadcast %rev3A_2715 : i32 to vector<16xi32>
    %rev3A_2717 = tpu.iota {dimensions = array<i32: 0>} : vector<16xi32>
    %rev3A_2718 = arith.subi %rev3A_2716, %rev3A_2717 : vector<16xi32>
    %rev3A_2719 = tpu.dynamic_gather %masked_sort3A_2713[%rev3A_2718] in [0] : vector<16xf32>, vector<16xi32> -> vector<16xf32>
    %rev3A_2720 = arith.constant 15 : i32
    %rev3A_2721 = vector.broadcast %rev3A_2720 : i32 to vector<16xi32>
    %rev3A_2722 = tpu.iota {dimensions = array<i32: 0>} : vector<16xi32>
    %rev3A_2723 = arith.subi %rev3A_2721, %rev3A_2722 : vector<16xi32>
    %rev3A_2724 = tpu.dynamic_gather %masked_sort3A_2714[%rev3A_2723] in [0] : vector<16xi32>, vector<16xi32> -> vector<16xi32>
    %ge3A_2725 = arith.cmpf oge, %masked_sort3A_2704, %rev3A_2719 : vector<16xf32>
    %select_n3A_2726 = arith.select %ge3A_2725, %masked_sort3A_2704, %rev3A_2719 : vector<16xi1>, vector<16xf32>
    %select_n3A_2727 = arith.select %ge3A_2725, %masked_sort3A_2705, %rev3A_2724 : vector<16xi1>, vector<16xi32>
    %masked_sort3A_2728 = arith.constant dense<true> : vector<16xi1>
    %masked_sort3A_2729, %masked_sort3A_2730, %masked_sort3A_2731 = tpu.sort %select_n3A_2726, %select_n3A_2727 masked %masked_sort3A_2728 {descending = true} : (vector<16xf32>, vector<16xi32>, vector<16xi1>) -> (vector<16xi1>, vector<16xf32>, vector<16xi32>)
    %get3A_2732 = arith.constant 544 : index
    %get3A_2733 = tpu.vector_load %arg5[%get3A_2732] {strides = array<i32>} : memref<1152xf32, #tpu.memory_space<vmem>>, vector<16xf32>,
    %add3A_2734 = arith.constant 544 : i32
    %add3A_2735 = vector.broadcast %add3A_2734 : i32 to vector<16xi32>
    %add3A_2736 = arith.addi %iota3A, %add3A_2735 : vector<16xi32>
    %masked_sort3A_2737 = arith.constant dense<true> : vector<16xi1>
    %masked_sort3A_2738, %masked_sort3A_2739, %masked_sort3A_2740 = tpu.sort %get3A_2733, %add3A_2736 masked %masked_sort3A_2737 {descending = true} : (vector<16xf32>, vector<16xi32>, vector<16xi1>) -> (vector<16xi1>, vector<16xf32>, vector<16xi32>)
    %rev3A_2741 = arith.constant 15 : i32
    %rev3A_2742 = vector.broadcast %rev3A_2741 : i32 to vector<16xi32>
    %rev3A_2743 = tpu.iota {dimensions = array<i32: 0>} : vector<16xi32>
    %rev3A_2744 = arith.subi %rev3A_2742, %rev3A_2743 : vector<16xi32>
    %rev3A_2745 = tpu.dynamic_gather %masked_sort3A_2739[%rev3A_2744] in [0] : vector<16xf32>, vector<16xi32> -> vector<16xf32>
    %rev3A_2746 = arith.constant 15 : i32
    %rev3A_2747 = vector.broadcast %rev3A_2746 : i32 to vector<16xi32>
    %rev3A_2748 = tpu.iota {dimensions = array<i32: 0>} : vector<16xi32>
    %rev3A_2749 = arith.subi %rev3A_2747, %rev3A_2748 : vector<16xi32>
    %rev3A_2750 = tpu.dynamic_gather %masked_sort3A_2740[%rev3A_2749] in [0] : vector<16xi32>, vector<16xi32> -> vector<16xi32>
    %ge3A_2751 = arith.cmpf oge, %masked_sort3A_2730, %rev3A_2745 : vector<16xf32>
    %select_n3A_2752 = arith.select %ge3A_2751, %masked_sort3A_2730, %rev3A_2745 : vector<16xi1>, vector<16xf32>
    %select_n3A_2753 = arith.select %ge3A_2751, %masked_sort3A_2731, %rev3A_2750 : vector<16xi1>, vector<16xi32>
    %masked_sort3A_2754 = arith.constant dense<true> : vector<16xi1>
    %masked_sort3A_2755, %masked_sort3A_2756, %masked_sort3A_2757 = tpu.sort %select_n3A_2752, %select_n3A_2753 masked %masked_sort3A_2754 {descending = true} : (vector<16xf32>, vector<16xi32>, vector<16xi1>) -> (vector<16xi1>, vector<16xf32>, vector<16xi32>)
    %get3A_2758 = arith.constant 560 : index
    %get3A_2759 = tpu.vector_load %arg5[%get3A_2758] {strides = array<i32>} : memref<1152xf32, #tpu.memory_space<vmem>>, vector<16xf32>,
    %add3A_2760 = arith.constant 560 : i32
    %add3A_2761 = vector.broadcast %add3A_2760 : i32 to vector<16xi32>
    %add3A_2762 = arith.addi %iota3A, %add3A_2761 : vector<16xi32>
    %masked_sort3A_2763 = arith.constant dense<true> : vector<16xi1>
    %masked_sort3A_2764, %masked_sort3A_2765, %masked_sort3A_2766 = tpu.sort %get3A_2759, %add3A_2762 masked %masked_sort3A_2763 {descending = true} : (vector<16xf32>, vector<16xi32>, vector<16xi1>) -> (vector<16xi1>, vector<16xf32>, vector<16xi32>)
    %rev3A_2767 = arith.constant 15 : i32
    %rev3A_2768 = vector.broadcast %rev3A_2767 : i32 to vector<16xi32>
    %rev3A_2769 = tpu.iota {dimensions = array<i32: 0>} : vector<16xi32>
    %rev3A_2770 = arith.subi %rev3A_2768, %rev3A_2769 : vector<16xi32>
    %rev3A_2771 = tpu.dynamic_gather %masked_sort3A_2765[%rev3A_2770] in [0] : vector<16xf32>, vector<16xi32> -> vector<16xf32>
    %rev3A_2772 = arith.constant 15 : i32
    %rev3A_2773 = vector.broadcast %rev3A_2772 : i32 to vector<16xi32>
    %rev3A_2774 = tpu.iota {dimensions = array<i32: 0>} : vector<16xi32>
    %rev3A_2775 = arith.subi %rev3A_2773, %rev3A_2774 : vector<16xi32>
    %rev3A_2776 = tpu.dynamic_gather %masked_sort3A_2766[%rev3A_2775] in [0] : vector<16xi32>, vector<16xi32> -> vector<16xi32>
    %ge3A_2777 = arith.cmpf oge, %masked_sort3A_2756, %rev3A_2771 : vector<16xf32>
    %select_n3A_2778 = arith.select %ge3A_2777, %masked_sort3A_2756, %rev3A_2771 : vector<16xi1>, vector<16xf32>
    %select_n3A_2779 = arith.select %ge3A_2777, %masked_sort3A_2757, %rev3A_2776 : vector<16xi1>, vector<16xi32>
    %masked_sort3A_2780 = arith.constant dense<true> : vector<16xi1>
    %masked_sort3A_2781, %masked_sort3A_2782, %masked_sort3A_2783 = tpu.sort %select_n3A_2778, %select_n3A_2779 masked %masked_sort3A_2780 {descending = true} : (vector<16xf32>, vector<16xi32>, vector<16xi1>) -> (vector<16xi1>, vector<16xf32>, vector<16xi32>)
    %get3A_2784 = arith.constant 576 : index
    %get3A_2785 = tpu.vector_load %arg5[%get3A_2784] {strides = array<i32>} : memref<1152xf32, #tpu.memory_space<vmem>>, vector<16xf32>,
    %add3A_2786 = arith.constant 576 : i32
    %add3A_2787 = vector.broadcast %add3A_2786 : i32 to vector<16xi32>
    %add3A_2788 = arith.addi %iota3A, %add3A_2787 : vector<16xi32>
    %masked_sort3A_2789 = arith.constant dense<true> : vector<16xi1>
    %masked_sort3A_2790, %masked_sort3A_2791, %masked_sort3A_2792 = tpu.sort %get3A_2785, %add3A_2788 masked %masked_sort3A_2789 {descending = true} : (vector<16xf32>, vector<16xi32>, vector<16xi1>) -> (vector<16xi1>, vector<16xf32>, vector<16xi32>)
    %rev3A_2793 = arith.constant 15 : i32
    %rev3A_2794 = vector.broadcast %rev3A_2793 : i32 to vector<16xi32>
    %rev3A_2795 = tpu.iota {dimensions = array<i32: 0>} : vector<16xi32>
    %rev3A_2796 = arith.subi %rev3A_2794, %rev3A_2795 : vector<16xi32>
    %rev3A_2797 = tpu.dynamic_gather %masked_sort3A_2791[%rev3A_2796] in [0] : vector<16xf32>, vector<16xi32> -> vector<16xf32>
    %rev3A_2798 = arith.constant 15 : i32
    %rev3A_2799 = vector.broadcast %rev3A_2798 : i32 to vector<16xi32>
    %rev3A_2800 = tpu.iota {dimensions = array<i32: 0>} : vector<16xi32>
    %rev3A_2801 = arith.subi %rev3A_2799, %rev3A_2800 : vector<16xi32>
    %rev3A_2802 = tpu.dynamic_gather %masked_sort3A_2792[%rev3A_2801] in [0] : vector<16xi32>, vector<16xi32> -> vector<16xi32>
    %ge3A_2803 = arith.cmpf oge, %masked_sort3A_2782, %rev3A_2797 : vector<16xf32>
    %select_n3A_2804 = arith.select %ge3A_2803, %masked_sort3A_2782, %rev3A_2797 : vector<16xi1>, vector<16xf32>
    %select_n3A_2805 = arith.select %ge3A_2803, %masked_sort3A_2783, %rev3A_2802 : vector<16xi1>, vector<16xi32>
    %masked_sort3A_2806 = arith.constant dense<true> : vector<16xi1>
    %masked_sort3A_2807, %masked_sort3A_2808, %masked_sort3A_2809 = tpu.sort %select_n3A_2804, %select_n3A_2805 masked %masked_sort3A_2806 {descending = true} : (vector<16xf32>, vector<16xi32>, vector<16xi1>) -> (vector<16xi1>, vector<16xf32>, vector<16xi32>)
    %get3A_2810 = arith.constant 592 : index
    %get3A_2811 = tpu.vector_load %arg5[%get3A_2810] {strides = array<i32>} : memref<1152xf32, #tpu.memory_space<vmem>>, vector<16xf32>,
    %add3A_2812 = arith.constant 592 : i32
    %add3A_2813 = vector.broadcast %add3A_2812 : i32 to vector<16xi32>
    %add3A_2814 = arith.addi %iota3A, %add3A_2813 : vector<16xi32>
    %masked_sort3A_2815 = arith.constant dense<true> : vector<16xi1>
    %masked_sort3A_2816, %masked_sort3A_2817, %masked_sort3A_2818 = tpu.sort %get3A_2811, %add3A_2814 masked %masked_sort3A_2815 {descending = true} : (vector<16xf32>, vector<16xi32>, vector<16xi1>) -> (vector<16xi1>, vector<16xf32>, vector<16xi32>)
    %rev3A_2819 = arith.constant 15 : i32
    %rev3A_2820 = vector.broadcast %rev3A_2819 : i32 to vector<16xi32>
    %rev3A_2821 = tpu.iota {dimensions = array<i32: 0>} : vector<16xi32>
    %rev3A_2822 = arith.subi %rev3A_2820, %rev3A_2821 : vector<16xi32>
    %rev3A_2823 = tpu.dynamic_gather %masked_sort3A_2817[%rev3A_2822] in [0] : vector<16xf32>, vector<16xi32> -> vector<16xf32>
    %rev3A_2824 = arith.constant 15 : i32
    %rev3A_2825 = vector.broadcast %rev3A_2824 : i32 to vector<16xi32>
    %rev3A_2826 = tpu.iota {dimensions = array<i32: 0>} : vector<16xi32>
    %rev3A_2827 = arith.subi %rev3A_2825, %rev3A_2826 : vector<16xi32>
    %rev3A_2828 = tpu.dynamic_gather %masked_sort3A_2818[%rev3A_2827] in [0] : vector<16xi32>, vector<16xi32> -> vector<16xi32>
    %ge3A_2829 = arith.cmpf oge, %masked_sort3A_2808, %rev3A_2823 : vector<16xf32>
    %select_n3A_2830 = arith.select %ge3A_2829, %masked_sort3A_2808, %rev3A_2823 : vector<16xi1>, vector<16xf32>
    %select_n3A_2831 = arith.select %ge3A_2829, %masked_sort3A_2809, %rev3A_2828 : vector<16xi1>, vector<16xi32>
    %masked_sort3A_2832 = arith.constant dense<true> : vector<16xi1>
    %masked_sort3A_2833, %masked_sort3A_2834, %masked_sort3A_2835 = tpu.sort %select_n3A_2830, %select_n3A_2831 masked %masked_sort3A_2832 {descending = true} : (vector<16xf32>, vector<16xi32>, vector<16xi1>) -> (vector<16xi1>, vector<16xf32>, vector<16xi32>)
    %get3A_2836 = arith.constant 608 : index
    %get3A_2837 = tpu.vector_load %arg5[%get3A_2836] {strides = array<i32>} : memref<1152xf32, #tpu.memory_space<vmem>>, vector<16xf32>,
    %add3A_2838 = arith.constant 608 : i32
    %add3A_2839 = vector.broadcast %add3A_2838 : i32 to vector<16xi32>
    %add3A_2840 = arith.addi %iota3A, %add3A_2839 : vector<16xi32>
    %masked_sort3A_2841 = arith.constant dense<true> : vector<16xi1>
    %masked_sort3A_2842, %masked_sort3A_2843, %masked_sort3A_2844 = tpu.sort %get3A_2837, %add3A_2840 masked %masked_sort3A_2841 {descending = true} : (vector<16xf32>, vector<16xi32>, vector<16xi1>) -> (vector<16xi1>, vector<16xf32>, vector<16xi32>)
    %rev3A_2845 = arith.constant 15 : i32
    %rev3A_2846 = vector.broadcast %rev3A_2845 : i32 to vector<16xi32>
    %rev3A_2847 = tpu.iota {dimensions = array<i32: 0>} : vector<16xi32>
    %rev3A_2848 = arith.subi %rev3A_2846, %rev3A_2847 : vector<16xi32>
    %rev3A_2849 = tpu.dynamic_gather %masked_sort3A_2843[%rev3A_2848] in [0] : vector<16xf32>, vector<16xi32> -> vector<16xf32>
    %rev3A_2850 = arith.constant 15 : i32
    %rev3A_2851 = vector.broadcast %rev3A_2850 : i32 to vector<16xi32>
    %rev3A_2852 = tpu.iota {dimensions = array<i32: 0>} : vector<16xi32>
    %rev3A_2853 = arith.subi %rev3A_2851, %rev3A_2852 : vector<16xi32>
    %rev3A_2854 = tpu.dynamic_gather %masked_sort3A_2844[%rev3A_2853] in [0] : vector<16xi32>, vector<16xi32> -> vector<16xi32>
    %ge3A_2855 = arith.cmpf oge, %masked_sort3A_2834, %rev3A_2849 : vector<16xf32>
    %select_n3A_2856 = arith.select %ge3A_2855, %masked_sort3A_2834, %rev3A_2849 : vector<16xi1>, vector<16xf32>
    %select_n3A_2857 = arith.select %ge3A_2855, %masked_sort3A_2835, %rev3A_2854 : vector<16xi1>, vector<16xi32>
    %masked_sort3A_2858 = arith.constant dense<true> : vector<16xi1>
    %masked_sort3A_2859, %masked_sort3A_2860, %masked_sort3A_2861 = tpu.sort %select_n3A_2856, %select_n3A_2857 masked %masked_sort3A_2858 {descending = true} : (vector<16xf32>, vector<16xi32>, vector<16xi1>) -> (vector<16xi1>, vector<16xf32>, vector<16xi32>)
    %get3A_2862 = arith.constant 624 : index
    %get3A_2863 = tpu.vector_load %arg5[%get3A_2862] {strides = array<i32>} : memref<1152xf32, #tpu.memory_space<vmem>>, vector<16xf32>,
    %add3A_2864 = arith.constant 624 : i32
    %add3A_2865 = vector.broadcast %add3A_2864 : i32 to vector<16xi32>
    %add3A_2866 = arith.addi %iota3A, %add3A_2865 : vector<16xi32>
    %masked_sort3A_2867 = arith.constant dense<true> : vector<16xi1>
    %masked_sort3A_2868, %masked_sort3A_2869, %masked_sort3A_2870 = tpu.sort %get3A_2863, %add3A_2866 masked %masked_sort3A_2867 {descending = true} : (vector<16xf32>, vector<16xi32>, vector<16xi1>) -> (vector<16xi1>, vector<16xf32>, vector<16xi32>)
    %rev3A_2871 = arith.constant 15 : i32
    %rev3A_2872 = vector.broadcast %rev3A_2871 : i32 to vector<16xi32>
    %rev3A_2873 = tpu.iota {dimensions = array<i32: 0>} : vector<16xi32>
    %rev3A_2874 = arith.subi %rev3A_2872, %rev3A_2873 : vector<16xi32>
    %rev3A_2875 = tpu.dynamic_gather %masked_sort3A_2869[%rev3A_2874] in [0] : vector<16xf32>, vector<16xi32> -> vector<16xf32>
    %rev3A_2876 = arith.constant 15 : i32
    %rev3A_2877 = vector.broadcast %rev3A_2876 : i32 to vector<16xi32>
    %rev3A_2878 = tpu.iota {dimensions = array<i32: 0>} : vector<16xi32>
    %rev3A_2879 = arith.subi %rev3A_2877, %rev3A_2878 : vector<16xi32>
    %rev3A_2880 = tpu.dynamic_gather %masked_sort3A_2870[%rev3A_2879] in [0] : vector<16xi32>, vector<16xi32> -> vector<16xi32>
    %ge3A_2881 = arith.cmpf oge, %masked_sort3A_2860, %rev3A_2875 : vector<16xf32>
    %select_n3A_2882 = arith.select %ge3A_2881, %masked_sort3A_2860, %rev3A_2875 : vector<16xi1>, vector<16xf32>
    %select_n3A_2883 = arith.select %ge3A_2881, %masked_sort3A_2861, %rev3A_2880 : vector<16xi1>, vector<16xi32>
    %masked_sort3A_2884 = arith.constant dense<true> : vector<16xi1>
    %masked_sort3A_2885, %masked_sort3A_2886, %masked_sort3A_2887 = tpu.sort %select_n3A_2882, %select_n3A_2883 masked %masked_sort3A_2884 {descending = true} : (vector<16xf32>, vector<16xi32>, vector<16xi1>) -> (vector<16xi1>, vector<16xf32>, vector<16xi32>)
    %get3A_2888 = arith.constant 640 : index
    %get3A_2889 = tpu.vector_load %arg5[%get3A_2888] {strides = array<i32>} : memref<1152xf32, #tpu.memory_space<vmem>>, vector<16xf32>,
    %add3A_2890 = arith.constant 640 : i32
    %add3A_2891 = vector.broadcast %add3A_2890 : i32 to vector<16xi32>
    %add3A_2892 = arith.addi %iota3A, %add3A_2891 : vector<16xi32>
    %masked_sort3A_2893 = arith.constant dense<true> : vector<16xi1>
    %masked_sort3A_2894, %masked_sort3A_2895, %masked_sort3A_2896 = tpu.sort %get3A_2889, %add3A_2892 masked %masked_sort3A_2893 {descending = true} : (vector<16xf32>, vector<16xi32>, vector<16xi1>) -> (vector<16xi1>, vector<16xf32>, vector<16xi32>)
    %rev3A_2897 = arith.constant 15 : i32
    %rev3A_2898 = vector.broadcast %rev3A_2897 : i32 to vector<16xi32>
    %rev3A_2899 = tpu.iota {dimensions = array<i32: 0>} : vector<16xi32>
    %rev3A_2900 = arith.subi %rev3A_2898, %rev3A_2899 : vector<16xi32>
    %rev3A_2901 = tpu.dynamic_gather %masked_sort3A_2895[%rev3A_2900] in [0] : vector<16xf32>, vector<16xi32> -> vector<16xf32>
    %rev3A_2902 = arith.constant 15 : i32
    %rev3A_2903 = vector.broadcast %rev3A_2902 : i32 to vector<16xi32>
    %rev3A_2904 = tpu.iota {dimensions = array<i32: 0>} : vector<16xi32>
    %rev3A_2905 = arith.subi %rev3A_2903, %rev3A_2904 : vector<16xi32>
    %rev3A_2906 = tpu.dynamic_gather %masked_sort3A_2896[%rev3A_2905] in [0] : vector<16xi32>, vector<16xi32> -> vector<16xi32>
    %ge3A_2907 = arith.cmpf oge, %masked_sort3A_2886, %rev3A_2901 : vector<16xf32>
    %select_n3A_2908 = arith.select %ge3A_2907, %masked_sort3A_2886, %rev3A_2901 : vector<16xi1>, vector<16xf32>
    %select_n3A_2909 = arith.select %ge3A_2907, %masked_sort3A_2887, %rev3A_2906 : vector<16xi1>, vector<16xi32>
    %masked_sort3A_2910 = arith.constant dense<true> : vector<16xi1>
    %masked_sort3A_2911, %masked_sort3A_2912, %masked_sort3A_2913 = tpu.sort %select_n3A_2908, %select_n3A_2909 masked %masked_sort3A_2910 {descending = true} : (vector<16xf32>, vector<16xi32>, vector<16xi1>) -> (vector<16xi1>, vector<16xf32>, vector<16xi32>)
    %get3A_2914 = arith.constant 656 : index
    %get3A_2915 = tpu.vector_load %arg5[%get3A_2914] {strides = array<i32>} : memref<1152xf32, #tpu.memory_space<vmem>>, vector<16xf32>,
    %add3A_2916 = arith.constant 656 : i32
    %add3A_2917 = vector.broadcast %add3A_2916 : i32 to vector<16xi32>
    %add3A_2918 = arith.addi %iota3A, %add3A_2917 : vector<16xi32>
    %masked_sort3A_2919 = arith.constant dense<true> : vector<16xi1>
    %masked_sort3A_2920, %masked_sort3A_2921, %masked_sort3A_2922 = tpu.sort %get3A_2915, %add3A_2918 masked %masked_sort3A_2919 {descending = true} : (vector<16xf32>, vector<16xi32>, vector<16xi1>) -> (vector<16xi1>, vector<16xf32>, vector<16xi32>)
    %rev3A_2923 = arith.constant 15 : i32
    %rev3A_2924 = vector.broadcast %rev3A_2923 : i32 to vector<16xi32>
    %rev3A_2925 = tpu.iota {dimensions = array<i32: 0>} : vector<16xi32>
    %rev3A_2926 = arith.subi %rev3A_2924, %rev3A_2925 : vector<16xi32>
    %rev3A_2927 = tpu.dynamic_gather %masked_sort3A_2921[%rev3A_2926] in [0] : vector<16xf32>, vector<16xi32> -> vector<16xf32>
    %rev3A_2928 = arith.constant 15 : i32
    %rev3A_2929 = vector.broadcast %rev3A_2928 : i32 to vector<16xi32>
    %rev3A_2930 = tpu.iota {dimensions = array<i32: 0>} : vector<16xi32>
    %rev3A_2931 = arith.subi %rev3A_2929, %rev3A_2930 : vector<16xi32>
    %rev3A_2932 = tpu.dynamic_gather %masked_sort3A_2922[%rev3A_2931] in [0] : vector<16xi32>, vector<16xi32> -> vector<16xi32>
    %ge3A_2933 = arith.cmpf oge, %masked_sort3A_2912, %rev3A_2927 : vector<16xf32>
    %select_n3A_2934 = arith.select %ge3A_2933, %masked_sort3A_2912, %rev3A_2927 : vector<16xi1>, vector<16xf32>
    %select_n3A_2935 = arith.select %ge3A_2933, %masked_sort3A_2913, %rev3A_2932 : vector<16xi1>, vector<16xi32>
    %masked_sort3A_2936 = arith.constant dense<true> : vector<16xi1>
    %masked_sort3A_2937, %masked_sort3A_2938, %masked_sort3A_2939 = tpu.sort %select_n3A_2934, %select_n3A_2935 masked %masked_sort3A_2936 {descending = true} : (vector<16xf32>, vector<16xi32>, vector<16xi1>) -> (vector<16xi1>, vector<16xf32>, vector<16xi32>)
    %get3A_2940 = arith.constant 672 : index
    %get3A_2941 = tpu.vector_load %arg5[%get3A_2940] {strides = array<i32>} : memref<1152xf32, #tpu.memory_space<vmem>>, vector<16xf32>,
    %add3A_2942 = arith.constant 672 : i32
    %add3A_2943 = vector.broadcast %add3A_2942 : i32 to vector<16xi32>
    %add3A_2944 = arith.addi %iota3A, %add3A_2943 : vector<16xi32>
    %masked_sort3A_2945 = arith.constant dense<true> : vector<16xi1>
    %masked_sort3A_2946, %masked_sort3A_2947, %masked_sort3A_2948 = tpu.sort %get3A_2941, %add3A_2944 masked %masked_sort3A_2945 {descending = true} : (vector<16xf32>, vector<16xi32>, vector<16xi1>) -> (vector<16xi1>, vector<16xf32>, vector<16xi32>)
    %rev3A_2949 = arith.constant 15 : i32
    %rev3A_2950 = vector.broadcast %rev3A_2949 : i32 to vector<16xi32>
    %rev3A_2951 = tpu.iota {dimensions = array<i32: 0>} : vector<16xi32>
    %rev3A_2952 = arith.subi %rev3A_2950, %rev3A_2951 : vector<16xi32>
    %rev3A_2953 = tpu.dynamic_gather %masked_sort3A_2947[%rev3A_2952] in [0] : vector<16xf32>, vector<16xi32> -> vector<16xf32>
    %rev3A_2954 = arith.constant 15 : i32
    %rev3A_2955 = vector.broadcast %rev3A_2954 : i32 to vector<16xi32>
    %rev3A_2956 = tpu.iota {dimensions = array<i32: 0>} : vector<16xi32>
    %rev3A_2957 = arith.subi %rev3A_2955, %rev3A_2956 : vector<16xi32>
    %rev3A_2958 = tpu.dynamic_gather %masked_sort3A_2948[%rev3A_2957] in [0] : vector<16xi32>, vector<16xi32> -> vector<16xi32>
    %ge3A_2959 = arith.cmpf oge, %masked_sort3A_2938, %rev3A_2953 : vector<16xf32>
    %select_n3A_2960 = arith.select %ge3A_2959, %masked_sort3A_2938, %rev3A_2953 : vector<16xi1>, vector<16xf32>
    %select_n3A_2961 = arith.select %ge3A_2959, %masked_sort3A_2939, %rev3A_2958 : vector<16xi1>, vector<16xi32>
    %masked_sort3A_2962 = arith.constant dense<true> : vector<16xi1>
    %masked_sort3A_2963, %masked_sort3A_2964, %masked_sort3A_2965 = tpu.sort %select_n3A_2960, %select_n3A_2961 masked %masked_sort3A_2962 {descending = true} : (vector<16xf32>, vector<16xi32>, vector<16xi1>) -> (vector<16xi1>, vector<16xf32>, vector<16xi32>)
    %get3A_2966 = arith.constant 688 : index
    %get3A_2967 = tpu.vector_load %arg5[%get3A_2966] {strides = array<i32>} : memref<1152xf32, #tpu.memory_space<vmem>>, vector<16xf32>,
    %add3A_2968 = arith.constant 688 : i32
    %add3A_2969 = vector.broadcast %add3A_2968 : i32 to vector<16xi32>
    %add3A_2970 = arith.addi %iota3A, %add3A_2969 : vector<16xi32>
    %masked_sort3A_2971 = arith.constant dense<true> : vector<16xi1>
    %masked_sort3A_2972, %masked_sort3A_2973, %masked_sort3A_2974 = tpu.sort %get3A_2967, %add3A_2970 masked %masked_sort3A_2971 {descending = true} : (vector<16xf32>, vector<16xi32>, vector<16xi1>) -> (vector<16xi1>, vector<16xf32>, vector<16xi32>)
    %rev3A_2975 = arith.constant 15 : i32
    %rev3A_2976 = vector.broadcast %rev3A_2975 : i32 to vector<16xi32>
    %rev3A_2977 = tpu.iota {dimensions = array<i32: 0>} : vector<16xi32>
    %rev3A_2978 = arith.subi %rev3A_2976, %rev3A_2977 : vector<16xi32>
    %rev3A_2979 = tpu.dynamic_gather %masked_sort3A_2973[%rev3A_2978] in [0] : vector<16xf32>, vector<16xi32> -> vector<16xf32>
    %rev3A_2980 = arith.constant 15 : i32
    %rev3A_2981 = vector.broadcast %rev3A_2980 : i32 to vector<16xi32>
    %rev3A_2982 = tpu.iota {dimensions = array<i32: 0>} : vector<16xi32>
    %rev3A_2983 = arith.subi %rev3A_2981, %rev3A_2982 : vector<16xi32>
    %rev3A_2984 = tpu.dynamic_gather %masked_sort3A_2974[%rev3A_2983] in [0] : vector<16xi32>, vector<16xi32> -> vector<16xi32>
    %ge3A_2985 = arith.cmpf oge, %masked_sort3A_2964, %rev3A_2979 : vector<16xf32>
    %select_n3A_2986 = arith.select %ge3A_2985, %masked_sort3A_2964, %rev3A_2979 : vector<16xi1>, vector<16xf32>
    %select_n3A_2987 = arith.select %ge3A_2985, %masked_sort3A_2965, %rev3A_2984 : vector<16xi1>, vector<16xi32>
    %masked_sort3A_2988 = arith.constant dense<true> : vector<16xi1>
    %masked_sort3A_2989, %masked_sort3A_2990, %masked_sort3A_2991 = tpu.sort %select_n3A_2986, %select_n3A_2987 masked %masked_sort3A_2988 {descending = true} : (vector<16xf32>, vector<16xi32>, vector<16xi1>) -> (vector<16xi1>, vector<16xf32>, vector<16xi32>)
    %get3A_2992 = arith.constant 704 : index
    %get3A_2993 = tpu.vector_load %arg5[%get3A_2992] {strides = array<i32>} : memref<1152xf32, #tpu.memory_space<vmem>>, vector<16xf32>,
    %add3A_2994 = arith.constant 704 : i32
    %add3A_2995 = vector.broadcast %add3A_2994 : i32 to vector<16xi32>
    %add3A_2996 = arith.addi %iota3A, %add3A_2995 : vector<16xi32>
    %masked_sort3A_2997 = arith.constant dense<true> : vector<16xi1>
    %masked_sort3A_2998, %masked_sort3A_2999, %masked_sort3A_3000 = tpu.sort %get3A_2993, %add3A_2996 masked %masked_sort3A_2997 {descending = true} : (vector<16xf32>, vector<16xi32>, vector<16xi1>) -> (vector<16xi1>, vector<16xf32>, vector<16xi32>)
    %rev3A_3001 = arith.constant 15 : i32
    %rev3A_3002 = vector.broadcast %rev3A_3001 : i32 to vector<16xi32>
    %rev3A_3003 = tpu.iota {dimensions = array<i32: 0>} : vector<16xi32>
    %rev3A_3004 = arith.subi %rev3A_3002, %rev3A_3003 : vector<16xi32>
    %rev3A_3005 = tpu.dynamic_gather %masked_sort3A_2999[%rev3A_3004] in [0] : vector<16xf32>, vector<16xi32> -> vector<16xf32>
    %rev3A_3006 = arith.constant 15 : i32
    %rev3A_3007 = vector.broadcast %rev3A_3006 : i32 to vector<16xi32>
    %rev3A_3008 = tpu.iota {dimensions = array<i32: 0>} : vector<16xi32>
    %rev3A_3009 = arith.subi %rev3A_3007, %rev3A_3008 : vector<16xi32>
    %rev3A_3010 = tpu.dynamic_gather %masked_sort3A_3000[%rev3A_3009] in [0] : vector<16xi32>, vector<16xi32> -> vector<16xi32>
    %ge3A_3011 = arith.cmpf oge, %masked_sort3A_2990, %rev3A_3005 : vector<16xf32>
    %select_n3A_3012 = arith.select %ge3A_3011, %masked_sort3A_2990, %rev3A_3005 : vector<16xi1>, vector<16xf32>
    %select_n3A_3013 = arith.select %ge3A_3011, %masked_sort3A_2991, %rev3A_3010 : vector<16xi1>, vector<16xi32>
    %masked_sort3A_3014 = arith.constant dense<true> : vector<16xi1>
    %masked_sort3A_3015, %masked_sort3A_3016, %masked_sort3A_3017 = tpu.sort %select_n3A_3012, %select_n3A_3013 masked %masked_sort3A_3014 {descending = true} : (vector<16xf32>, vector<16xi32>, vector<16xi1>) -> (vector<16xi1>, vector<16xf32>, vector<16xi32>)
    %get3A_3018 = arith.constant 720 : index
    %get3A_3019 = tpu.vector_load %arg5[%get3A_3018] {strides = array<i32>} : memref<1152xf32, #tpu.memory_space<vmem>>, vector<16xf32>,
    %add3A_3020 = arith.constant 720 : i32
    %add3A_3021 = vector.broadcast %add3A_3020 : i32 to vector<16xi32>
    %add3A_3022 = arith.addi %iota3A, %add3A_3021 : vector<16xi32>
    %masked_sort3A_3023 = arith.constant dense<true> : vector<16xi1>
    %masked_sort3A_3024, %masked_sort3A_3025, %masked_sort3A_3026 = tpu.sort %get3A_3019, %add3A_3022 masked %masked_sort3A_3023 {descending = true} : (vector<16xf32>, vector<16xi32>, vector<16xi1>) -> (vector<16xi1>, vector<16xf32>, vector<16xi32>)
    %rev3A_3027 = arith.constant 15 : i32
    %rev3A_3028 = vector.broadcast %rev3A_3027 : i32 to vector<16xi32>
    %rev3A_3029 = tpu.iota {dimensions = array<i32: 0>} : vector<16xi32>
    %rev3A_3030 = arith.subi %rev3A_3028, %rev3A_3029 : vector<16xi32>
    %rev3A_3031 = tpu.dynamic_gather %masked_sort3A_3025[%rev3A_3030] in [0] : vector<16xf32>, vector<16xi32> -> vector<16xf32>
    %rev3A_3032 = arith.constant 15 : i32
    %rev3A_3033 = vector.broadcast %rev3A_3032 : i32 to vector<16xi32>
    %rev3A_3034 = tpu.iota {dimensions = array<i32: 0>} : vector<16xi32>
    %rev3A_3035 = arith.subi %rev3A_3033, %rev3A_3034 : vector<16xi32>
    %rev3A_3036 = tpu.dynamic_gather %masked_sort3A_3026[%rev3A_3035] in [0] : vector<16xi32>, vector<16xi32> -> vector<16xi32>
    %ge3A_3037 = arith.cmpf oge, %masked_sort3A_3016, %rev3A_3031 : vector<16xf32>
    %select_n3A_3038 = arith.select %ge3A_3037, %masked_sort3A_3016, %rev3A_3031 : vector<16xi1>, vector<16xf32>
    %select_n3A_3039 = arith.select %ge3A_3037, %masked_sort3A_3017, %rev3A_3036 : vector<16xi1>, vector<16xi32>
    %masked_sort3A_3040 = arith.constant dense<true> : vector<16xi1>
    %masked_sort3A_3041, %masked_sort3A_3042, %masked_sort3A_3043 = tpu.sort %select_n3A_3038, %select_n3A_3039 masked %masked_sort3A_3040 {descending = true} : (vector<16xf32>, vector<16xi32>, vector<16xi1>) -> (vector<16xi1>, vector<16xf32>, vector<16xi32>)
    %get3A_3044 = arith.constant 736 : index
    %get3A_3045 = tpu.vector_load %arg5[%get3A_3044] {strides = array<i32>} : memref<1152xf32, #tpu.memory_space<vmem>>, vector<16xf32>,
    %add3A_3046 = arith.constant 736 : i32
    %add3A_3047 = vector.broadcast %add3A_3046 : i32 to vector<16xi32>
    %add3A_3048 = arith.addi %iota3A, %add3A_3047 : vector<16xi32>
    %masked_sort3A_3049 = arith.constant dense<true> : vector<16xi1>
    %masked_sort3A_3050, %masked_sort3A_3051, %masked_sort3A_3052 = tpu.sort %get3A_3045, %add3A_3048 masked %masked_sort3A_3049 {descending = true} : (vector<16xf32>, vector<16xi32>, vector<16xi1>) -> (vector<16xi1>, vector<16xf32>, vector<16xi32>)
    %rev3A_3053 = arith.constant 15 : i32
    %rev3A_3054 = vector.broadcast %rev3A_3053 : i32 to vector<16xi32>
    %rev3A_3055 = tpu.iota {dimensions = array<i32: 0>} : vector<16xi32>
    %rev3A_3056 = arith.subi %rev3A_3054, %rev3A_3055 : vector<16xi32>
    %rev3A_3057 = tpu.dynamic_gather %masked_sort3A_3051[%rev3A_3056] in [0] : vector<16xf32>, vector<16xi32> -> vector<16xf32>
    %rev3A_3058 = arith.constant 15 : i32
    %rev3A_3059 = vector.broadcast %rev3A_3058 : i32 to vector<16xi32>
    %rev3A_3060 = tpu.iota {dimensions = array<i32: 0>} : vector<16xi32>
    %rev3A_3061 = arith.subi %rev3A_3059, %rev3A_3060 : vector<16xi32>
    %rev3A_3062 = tpu.dynamic_gather %masked_sort3A_3052[%rev3A_3061] in [0] : vector<16xi32>, vector<16xi32> -> vector<16xi32>
    %ge3A_3063 = arith.cmpf oge, %masked_sort3A_3042, %rev3A_3057 : vector<16xf32>
    %select_n3A_3064 = arith.select %ge3A_3063, %masked_sort3A_3042, %rev3A_3057 : vector<16xi1>, vector<16xf32>
    %select_n3A_3065 = arith.select %ge3A_3063, %masked_sort3A_3043, %rev3A_3062 : vector<16xi1>, vector<16xi32>
    %masked_sort3A_3066 = arith.constant dense<true> : vector<16xi1>
    %masked_sort3A_3067, %masked_sort3A_3068, %masked_sort3A_3069 = tpu.sort %select_n3A_3064, %select_n3A_3065 masked %masked_sort3A_3066 {descending = true} : (vector<16xf32>, vector<16xi32>, vector<16xi1>) -> (vector<16xi1>, vector<16xf32>, vector<16xi32>)
    %get3A_3070 = arith.constant 752 : index
    %get3A_3071 = tpu.vector_load %arg5[%get3A_3070] {strides = array<i32>} : memref<1152xf32, #tpu.memory_space<vmem>>, vector<16xf32>,
    %add3A_3072 = arith.constant 752 : i32
    %add3A_3073 = vector.broadcast %add3A_3072 : i32 to vector<16xi32>
    %add3A_3074 = arith.addi %iota3A, %add3A_3073 : vector<16xi32>
    %masked_sort3A_3075 = arith.constant dense<true> : vector<16xi1>
    %masked_sort3A_3076, %masked_sort3A_3077, %masked_sort3A_3078 = tpu.sort %get3A_3071, %add3A_3074 masked %masked_sort3A_3075 {descending = true} : (vector<16xf32>, vector<16xi32>, vector<16xi1>) -> (vector<16xi1>, vector<16xf32>, vector<16xi32>)
    %rev3A_3079 = arith.constant 15 : i32
    %rev3A_3080 = vector.broadcast %rev3A_3079 : i32 to vector<16xi32>
    %rev3A_3081 = tpu.iota {dimensions = array<i32: 0>} : vector<16xi32>
    %rev3A_3082 = arith.subi %rev3A_3080, %rev3A_3081 : vector<16xi32>
    %rev3A_3083 = tpu.dynamic_gather %masked_sort3A_3077[%rev3A_3082] in [0] : vector<16xf32>, vector<16xi32> -> vector<16xf32>
    %rev3A_3084 = arith.constant 15 : i32
    %rev3A_3085 = vector.broadcast %rev3A_3084 : i32 to vector<16xi32>
    %rev3A_3086 = tpu.iota {dimensions = array<i32: 0>} : vector<16xi32>
    %rev3A_3087 = arith.subi %rev3A_3085, %rev3A_3086 : vector<16xi32>
    %rev3A_3088 = tpu.dynamic_gather %masked_sort3A_3078[%rev3A_3087] in [0] : vector<16xi32>, vector<16xi32> -> vector<16xi32>
    %ge3A_3089 = arith.cmpf oge, %masked_sort3A_3068, %rev3A_3083 : vector<16xf32>
    %select_n3A_3090 = arith.select %ge3A_3089, %masked_sort3A_3068, %rev3A_3083 : vector<16xi1>, vector<16xf32>
    %select_n3A_3091 = arith.select %ge3A_3089, %masked_sort3A_3069, %rev3A_3088 : vector<16xi1>, vector<16xi32>
    %masked_sort3A_3092 = arith.constant dense<true> : vector<16xi1>
    %masked_sort3A_3093, %masked_sort3A_3094, %masked_sort3A_3095 = tpu.sort %select_n3A_3090, %select_n3A_3091 masked %masked_sort3A_3092 {descending = true} : (vector<16xf32>, vector<16xi32>, vector<16xi1>) -> (vector<16xi1>, vector<16xf32>, vector<16xi32>)
    %get3A_3096 = arith.constant 768 : index
    %get3A_3097 = tpu.vector_load %arg5[%get3A_3096] {strides = array<i32>} : memref<1152xf32, #tpu.memory_space<vmem>>, vector<16xf32>,
    %add3A_3098 = arith.constant 768 : i32
    %add3A_3099 = vector.broadcast %add3A_3098 : i32 to vector<16xi32>
    %add3A_3100 = arith.addi %iota3A, %add3A_3099 : vector<16xi32>
    %masked_sort3A_3101 = arith.constant dense<true> : vector<16xi1>
    %masked_sort3A_3102, %masked_sort3A_3103, %masked_sort3A_3104 = tpu.sort %get3A_3097, %add3A_3100 masked %masked_sort3A_3101 {descending = true} : (vector<16xf32>, vector<16xi32>, vector<16xi1>) -> (vector<16xi1>, vector<16xf32>, vector<16xi32>)
    %rev3A_3105 = arith.constant 15 : i32
    %rev3A_3106 = vector.broadcast %rev3A_3105 : i32 to vector<16xi32>
    %rev3A_3107 = tpu.iota {dimensions = array<i32: 0>} : vector<16xi32>
    %rev3A_3108 = arith.subi %rev3A_3106, %rev3A_3107 : vector<16xi32>
    %rev3A_3109 = tpu.dynamic_gather %masked_sort3A_3103[%rev3A_3108] in [0] : vector<16xf32>, vector<16xi32> -> vector<16xf32>
    %rev3A_3110 = arith.constant 15 : i32
    %rev3A_3111 = vector.broadcast %rev3A_3110 : i32 to vector<16xi32>
    %rev3A_3112 = tpu.iota {dimensions = array<i32: 0>} : vector<16xi32>
    %rev3A_3113 = arith.subi %rev3A_3111, %rev3A_3112 : vector<16xi32>
    %rev3A_3114 = tpu.dynamic_gather %masked_sort3A_3104[%rev3A_3113] in [0] : vector<16xi32>, vector<16xi32> -> vector<16xi32>
    %ge3A_3115 = arith.cmpf oge, %masked_sort3A_3094, %rev3A_3109 : vector<16xf32>
    %select_n3A_3116 = arith.select %ge3A_3115, %masked_sort3A_3094, %rev3A_3109 : vector<16xi1>, vector<16xf32>
    %select_n3A_3117 = arith.select %ge3A_3115, %masked_sort3A_3095, %rev3A_3114 : vector<16xi1>, vector<16xi32>
    %masked_sort3A_3118 = arith.constant dense<true> : vector<16xi1>
    %masked_sort3A_3119, %masked_sort3A_3120, %masked_sort3A_3121 = tpu.sort %select_n3A_3116, %select_n3A_3117 masked %masked_sort3A_3118 {descending = true} : (vector<16xf32>, vector<16xi32>, vector<16xi1>) -> (vector<16xi1>, vector<16xf32>, vector<16xi32>)
    %get3A_3122 = arith.constant 784 : index
    %get3A_3123 = tpu.vector_load %arg5[%get3A_3122] {strides = array<i32>} : memref<1152xf32, #tpu.memory_space<vmem>>, vector<16xf32>,
    %add3A_3124 = arith.constant 784 : i32
    %add3A_3125 = vector.broadcast %add3A_3124 : i32 to vector<16xi32>
    %add3A_3126 = arith.addi %iota3A, %add3A_3125 : vector<16xi32>
    %masked_sort3A_3127 = arith.constant dense<true> : vector<16xi1>
    %masked_sort3A_3128, %masked_sort3A_3129, %masked_sort3A_3130 = tpu.sort %get3A_3123, %add3A_3126 masked %masked_sort3A_3127 {descending = true} : (vector<16xf32>, vector<16xi32>, vector<16xi1>) -> (vector<16xi1>, vector<16xf32>, vector<16xi32>)
    %rev3A_3131 = arith.constant 15 : i32
    %rev3A_3132 = vector.broadcast %rev3A_3131 : i32 to vector<16xi32>
    %rev3A_3133 = tpu.iota {dimensions = array<i32: 0>} : vector<16xi32>
    %rev3A_3134 = arith.subi %rev3A_3132, %rev3A_3133 : vector<16xi32>
    %rev3A_3135 = tpu.dynamic_gather %masked_sort3A_3129[%rev3A_3134] in [0] : vector<16xf32>, vector<16xi32> -> vector<16xf32>
    %rev3A_3136 = arith.constant 15 : i32
    %rev3A_3137 = vector.broadcast %rev3A_3136 : i32 to vector<16xi32>
    %rev3A_3138 = tpu.iota {dimensions = array<i32: 0>} : vector<16xi32>
    %rev3A_3139 = arith.subi %rev3A_3137, %rev3A_3138 : vector<16xi32>
    %rev3A_3140 = tpu.dynamic_gather %masked_sort3A_3130[%rev3A_3139] in [0] : vector<16xi32>, vector<16xi32> -> vector<16xi32>
    %ge3A_3141 = arith.cmpf oge, %masked_sort3A_3120, %rev3A_3135 : vector<16xf32>
    %select_n3A_3142 = arith.select %ge3A_3141, %masked_sort3A_3120, %rev3A_3135 : vector<16xi1>, vector<16xf32>
    %select_n3A_3143 = arith.select %ge3A_3141, %masked_sort3A_3121, %rev3A_3140 : vector<16xi1>, vector<16xi32>
    %masked_sort3A_3144 = arith.constant dense<true> : vector<16xi1>
    %masked_sort3A_3145, %masked_sort3A_3146, %masked_sort3A_3147 = tpu.sort %select_n3A_3142, %select_n3A_3143 masked %masked_sort3A_3144 {descending = true} : (vector<16xf32>, vector<16xi32>, vector<16xi1>) -> (vector<16xi1>, vector<16xf32>, vector<16xi32>)
    %get3A_3148 = arith.constant 800 : index
    %get3A_3149 = tpu.vector_load %arg5[%get3A_3148] {strides = array<i32>} : memref<1152xf32, #tpu.memory_space<vmem>>, vector<16xf32>,
    %add3A_3150 = arith.constant 800 : i32
    %add3A_3151 = vector.broadcast %add3A_3150 : i32 to vector<16xi32>
    %add3A_3152 = arith.addi %iota3A, %add3A_3151 : vector<16xi32>
    %masked_sort3A_3153 = arith.constant dense<true> : vector<16xi1>
    %masked_sort3A_3154, %masked_sort3A_3155, %masked_sort3A_3156 = tpu.sort %get3A_3149, %add3A_3152 masked %masked_sort3A_3153 {descending = true} : (vector<16xf32>, vector<16xi32>, vector<16xi1>) -> (vector<16xi1>, vector<16xf32>, vector<16xi32>)
    %rev3A_3157 = arith.constant 15 : i32
    %rev3A_3158 = vector.broadcast %rev3A_3157 : i32 to vector<16xi32>
    %rev3A_3159 = tpu.iota {dimensions = array<i32: 0>} : vector<16xi32>
    %rev3A_3160 = arith.subi %rev3A_3158, %rev3A_3159 : vector<16xi32>
    %rev3A_3161 = tpu.dynamic_gather %masked_sort3A_3155[%rev3A_3160] in [0] : vector<16xf32>, vector<16xi32> -> vector<16xf32>
    %rev3A_3162 = arith.constant 15 : i32
    %rev3A_3163 = vector.broadcast %rev3A_3162 : i32 to vector<16xi32>
    %rev3A_3164 = tpu.iota {dimensions = array<i32: 0>} : vector<16xi32>
    %rev3A_3165 = arith.subi %rev3A_3163, %rev3A_3164 : vector<16xi32>
    %rev3A_3166 = tpu.dynamic_gather %masked_sort3A_3156[%rev3A_3165] in [0] : vector<16xi32>, vector<16xi32> -> vector<16xi32>
    %ge3A_3167 = arith.cmpf oge, %masked_sort3A_3146, %rev3A_3161 : vector<16xf32>
    %select_n3A_3168 = arith.select %ge3A_3167, %masked_sort3A_3146, %rev3A_3161 : vector<16xi1>, vector<16xf32>
    %select_n3A_3169 = arith.select %ge3A_3167, %masked_sort3A_3147, %rev3A_3166 : vector<16xi1>, vector<16xi32>
    %masked_sort3A_3170 = arith.constant dense<true> : vector<16xi1>
    %masked_sort3A_3171, %masked_sort3A_3172, %masked_sort3A_3173 = tpu.sort %select_n3A_3168, %select_n3A_3169 masked %masked_sort3A_3170 {descending = true} : (vector<16xf32>, vector<16xi32>, vector<16xi1>) -> (vector<16xi1>, vector<16xf32>, vector<16xi32>)
    %get3A_3174 = arith.constant 816 : index
    %get3A_3175 = tpu.vector_load %arg5[%get3A_3174] {strides = array<i32>} : memref<1152xf32, #tpu.memory_space<vmem>>, vector<16xf32>,
    %add3A_3176 = arith.constant 816 : i32
    %add3A_3177 = vector.broadcast %add3A_3176 : i32 to vector<16xi32>
    %add3A_3178 = arith.addi %iota3A, %add3A_3177 : vector<16xi32>
    %masked_sort3A_3179 = arith.constant dense<true> : vector<16xi1>
    %masked_sort3A_3180, %masked_sort3A_3181, %masked_sort3A_3182 = tpu.sort %get3A_3175, %add3A_3178 masked %masked_sort3A_3179 {descending = true} : (vector<16xf32>, vector<16xi32>, vector<16xi1>) -> (vector<16xi1>, vector<16xf32>, vector<16xi32>)
    %rev3A_3183 = arith.constant 15 : i32
    %rev3A_3184 = vector.broadcast %rev3A_3183 : i32 to vector<16xi32>
    %rev3A_3185 = tpu.iota {dimensions = array<i32: 0>} : vector<16xi32>
    %rev3A_3186 = arith.subi %rev3A_3184, %rev3A_3185 : vector<16xi32>
    %rev3A_3187 = tpu.dynamic_gather %masked_sort3A_3181[%rev3A_3186] in [0] : vector<16xf32>, vector<16xi32> -> vector<16xf32>
    %rev3A_3188 = arith.constant 15 : i32
    %rev3A_3189 = vector.broadcast %rev3A_3188 : i32 to vector<16xi32>
    %rev3A_3190 = tpu.iota {dimensions = array<i32: 0>} : vector<16xi32>
    %rev3A_3191 = arith.subi %rev3A_3189, %rev3A_3190 : vector<16xi32>
    %rev3A_3192 = tpu.dynamic_gather %masked_sort3A_3182[%rev3A_3191] in [0] : vector<16xi32>, vector<16xi32> -> vector<16xi32>
    %ge3A_3193 = arith.cmpf oge, %masked_sort3A_3172, %rev3A_3187 : vector<16xf32>
    %select_n3A_3194 = arith.select %ge3A_3193, %masked_sort3A_3172, %rev3A_3187 : vector<16xi1>, vector<16xf32>
    %select_n3A_3195 = arith.select %ge3A_3193, %masked_sort3A_3173, %rev3A_3192 : vector<16xi1>, vector<16xi32>
    %masked_sort3A_3196 = arith.constant dense<true> : vector<16xi1>
    %masked_sort3A_3197, %masked_sort3A_3198, %masked_sort3A_3199 = tpu.sort %select_n3A_3194, %select_n3A_3195 masked %masked_sort3A_3196 {descending = true} : (vector<16xf32>, vector<16xi32>, vector<16xi1>) -> (vector<16xi1>, vector<16xf32>, vector<16xi32>)
    %get3A_3200 = arith.constant 832 : index
    %get3A_3201 = tpu.vector_load %arg5[%get3A_3200] {strides = array<i32>} : memref<1152xf32, #tpu.memory_space<vmem>>, vector<16xf32>,
    %add3A_3202 = arith.constant 832 : i32
    %add3A_3203 = vector.broadcast %add3A_3202 : i32 to vector<16xi32>
    %add3A_3204 = arith.addi %iota3A, %add3A_3203 : vector<16xi32>
    %masked_sort3A_3205 = arith.constant dense<true> : vector<16xi1>
    %masked_sort3A_3206, %masked_sort3A_3207, %masked_sort3A_3208 = tpu.sort %get3A_3201, %add3A_3204 masked %masked_sort3A_3205 {descending = true} : (vector<16xf32>, vector<16xi32>, vector<16xi1>) -> (vector<16xi1>, vector<16xf32>, vector<16xi32>)
    %rev3A_3209 = arith.constant 15 : i32
    %rev3A_3210 = vector.broadcast %rev3A_3209 : i32 to vector<16xi32>
    %rev3A_3211 = tpu.iota {dimensions = array<i32: 0>} : vector<16xi32>
    %rev3A_3212 = arith.subi %rev3A_3210, %rev3A_3211 : vector<16xi32>
    %rev3A_3213 = tpu.dynamic_gather %masked_sort3A_3207[%rev3A_3212] in [0] : vector<16xf32>, vector<16xi32> -> vector<16xf32>
    %rev3A_3214 = arith.constant 15 : i32
    %rev3A_3215 = vector.broadcast %rev3A_3214 : i32 to vector<16xi32>
    %rev3A_3216 = tpu.iota {dimensions = array<i32: 0>} : vector<16xi32>
    %rev3A_3217 = arith.subi %rev3A_3215, %rev3A_3216 : vector<16xi32>
    %rev3A_3218 = tpu.dynamic_gather %masked_sort3A_3208[%rev3A_3217] in [0] : vector<16xi32>, vector<16xi32> -> vector<16xi32>
    %ge3A_3219 = arith.cmpf oge, %masked_sort3A_3198, %rev3A_3213 : vector<16xf32>
    %select_n3A_3220 = arith.select %ge3A_3219, %masked_sort3A_3198, %rev3A_3213 : vector<16xi1>, vector<16xf32>
    %select_n3A_3221 = arith.select %ge3A_3219, %masked_sort3A_3199, %rev3A_3218 : vector<16xi1>, vector<16xi32>
    %masked_sort3A_3222 = arith.constant dense<true> : vector<16xi1>
    %masked_sort3A_3223, %masked_sort3A_3224, %masked_sort3A_3225 = tpu.sort %select_n3A_3220, %select_n3A_3221 masked %masked_sort3A_3222 {descending = true} : (vector<16xf32>, vector<16xi32>, vector<16xi1>) -> (vector<16xi1>, vector<16xf32>, vector<16xi32>)
    %get3A_3226 = arith.constant 848 : index
    %get3A_3227 = tpu.vector_load %arg5[%get3A_3226] {strides = array<i32>} : memref<1152xf32, #tpu.memory_space<vmem>>, vector<16xf32>,
    %add3A_3228 = arith.constant 848 : i32
    %add3A_3229 = vector.broadcast %add3A_3228 : i32 to vector<16xi32>
    %add3A_3230 = arith.addi %iota3A, %add3A_3229 : vector<16xi32>
    %masked_sort3A_3231 = arith.constant dense<true> : vector<16xi1>
    %masked_sort3A_3232, %masked_sort3A_3233, %masked_sort3A_3234 = tpu.sort %get3A_3227, %add3A_3230 masked %masked_sort3A_3231 {descending = true} : (vector<16xf32>, vector<16xi32>, vector<16xi1>) -> (vector<16xi1>, vector<16xf32>, vector<16xi32>)
    %rev3A_3235 = arith.constant 15 : i32
    %rev3A_3236 = vector.broadcast %rev3A_3235 : i32 to vector<16xi32>
    %rev3A_3237 = tpu.iota {dimensions = array<i32: 0>} : vector<16xi32>
    %rev3A_3238 = arith.subi %rev3A_3236, %rev3A_3237 : vector<16xi32>
    %rev3A_3239 = tpu.dynamic_gather %masked_sort3A_3233[%rev3A_3238] in [0] : vector<16xf32>, vector<16xi32> -> vector<16xf32>
    %rev3A_3240 = arith.constant 15 : i32
    %rev3A_3241 = vector.broadcast %rev3A_3240 : i32 to vector<16xi32>
    %rev3A_3242 = tpu.iota {dimensions = array<i32: 0>} : vector<16xi32>
    %rev3A_3243 = arith.subi %rev3A_3241, %rev3A_3242 : vector<16xi32>
    %rev3A_3244 = tpu.dynamic_gather %masked_sort3A_3234[%rev3A_3243] in [0] : vector<16xi32>, vector<16xi32> -> vector<16xi32>
    %ge3A_3245 = arith.cmpf oge, %masked_sort3A_3224, %rev3A_3239 : vector<16xf32>
    %select_n3A_3246 = arith.select %ge3A_3245, %masked_sort3A_3224, %rev3A_3239 : vector<16xi1>, vector<16xf32>
    %select_n3A_3247 = arith.select %ge3A_3245, %masked_sort3A_3225, %rev3A_3244 : vector<16xi1>, vector<16xi32>
    %masked_sort3A_3248 = arith.constant dense<true> : vector<16xi1>
    %masked_sort3A_3249, %masked_sort3A_3250, %masked_sort3A_3251 = tpu.sort %select_n3A_3246, %select_n3A_3247 masked %masked_sort3A_3248 {descending = true} : (vector<16xf32>, vector<16xi32>, vector<16xi1>) -> (vector<16xi1>, vector<16xf32>, vector<16xi32>)
    %get3A_3252 = arith.constant 864 : index
    %get3A_3253 = tpu.vector_load %arg5[%get3A_3252] {strides = array<i32>} : memref<1152xf32, #tpu.memory_space<vmem>>, vector<16xf32>,
    %add3A_3254 = arith.constant 864 : i32
    %add3A_3255 = vector.broadcast %add3A_3254 : i32 to vector<16xi32>
    %add3A_3256 = arith.addi %iota3A, %add3A_3255 : vector<16xi32>
    %masked_sort3A_3257 = arith.constant dense<true> : vector<16xi1>
    %masked_sort3A_3258, %masked_sort3A_3259, %masked_sort3A_3260 = tpu.sort %get3A_3253, %add3A_3256 masked %masked_sort3A_3257 {descending = true} : (vector<16xf32>, vector<16xi32>, vector<16xi1>) -> (vector<16xi1>, vector<16xf32>, vector<16xi32>)
    %rev3A_3261 = arith.constant 15 : i32
    %rev3A_3262 = vector.broadcast %rev3A_3261 : i32 to vector<16xi32>
    %rev3A_3263 = tpu.iota {dimensions = array<i32: 0>} : vector<16xi32>
    %rev3A_3264 = arith.subi %rev3A_3262, %rev3A_3263 : vector<16xi32>
    %rev3A_3265 = tpu.dynamic_gather %masked_sort3A_3259[%rev3A_3264] in [0] : vector<16xf32>, vector<16xi32> -> vector<16xf32>
    %rev3A_3266 = arith.constant 15 : i32
    %rev3A_3267 = vector.broadcast %rev3A_3266 : i32 to vector<16xi32>
    %rev3A_3268 = tpu.iota {dimensions = array<i32: 0>} : vector<16xi32>
    %rev3A_3269 = arith.subi %rev3A_3267, %rev3A_3268 : vector<16xi32>
    %rev3A_3270 = tpu.dynamic_gather %masked_sort3A_3260[%rev3A_3269] in [0] : vector<16xi32>, vector<16xi32> -> vector<16xi32>
    %ge3A_3271 = arith.cmpf oge, %masked_sort3A_3250, %rev3A_3265 : vector<16xf32>
    %select_n3A_3272 = arith.select %ge3A_3271, %masked_sort3A_3250, %rev3A_3265 : vector<16xi1>, vector<16xf32>
    %select_n3A_3273 = arith.select %ge3A_3271, %masked_sort3A_3251, %rev3A_3270 : vector<16xi1>, vector<16xi32>
    %masked_sort3A_3274 = arith.constant dense<true> : vector<16xi1>
    %masked_sort3A_3275, %masked_sort3A_3276, %masked_sort3A_3277 = tpu.sort %select_n3A_3272, %select_n3A_3273 masked %masked_sort3A_3274 {descending = true} : (vector<16xf32>, vector<16xi32>, vector<16xi1>) -> (vector<16xi1>, vector<16xf32>, vector<16xi32>)
    %get3A_3278 = arith.constant 880 : index
    %get3A_3279 = tpu.vector_load %arg5[%get3A_3278] {strides = array<i32>} : memref<1152xf32, #tpu.memory_space<vmem>>, vector<16xf32>,
    %add3A_3280 = arith.constant 880 : i32
    %add3A_3281 = vector.broadcast %add3A_3280 : i32 to vector<16xi32>
    %add3A_3282 = arith.addi %iota3A, %add3A_3281 : vector<16xi32>
    %masked_sort3A_3283 = arith.constant dense<true> : vector<16xi1>
    %masked_sort3A_3284, %masked_sort3A_3285, %masked_sort3A_3286 = tpu.sort %get3A_3279, %add3A_3282 masked %masked_sort3A_3283 {descending = true} : (vector<16xf32>, vector<16xi32>, vector<16xi1>) -> (vector<16xi1>, vector<16xf32>, vector<16xi32>)
    %rev3A_3287 = arith.constant 15 : i32
    %rev3A_3288 = vector.broadcast %rev3A_3287 : i32 to vector<16xi32>
    %rev3A_3289 = tpu.iota {dimensions = array<i32: 0>} : vector<16xi32>
    %rev3A_3290 = arith.subi %rev3A_3288, %rev3A_3289 : vector<16xi32>
    %rev3A_3291 = tpu.dynamic_gather %masked_sort3A_3285[%rev3A_3290] in [0] : vector<16xf32>, vector<16xi32> -> vector<16xf32>
    %rev3A_3292 = arith.constant 15 : i32
    %rev3A_3293 = vector.broadcast %rev3A_3292 : i32 to vector<16xi32>
    %rev3A_3294 = tpu.iota {dimensions = array<i32: 0>} : vector<16xi32>
    %rev3A_3295 = arith.subi %rev3A_3293, %rev3A_3294 : vector<16xi32>
    %rev3A_3296 = tpu.dynamic_gather %masked_sort3A_3286[%rev3A_3295] in [0] : vector<16xi32>, vector<16xi32> -> vector<16xi32>
    %ge3A_3297 = arith.cmpf oge, %masked_sort3A_3276, %rev3A_3291 : vector<16xf32>
    %select_n3A_3298 = arith.select %ge3A_3297, %masked_sort3A_3276, %rev3A_3291 : vector<16xi1>, vector<16xf32>
    %select_n3A_3299 = arith.select %ge3A_3297, %masked_sort3A_3277, %rev3A_3296 : vector<16xi1>, vector<16xi32>
    %masked_sort3A_3300 = arith.constant dense<true> : vector<16xi1>
    %masked_sort3A_3301, %masked_sort3A_3302, %masked_sort3A_3303 = tpu.sort %select_n3A_3298, %select_n3A_3299 masked %masked_sort3A_3300 {descending = true} : (vector<16xf32>, vector<16xi32>, vector<16xi1>) -> (vector<16xi1>, vector<16xf32>, vector<16xi32>)
    %get3A_3304 = arith.constant 896 : index
    %get3A_3305 = tpu.vector_load %arg5[%get3A_3304] {strides = array<i32>} : memref<1152xf32, #tpu.memory_space<vmem>>, vector<16xf32>,
    %add3A_3306 = arith.constant 896 : i32
    %add3A_3307 = vector.broadcast %add3A_3306 : i32 to vector<16xi32>
    %add3A_3308 = arith.addi %iota3A, %add3A_3307 : vector<16xi32>
    %masked_sort3A_3309 = arith.constant dense<true> : vector<16xi1>
    %masked_sort3A_3310, %masked_sort3A_3311, %masked_sort3A_3312 = tpu.sort %get3A_3305, %add3A_3308 masked %masked_sort3A_3309 {descending = true} : (vector<16xf32>, vector<16xi32>, vector<16xi1>) -> (vector<16xi1>, vector<16xf32>, vector<16xi32>)
    %rev3A_3313 = arith.constant 15 : i32
    %rev3A_3314 = vector.broadcast %rev3A_3313 : i32 to vector<16xi32>
    %rev3A_3315 = tpu.iota {dimensions = array<i32: 0>} : vector<16xi32>
    %rev3A_3316 = arith.subi %rev3A_3314, %rev3A_3315 : vector<16xi32>
    %rev3A_3317 = tpu.dynamic_gather %masked_sort3A_3311[%rev3A_3316] in [0] : vector<16xf32>, vector<16xi32> -> vector<16xf32>
    %rev3A_3318 = arith.constant 15 : i32
    %rev3A_3319 = vector.broadcast %rev3A_3318 : i32 to vector<16xi32>
    %rev3A_3320 = tpu.iota {dimensions = array<i32: 0>} : vector<16xi32>
    %rev3A_3321 = arith.subi %rev3A_3319, %rev3A_3320 : vector<16xi32>
    %rev3A_3322 = tpu.dynamic_gather %masked_sort3A_3312[%rev3A_3321] in [0] : vector<16xi32>, vector<16xi32> -> vector<16xi32>
    %ge3A_3323 = arith.cmpf oge, %masked_sort3A_3302, %rev3A_3317 : vector<16xf32>
    %select_n3A_3324 = arith.select %ge3A_3323, %masked_sort3A_3302, %rev3A_3317 : vector<16xi1>, vector<16xf32>
    %select_n3A_3325 = arith.select %ge3A_3323, %masked_sort3A_3303, %rev3A_3322 : vector<16xi1>, vector<16xi32>
    %masked_sort3A_3326 = arith.constant dense<true> : vector<16xi1>
    %masked_sort3A_3327, %masked_sort3A_3328, %masked_sort3A_3329 = tpu.sort %select_n3A_3324, %select_n3A_3325 masked %masked_sort3A_3326 {descending = true} : (vector<16xf32>, vector<16xi32>, vector<16xi1>) -> (vector<16xi1>, vector<16xf32>, vector<16xi32>)
    %get3A_3330 = arith.constant 912 : index
    %get3A_3331 = tpu.vector_load %arg5[%get3A_3330] {strides = array<i32>} : memref<1152xf32, #tpu.memory_space<vmem>>, vector<16xf32>,
    %add3A_3332 = arith.constant 912 : i32
    %add3A_3333 = vector.broadcast %add3A_3332 : i32 to vector<16xi32>
    %add3A_3334 = arith.addi %iota3A, %add3A_3333 : vector<16xi32>
    %masked_sort3A_3335 = arith.constant dense<true> : vector<16xi1>
    %masked_sort3A_3336, %masked_sort3A_3337, %masked_sort3A_3338 = tpu.sort %get3A_3331, %add3A_3334 masked %masked_sort3A_3335 {descending = true} : (vector<16xf32>, vector<16xi32>, vector<16xi1>) -> (vector<16xi1>, vector<16xf32>, vector<16xi32>)
    %rev3A_3339 = arith.constant 15 : i32
    %rev3A_3340 = vector.broadcast %rev3A_3339 : i32 to vector<16xi32>
    %rev3A_3341 = tpu.iota {dimensions = array<i32: 0>} : vector<16xi32>
    %rev3A_3342 = arith.subi %rev3A_3340, %rev3A_3341 : vector<16xi32>
    %rev3A_3343 = tpu.dynamic_gather %masked_sort3A_3337[%rev3A_3342] in [0] : vector<16xf32>, vector<16xi32> -> vector<16xf32>
    %rev3A_3344 = arith.constant 15 : i32
    %rev3A_3345 = vector.broadcast %rev3A_3344 : i32 to vector<16xi32>
    %rev3A_3346 = tpu.iota {dimensions = array<i32: 0>} : vector<16xi32>
    %rev3A_3347 = arith.subi %rev3A_3345, %rev3A_3346 : vector<16xi32>
    %rev3A_3348 = tpu.dynamic_gather %masked_sort3A_3338[%rev3A_3347] in [0] : vector<16xi32>, vector<16xi32> -> vector<16xi32>
    %ge3A_3349 = arith.cmpf oge, %masked_sort3A_3328, %rev3A_3343 : vector<16xf32>
    %select_n3A_3350 = arith.select %ge3A_3349, %masked_sort3A_3328, %rev3A_3343 : vector<16xi1>, vector<16xf32>
    %select_n3A_3351 = arith.select %ge3A_3349, %masked_sort3A_3329, %rev3A_3348 : vector<16xi1>, vector<16xi32>
    %masked_sort3A_3352 = arith.constant dense<true> : vector<16xi1>
    %masked_sort3A_3353, %masked_sort3A_3354, %masked_sort3A_3355 = tpu.sort %select_n3A_3350, %select_n3A_3351 masked %masked_sort3A_3352 {descending = true} : (vector<16xf32>, vector<16xi32>, vector<16xi1>) -> (vector<16xi1>, vector<16xf32>, vector<16xi32>)
    %get3A_3356 = arith.constant 928 : index
    %get3A_3357 = tpu.vector_load %arg5[%get3A_3356] {strides = array<i32>} : memref<1152xf32, #tpu.memory_space<vmem>>, vector<16xf32>,
    %add3A_3358 = arith.constant 928 : i32
    %add3A_3359 = vector.broadcast %add3A_3358 : i32 to vector<16xi32>
    %add3A_3360 = arith.addi %iota3A, %add3A_3359 : vector<16xi32>
    %masked_sort3A_3361 = arith.constant dense<true> : vector<16xi1>
    %masked_sort3A_3362, %masked_sort3A_3363, %masked_sort3A_3364 = tpu.sort %get3A_3357, %add3A_3360 masked %masked_sort3A_3361 {descending = true} : (vector<16xf32>, vector<16xi32>, vector<16xi1>) -> (vector<16xi1>, vector<16xf32>, vector<16xi32>)
    %rev3A_3365 = arith.constant 15 : i32
    %rev3A_3366 = vector.broadcast %rev3A_3365 : i32 to vector<16xi32>
    %rev3A_3367 = tpu.iota {dimensions = array<i32: 0>} : vector<16xi32>
    %rev3A_3368 = arith.subi %rev3A_3366, %rev3A_3367 : vector<16xi32>
    %rev3A_3369 = tpu.dynamic_gather %masked_sort3A_3363[%rev3A_3368] in [0] : vector<16xf32>, vector<16xi32> -> vector<16xf32>
    %rev3A_3370 = arith.constant 15 : i32
    %rev3A_3371 = vector.broadcast %rev3A_3370 : i32 to vector<16xi32>
    %rev3A_3372 = tpu.iota {dimensions = array<i32: 0>} : vector<16xi32>
    %rev3A_3373 = arith.subi %rev3A_3371, %rev3A_3372 : vector<16xi32>
    %rev3A_3374 = tpu.dynamic_gather %masked_sort3A_3364[%rev3A_3373] in [0] : vector<16xi32>, vector<16xi32> -> vector<16xi32>
    %ge3A_3375 = arith.cmpf oge, %masked_sort3A_3354, %rev3A_3369 : vector<16xf32>
    %select_n3A_3376 = arith.select %ge3A_3375, %masked_sort3A_3354, %rev3A_3369 : vector<16xi1>, vector<16xf32>
    %select_n3A_3377 = arith.select %ge3A_3375, %masked_sort3A_3355, %rev3A_3374 : vector<16xi1>, vector<16xi32>
    %masked_sort3A_3378 = arith.constant dense<true> : vector<16xi1>
    %masked_sort3A_3379, %masked_sort3A_3380, %masked_sort3A_3381 = tpu.sort %select_n3A_3376, %select_n3A_3377 masked %masked_sort3A_3378 {descending = true} : (vector<16xf32>, vector<16xi32>, vector<16xi1>) -> (vector<16xi1>, vector<16xf32>, vector<16xi32>)
    %get3A_3382 = arith.constant 944 : index
    %get3A_3383 = tpu.vector_load %arg5[%get3A_3382] {strides = array<i32>} : memref<1152xf32, #tpu.memory_space<vmem>>, vector<16xf32>,
    %add3A_3384 = arith.constant 944 : i32
    %add3A_3385 = vector.broadcast %add3A_3384 : i32 to vector<16xi32>
    %add3A_3386 = arith.addi %iota3A, %add3A_3385 : vector<16xi32>
    %masked_sort3A_3387 = arith.constant dense<true> : vector<16xi1>
    %masked_sort3A_3388, %masked_sort3A_3389, %masked_sort3A_3390 = tpu.sort %get3A_3383, %add3A_3386 masked %masked_sort3A_3387 {descending = true} : (vector<16xf32>, vector<16xi32>, vector<16xi1>) -> (vector<16xi1>, vector<16xf32>, vector<16xi32>)
    %rev3A_3391 = arith.constant 15 : i32
    %rev3A_3392 = vector.broadcast %rev3A_3391 : i32 to vector<16xi32>
    %rev3A_3393 = tpu.iota {dimensions = array<i32: 0>} : vector<16xi32>
    %rev3A_3394 = arith.subi %rev3A_3392, %rev3A_3393 : vector<16xi32>
    %rev3A_3395 = tpu.dynamic_gather %masked_sort3A_3389[%rev3A_3394] in [0] : vector<16xf32>, vector<16xi32> -> vector<16xf32>
    %rev3A_3396 = arith.constant 15 : i32
    %rev3A_3397 = vector.broadcast %rev3A_3396 : i32 to vector<16xi32>
    %rev3A_3398 = tpu.iota {dimensions = array<i32: 0>} : vector<16xi32>
    %rev3A_3399 = arith.subi %rev3A_3397, %rev3A_3398 : vector<16xi32>
    %rev3A_3400 = tpu.dynamic_gather %masked_sort3A_3390[%rev3A_3399] in [0] : vector<16xi32>, vector<16xi32> -> vector<16xi32>
    %ge3A_3401 = arith.cmpf oge, %masked_sort3A_3380, %rev3A_3395 : vector<16xf32>
    %select_n3A_3402 = arith.select %ge3A_3401, %masked_sort3A_3380, %rev3A_3395 : vector<16xi1>, vector<16xf32>
    %select_n3A_3403 = arith.select %ge3A_3401, %masked_sort3A_3381, %rev3A_3400 : vector<16xi1>, vector<16xi32>
    %masked_sort3A_3404 = arith.constant dense<true> : vector<16xi1>
    %masked_sort3A_3405, %masked_sort3A_3406, %masked_sort3A_3407 = tpu.sort %select_n3A_3402, %select_n3A_3403 masked %masked_sort3A_3404 {descending = true} : (vector<16xf32>, vector<16xi32>, vector<16xi1>) -> (vector<16xi1>, vector<16xf32>, vector<16xi32>)
    %get3A_3408 = arith.constant 960 : index
    %get3A_3409 = tpu.vector_load %arg5[%get3A_3408] {strides = array<i32>} : memref<1152xf32, #tpu.memory_space<vmem>>, vector<16xf32>,
    %add3A_3410 = arith.constant 960 : i32
    %add3A_3411 = vector.broadcast %add3A_3410 : i32 to vector<16xi32>
    %add3A_3412 = arith.addi %iota3A, %add3A_3411 : vector<16xi32>
    %masked_sort3A_3413 = arith.constant dense<true> : vector<16xi1>
    %masked_sort3A_3414, %masked_sort3A_3415, %masked_sort3A_3416 = tpu.sort %get3A_3409, %add3A_3412 masked %masked_sort3A_3413 {descending = true} : (vector<16xf32>, vector<16xi32>, vector<16xi1>) -> (vector<16xi1>, vector<16xf32>, vector<16xi32>)
    %rev3A_3417 = arith.constant 15 : i32
    %rev3A_3418 = vector.broadcast %rev3A_3417 : i32 to vector<16xi32>
    %rev3A_3419 = tpu.iota {dimensions = array<i32: 0>} : vector<16xi32>
    %rev3A_3420 = arith.subi %rev3A_3418, %rev3A_3419 : vector<16xi32>
    %rev3A_3421 = tpu.dynamic_gather %masked_sort3A_3415[%rev3A_3420] in [0] : vector<16xf32>, vector<16xi32> -> vector<16xf32>
    %rev3A_3422 = arith.constant 15 : i32
    %rev3A_3423 = vector.broadcast %rev3A_3422 : i32 to vector<16xi32>
    %rev3A_3424 = tpu.iota {dimensions = array<i32: 0>} : vector<16xi32>
    %rev3A_3425 = arith.subi %rev3A_3423, %rev3A_3424 : vector<16xi32>
    %rev3A_3426 = tpu.dynamic_gather %masked_sort3A_3416[%rev3A_3425] in [0] : vector<16xi32>, vector<16xi32> -> vector<16xi32>
    %ge3A_3427 = arith.cmpf oge, %masked_sort3A_3406, %rev3A_3421 : vector<16xf32>
    %select_n3A_3428 = arith.select %ge3A_3427, %masked_sort3A_3406, %rev3A_3421 : vector<16xi1>, vector<16xf32>
    %select_n3A_3429 = arith.select %ge3A_3427, %masked_sort3A_3407, %rev3A_3426 : vector<16xi1>, vector<16xi32>
    %masked_sort3A_3430 = arith.constant dense<true> : vector<16xi1>
    %masked_sort3A_3431, %masked_sort3A_3432, %masked_sort3A_3433 = tpu.sort %select_n3A_3428, %select_n3A_3429 masked %masked_sort3A_3430 {descending = true} : (vector<16xf32>, vector<16xi32>, vector<16xi1>) -> (vector<16xi1>, vector<16xf32>, vector<16xi32>)
    %get3A_3434 = arith.constant 976 : index
    %get3A_3435 = tpu.vector_load %arg5[%get3A_3434] {strides = array<i32>} : memref<1152xf32, #tpu.memory_space<vmem>>, vector<16xf32>,
    %add3A_3436 = arith.constant 976 : i32
    %add3A_3437 = vector.broadcast %add3A_3436 : i32 to vector<16xi32>
    %add3A_3438 = arith.addi %iota3A, %add3A_3437 : vector<16xi32>
    %masked_sort3A_3439 = arith.constant dense<true> : vector<16xi1>
    %masked_sort3A_3440, %masked_sort3A_3441, %masked_sort3A_3442 = tpu.sort %get3A_3435, %add3A_3438 masked %masked_sort3A_3439 {descending = true} : (vector<16xf32>, vector<16xi32>, vector<16xi1>) -> (vector<16xi1>, vector<16xf32>, vector<16xi32>)
    %rev3A_3443 = arith.constant 15 : i32
    %rev3A_3444 = vector.broadcast %rev3A_3443 : i32 to vector<16xi32>
    %rev3A_3445 = tpu.iota {dimensions = array<i32: 0>} : vector<16xi32>
    %rev3A_3446 = arith.subi %rev3A_3444, %rev3A_3445 : vector<16xi32>
    %rev3A_3447 = tpu.dynamic_gather %masked_sort3A_3441[%rev3A_3446] in [0] : vector<16xf32>, vector<16xi32> -> vector<16xf32>
    %rev3A_3448 = arith.constant 15 : i32
    %rev3A_3449 = vector.broadcast %rev3A_3448 : i32 to vector<16xi32>
    %rev3A_3450 = tpu.iota {dimensions = array<i32: 0>} : vector<16xi32>
    %rev3A_3451 = arith.subi %rev3A_3449, %rev3A_3450 : vector<16xi32>
    %rev3A_3452 = tpu.dynamic_gather %masked_sort3A_3442[%rev3A_3451] in [0] : vector<16xi32>, vector<16xi32> -> vector<16xi32>
    %ge3A_3453 = arith.cmpf oge, %masked_sort3A_3432, %rev3A_3447 : vector<16xf32>
    %select_n3A_3454 = arith.select %ge3A_3453, %masked_sort3A_3432, %rev3A_3447 : vector<16xi1>, vector<16xf32>
    %select_n3A_3455 = arith.select %ge3A_3453, %masked_sort3A_3433, %rev3A_3452 : vector<16xi1>, vector<16xi32>
    %masked_sort3A_3456 = arith.constant dense<true> : vector<16xi1>
    %masked_sort3A_3457, %masked_sort3A_3458, %masked_sort3A_3459 = tpu.sort %select_n3A_3454, %select_n3A_3455 masked %masked_sort3A_3456 {descending = true} : (vector<16xf32>, vector<16xi32>, vector<16xi1>) -> (vector<16xi1>, vector<16xf32>, vector<16xi32>)
    %get3A_3460 = arith.constant 992 : index
    %get3A_3461 = tpu.vector_load %arg5[%get3A_3460] {strides = array<i32>} : memref<1152xf32, #tpu.memory_space<vmem>>, vector<16xf32>,
    %add3A_3462 = arith.constant 992 : i32
    %add3A_3463 = vector.broadcast %add3A_3462 : i32 to vector<16xi32>
    %add3A_3464 = arith.addi %iota3A, %add3A_3463 : vector<16xi32>
    %masked_sort3A_3465 = arith.constant dense<true> : vector<16xi1>
    %masked_sort3A_3466, %masked_sort3A_3467, %masked_sort3A_3468 = tpu.sort %get3A_3461, %add3A_3464 masked %masked_sort3A_3465 {descending = true} : (vector<16xf32>, vector<16xi32>, vector<16xi1>) -> (vector<16xi1>, vector<16xf32>, vector<16xi32>)
    %rev3A_3469 = arith.constant 15 : i32
    %rev3A_3470 = vector.broadcast %rev3A_3469 : i32 to vector<16xi32>
    %rev3A_3471 = tpu.iota {dimensions = array<i32: 0>} : vector<16xi32>
    %rev3A_3472 = arith.subi %rev3A_3470, %rev3A_3471 : vector<16xi32>
    %rev3A_3473 = tpu.dynamic_gather %masked_sort3A_3467[%rev3A_3472] in [0] : vector<16xf32>, vector<16xi32> -> vector<16xf32>
    %rev3A_3474 = arith.constant 15 : i32
    %rev3A_3475 = vector.broadcast %rev3A_3474 : i32 to vector<16xi32>
    %rev3A_3476 = tpu.iota {dimensions = array<i32: 0>} : vector<16xi32>
    %rev3A_3477 = arith.subi %rev3A_3475, %rev3A_3476 : vector<16xi32>
    %rev3A_3478 = tpu.dynamic_gather %masked_sort3A_3468[%rev3A_3477] in [0] : vector<16xi32>, vector<16xi32> -> vector<16xi32>
    %ge3A_3479 = arith.cmpf oge, %masked_sort3A_3458, %rev3A_3473 : vector<16xf32>
    %select_n3A_3480 = arith.select %ge3A_3479, %masked_sort3A_3458, %rev3A_3473 : vector<16xi1>, vector<16xf32>
    %select_n3A_3481 = arith.select %ge3A_3479, %masked_sort3A_3459, %rev3A_3478 : vector<16xi1>, vector<16xi32>
    %masked_sort3A_3482 = arith.constant dense<true> : vector<16xi1>
    %masked_sort3A_3483, %masked_sort3A_3484, %masked_sort3A_3485 = tpu.sort %select_n3A_3480, %select_n3A_3481 masked %masked_sort3A_3482 {descending = true} : (vector<16xf32>, vector<16xi32>, vector<16xi1>) -> (vector<16xi1>, vector<16xf32>, vector<16xi32>)
    %get3A_3486 = arith.constant 1008 : index
    %get3A_3487 = tpu.vector_load %arg5[%get3A_3486] {strides = array<i32>} : memref<1152xf32, #tpu.memory_space<vmem>>, vector<16xf32>,
    %add3A_3488 = arith.constant 1008 : i32
    %add3A_3489 = vector.broadcast %add3A_3488 : i32 to vector<16xi32>
    %add3A_3490 = arith.addi %iota3A, %add3A_3489 : vector<16xi32>
    %masked_sort3A_3491 = arith.constant dense<true> : vector<16xi1>
    %masked_sort3A_3492, %masked_sort3A_3493, %masked_sort3A_3494 = tpu.sort %get3A_3487, %add3A_3490 masked %masked_sort3A_3491 {descending = true} : (vector<16xf32>, vector<16xi32>, vector<16xi1>) -> (vector<16xi1>, vector<16xf32>, vector<16xi32>)
    %rev3A_3495 = arith.constant 15 : i32
    %rev3A_3496 = vector.broadcast %rev3A_3495 : i32 to vector<16xi32>
    %rev3A_3497 = tpu.iota {dimensions = array<i32: 0>} : vector<16xi32>
    %rev3A_3498 = arith.subi %rev3A_3496, %rev3A_3497 : vector<16xi32>
    %rev3A_3499 = tpu.dynamic_gather %masked_sort3A_3493[%rev3A_3498] in [0] : vector<16xf32>, vector<16xi32> -> vector<16xf32>
    %rev3A_3500 = arith.constant 15 : i32
    %rev3A_3501 = vector.broadcast %rev3A_3500 : i32 to vector<16xi32>
    %rev3A_3502 = tpu.iota {dimensions = array<i32: 0>} : vector<16xi32>
    %rev3A_3503 = arith.subi %rev3A_3501, %rev3A_3502 : vector<16xi32>
    %rev3A_3504 = tpu.dynamic_gather %masked_sort3A_3494[%rev3A_3503] in [0] : vector<16xi32>, vector<16xi32> -> vector<16xi32>
    %ge3A_3505 = arith.cmpf oge, %masked_sort3A_3484, %rev3A_3499 : vector<16xf32>
    %select_n3A_3506 = arith.select %ge3A_3505, %masked_sort3A_3484, %rev3A_3499 : vector<16xi1>, vector<16xf32>
    %select_n3A_3507 = arith.select %ge3A_3505, %masked_sort3A_3485, %rev3A_3504 : vector<16xi1>, vector<16xi32>
    %masked_sort3A_3508 = arith.constant dense<true> : vector<16xi1>
    %masked_sort3A_3509, %masked_sort3A_3510, %masked_sort3A_3511 = tpu.sort %select_n3A_3506, %select_n3A_3507 masked %masked_sort3A_3508 {descending = true} : (vector<16xf32>, vector<16xi32>, vector<16xi1>) -> (vector<16xi1>, vector<16xf32>, vector<16xi32>)
    %get3A_3512 = arith.constant 1024 : index
    %get3A_3513 = tpu.vector_load %arg5[%get3A_3512] {strides = array<i32>} : memref<1152xf32, #tpu.memory_space<vmem>>, vector<16xf32>,
    %add3A_3514 = arith.constant 1024 : i32
    %add3A_3515 = vector.broadcast %add3A_3514 : i32 to vector<16xi32>
    %add3A_3516 = arith.addi %iota3A, %add3A_3515 : vector<16xi32>
    %masked_sort3A_3517 = arith.constant dense<true> : vector<16xi1>
    %masked_sort3A_3518, %masked_sort3A_3519, %masked_sort3A_3520 = tpu.sort %get3A_3513, %add3A_3516 masked %masked_sort3A_3517 {descending = true} : (vector<16xf32>, vector<16xi32>, vector<16xi1>) -> (vector<16xi1>, vector<16xf32>, vector<16xi32>)
    %rev3A_3521 = arith.constant 15 : i32
    %rev3A_3522 = vector.broadcast %rev3A_3521 : i32 to vector<16xi32>
    %rev3A_3523 = tpu.iota {dimensions = array<i32: 0>} : vector<16xi32>
    %rev3A_3524 = arith.subi %rev3A_3522, %rev3A_3523 : vector<16xi32>
    %rev3A_3525 = tpu.dynamic_gather %masked_sort3A_3519[%rev3A_3524] in [0] : vector<16xf32>, vector<16xi32> -> vector<16xf32>
    %rev3A_3526 = arith.constant 15 : i32
    %rev3A_3527 = vector.broadcast %rev3A_3526 : i32 to vector<16xi32>
    %rev3A_3528 = tpu.iota {dimensions = array<i32: 0>} : vector<16xi32>
    %rev3A_3529 = arith.subi %rev3A_3527, %rev3A_3528 : vector<16xi32>
    %rev3A_3530 = tpu.dynamic_gather %masked_sort3A_3520[%rev3A_3529] in [0] : vector<16xi32>, vector<16xi32> -> vector<16xi32>
    %ge3A_3531 = arith.cmpf oge, %masked_sort3A_3510, %rev3A_3525 : vector<16xf32>
    %select_n3A_3532 = arith.select %ge3A_3531, %masked_sort3A_3510, %rev3A_3525 : vector<16xi1>, vector<16xf32>
    %select_n3A_3533 = arith.select %ge3A_3531, %masked_sort3A_3511, %rev3A_3530 : vector<16xi1>, vector<16xi32>
    %masked_sort3A_3534 = arith.constant dense<true> : vector<16xi1>
    %masked_sort3A_3535, %masked_sort3A_3536, %masked_sort3A_3537 = tpu.sort %select_n3A_3532, %select_n3A_3533 masked %masked_sort3A_3534 {descending = true} : (vector<16xf32>, vector<16xi32>, vector<16xi1>) -> (vector<16xi1>, vector<16xf32>, vector<16xi32>)
    %get3A_3538 = arith.constant 1040 : index
    %get3A_3539 = tpu.vector_load %arg5[%get3A_3538] {strides = array<i32>} : memref<1152xf32, #tpu.memory_space<vmem>>, vector<16xf32>,
    %add3A_3540 = arith.constant 1040 : i32
    %add3A_3541 = vector.broadcast %add3A_3540 : i32 to vector<16xi32>
    %add3A_3542 = arith.addi %iota3A, %add3A_3541 : vector<16xi32>
    %masked_sort3A_3543 = arith.constant dense<true> : vector<16xi1>
    %masked_sort3A_3544, %masked_sort3A_3545, %masked_sort3A_3546 = tpu.sort %get3A_3539, %add3A_3542 masked %masked_sort3A_3543 {descending = true} : (vector<16xf32>, vector<16xi32>, vector<16xi1>) -> (vector<16xi1>, vector<16xf32>, vector<16xi32>)
    %rev3A_3547 = arith.constant 15 : i32
    %rev3A_3548 = vector.broadcast %rev3A_3547 : i32 to vector<16xi32>
    %rev3A_3549 = tpu.iota {dimensions = array<i32: 0>} : vector<16xi32>
    %rev3A_3550 = arith.subi %rev3A_3548, %rev3A_3549 : vector<16xi32>
    %rev3A_3551 = tpu.dynamic_gather %masked_sort3A_3545[%rev3A_3550] in [0] : vector<16xf32>, vector<16xi32> -> vector<16xf32>
    %rev3A_3552 = arith.constant 15 : i32
    %rev3A_3553 = vector.broadcast %rev3A_3552 : i32 to vector<16xi32>
    %rev3A_3554 = tpu.iota {dimensions = array<i32: 0>} : vector<16xi32>
    %rev3A_3555 = arith.subi %rev3A_3553, %rev3A_3554 : vector<16xi32>
    %rev3A_3556 = tpu.dynamic_gather %masked_sort3A_3546[%rev3A_3555] in [0] : vector<16xi32>, vector<16xi32> -> vector<16xi32>
    %ge3A_3557 = arith.cmpf oge, %masked_sort3A_3536, %rev3A_3551 : vector<16xf32>
    %select_n3A_3558 = arith.select %ge3A_3557, %masked_sort3A_3536, %rev3A_3551 : vector<16xi1>, vector<16xf32>
    %select_n3A_3559 = arith.select %ge3A_3557, %masked_sort3A_3537, %rev3A_3556 : vector<16xi1>, vector<16xi32>
    %masked_sort3A_3560 = arith.constant dense<true> : vector<16xi1>
    %masked_sort3A_3561, %masked_sort3A_3562, %masked_sort3A_3563 = tpu.sort %select_n3A_3558, %select_n3A_3559 masked %masked_sort3A_3560 {descending = true} : (vector<16xf32>, vector<16xi32>, vector<16xi1>) -> (vector<16xi1>, vector<16xf32>, vector<16xi32>)
    %get3A_3564 = arith.constant 1056 : index
    %get3A_3565 = tpu.vector_load %arg5[%get3A_3564] {strides = array<i32>} : memref<1152xf32, #tpu.memory_space<vmem>>, vector<16xf32>,
    %add3A_3566 = arith.constant 1056 : i32
    %add3A_3567 = vector.broadcast %add3A_3566 : i32 to vector<16xi32>
    %add3A_3568 = arith.addi %iota3A, %add3A_3567 : vector<16xi32>
    %masked_sort3A_3569 = arith.constant dense<true> : vector<16xi1>
    %masked_sort3A_3570, %masked_sort3A_3571, %masked_sort3A_3572 = tpu.sort %get3A_3565, %add3A_3568 masked %masked_sort3A_3569 {descending = true} : (vector<16xf32>, vector<16xi32>, vector<16xi1>) -> (vector<16xi1>, vector<16xf32>, vector<16xi32>)
    %rev3A_3573 = arith.constant 15 : i32
    %rev3A_3574 = vector.broadcast %rev3A_3573 : i32 to vector<16xi32>
    %rev3A_3575 = tpu.iota {dimensions = array<i32: 0>} : vector<16xi32>
    %rev3A_3576 = arith.subi %rev3A_3574, %rev3A_3575 : vector<16xi32>
    %rev3A_3577 = tpu.dynamic_gather %masked_sort3A_3571[%rev3A_3576] in [0] : vector<16xf32>, vector<16xi32> -> vector<16xf32>
    %rev3A_3578 = arith.constant 15 : i32
    %rev3A_3579 = vector.broadcast %rev3A_3578 : i32 to vector<16xi32>
    %rev3A_3580 = tpu.iota {dimensions = array<i32: 0>} : vector<16xi32>
    %rev3A_3581 = arith.subi %rev3A_3579, %rev3A_3580 : vector<16xi32>
    %rev3A_3582 = tpu.dynamic_gather %masked_sort3A_3572[%rev3A_3581] in [0] : vector<16xi32>, vector<16xi32> -> vector<16xi32>
    %ge3A_3583 = arith.cmpf oge, %masked_sort3A_3562, %rev3A_3577 : vector<16xf32>
    %select_n3A_3584 = arith.select %ge3A_3583, %masked_sort3A_3562, %rev3A_3577 : vector<16xi1>, vector<16xf32>
    %select_n3A_3585 = arith.select %ge3A_3583, %masked_sort3A_3563, %rev3A_3582 : vector<16xi1>, vector<16xi32>
    %masked_sort3A_3586 = arith.constant dense<true> : vector<16xi1>
    %masked_sort3A_3587, %masked_sort3A_3588, %masked_sort3A_3589 = tpu.sort %select_n3A_3584, %select_n3A_3585 masked %masked_sort3A_3586 {descending = true} : (vector<16xf32>, vector<16xi32>, vector<16xi1>) -> (vector<16xi1>, vector<16xf32>, vector<16xi32>)
    %get3A_3590 = arith.constant 1072 : index
    %get3A_3591 = tpu.vector_load %arg5[%get3A_3590] {strides = array<i32>} : memref<1152xf32, #tpu.memory_space<vmem>>, vector<16xf32>,
    %add3A_3592 = arith.constant 1072 : i32
    %add3A_3593 = vector.broadcast %add3A_3592 : i32 to vector<16xi32>
    %add3A_3594 = arith.addi %iota3A, %add3A_3593 : vector<16xi32>
    %masked_sort3A_3595 = arith.constant dense<true> : vector<16xi1>
    %masked_sort3A_3596, %masked_sort3A_3597, %masked_sort3A_3598 = tpu.sort %get3A_3591, %add3A_3594 masked %masked_sort3A_3595 {descending = true} : (vector<16xf32>, vector<16xi32>, vector<16xi1>) -> (vector<16xi1>, vector<16xf32>, vector<16xi32>)
    %rev3A_3599 = arith.constant 15 : i32
    %rev3A_3600 = vector.broadcast %rev3A_3599 : i32 to vector<16xi32>
    %rev3A_3601 = tpu.iota {dimensions = array<i32: 0>} : vector<16xi32>
    %rev3A_3602 = arith.subi %rev3A_3600, %rev3A_3601 : vector<16xi32>
    %rev3A_3603 = tpu.dynamic_gather %masked_sort3A_3597[%rev3A_3602] in [0] : vector<16xf32>, vector<16xi32> -> vector<16xf32>
    %rev3A_3604 = arith.constant 15 : i32
    %rev3A_3605 = vector.broadcast %rev3A_3604 : i32 to vector<16xi32>
    %rev3A_3606 = tpu.iota {dimensions = array<i32: 0>} : vector<16xi32>
    %rev3A_3607 = arith.subi %rev3A_3605, %rev3A_3606 : vector<16xi32>
    %rev3A_3608 = tpu.dynamic_gather %masked_sort3A_3598[%rev3A_3607] in [0] : vector<16xi32>, vector<16xi32> -> vector<16xi32>
    %ge3A_3609 = arith.cmpf oge, %masked_sort3A_3588, %rev3A_3603 : vector<16xf32>
    %select_n3A_3610 = arith.select %ge3A_3609, %masked_sort3A_3588, %rev3A_3603 : vector<16xi1>, vector<16xf32>
    %select_n3A_3611 = arith.select %ge3A_3609, %masked_sort3A_3589, %rev3A_3608 : vector<16xi1>, vector<16xi32>
    %masked_sort3A_3612 = arith.constant dense<true> : vector<16xi1>
    %masked_sort3A_3613, %masked_sort3A_3614, %masked_sort3A_3615 = tpu.sort %select_n3A_3610, %select_n3A_3611 masked %masked_sort3A_3612 {descending = true} : (vector<16xf32>, vector<16xi32>, vector<16xi1>) -> (vector<16xi1>, vector<16xf32>, vector<16xi32>)
    %get3A_3616 = arith.constant 1088 : index
    %get3A_3617 = tpu.vector_load %arg5[%get3A_3616] {strides = array<i32>} : memref<1152xf32, #tpu.memory_space<vmem>>, vector<16xf32>,
    %add3A_3618 = arith.constant 1088 : i32
    %add3A_3619 = vector.broadcast %add3A_3618 : i32 to vector<16xi32>
    %add3A_3620 = arith.addi %iota3A, %add3A_3619 : vector<16xi32>
    %masked_sort3A_3621 = arith.constant dense<true> : vector<16xi1>
    %masked_sort3A_3622, %masked_sort3A_3623, %masked_sort3A_3624 = tpu.sort %get3A_3617, %add3A_3620 masked %masked_sort3A_3621 {descending = true} : (vector<16xf32>, vector<16xi32>, vector<16xi1>) -> (vector<16xi1>, vector<16xf32>, vector<16xi32>)
    %rev3A_3625 = arith.constant 15 : i32
    %rev3A_3626 = vector.broadcast %rev3A_3625 : i32 to vector<16xi32>
    %rev3A_3627 = tpu.iota {dimensions = array<i32: 0>} : vector<16xi32>
    %rev3A_3628 = arith.subi %rev3A_3626, %rev3A_3627 : vector<16xi32>
    %rev3A_3629 = tpu.dynamic_gather %masked_sort3A_3623[%rev3A_3628] in [0] : vector<16xf32>, vector<16xi32> -> vector<16xf32>
    %rev3A_3630 = arith.constant 15 : i32
    %rev3A_3631 = vector.broadcast %rev3A_3630 : i32 to vector<16xi32>
    %rev3A_3632 = tpu.iota {dimensions = array<i32: 0>} : vector<16xi32>
    %rev3A_3633 = arith.subi %rev3A_3631, %rev3A_3632 : vector<16xi32>
    %rev3A_3634 = tpu.dynamic_gather %masked_sort3A_3624[%rev3A_3633] in [0] : vector<16xi32>, vector<16xi32> -> vector<16xi32>
    %ge3A_3635 = arith.cmpf oge, %masked_sort3A_3614, %rev3A_3629 : vector<16xf32>
    %select_n3A_3636 = arith.select %ge3A_3635, %masked_sort3A_3614, %rev3A_3629 : vector<16xi1>, vector<16xf32>
    %select_n3A_3637 = arith.select %ge3A_3635, %masked_sort3A_3615, %rev3A_3634 : vector<16xi1>, vector<16xi32>
    %masked_sort3A_3638 = arith.constant dense<true> : vector<16xi1>
    %masked_sort3A_3639, %masked_sort3A_3640, %masked_sort3A_3641 = tpu.sort %select_n3A_3636, %select_n3A_3637 masked %masked_sort3A_3638 {descending = true} : (vector<16xf32>, vector<16xi32>, vector<16xi1>) -> (vector<16xi1>, vector<16xf32>, vector<16xi32>)
    %get3A_3642 = arith.constant 1104 : index
    %get3A_3643 = tpu.vector_load %arg5[%get3A_3642] {strides = array<i32>} : memref<1152xf32, #tpu.memory_space<vmem>>, vector<16xf32>,
    %add3A_3644 = arith.constant 1104 : i32
    %add3A_3645 = vector.broadcast %add3A_3644 : i32 to vector<16xi32>
    %add3A_3646 = arith.addi %iota3A, %add3A_3645 : vector<16xi32>
    %masked_sort3A_3647 = arith.constant dense<true> : vector<16xi1>
    %masked_sort3A_3648, %masked_sort3A_3649, %masked_sort3A_3650 = tpu.sort %get3A_3643, %add3A_3646 masked %masked_sort3A_3647 {descending = true} : (vector<16xf32>, vector<16xi32>, vector<16xi1>) -> (vector<16xi1>, vector<16xf32>, vector<16xi32>)
    %rev3A_3651 = arith.constant 15 : i32
    %rev3A_3652 = vector.broadcast %rev3A_3651 : i32 to vector<16xi32>
    %rev3A_3653 = tpu.iota {dimensions = array<i32: 0>} : vector<16xi32>
    %rev3A_3654 = arith.subi %rev3A_3652, %rev3A_3653 : vector<16xi32>
    %rev3A_3655 = tpu.dynamic_gather %masked_sort3A_3649[%rev3A_3654] in [0] : vector<16xf32>, vector<16xi32> -> vector<16xf32>
    %rev3A_3656 = arith.constant 15 : i32
    %rev3A_3657 = vector.broadcast %rev3A_3656 : i32 to vector<16xi32>
    %rev3A_3658 = tpu.iota {dimensions = array<i32: 0>} : vector<16xi32>
    %rev3A_3659 = arith.subi %rev3A_3657, %rev3A_3658 : vector<16xi32>
    %rev3A_3660 = tpu.dynamic_gather %masked_sort3A_3650[%rev3A_3659] in [0] : vector<16xi32>, vector<16xi32> -> vector<16xi32>
    %ge3A_3661 = arith.cmpf oge, %masked_sort3A_3640, %rev3A_3655 : vector<16xf32>
    %select_n3A_3662 = arith.select %ge3A_3661, %masked_sort3A_3640, %rev3A_3655 : vector<16xi1>, vector<16xf32>
    %select_n3A_3663 = arith.select %ge3A_3661, %masked_sort3A_3641, %rev3A_3660 : vector<16xi1>, vector<16xi32>
    %masked_sort3A_3664 = arith.constant dense<true> : vector<16xi1>
    %masked_sort3A_3665, %masked_sort3A_3666, %masked_sort3A_3667 = tpu.sort %select_n3A_3662, %select_n3A_3663 masked %masked_sort3A_3664 {descending = true} : (vector<16xf32>, vector<16xi32>, vector<16xi1>) -> (vector<16xi1>, vector<16xf32>, vector<16xi32>)
    %get3A_3668 = arith.constant 1120 : index
    %get3A_3669 = tpu.vector_load %arg5[%get3A_3668] {strides = array<i32>} : memref<1152xf32, #tpu.memory_space<vmem>>, vector<16xf32>,
    %add3A_3670 = arith.constant 1120 : i32
    %add3A_3671 = vector.broadcast %add3A_3670 : i32 to vector<16xi32>
    %add3A_3672 = arith.addi %iota3A, %add3A_3671 : vector<16xi32>
    %masked_sort3A_3673 = arith.constant dense<true> : vector<16xi1>
    %masked_sort3A_3674, %masked_sort3A_3675, %masked_sort3A_3676 = tpu.sort %get3A_3669, %add3A_3672 masked %masked_sort3A_3673 {descending = true} : (vector<16xf32>, vector<16xi32>, vector<16xi1>) -> (vector<16xi1>, vector<16xf32>, vector<16xi32>)
    %rev3A_3677 = arith.constant 15 : i32
    %rev3A_3678 = vector.broadcast %rev3A_3677 : i32 to vector<16xi32>
    %rev3A_3679 = tpu.iota {dimensions = array<i32: 0>} : vector<16xi32>
    %rev3A_3680 = arith.subi %rev3A_3678, %rev3A_3679 : vector<16xi32>
    %rev3A_3681 = tpu.dynamic_gather %masked_sort3A_3675[%rev3A_3680] in [0] : vector<16xf32>, vector<16xi32> -> vector<16xf32>
    %rev3A_3682 = arith.constant 15 : i32
    %rev3A_3683 = vector.broadcast %rev3A_3682 : i32 to vector<16xi32>
    %rev3A_3684 = tpu.iota {dimensions = array<i32: 0>} : vector<16xi32>
    %rev3A_3685 = arith.subi %rev3A_3683, %rev3A_3684 : vector<16xi32>
    %rev3A_3686 = tpu.dynamic_gather %masked_sort3A_3676[%rev3A_3685] in [0] : vector<16xi32>, vector<16xi32> -> vector<16xi32>
    %ge3A_3687 = arith.cmpf oge, %masked_sort3A_3666, %rev3A_3681 : vector<16xf32>
    %select_n3A_3688 = arith.select %ge3A_3687, %masked_sort3A_3666, %rev3A_3681 : vector<16xi1>, vector<16xf32>
    %select_n3A_3689 = arith.select %ge3A_3687, %masked_sort3A_3667, %rev3A_3686 : vector<16xi1>, vector<16xi32>
    %masked_sort3A_3690 = arith.constant dense<true> : vector<16xi1>
    %masked_sort3A_3691, %masked_sort3A_3692, %masked_sort3A_3693 = tpu.sort %select_n3A_3688, %select_n3A_3689 masked %masked_sort3A_3690 {descending = true} : (vector<16xf32>, vector<16xi32>, vector<16xi1>) -> (vector<16xi1>, vector<16xf32>, vector<16xi32>)
    %get3A_3694 = arith.constant 1136 : index
    %get3A_3695 = tpu.vector_load %arg5[%get3A_3694] {strides = array<i32>} : memref<1152xf32, #tpu.memory_space<vmem>>, vector<16xf32>,
    %add3A_3696 = arith.constant 1136 : i32
    %add3A_3697 = vector.broadcast %add3A_3696 : i32 to vector<16xi32>
    %add3A_3698 = arith.addi %iota3A, %add3A_3697 : vector<16xi32>
    %masked_sort3A_3699 = arith.constant dense<true> : vector<16xi1>
    %masked_sort3A_3700, %masked_sort3A_3701, %masked_sort3A_3702 = tpu.sort %get3A_3695, %add3A_3698 masked %masked_sort3A_3699 {descending = true} : (vector<16xf32>, vector<16xi32>, vector<16xi1>) -> (vector<16xi1>, vector<16xf32>, vector<16xi32>)
    %rev3A_3703 = arith.constant 15 : i32
    %rev3A_3704 = vector.broadcast %rev3A_3703 : i32 to vector<16xi32>
    %rev3A_3705 = tpu.iota {dimensions = array<i32: 0>} : vector<16xi32>
    %rev3A_3706 = arith.subi %rev3A_3704, %rev3A_3705 : vector<16xi32>
    %rev3A_3707 = tpu.dynamic_gather %masked_sort3A_3701[%rev3A_3706] in [0] : vector<16xf32>, vector<16xi32> -> vector<16xf32>
    %rev3A_3708 = arith.constant 15 : i32
    %rev3A_3709 = vector.broadcast %rev3A_3708 : i32 to vector<16xi32>
    %rev3A_3710 = tpu.iota {dimensions = array<i32: 0>} : vector<16xi32>
    %rev3A_3711 = arith.subi %rev3A_3709, %rev3A_3710 : vector<16xi32>
    %rev3A_3712 = tpu.dynamic_gather %masked_sort3A_3702[%rev3A_3711] in [0] : vector<16xi32>, vector<16xi32> -> vector<16xi32>
    %ge3A_3713 = arith.cmpf oge, %masked_sort3A_3692, %rev3A_3707 : vector<16xf32>
    %select_n3A_3714 = arith.select %ge3A_3713, %masked_sort3A_3692, %rev3A_3707 : vector<16xi1>, vector<16xf32>
    %select_n3A_3715 = arith.select %ge3A_3713, %masked_sort3A_3693, %rev3A_3712 : vector<16xi1>, vector<16xi32>
    %masked_sort3A_3716 = arith.constant dense<true> : vector<16xi1>
    %masked_sort3A_3717, %masked_sort3A_3718, %masked_sort3A_3719 = tpu.sort %select_n3A_3714, %select_n3A_3715 masked %masked_sort3A_3716 {descending = true} : (vector<16xf32>, vector<16xi32>, vector<16xi1>) -> (vector<16xi1>, vector<16xf32>, vector<16xi32>)
    %mul3A_3720 = arith.constant 64 : i32
    %mul3A_3721 = vector.broadcast %mul3A_3720 : i32 to vector<16xi32>
    %mul3A_3722 = arith.muli %masked_sort3A_3719, %mul3A_3721 : vector<16xi32>
    %add3A_3723 = arith.constant 0 : i32
    %add3A_3724 = arith.addi %add3A_3723, %add3A_1867 : i32
    %add3A_3725 = vector.broadcast %add3A_3724 : i32 to vector<16xi32>
    %add3A_3726 = arith.addi %mul3A_3722, %add3A_3725 : vector<16xi32>
    %swap3A_3727 = arith.constant 0 : index
    %swap3A_3728 = tpu.vector_load %arg6[%swap3A_3727] {strides = array<i32>} : memref<16xi32, #tpu.memory_space<vmem>>, vector<16xi32>,
    tpu.vector_store %arg6[%swap3A_3727], %add3A_3726 {strides = array<i32>} : memref<16xi32, #tpu.memory_space<vmem>>, vector<16xi32>,
    %dma_start3A_3729 = arith.constant 0 : i32
    %dma_start3A_3730 = arith.constant 0 : i32
    %dma_start3A_3731 = tpu.memref_slice %arg3[%dma_start3A_3729, %dma_start3A_3730] : memref<65600x768xf32, #tpu.memory_space<hbm>> -> memref<65600x768xf32, #tpu.memory_space<hbm>>
    tpu.enqueue_indirect_dma source(%dma_start3A_3731 : memref<65600x768xf32, #tpu.memory_space<hbm>>) target(%arg7 : memref<16x768xf32, #tpu.memory_space<vmem>>) offsets(%arg6 : memref<16xi32, #tpu.memory_space<vmem>>) semaphore(%arg8 : memref<!tpu.dma_semaphore, #tpu.memory_space<semaphore_mem>>)
    %dma_wait3A_3732 = arith.constant 0 : i32
    %dma_wait3A_3733 = arith.constant 0 : i32
    %dma_wait3A_3734 = tpu.memref_slice %arg3[%dma_wait3A_3732, %dma_wait3A_3733] : memref<65600x768xf32, #tpu.memory_space<hbm>> -> memref<65600x768xf32, #tpu.memory_space<hbm>>
    tpu.wait_indirect_dma semaphore(%arg8 : memref<!tpu.dma_semaphore, #tpu.memory_space<semaphore_mem>>) src(%dma_wait3A_3734 : memref<65600x768xf32, #tpu.memory_space<hbm>>) dst(%arg7 : memref<16x768xf32, #tpu.memory_space<vmem>>)
    "tpu.region"() ({
      %run_scoped3A = tpu.sem_alloc : memref<!tpu.dma_semaphore, #tpu.memory_space<semaphore_mem>>
      %dma_start3A_3735 = arith.constant 0 : i32
      %dma_start3A_3736 = arith.constant 0 : i32
      %dma_start3A_3737 = tpu.memref_slice %arg7[%dma_start3A_3735, %dma_start3A_3736] : memref<16x768xf32, #tpu.memory_space<vmem>> -> memref<8x768xf32, #tpu.memory_space<vmem>>
      %dma_start3A_3738 = arith.constant 0 : i32
      %dma_start3A_3739 = arith.constant 0 : i32
      %dma_start3A_3740 = tpu.memref_slice %arg4[%add3A_1867, %dma_start3A_3738, %dma_start3A_3739] : memref<64x8x768xf32, #tpu.memory_space<hbm>> -> memref<1x8x768xf32, #tpu.memory_space<hbm>>
      %dma_start3A_3741 = tpu.memref_squeeze %dma_start3A_3740 : memref<1x8x768xf32, #tpu.memory_space<hbm>> -> memref<8x768xf32, #tpu.memory_space<hbm>>
      %dma_start3A_3742 = arith.constant 0 : i32
      %dma_start3A_3743 = arith.constant 0 : i32
      %dma_start3A_3744 = tpu.memref_slice %arg4[%add3A_1867, %dma_start3A_3742, %dma_start3A_3743] : memref<64x8x768xf32, #tpu.memory_space<hbm>> -> memref<1x8x768xf32, #tpu.memory_space<hbm>>
      %dma_start3A_3745 = tpu.memref_squeeze %dma_start3A_3744 : memref<1x8x768xf32, #tpu.memory_space<hbm>> -> memref<8x768xf32, #tpu.memory_space<hbm>>
      %dma_start3A_3746 = arith.constant 0 : i32
      %dma_start3A_3747 = arith.constant 0 : i32
      %dma_start3A_3748 = tpu.memref_slice %arg7[%dma_start3A_3746, %dma_start3A_3747] : memref<16x768xf32, #tpu.memory_space<vmem>> -> memref<8x768xf32, #tpu.memory_space<vmem>>
      tpu.enqueue_dma source(%dma_start3A_3748 : memref<8x768xf32, #tpu.memory_space<vmem>>) target(%dma_start3A_3745 : memref<8x768xf32, #tpu.memory_space<hbm>>) target_semaphore(%run_scoped3A : memref<!tpu.dma_semaphore, #tpu.memory_space<semaphore_mem>>)
      %dma_wait3A_3749 = arith.constant 0 : i32
      %dma_wait3A_3750 = arith.constant 0 : i32
      %dma_wait3A_3751 = tpu.memref_slice %arg7[%dma_wait3A_3749, %dma_wait3A_3750] : memref<16x768xf32, #tpu.memory_space<vmem>> -> memref<8x768xf32, #tpu.memory_space<vmem>>
      %dma_wait3A_3752 = arith.constant 0 : i32
      %dma_wait3A_3753 = arith.constant 0 : i32
      %dma_wait3A_3754 = tpu.memref_slice %arg4[%add3A_1867, %dma_wait3A_3752, %dma_wait3A_3753] : memref<64x8x768xf32, #tpu.memory_space<hbm>> -> memref<1x8x768xf32, #tpu.memory_space<hbm>>
      %dma_wait3A_3755 = tpu.memref_squeeze %dma_wait3A_3754 : memref<1x8x768xf32, #tpu.memory_space<hbm>> -> memref<8x768xf32, #tpu.memory_space<hbm>>
      %dma_wait3A_3756 = arith.constant 0 : i32
      %dma_wait3A_3757 = arith.constant 0 : i32
      %dma_wait3A_3758 = tpu.memref_slice %arg4[%add3A_1867, %dma_wait3A_3756, %dma_wait3A_3757] : memref<64x8x768xf32, #tpu.memory_space<hbm>> -> memref<1x8x768xf32, #tpu.memory_space<hbm>>
      %dma_wait3A_3759 = tpu.memref_squeeze %dma_wait3A_3758 : memref<1x8x768xf32, #tpu.memory_space<hbm>> -> memref<8x768xf32, #tpu.memory_space<hbm>>
      %dma_wait3A_3760 = arith.constant 0 : i32
      %dma_wait3A_3761 = arith.constant 0 : i32
      %dma_wait3A_3762 = tpu.memref_slice %arg7[%dma_wait3A_3760, %dma_wait3A_3761] : memref<16x768xf32, #tpu.memory_space<vmem>> -> memref<8x768xf32, #tpu.memory_space<vmem>>
      tpu.wait_dma2 semaphore(%run_scoped3A : memref<!tpu.dma_semaphore, #tpu.memory_space<semaphore_mem>>) src(%dma_wait3A_3762 : memref<8x768xf32, #tpu.memory_space<vmem>>) dst(%dma_wait3A_3759 : memref<8x768xf32, #tpu.memory_space<hbm>>)
      tpu.yield
    }) : () -> ()
    return
  }
}

module attributes {stable_mosaic.version = 14 : i64} {
  func.func @_dist_body(%arg0: i32, %arg1: i32, %arg2: memref<64x32x768xf32, #tpu.memory_space<vmem>>, %arg3: memref<64x32x768xf32, #tpu.memory_space<vmem>>, %arg4: memref<1x32x768xf32, #tpu.memory_space<vmem>>, %arg5: memref<32x128xf32, #tpu.memory_space<vmem>>) attributes {dimension_semantics = [#tpu.dimension_semantics<arbitrary>, #tpu.dimension_semantics<arbitrary>], iteration_bounds = array<i64: 9, 2>, scalar_prefetch = 0 : i64, scratch_operands = 0 : i64, tpu.core_type = #tpu.core_type<tc>, window_params = [{transform_indices = @transform_0, window_bounds = array<i64: 64, 32, 768>}, {transform_indices = @transform_1, window_bounds = array<i64: 64, 32, 768>}, {transform_indices = @transform_2, window_bounds = array<i64: 1, 32, 768>}, {transform_indices = @transform_3, window_bounds = array<i64: 32, 128>}]} {
    %get3A = arith.constant 0 : index
    %get3A_0 = arith.constant 0 : index
    %get3A_1 = arith.constant 0 : index
    %get3A_2 = vector.load %arg4[%get3A, %get3A_0, %get3A_1] : memref<1x32x768xf32, #tpu.memory_space<vmem>>, vector<1x32x768xf32>
    %mul3A = arith.mulf %get3A_2, %get3A_2 : vector<1x32x768xf32>
    %reduce_sum3A = arith.constant dense<0.000000e+00> : vector<1x32xf32>
    %reduce_sum3A_3 = vector.multi_reduction <add>, %mul3A, %reduce_sum3A [2] : vector<1x32x768xf32> to vector<1x32xf32>
    %sqrt3A = math.sqrt %reduce_sum3A_3 : vector<1x32xf32>
    %get3A_4 = arith.constant 0 : index
    %get3A_5 = arith.constant 0 : index
    %get3A_6 = arith.constant 0 : index
    %get3A_7 = vector.load %arg2[%get3A_4, %get3A_5, %get3A_6] : memref<64x32x768xf32, #tpu.memory_space<vmem>>, vector<64x32x768xf32>
    %mul3A_8 = vector.broadcast %get3A_2 : vector<1x32x768xf32> to vector<64x32x768xf32>
    %mul3A_9 = arith.mulf %get3A_7, %mul3A_8 : vector<64x32x768xf32>
    %reduce_sum3A_10 = arith.constant dense<0.000000e+00> : vector<64x32xf32>
    %reduce_sum3A_11 = vector.multi_reduction <add>, %mul3A_9, %reduce_sum3A_10 [2] : vector<64x32x768xf32> to vector<64x32xf32>
    %mul3A_12 = arith.mulf %get3A_7, %get3A_7 : vector<64x32x768xf32>
    %reduce_sum3A_13 = arith.constant dense<0.000000e+00> : vector<64x32xf32>
    %reduce_sum3A_14 = vector.multi_reduction <add>, %mul3A_12, %reduce_sum3A_13 [2] : vector<64x32x768xf32> to vector<64x32xf32>
    %sqrt3A_15 = math.sqrt %reduce_sum3A_14 : vector<64x32xf32>
    %mul3A_16 = vector.broadcast %sqrt3A : vector<1x32xf32> to vector<64x32xf32>
    %mul3A_17 = arith.mulf %mul3A_16, %sqrt3A_15 : vector<64x32xf32>
    %max3A = arith.constant 9.99999993E-9 : f32
    %max3A_18 = vector.broadcast %max3A : f32 to vector<64x32xf32>
    %max3A_19 = arith.maximumf %mul3A_17, %max3A_18 : vector<64x32xf32>
    %div3A = arith.divf %reduce_sum3A_11, %max3A_19 : vector<64x32xf32>
    %mul3A_20 = arith.constant 128 : i32
    %mul3A_21 = arith.muli %arg0, %mul3A_20 : i32
    %add3A = arith.constant 0 : i32
    %add3A_22 = arith.addi %mul3A_21, %add3A : i32
    %iota3A = tpu.iota {dimensions = array<i32: 0>} : vector<64x32xi32>
    %add3A_23 = vector.broadcast %add3A_22 : i32 to vector<64x32xi32>
    %add3A_24 = arith.addi %add3A_23, %iota3A : vector<64x32xi32>
    %gt3A = arith.constant 0 : i32
    %gt3A_25 = vector.broadcast %gt3A : i32 to vector<64x32xi32>
    %gt3A_26 = arith.cmpi sgt, %add3A_24, %gt3A_25 : vector<64x32xi32>
    %lt3A = arith.constant 1025 : i32
    %lt3A_27 = vector.broadcast %lt3A : i32 to vector<64x32xi32>
    %lt3A_28 = arith.cmpi slt, %add3A_24, %lt3A_27 : vector<64x32xi32>
    %and3A = arith.andi %gt3A_26, %lt3A_28 : vector<64x32xi1>
    %jit3A = arith.constant 0xFF800000 : f32
    %broadcast_in_dim3A = vector.broadcast %jit3A : f32 to vector<64x32xf32>
    %select_n3A = arith.select %and3A, %div3A, %broadcast_in_dim3A : vector<64x32xi1>, vector<64x32xf32>
    %get3A_29 = arith.constant 0 : index
    %get3A_30 = arith.constant 0 : index
    %get3A_31 = arith.constant 0 : index
    %get3A_32 = vector.load %arg3[%get3A_29, %get3A_30, %get3A_31] : memref<64x32x768xf32, #tpu.memory_space<vmem>>, vector<64x32x768xf32>
    %mul3A_33 = vector.broadcast %get3A_2 : vector<1x32x768xf32> to vector<64x32x768xf32>
    %mul3A_34 = arith.mulf %get3A_32, %mul3A_33 : vector<64x32x768xf32>
    %reduce_sum3A_35 = arith.constant dense<0.000000e+00> : vector<64x32xf32>
    %reduce_sum3A_36 = vector.multi_reduction <add>, %mul3A_34, %reduce_sum3A_35 [2] : vector<64x32x768xf32> to vector<64x32xf32>
    %mul3A_37 = arith.mulf %get3A_32, %get3A_32 : vector<64x32x768xf32>
    %reduce_sum3A_38 = arith.constant dense<0.000000e+00> : vector<64x32xf32>
    %reduce_sum3A_39 = vector.multi_reduction <add>, %mul3A_37, %reduce_sum3A_38 [2] : vector<64x32x768xf32> to vector<64x32xf32>
    %sqrt3A_40 = math.sqrt %reduce_sum3A_39 : vector<64x32xf32>
    %mul3A_41 = vector.broadcast %sqrt3A : vector<1x32xf32> to vector<64x32xf32>
    %mul3A_42 = arith.mulf %mul3A_41, %sqrt3A_40 : vector<64x32xf32>
    %max3A_43 = arith.constant 9.99999993E-9 : f32
    %max3A_44 = vector.broadcast %max3A_43 : f32 to vector<64x32xf32>
    %max3A_45 = arith.maximumf %mul3A_42, %max3A_44 : vector<64x32xf32>
    %div3A_46 = arith.divf %reduce_sum3A_36, %max3A_45 : vector<64x32xf32>
    %mul3A_47 = arith.constant 128 : i32
    %mul3A_48 = arith.muli %arg0, %mul3A_47 : i32
    %add3A_49 = arith.constant 64 : i32
    %add3A_50 = arith.addi %mul3A_48, %add3A_49 : i32
    %iota3A_51 = tpu.iota {dimensions = array<i32: 0>} : vector<64x32xi32>
    %add3A_52 = vector.broadcast %add3A_50 : i32 to vector<64x32xi32>
    %add3A_53 = arith.addi %add3A_52, %iota3A_51 : vector<64x32xi32>
    %gt3A_54 = arith.constant 0 : i32
    %gt3A_55 = vector.broadcast %gt3A_54 : i32 to vector<64x32xi32>
    %gt3A_56 = arith.cmpi sgt, %add3A_53, %gt3A_55 : vector<64x32xi32>
    %lt3A_57 = arith.constant 1025 : i32
    %lt3A_58 = vector.broadcast %lt3A_57 : i32 to vector<64x32xi32>
    %lt3A_59 = arith.cmpi slt, %add3A_53, %lt3A_58 : vector<64x32xi32>
    %and3A_60 = arith.andi %gt3A_56, %lt3A_59 : vector<64x32xi1>
    %jit3A_61 = arith.constant 0xFF800000 : f32
    %broadcast_in_dim3A_62 = vector.broadcast %jit3A_61 : f32 to vector<64x32xf32>
    %select_n3A_63 = arith.select %and3A_60, %div3A_46, %broadcast_in_dim3A_62 : vector<64x32xi1>, vector<64x32xf32>
    %concatenate3A = tpu.concatenate %select_n3A, %select_n3A_63 in 0 : vector<64x32xf32>, vector<64x32xf32> -> vector<128x32xf32>
    %transpose3A = tpu.transpose %concatenate3A, [1, 0] : vector<128x32xf32> -> vector<32x128xf32>
    %swap3A = arith.constant 0 : index
    %swap3A_64 = arith.constant 0 : index
    %swap3A_65 = vector.load %arg5[%swap3A, %swap3A_64] : memref<32x128xf32, #tpu.memory_space<vmem>>, vector<32x128xf32>
    tpu.vector_store %arg5[%swap3A, %swap3A_64], %transpose3A {strides = array<i32>} : memref<32x128xf32, #tpu.memory_space<vmem>>, vector<32x128xf32>,
    return
  }
  func.func @transform_0(%arg0: i32, %arg1: i32) -> (i32, i32, i32) {
    %mul3A = arith.constant 2 : i32
    %mul3A_0 = arith.muli %mul3A, %arg0 : i32
    %add3A = arith.constant 0 : i32
    %add3A_1 = arith.addi %mul3A_0, %add3A : i32
    %min3A = arith.constant 16 : i32
    %min3A_2 = arith.minsi %add3A_1, %min3A : i32
    %add3A_3 = arith.constant 0 : i32
    %add3A_4 = arith.addi %arg1, %add3A_3 : i32
    %c0_i32 = arith.constant 0 : i32
    %c0_i32_5 = arith.constant 0 : i32
    return %min3A_2, %add3A_4, %c0_i32 : i32, i32, i32
  }
  func.func @transform_1(%arg0: i32, %arg1: i32) -> (i32, i32, i32) {
    %mul3A = arith.constant 2 : i32
    %mul3A_0 = arith.muli %mul3A, %arg0 : i32
    %add3A = arith.constant 1 : i32
    %add3A_1 = arith.addi %mul3A_0, %add3A : i32
    %min3A = arith.constant 16 : i32
    %min3A_2 = arith.minsi %add3A_1, %min3A : i32
    %add3A_3 = arith.constant 0 : i32
    %add3A_4 = arith.addi %arg1, %add3A_3 : i32
    %c0_i32 = arith.constant 0 : i32
    %c0_i32_5 = arith.constant 0 : i32
    return %min3A_2, %add3A_4, %c0_i32 : i32, i32, i32
  }
  func.func @transform_2(%arg0: i32, %arg1: i32) -> (i32, i32, i32) {
    %add3A = arith.constant 0 : i32
    %add3A_0 = arith.addi %arg1, %add3A : i32
    %c0_i32 = arith.constant 0 : i32
    %c0_i32_1 = arith.constant 0 : i32
    %c0_i32_2 = arith.constant 0 : i32
    return %c0_i32, %add3A_0, %c0_i32_1 : i32, i32, i32
  }
  func.func @transform_3(%arg0: i32, %arg1: i32) -> (i32, i32) {
    %c0_i32 = arith.constant 0 : i32
    return %arg1, %arg0 : i32, i32
  }
}

</mosaic_0001>

<sc_bundles>
// kernel: kernel.4.cloned.1.call-start
scs
__scs_entry_jumppad:
0x0: {  	(pc) =	sbr.rel $0x88, $3  }
0x1: {  	(tag) =	ssettag $0x0;
	lr =	simm.s32 $0x1  }
0x2: {  	[smem:$0x3FA0] =	sst lr;
	_ =	strace $0xD0000000  }
0x3: {  	_ = 	snop  }
0x4: {  	_ = 	snop  }
0x5: {  	_ = 	snop  }
0x6: {  	_ = 	snop  }
0x7: {  	_ = 	snop  }
__scs_overlays_trampoline_lowered:
0x8: {  	[smem:$0x3FAF] =	sst s0  }
0x9: {  	[smem:$0x3FB0] =	sst s1  }
0xa: {  	[smem:$0x3FB1] =	sst s2  }
0xb: {  	[smem:$0x3FB2] =	sst s3  }
0xc: {  	[smem:$0x3FB3] =	sst s4  }
0xd: {  	[smem:$0x3FB4] =	sst s5  }
0xe: {  	[smem:$0x3FB5] =	sst s6  }
0xf: {  	[smem:$0x3FB6] =	sst s7  }
0x10: {  	[smem:$0x3FB7] =	sst s8  }
0x11: {  	[smem:$0x3FB8] =	sst s9;
	s0 =	simm.s32 @!p0 $0x0  }
0x12: {  	s1 =	sld [smem:$0x3F9E];
	s0 =	simm.s32 @p0 $0x1  }
0x13: {  	[smem:$0x3FB9] =	sst s0;
	s0 =	simm.s32 @!p1 $0x0  }
0x14: {  	s2 =	sld [smem:$0x3F9D];
	s0 =	simm.s32 @p1 $0x1  }
0x15: {  	[smem:$0x3FBA] =	sst s0;
	s0 =	simm.s32 @!p2 $0x0  }
0x16: {  	s3 =	sld [smem:$0x3FDB];
	s0 =	simm.s32 @p2 $0x1  }
0x17: {  	s4 =	simm.s32 $0x1BF5;
	[smem:$0x3FBC] =	sst s0  }
0x18: {  	s0 =	sld [smem:$0x3F9F];
	_ =	swait.ge [sflag:s4], $0x0  }
0x19: {  	s7 =	sld [smem:$0x3FA0]  }
0x1a: {  	s8 =	sadd.s32 $0xFFFFE003, lr  }
0x1b: {  	s9 =	sadd.s32 $0xFFFFFEF7, lr;
	s5 =	simm.s32 $0xFFFFFFFF;
	p2 =	slt.u32 s8, $0xFFFFF086  }
0x1c: {  	p1 =	slt.u32 s9, $0xF7A;
	s5 =	simm.s32 @!p2 $0x0  }
0x1d: {  	s5 =	simm.s32 @p1 $0x1;
	p0 =	seq.s32 s7, s2  }
0x1e: {  	s7 =	smul.u32 @!p0 $0xF7A, s2;
	p2 =	seq.s32 @!p0 s5, $0x0  }
0x1f: {  	s9 =	smul.u32 $0xF7A, s1;
	s8 =	simm.s32 @!p0 $0x1BF5;
	p2 =	por !p2, p0  }
0x20: {  	[sflag:s8] =	ssyncset.s32 @!p0 $0xFFFFF086;
	s6 =	sadd.s32 @!p0 s3, s7;
	s7 =	simm.s32 @!p0 $0x108  }
0x21: {  	s3 =	sadd.s32 s3, s9;
	s6 =	sadd.s32 @!p0 $0x88, s6;
	s7 =	simm.s32 @p2 $0x1082  }
0x22: {  	[simem:s7], [sflag:s8] =	dma.local @!p0 [hbm:s6], $0xF7A  }
0x23: {  	s9 =	sor.u32 $0xD0000000, s2;
	s6 =	simm.s32 $0x108;
	_ =	swait.ge @!p0 [sflag:s8], $0x0  }
0x24: {  	s3 =	sadd.s32 $0x88, s3;
	s6 =	simm.s32 @!p1 $0x1082;
	[sflag:s4] =	ssyncset.s32 $0xFFFFF086  }
0x25: {  	[simem:s6], [sflag:s4] =	dma.local [hbm:s3], $0xF7A  }
0x26: {  	[smem:$0x3FA0] =	sst s1;
	(tag) =	ssettag s2;
	_ =	strace s9  }
0x27: {  	s1 =	sld [smem:$0x3FB0]  }
0x28: {  	s2 =	sld [smem:$0x3FB1]  }
0x29: {  	s4 =	sld [smem:$0x3FB3]  }
0x2a: {  	p0 =	seq.s32 s5, $0x0;
	s5 =	sld [smem:$0x3FB4]  }
0x2b: {  	s6 =	sld [smem:$0x3FB5]  }
0x2c: {  	s7 =	sld [smem:$0x3FB6]  }
0x2d: {  	s3 =	simm.s32 $0x108;
	s8 =	sld [smem:$0x3FB7]  }
0x2e: {  	s3 =	simm.s32 @!p0 $0x1082;
	s9 =	sld [smem:$0x3FB8]  }
0x2f: {  	lr =	sadd.s32 s0, s3;
	s0 =	sld [smem:$0x3FAF]  }
0x30: {  	s3 =	sld [smem:$0x3FB2]  }
0x31: {  	[smem:$0x3FBB] =	sst s10  }
0x32: {  	s10 =	sld [smem:$0x3FB9];
	_ =	sdelay $0x3  }
0x33: {  	p0 =	seq.s32 s10, $0x1;
	s10 =	sld [smem:$0x3FBB];
	_ =	sdelay $0x3  }
0x34: {  	[smem:$0x3FBB] =	sst s10  }
0x35: {  	s10 =	sld [smem:$0x3FBA];
	_ =	sdelay $0x3  }
0x36: {  	p1 =	seq.s32 s10, $0x1;
	s10 =	sld [smem:$0x3FBB];
	_ =	sdelay $0x3  }
0x37: {  	[smem:$0x3FBB] =	sst s10  }
0x38: {  	s10 =	sld [smem:$0x3FBC]  }
0x39: {  	_ = 	snop;
	(pc) =	sbr.ind lr, $3  }
0x3a: {  	_ = 	snop  }
0x3b: {  	_ = 	snop  }
0x3c: {  	p2 =	seq.s32 s10, $0x1;
	s10 =	sld [smem:$0x3FBB]  }
0x3d: {  	_ =	shalt  }
0x3e: {  	_ =	shalt  }
0x3f: {  	_ =	shalt  }
0x40: {  	_ =	shalt  }
0x41: {  	_ =	shalt  }
0x42: {  	_ =	shalt  }
0x43: {  	_ =	shalt  }
0x44: {  	_ =	shalt  }
0x45: {  	_ =	shalt  }
0x46: {  	_ =	shalt  }
0x47: {  	_ =	shalt  }
0x48: {  	_ =	shalt  }
0x49: {  	_ =	shalt  }
0x4a: {  	_ =	shalt  }
0x4b: {  	_ =	shalt  }
0x4c: {  	_ =	shalt  }
0x4d: {  	_ =	shalt  }
0x4e: {  	_ =	shalt  }
0x4f: {  	_ =	shalt  }
0x50: {  	_ =	shalt  }
0x51: {  	_ =	shalt  }
0x52: {  	_ =	shalt  }
0x53: {  	_ =	shalt  }
0x54: {  	_ =	shalt  }
0x55: {  	_ =	shalt  }
0x56: {  	_ =	shalt  }
0x57: {  	_ =	shalt  }
0x58: {  	_ =	shalt  }
0x59: {  	_ =	shalt  }
0x5a: {  	_ =	shalt  }
0x5b: {  	_ =	shalt  }
0x5c: {  	_ =	shalt  }
0x5d: {  	_ =	shalt  }
0x5e: {  	_ =	shalt  }
0x5f: {  	_ =	shalt  }
0x60: {  	_ =	shalt  }
0x61: {  	_ =	shalt  }
0x62: {  	_ =	shalt  }
0x63: {  	_ =	shalt  }
0x64: {  	_ =	shalt  }
0x65: {  	_ =	shalt  }
0x66: {  	_ =	shalt  }
0x67: {  	_ =	shalt  }
0x68: {  	_ =	shalt  }
0x69: {  	_ =	shalt  }
0x6a: {  	_ =	shalt  }
0x6b: {  	_ =	shalt  }
0x6c: {  	_ =	shalt  }
0x6d: {  	_ =	shalt  }
0x6e: {  	_ =	shalt  }
0x6f: {  	_ =	shalt  }
0x70: {  	_ =	shalt  }
0x71: {  	_ =	shalt  }
0x72: {  	_ =	shalt  }
0x73: {  	_ =	shalt  }
0x74: {  	_ =	shalt  }
0x75: {  	_ =	shalt  }
0x76: {  	_ =	shalt  }
0x77: {  	_ =	shalt  }
0x78: {  	_ =	shalt  }
0x79: {  	_ =	shalt  }
0x7a: {  	_ =	shalt  }
0x7b: {  	_ =	shalt  }
0x7c: {  	_ =	shalt  }
0x7d: {  	_ =	shalt  }
0x7e: {  	_ =	shalt  }
0x7f: {  	_ =	shalt  }
0x80: {  	_ =	shalt  }
0x81: {  	_ =	shalt  }
0x82: {  	_ =	shalt  }
0x83: {  	_ =	shalt  }
0x84: {  	_ =	shalt  }
0x85: {  	_ =	shalt  }
0x86: {  	_ =	shalt  }
0x87: {  	_ =	shalt  }
.Lfunc_end0:
.L_simem_size_0:
called_computation_lowered:
.L_overlay_start_0:
0x88: {  	s2 =	sld [smem:$0x3FD9]  }
0x89: {  	s3 =	sld [smem:$0x3FFE];
	_ =	sdelay $0x1  }
0x8a: {  	s1 =	srdreg.scid  }
0x8b: {  	s0 =	sand.u32 $0x1, s1  }
0x8c: {  	s17 =	sshll.u32 s0, $0xA;
	s2 =	sadd.s32 s3, s2  }
0x8d: {  	s2 =	sadd.s32 s2, s17  }
0x8e: {  	[smem:$0x3FC7] =	sst s2  }
0x8f: {  	_ = 	snop  }
0x90: {  	s2 =	sld [smem:$0x3FC9]  }
0x91: {  	s18 =	sld [smem:$0x3FD0];
	(tm) =	ssettm $0x1  }
0x92: {  	s4 =	sld [smem:$0x3FFB];
	_ =	sdelay $0x3  }
0x93: {  	_ =	strace s4  }
0x94: {  	s4 =	sld [smem:$0x3FFC];
	_ =	sdelay $0x3  }
0x95: {  	_ =	strace s4  }
0x96: {  	s4 =	sld [smem:$0x3FFD];
	_ =	sdelay $0x3  }
0x97: {  	_ =	strace s4  }
0x98: {  	_ =	strace $0x8FFFFFFF  }
0x99: {  	s19 =	sld [smem:$0x3FDB];
	_ =	sdelay $0x1  }
0x9a: {  	s5 =	simm.s32 $_scs_section_size  }
0x9b: {  	s6 =	simm.s32 $_size__tile_overlayer_lowered;
	s7 =	simm.s32 $_tile_overlayer_lowered  }
0x9c: {  	s22 =	simm.s32 $0x1BFF;
	s21 =	sshll.u32 s7, $0x1;
	s4 =	sadd.s32 s5, s19  }
0x9d: {  	s8 =	simm.s32 $0x0;
	s20 =	sshll.u32 s6, $0x1;
	s6 =	sadd.s32 s21, s4  }
0x9e: {  	[timem:s8], [sflag:s22] =	dma.local [hbm:s6], s20  }
0x9f: {  	_ =	swait.ge [sflag:s22], s20  }
0xa0: {  	s5 =	ssub.s32 $0x0, s20;
	[sflag:s22] =	ssyncset.done $0x0  }
0xa1: {  	[sflag:s22] =	ssyncadd.s32 s5;
	_ =	sdelay $0x1  }
0xa2: {  	s23 =	simm.s32 $0x1B8B  }
0xa3: {  	_ =	swait.ge [sflag:s23], $0x1  }
0xa4: {  	[sflag:s23] =	ssyncset.done $0x0  }
0xa5: {  	s25 =	simm.s32 $0x1B8E;
	s24 =	sld [smem:$0x3FFE];
	[sflag:s23] =	ssyncadd.s32 $0xFFFFFFFF  }
0xa6: {  	s26 =	simm.s32 $execute0_lowered;
	[smem:$0x3FD2] =	sst s25  }
0xa7: {  	s6 =	sshll.u32 s26, $0x1;
	_ =	strace $0x80000046;
	[dreg:$0x1] =	wrdreg $0xFFFFFFFF  }
0xa8: {  	s28 =	simm.s32 $_size_execute0_lowered;
	s4 =	sadd.s32 s4, s6;
	[dreg:$0x0] =	wrdreg $0x0  }
0xa9: {  	s6 =	sshll.u32 s28, $0x1;
	[dreg:$0x2] =	wrdreg s4  }
0xaa: {  	[dreg:$0x3] =	wrdreg s6  }
0xab: {  	[dreg:$0x4] =	wrdreg $0xC0  }
0xac: {  	_ =	task [dreg:s8], $0x5FFFF  }
0xad: {  	[dreg:$0x1] =	wrdreg $0xFFFFFFFF  }
0xae: {  	[dreg:$0x0] =	wrdreg $0x60  }
0xaf: {  	[dreg:$0x2] =	wrdreg s24  }
0xb0: {  	[dreg:$0x3] =	wrdreg s2  }
0xb1: {  	[dreg:$0x4] =	wrdreg s18  }
0xb2: {  	[dreg:$0x5] =	wrdreg $0x9  }
0xb3: {  	_ =	task.clear_ibuf [dreg:s8], $0x6FFFF;
	_ =	strace $0x90000046  }
0xb4: {  	s29 =	simm.s32 $0x9;
	_ =	strace $0x80000048  }
0xb5: {  	_ =	swait.ge [sflag:s29], $0x1  }
0xb6: {  	[sflag:s29] =	ssyncadd.s32 $0xFFFFFFFF  }
0xb7: {  	_ =	strace $0x90000048  }
0xb8: {  	_ =	sfence  }
0xb9: {  	s30 =	sld [smem:$0x0];
	_ =	sdelay $0x2  }
0xba: {  	s31 =	sshll.u32 s1, $0xD;
	s1 =	sshrl.u32 s1, $0x2  }
0xbb: {  	s3 =	sand.u32 $0x4000, s31;
	s1 =	sadd.s32 s1, s30  }
0xbc: {  	s0 =	sor.u32 s3, s0;
	s1 =	sshll.u32 s1, $0x11  }
0xbd: {  	s0 =	sor.u32 s1, s0  }
0xbe: {  	s0 =	sadd.s32 $0x8F2B, s0  }
0xbf: {  	[sflag:s0] =	ssyncadd.remote.s32 $0x1  }
0xc0: {  	_ =	sfence.sel $0xFFFF  }
0xc1: {  	[dreg:$0x0] =	wrdreg $0xFFFFFFFF;
	(pc) =	sbr.abs _section_cstart, $3  }
0xc2: {  	[dreg:$0x1] =	wrdreg $0xFFFFFFFF  }
0xc3: {  	_ =	task.clear_ibuf [dreg:s8], $0x2FFFF;
	_ =	strace $0x9FFFFFFF  }
0xc4: {  	(tm) =	ssettm $0x7FFFFFFF  }
0xc5: {  	_ =	shalt  }
tec
execute0_lowered:
.L_overlay_start_1:
0x0: {  	(tag) =	ssettag $0x1  }
0x1: {  	s1 =	srdreg.scid;
	v0 =	vlaneseq.u32  }
0x2: {  	s0 =	stileid.u32;
	s4 =	sand.u32 $0x1, s1;
	v1 =	vmul.u32 $0xFFFFFFFF, v0  }
0x3: {  	s25 =	sshll.u32 s0, $0x2;
	s2 =	sshll.u32 s4, $0x1  }
0x4: {  	s5 =	sor.u32 s2, s25;
	v6 =	vadd.s32 $0xF, v1;
	v1 =	vor.u32 $0x20, v0  }
0x5: {  	v2 =	vmov s5;
	[tilespmem:$0x1FC70] =	vst v1  }
0x6: {  	v1 =	vor.u32 $0x30, v0;
	[tilespmem:$0x1FC20] =	vst v2  }
0x7: {  	s6 =	sor.u32 $0x1, s5;
	v2 =	vand.u32 $0x6, v2;
	[tilespmem:$0x1FC80] =	vst v1  }
0x8: {  	v3 =	vmov s6;
	[tilespmem:$0x1FC30] =	vst v2  }
0x9: {  	v1 =	vor.u32 $0x40, v0;
	[tilespmem:$0x1FC40] =	vst v3  }
0xa: {  	v2 =	vand.u32 $0x7, v3;
	[tilespmem:$0x1FC90] =	vst v1  }
0xb: {  	v1 =	vor.u32 $0x50, v0;
	[tilespmem:$0x1FC50] =	vst v2  }
0xc: {  	v2 =	vor.u32 $0x10, v0;
	[tilespmem:$0x1FCA0] =	vst v1  }
0xd: {  	v1 =	vor.u32 $0x60, v0;
	[tilespmem:$0x1FC60] =	vst v2  }
0xe: {  	[tilespmem:$0x1FCB0] =	vst v1;
	v1 =	vor.u32 $0x70, v0  }
0xf: {  	[tilespmem:$0x1FCC0] =	vst v1;
	v1 =	vor.u32 $0x80, v0  }
0x10: {  	[tilespmem:$0x1FCD0] =	vst v1;
	v1 =	vor.u32 $0x90, v0  }
0x11: {  	[tilespmem:$0x1FCE0] =	vst v1;
	v1 =	vor.u32 $0xA0, v0  }
0x12: {  	[tilespmem:$0x1FCF0] =	vst v1;
	v1 =	vor.u32 $0xB0, v0  }
0x13: {  	[tilespmem:$0x1FD00] =	vst v1;
	v1 =	vor.u32 $0xC0, v0  }
0x14: {  	[tilespmem:$0x1FD10] =	vst v1;
	v1 =	vor.u32 $0xD0, v0  }
0x15: {  	[tilespmem:$0x1FD20] =	vst v1;
	v1 =	vor.u32 $0xE0, v0  }
0x16: {  	[tilespmem:$0x1FD30] =	vst v1;
	v1 =	vor.u32 $0xF0, v0  }
0x17: {  	[tilespmem:$0x1FD40] =	vst v1;
	v1 =	vor.u32 $0x100, v0  }
0x18: {  	[tilespmem:$0x1FD50] =	vst v1;
	v1 =	vor.u32 $0x110, v0  }
0x19: {  	[tilespmem:$0x1FD60] =	vst v1;
	v1 =	vor.u32 $0x120, v0  }
0x1a: {  	[tilespmem:$0x1FD70] =	vst v1;
	v1 =	vor.u32 $0x130, v0  }
0x1b: {  	[tilespmem:$0x1FD80] =	vst v1;
	v1 =	vor.u32 $0x140, v0  }
0x1c: {  	[tilespmem:$0x1FD90] =	vst v1;
	v1 =	vor.u32 $0x150, v0  }
0x1d: {  	[tilespmem:$0x1FDA0] =	vst v1;
	v1 =	vor.u32 $0x160, v0  }
0x1e: {  	s7 =	rddreg [dreg:$0x0];
	[tilespmem:$0x1FDB0] =	vst v1;
	v1 =	vor.u32 $0x170, v0  }
0x1f: {  	s9 =	rddreg [dreg:$0x2];
	[tilespmem:$0x1FDC0] =	vst v1;
	v1 =	vor.u32 $0x180, v0  }
0x20: {  	s3 =	simm.s32 $0x0;
	s1 =	rddreg [dreg:$0x1];
	[tilespmem:$0x1FDD0] =	vst v1;
	v1 =	vor.u32 $0x190, v0  }
0x21: {  	[smem:$0x7FF] =	sst s3;
	[tilespmem:$0x1FDE0] =	vst v1;
	v1 =	vor.u32 $0x1A0, v0  }
0x22: {  	s2 =	rddreg [dreg:$0x3];
	_ =	strace $0x80000047;
	[tilespmem:$0x1FDF0] =	vst v1;
	v1 =	vor.u32 $0x1B0, v0  }
0x23: {  	[tilespmem:$0x1FE00] =	vst v1;
	v1 =	vor.u32 $0x1C0, v0  }
0x24: {  	[tilespmem:$0x1FE10] =	vst v1;
	v1 =	vor.u32 $0x1D0, v0  }
0x25: {  	[tilespmem:$0x1FE20] =	vst v1;
	v1 =	vor.u32 $0x1E0, v0  }
0x26: {  	[tilespmem:$0x1FE30] =	vst v1;
	v1 =	vor.u32 $0x1F0, v0  }
0x27: {  	[tilespmem:$0x1FE40] =	vst v1;
	v1 =	vor.u32 $0x200, v0  }
0x28: {  	[tilespmem:$0x1FE50] =	vst v1;
	v1 =	vor.u32 $0x210, v0  }
0x29: {  	[tilespmem:$0x1FE60] =	vst v1;
	v1 =	vor.u32 $0x220, v0  }
0x2a: {  	[tilespmem:$0x1FE70] =	vst v1;
	v1 =	vor.u32 $0x230, v0  }
0x2b: {  	[tilespmem:$0x1FE80] =	vst v1;
	v1 =	vor.u32 $0x240, v0  }
0x2c: {  	[tilespmem:$0x1FE90] =	vst v1;
	v1 =	vor.u32 $0x250, v0  }
0x2d: {  	[tilespmem:$0x1FEA0] =	vst v1;
	v1 =	vor.u32 $0x260, v0  }
0x2e: {  	[tilespmem:$0x1FEB0] =	vst v1;
	v1 =	vor.u32 $0x270, v0  }
0x2f: {  	[tilespmem:$0x1FEC0] =	vst v1;
	v1 =	vor.u32 $0x280, v0  }
0x30: {  	[tilespmem:$0x1FED0] =	vst v1;
	v1 =	vor.u32 $0x290, v0  }
0x31: {  	[tilespmem:$0x1FEE0] =	vst v1;
	v1 =	vor.u32 $0x2A0, v0  }
0x32: {  	[tilespmem:$0x1FEF0] =	vst v1;
	v1 =	vor.u32 $0x2B0, v0  }
0x33: {  	[tilespmem:$0x1FF00] =	vst v1;
	v1 =	vor.u32 $0x2C0, v0  }
0x34: {  	[tilespmem:$0x1FF10] =	vst v1;
	v1 =	vor.u32 $0x2D0, v0  }
0x35: {  	[tilespmem:$0x1FF20] =	vst v1;
	v1 =	vor.u32 $0x2E0, v0  }
0x36: {  	[tilespmem:$0x1FF30] =	vst v1;
	v1 =	vor.u32 $0x2F0, v0  }
0x37: {  	[tilespmem:$0x1FF40] =	vst v1;
	v1 =	vor.u32 $0x300, v0  }
0x38: {  	s14 =	simm.s32 $0x500;
	s15 =	simm.s32 $0xD00;
	s16 =	simm.s32 $0x1500;
	[tilespmem:$0x1FF50] =	vst v1;
	v1 =	vor.u32 $0x310, v0  }
0x39: {  	s17 =	simm.s32 $0x1D00;
	s18 =	simm.s32 $0x2500;
	s19 =	simm.s32 $0x2D00;
	[tilespmem:$0x1FF60] =	vst v1;
	v1 =	vor.u32 $0x320, v0  }
0x3a: {  	s20 =	simm.s32 $0x1;
	s8 =	sshrl.u32 s0, $0x1;
	s4 =	ssub.s32 $0x2, s4;
	[tilespmem:$0x1FF70] =	vst v1;
	v1 =	vor.u32 $0x330, v0  }
0x3b: {  	s11 =	sadd.s32 $0x600, s7;
	s8 =	smul.u32 $0x2400, s8;
	s28 =	sshrl.u32 s4, $0x1;
	[tilespmem:$0x1FF80] =	vst v1;
	v1 =	vor.u32 $0x340, v0  }
0x3c: {  	s10 =	sshll.u32 s5, $0x7;
	s31 =	smul.u32 $0x300, s5;
	s5 =	sadd.s32 $0x100, s1;
	[tilespmem:$0x1FF90] =	vst v1;
	v1 =	vor.u32 $0x350, v0  }
0x3d: {  	s26 =	sand.u32 $0x300, s10;
	s12 =	sshll.u32 s6, $0x7;
	s10 =	ssub.s32 s4, s28;
	[tilespmem:$0x1FFA0] =	vst v1;
	v1 =	vor.u32 $0x360, v0  }
0x3e: {  	s13 =	smul.u32 $0x300, s6;
	s6 =	sadd.s32 $0x200, s1;
	s7 =	sor.u32 s8, s26;
	[tilespmem:$0x1FFB0] =	vst v1;
	v1 =	vor.u32 $0x370, v0  }
0x3f: {  	s30 =	sand.u32 $0x380, s12;
	s10 =	smax.u32 s10, $0x1;
	s29 =	sshrl.u32 s7, $0x3;
	[tilespmem:$0x1FFC0] =	vst v1;
	v1 =	vor.u32 $0x380, v0  }
0x40: {  	s12 =	simm.s32 $0x400;
	s7 =	sor.u32 s8, s30;
	s4 =	sadd.s32 s11, s29;
	[tilespmem:$0x1FFD0] =	vst v1;
	v1 =	vor.u32 $0x390, v0  }
0x41: {  	s8 =	sshrl.u32 s7, $0x3;
	s7 =	sadd.s32 s9, s31;
	s9 =	sadd.s32 s9, s13;
	[tilespmem:$0x1FFE0] =	vst v1;
	v1 =	vor.u32 $0x3A0, v0  }
0x42: {  	vm0 =	vmmov $0xffff;
	s13 =	simm.s32 $0x2;
	s8 =	sadd.s32 s11, s8;
	s11 =	simm.s32 $0x80;
	[tilespmem:$0x1FFF0] =	vst v1  }
.LBB2_1:
0x43: {  	[tilespmem:s3], [sflag:$0x2] =	stream.strided.gather [hbm4b:s4+s11], $0x480, s12, s11, $0x38;
	[tilespmem:$0x3500] =	vst v63  }
0x44: {  	_ =	swait.ge [sflag:s13], $0x480  }
0x45: {  	[sflag:s13] =	ssyncset.done $0x0  }
0x46: {  	v21 =	vld [tilespmem:$0x1FC60];
	[sflag:s13] =	ssyncadd.s32 $0xFFFFFB80  }
0x47: {  	v1 =	vld [tilespmem:$0x0]  }
0x48: {  	v2 =	vld [tilespmem:$0x10];
	_ =	sdelay $0x3  }
0x49: {  	(xrf1) =	vsort.dscd.msk.f32 $0xffff, v1, v0  }
0x4a: {  	(xrf1) =	vsort.dscd.msk.f32 $0xffff, v2, v21;
	_ =	sdelay $0xc  }
0x4b: {  	v1, v2, _ =	vpop (xrf1)  }
0x4c: {  	v3, v4, _ =	vpop (xrf1)  }
0x4d: {  	v3 =	vperm.xlane v3, v6  }
0x4e: {  	v4 =	vperm.xlane v4, v6  }
0x4f: {  	vm1 =	vge.f32 v1, v3  }
0x50: {  	v5 =	vld [tilespmem:$0x20];
	v1 =	vsel vm1, v1, v3;
	v2 =	vsel vm1, v2, v4  }
0x51: {  	(xrf1) =	vsort.dscd.msk.f32 $0xffff, v1, v2;
	v1 =	vld [tilespmem:$0x1FC70];
	_ =	sdelay $0x4  }
0x52: {  	(xrf1) =	vsort.dscd.msk.f32 $0xffff, v5, v1;
	_ =	sdelay $0xc  }
0x53: {  	v1, v2, _ =	vpop (xrf1)  }
0x54: {  	v24 =	vld [tilespmem:$0x1FC80];
	v3, v4, _ =	vpop (xrf1)  }
0x55: {  	v5 =	vld [tilespmem:$0x30];
	v3 =	vperm.xlane v3, v6  }
0x56: {  	v4 =	vperm.xlane v4, v6  }
0x57: {  	vm1 =	vge.f32 v1, v3  }
0x58: {  	v1 =	vsel vm1, v1, v3;
	v2 =	vsel vm1, v2, v4  }
0x59: {  	(xrf1) =	vsort.dscd.msk.f32 $0xffff, v1, v2  }
0x5a: {  	(xrf1) =	vsort.dscd.msk.f32 $0xffff, v5, v24;
	_ =	sdelay $0xc  }
0x5b: {  	v1, v2, _ =	vpop (xrf1)  }
0x5c: {  	v25 =	vld [tilespmem:$0x1FC90];
	v3, v4, _ =	vpop (xrf1)  }
0x5d: {  	v5 =	vld [tilespmem:$0x40];
	v3 =	vperm.xlane v3, v6  }
0x5e: {  	v4 =	vperm.xlane v4, v6  }
0x5f: {  	vm1 =	vge.f32 v1, v3  }
0x60: {  	v1 =	vsel vm1, v1, v3;
	v2 =	vsel vm1, v2, v4  }
0x61: {  	(xrf1) =	vsort.dscd.msk.f32 $0xffff, v1, v2  }
0x62: {  	(xrf1) =	vsort.dscd.msk.f32 $0xffff, v5, v25;
	_ =	sdelay $0xc  }
0x63: {  	v1, v2, _ =	vpop (xrf1)  }
0x64: {  	v26 =	vld [tilespmem:$0x1FCA0];
	v3, v4, _ =	vpop (xrf1)  }
0x65: {  	v5 =	vld [tilespmem:$0x50];
	v3 =	vperm.xlane v3, v6  }
0x66: {  	v4 =	vperm.xlane v4, v6  }
0x67: {  	vm1 =	vge.f32 v1, v3  }
0x68: {  	v1 =	vsel vm1, v1, v3;
	v2 =	vsel vm1, v2, v4  }
0x69: {  	(xrf1) =	vsort.dscd.msk.f32 $0xffff, v1, v2  }
0x6a: {  	(xrf1) =	vsort.dscd.msk.f32 $0xffff, v5, v26;
	_ =	sdelay $0xc  }
0x6b: {  	v1, v2, _ =	vpop (xrf1)  }
0x6c: {  	v27 =	vld [tilespmem:$0x1FCB0];
	v3, v4, _ =	vpop (xrf1)  }
0x6d: {  	v5 =	vld [tilespmem:$0x60];
	v3 =	vperm.xlane v3, v6  }
0x6e: {  	v4 =	vperm.xlane v4, v6  }
0x6f: {  	vm1 =	vge.f32 v1, v3  }
0x70: {  	v1 =	vsel vm1, v1, v3;
	v2 =	vsel vm1, v2, v4  }
0x71: {  	(xrf1) =	vsort.dscd.msk.f32 $0xffff, v1, v2  }
0x72: {  	(xrf1) =	vsort.dscd.msk.f32 $0xffff, v5, v27;
	_ =	sdelay $0xc  }
0x73: {  	v1, v2, _ =	vpop (xrf1)  }
0x74: {  	v28 =	vld [tilespmem:$0x1FCC0];
	v3, v4, _ =	vpop (xrf1)  }
0x75: {  	v5 =	vld [tilespmem:$0x70];
	v3 =	vperm.xlane v3, v6  }
0x76: {  	v4 =	vperm.xlane v4, v6  }
0x77: {  	vm1 =	vge.f32 v1, v3  }
0x78: {  	v1 =	vsel vm1, v1, v3;
	v2 =	vsel vm1, v2, v4  }
0x79: {  	(xrf1) =	vsort.dscd.msk.f32 $0xffff, v1, v2  }
0x7a: {  	(xrf1) =	vsort.dscd.msk.f32 $0xffff, v5, v28;
	_ =	sdelay $0xc  }
0x7b: {  	v1, v2, _ =	vpop (xrf1)  }
0x7c: {  	v29 =	vld [tilespmem:$0x1FCD0];
	v3, v4, _ =	vpop (xrf1)  }
0x7d: {  	v5 =	vld [tilespmem:$0x80];
	v3 =	vperm.xlane v3, v6  }
0x7e: {  	v4 =	vperm.xlane v4, v6  }
0x7f: {  	vm1 =	vge.f32 v1, v3  }
0x80: {  	v1 =	vsel vm1, v1, v3;
	v2 =	vsel vm1, v2, v4  }
0x81: {  	(xrf1) =	vsort.dscd.msk.f32 $0xffff, v1, v2  }
0x82: {  	(xrf1) =	vsort.dscd.msk.f32 $0xffff, v5, v29;
	_ =	sdelay $0xc  }
0x83: {  	v1, v2, _ =	vpop (xrf1)  }
0x84: {  	v30 =	vld [tilespmem:$0x1FCE0];
	v3, v4, _ =	vpop (xrf1)  }
0x85: {  	v5 =	vld [tilespmem:$0x90];
	v3 =	vperm.xlane v3, v6  }
0x86: {  	v4 =	vperm.xlane v4, v6  }
0x87: {  	vm1 =	vge.f32 v1, v3  }
0x88: {  	v1 =	vsel vm1, v1, v3;
	v2 =	vsel vm1, v2, v4  }
0x89: {  	(xrf1) =	vsort.dscd.msk.f32 $0xffff, v1, v2  }
0x8a: {  	(xrf1) =	vsort.dscd.msk.f32 $0xffff, v5, v30;
	_ =	sdelay $0xc  }
0x8b: {  	v1, v2, _ =	vpop (xrf1)  }
0x8c: {  	v31 =	vld [tilespmem:$0x1FCF0];
	v3, v4, _ =	vpop (xrf1)  }
0x8d: {  	v5 =	vld [tilespmem:$0xA0];
	v3 =	vperm.xlane v3, v6  }
0x8e: {  	v4 =	vperm.xlane v4, v6  }
0x8f: {  	vm1 =	vge.f32 v1, v3  }
0x90: {  	v1 =	vsel vm1, v1, v3;
	v2 =	vsel vm1, v2, v4  }
0x91: {  	(xrf1) =	vsort.dscd.msk.f32 $0xffff, v1, v2  }
0x92: {  	(xrf1) =	vsort.dscd.msk.f32 $0xffff, v5, v31;
	_ =	sdelay $0xc  }
0x93: {  	v1, v2, _ =	vpop (xrf1)  }
0x94: {  	v32 =	vld [tilespmem:$0x1FD00];
	v3, v4, _ =	vpop (xrf1)  }
0x95: {  	v5 =	vld [tilespmem:$0xB0];
	v3 =	vperm.xlane v3, v6  }
0x96: {  	v4 =	vperm.xlane v4, v6  }
0x97: {  	vm1 =	vge.f32 v1, v3  }
0x98: {  	v1 =	vsel vm1, v1, v3;
	v2 =	vsel vm1, v2, v4  }
0x99: {  	(xrf1) =	vsort.dscd.msk.f32 $0xffff, v1, v2  }
0x9a: {  	(xrf1) =	vsort.dscd.msk.f32 $0xffff, v5, v32;
	_ =	sdelay $0xc  }
0x9b: {  	v1, v2, _ =	vpop (xrf1)  }
0x9c: {  	v33 =	vld [tilespmem:$0x1FD10];
	v3, v4, _ =	vpop (xrf1)  }
0x9d: {  	v5 =	vld [tilespmem:$0xC0];
	v3 =	vperm.xlane v3, v6  }
0x9e: {  	v4 =	vperm.xlane v4, v6  }
0x9f: {  	vm1 =	vge.f32 v1, v3  }
0xa0: {  	v1 =	vsel vm1, v1, v3;
	v2 =	vsel vm1, v2, v4  }
0xa1: {  	(xrf1) =	vsort.dscd.msk.f32 $0xffff, v1, v2  }
0xa2: {  	(xrf1) =	vsort.dscd.msk.f32 $0xffff, v5, v33;
	_ =	sdelay $0xc  }
0xa3: {  	v1, v2, _ =	vpop (xrf1)  }
0xa4: {  	v34 =	vld [tilespmem:$0x1FD20];
	v3, v4, _ =	vpop (xrf1)  }
0xa5: {  	v5 =	vld [tilespmem:$0xD0];
	v3 =	vperm.xlane v3, v6  }
0xa6: {  	v4 =	vperm.xlane v4, v6  }
0xa7: {  	vm1 =	vge.f32 v1, v3  }
0xa8: {  	v1 =	vsel vm1, v1, v3;
	v2 =	vsel vm1, v2, v4  }
0xa9: {  	(xrf1) =	vsort.dscd.msk.f32 $0xffff, v1, v2  }
0xaa: {  	(xrf1) =	vsort.dscd.msk.f32 $0xffff, v5, v34;
	_ =	sdelay $0xc  }
0xab: {  	v1, v2, _ =	vpop (xrf1)  }
0xac: {  	v35 =	vld [tilespmem:$0x1FD30];
	v3, v4, _ =	vpop (xrf1)  }
0xad: {  	v5 =	vld [tilespmem:$0xE0];
	v3 =	vperm.xlane v3, v6  }
0xae: {  	v4 =	vperm.xlane v4, v6  }
0xaf: {  	vm1 =	vge.f32 v1, v3  }
0xb0: {  	v1 =	vsel vm1, v1, v3;
	v2 =	vsel vm1, v2, v4  }
0xb1: {  	(xrf1) =	vsort.dscd.msk.f32 $0xffff, v1, v2  }
0xb2: {  	(xrf1) =	vsort.dscd.msk.f32 $0xffff, v5, v35;
	_ =	sdelay $0xc  }
0xb3: {  	v1, v2, _ =	vpop (xrf1)  }
0xb4: {  	v36 =	vld [tilespmem:$0x1FD40];
	v3, v4, _ =	vpop (xrf1)  }
0xb5: {  	v5 =	vld [tilespmem:$0xF0];
	v3 =	vperm.xlane v3, v6  }
0xb6: {  	v4 =	vperm.xlane v4, v6  }
0xb7: {  	vm1 =	vge.f32 v1, v3  }
0xb8: {  	v1 =	vsel vm1, v1, v3;
	v2 =	vsel vm1, v2, v4  }
0xb9: {  	(xrf1) =	vsort.dscd.msk.f32 $0xffff, v1, v2  }
0xba: {  	(xrf1) =	vsort.dscd.msk.f32 $0xffff, v5, v36;
	_ =	sdelay $0xc  }
0xbb: {  	v1, v2, _ =	vpop (xrf1)  }
0xbc: {  	v37 =	vld [tilespmem:$0x1FD50];
	v3, v4, _ =	vpop (xrf1)  }
0xbd: {  	v5 =	vld [tilespmem:$0x100];
	v3 =	vperm.xlane v3, v6  }
0xbe: {  	v4 =	vperm.xlane v4, v6  }
0xbf: {  	vm1 =	vge.f32 v1, v3  }
0xc0: {  	v1 =	vsel vm1, v1, v3;
	v2 =	vsel vm1, v2, v4  }
0xc1: {  	(xrf1) =	vsort.dscd.msk.f32 $0xffff, v1, v2  }
0xc2: {  	(xrf1) =	vsort.dscd.msk.f32 $0xffff, v5, v37;
	_ =	sdelay $0xc  }
0xc3: {  	v1, v2, _ =	vpop (xrf1)  }
0xc4: {  	v38 =	vld [tilespmem:$0x1FD60];
	v3, v4, _ =	vpop (xrf1)  }
0xc5: {  	v5 =	vld [tilespmem:$0x110];
	v3 =	vperm.xlane v3, v6  }
0xc6: {  	v4 =	vperm.xlane v4, v6  }
0xc7: {  	vm1 =	vge.f32 v1, v3  }
0xc8: {  	v1 =	vsel vm1, v1, v3;
	v2 =	vsel vm1, v2, v4  }
0xc9: {  	(xrf1) =	vsort.dscd.msk.f32 $0xffff, v1, v2  }
0xca: {  	(xrf1) =	vsort.dscd.msk.f32 $0xffff, v5, v38;
	_ =	sdelay $0xc  }
0xcb: {  	v1, v2, _ =	vpop (xrf1)  }
0xcc: {  	v39 =	vld [tilespmem:$0x1FD70];
	v3, v4, _ =	vpop (xrf1)  }
0xcd: {  	v5 =	vld [tilespmem:$0x120];
	v3 =	vperm.xlane v3, v6  }
0xce: {  	v4 =	vperm.xlane v4, v6  }
0xcf: {  	vm1 =	vge.f32 v1, v3  }
0xd0: {  	v1 =	vsel vm1, v1, v3;
	v2 =	vsel vm1, v2, v4  }
0xd1: {  	(xrf1) =	vsort.dscd.msk.f32 $0xffff, v1, v2  }
0xd2: {  	(xrf1) =	vsort.dscd.msk.f32 $0xffff, v5, v39;
	_ =	sdelay $0xc  }
0xd3: {  	v1, v2, _ =	vpop (xrf1)  }
0xd4: {  	v40 =	vld [tilespmem:$0x1FD80];
	v3, v4, _ =	vpop (xrf1)  }
0xd5: {  	v5 =	vld [tilespmem:$0x130];
	v3 =	vperm.xlane v3, v6  }
0xd6: {  	v4 =	vperm.xlane v4, v6  }
0xd7: {  	vm1 =	vge.f32 v1, v3  }
0xd8: {  	v1 =	vsel vm1, v1, v3;
	v2 =	vsel vm1, v2, v4  }
0xd9: {  	(xrf1) =	vsort.dscd.msk.f32 $0xffff, v1, v2  }
0xda: {  	(xrf1) =	vsort.dscd.msk.f32 $0xffff, v5, v40;
	_ =	sdelay $0xc  }
0xdb: {  	v1, v2, _ =	vpop (xrf1)  }
0xdc: {  	v41 =	vld [tilespmem:$0x1FD90];
	v3, v4, _ =	vpop (xrf1)  }
0xdd: {  	v5 =	vld [tilespmem:$0x140];
	v3 =	vperm.xlane v3, v6  }
0xde: {  	v4 =	vperm.xlane v4, v6  }
0xdf: {  	vm1 =	vge.f32 v1, v3  }
0xe0: {  	v1 =	vsel vm1, v1, v3;
	v2 =	vsel vm1, v2, v4  }
0xe1: {  	(xrf1) =	vsort.dscd.msk.f32 $0xffff, v1, v2  }
0xe2: {  	(xrf1) =	vsort.dscd.msk.f32 $0xffff, v5, v41;
	_ =	sdelay $0xc  }
0xe3: {  	v1, v2, _ =	vpop (xrf1)  }
0xe4: {  	v42 =	vld [tilespmem:$0x1FDA0];
	v3, v4, _ =	vpop (xrf1)  }
0xe5: {  	v5 =	vld [tilespmem:$0x150];
	v3 =	vperm.xlane v3, v6  }
0xe6: {  	v4 =	vperm.xlane v4, v6  }
0xe7: {  	vm1 =	vge.f32 v1, v3  }
0xe8: {  	v1 =	vsel vm1, v1, v3;
	v2 =	vsel vm1, v2, v4  }
0xe9: {  	(xrf1) =	vsort.dscd.msk.f32 $0xffff, v1, v2  }
0xea: {  	(xrf1) =	vsort.dscd.msk.f32 $0xffff, v5, v42;
	_ =	sdelay $0xc  }
0xeb: {  	v1, v2, _ =	vpop (xrf1)  }
0xec: {  	v43 =	vld [tilespmem:$0x1FDB0];
	v3, v4, _ =	vpop (xrf1)  }
0xed: {  	v5 =	vld [tilespmem:$0x160];
	v3 =	vperm.xlane v3, v6  }
0xee: {  	v4 =	vperm.xlane v4, v6  }
0xef: {  	vm1 =	vge.f32 v1, v3  }
0xf0: {  	v1 =	vsel vm1, v1, v3;
	v2 =	vsel vm1, v2, v4  }
0xf1: {  	(xrf1) =	vsort.dscd.msk.f32 $0xffff, v1, v2  }
0xf2: {  	(xrf1) =	vsort.dscd.msk.f32 $0xffff, v5, v43;
	_ =	sdelay $0xc  }
0xf3: {  	v1, v2, _ =	vpop (xrf1)  }
0xf4: {  	v44 =	vld [tilespmem:$0x1FDC0];
	v3, v4, _ =	vpop (xrf1)  }
0xf5: {  	v5 =	vld [tilespmem:$0x170];
	v3 =	vperm.xlane v3, v6  }
0xf6: {  	v4 =	vperm.xlane v4, v6  }
0xf7: {  	vm1 =	vge.f32 v1, v3  }
0xf8: {  	v1 =	vsel vm1, v1, v3;
	v2 =	vsel vm1, v2, v4  }
0xf9: {  	(xrf1) =	vsort.dscd.msk.f32 $0xffff, v1, v2  }
0xfa: {  	(xrf1) =	vsort.dscd.msk.f32 $0xffff, v5, v44;
	_ =	sdelay $0xc  }
0xfb: {  	v1, v2, _ =	vpop (xrf1)  }
0xfc: {  	v45 =	vld [tilespmem:$0x1FDD0];
	v3, v4, _ =	vpop (xrf1)  }
0xfd: {  	v5 =	vld [tilespmem:$0x180];
	v3 =	vperm.xlane v3, v6  }
0xfe: {  	v4 =	vperm.xlane v4, v6  }
0xff: {  	vm1 =	vge.f32 v1, v3  }
0x100: {  	v1 =	vsel vm1, v1, v3;
	v2 =	vsel vm1, v2, v4  }
0x101: {  	(xrf1) =	vsort.dscd.msk.f32 $0xffff, v1, v2  }
0x102: {  	(xrf1) =	vsort.dscd.msk.f32 $0xffff, v5, v45;
	_ =	sdelay $0xc  }
0x103: {  	v1, v2, _ =	vpop (xrf1)  }
0x104: {  	v46 =	vld [tilespmem:$0x1FDE0];
	v3, v4, _ =	vpop (xrf1)  }
0x105: {  	v5 =	vld [tilespmem:$0x190];
	v3 =	vperm.xlane v3, v6  }
0x106: {  	v4 =	vperm.xlane v4, v6  }
0x107: {  	vm1 =	vge.f32 v1, v3  }
0x108: {  	v1 =	vsel vm1, v1, v3;
	v2 =	vsel vm1, v2, v4  }
0x109: {  	(xrf1) =	vsort.dscd.msk.f32 $0xffff, v1, v2  }
0x10a: {  	(xrf1) =	vsort.dscd.msk.f32 $0xffff, v5, v46;
	_ =	sdelay $0xc  }
0x10b: {  	v1, v2, _ =	vpop (xrf1)  }
0x10c: {  	v47 =	vld [tilespmem:$0x1FDF0];
	v3, v4, _ =	vpop (xrf1)  }
0x10d: {  	v5 =	vld [tilespmem:$0x1A0];
	v3 =	vperm.xlane v3, v6  }
0x10e: {  	v4 =	vperm.xlane v4, v6  }
0x10f: {  	vm1 =	vge.f32 v1, v3  }
0x110: {  	v1 =	vsel vm1, v1, v3;
	v2 =	vsel vm1, v2, v4  }
0x111: {  	(xrf1) =	vsort.dscd.msk.f32 $0xffff, v1, v2  }
0x112: {  	(xrf1) =	vsort.dscd.msk.f32 $0xffff, v5, v47;
	_ =	sdelay $0xc  }
0x113: {  	v1, v2, _ =	vpop (xrf1)  }
0x114: {  	v48 =	vld [tilespmem:$0x1FE00];
	v3, v4, _ =	vpop (xrf1)  }
0x115: {  	v5 =	vld [tilespmem:$0x1B0];
	v3 =	vperm.xlane v3, v6  }
0x116: {  	v4 =	vperm.xlane v4, v6  }
0x117: {  	vm1 =	vge.f32 v1, v3  }
0x118: {  	v1 =	vsel vm1, v1, v3;
	v2 =	vsel vm1, v2, v4  }
0x119: {  	(xrf1) =	vsort.dscd.msk.f32 $0xffff, v1, v2  }
0x11a: {  	(xrf1) =	vsort.dscd.msk.f32 $0xffff, v5, v48;
	_ =	sdelay $0xc  }
0x11b: {  	v1, v2, _ =	vpop (xrf1)  }
0x11c: {  	v49 =	vld [tilespmem:$0x1FE10];
	v3, v4, _ =	vpop (xrf1)  }
0x11d: {  	v5 =	vld [tilespmem:$0x1C0];
	v3 =	vperm.xlane v3, v6  }
0x11e: {  	v4 =	vperm.xlane v4, v6  }
0x11f: {  	vm1 =	vge.f32 v1, v3  }
0x120: {  	v1 =	vsel vm1, v1, v3;
	v2 =	vsel vm1, v2, v4  }
0x121: {  	(xrf1) =	vsort.dscd.msk.f32 $0xffff, v1, v2  }
0x122: {  	(xrf1) =	vsort.dscd.msk.f32 $0xffff, v5, v49;
	_ =	sdelay $0xc  }
0x123: {  	v1, v2, _ =	vpop (xrf1)  }
0x124: {  	v50 =	vld [tilespmem:$0x1FE20];
	v3, v4, _ =	vpop (xrf1)  }
0x125: {  	v5 =	vld [tilespmem:$0x1D0];
	v3 =	vperm.xlane v3, v6  }
0x126: {  	v4 =	vperm.xlane v4, v6  }
0x127: {  	vm1 =	vge.f32 v1, v3  }
0x128: {  	v1 =	vsel vm1, v1, v3;
	v2 =	vsel vm1, v2, v4  }
0x129: {  	(xrf1) =	vsort.dscd.msk.f32 $0xffff, v1, v2  }
0x12a: {  	(xrf1) =	vsort.dscd.msk.f32 $0xffff, v5, v50;
	_ =	sdelay $0xc  }
0x12b: {  	v1, v2, _ =	vpop (xrf1)  }
0x12c: {  	v51 =	vld [tilespmem:$0x1FE30];
	v3, v4, _ =	vpop (xrf1)  }
0x12d: {  	v5 =	vld [tilespmem:$0x1E0];
	v3 =	vperm.xlane v3, v6  }
0x12e: {  	v4 =	vperm.xlane v4, v6  }
0x12f: {  	vm1 =	vge.f32 v1, v3  }
0x130: {  	v1 =	vsel vm1, v1, v3;
	v2 =	vsel vm1, v2, v4  }
0x131: {  	(xrf1) =	vsort.dscd.msk.f32 $0xffff, v1, v2  }
0x132: {  	(xrf1) =	vsort.dscd.msk.f32 $0xffff, v5, v51;
	_ =	sdelay $0xc  }
0x133: {  	v1, v2, _ =	vpop (xrf1)  }
0x134: {  	v52 =	vld [tilespmem:$0x1FE40];
	v3, v4, _ =	vpop (xrf1)  }
0x135: {  	v5 =	vld [tilespmem:$0x1F0];
	v3 =	vperm.xlane v3, v6  }
0x136: {  	v4 =	vperm.xlane v4, v6  }
0x137: {  	vm1 =	vge.f32 v1, v3  }
0x138: {  	v1 =	vsel vm1, v1, v3;
	v2 =	vsel vm1, v2, v4  }
0x139: {  	(xrf1) =	vsort.dscd.msk.f32 $0xffff, v1, v2  }
0x13a: {  	(xrf1) =	vsort.dscd.msk.f32 $0xffff, v5, v52;
	_ =	sdelay $0xc  }
0x13b: {  	v1, v2, _ =	vpop (xrf1)  }
0x13c: {  	v53 =	vld [tilespmem:$0x1FE50];
	v3, v4, _ =	vpop (xrf1)  }
0x13d: {  	v5 =	vld [tilespmem:$0x200];
	v3 =	vperm.xlane v3, v6  }
0x13e: {  	v4 =	vperm.xlane v4, v6  }
0x13f: {  	vm1 =	vge.f32 v1, v3  }
0x140: {  	v1 =	vsel vm1, v1, v3;
	v2 =	vsel vm1, v2, v4  }
0x141: {  	(xrf1) =	vsort.dscd.msk.f32 $0xffff, v1, v2  }
0x142: {  	(xrf1) =	vsort.dscd.msk.f32 $0xffff, v5, v53;
	_ =	sdelay $0xc  }
0x143: {  	v1, v2, _ =	vpop (xrf1)  }
0x144: {  	v54 =	vld [tilespmem:$0x1FE60];
	v3, v4, _ =	vpop (xrf1)  }
0x145: {  	v5 =	vld [tilespmem:$0x210];
	v3 =	vperm.xlane v3, v6  }
0x146: {  	v4 =	vperm.xlane v4, v6  }
0x147: {  	vm1 =	vge.f32 v1, v3  }
0x148: {  	v1 =	vsel vm1, v1, v3;
	v2 =	vsel vm1, v2, v4  }
0x149: {  	(xrf1) =	vsort.dscd.msk.f32 $0xffff, v1, v2  }
0x14a: {  	(xrf1) =	vsort.dscd.msk.f32 $0xffff, v5, v54;
	_ =	sdelay $0xc  }
0x14b: {  	v1, v2, _ =	vpop (xrf1)  }
0x14c: {  	v55 =	vld [tilespmem:$0x1FE70];
	v3, v4, _ =	vpop (xrf1)  }
0x14d: {  	v5 =	vld [tilespmem:$0x220];
	v3 =	vperm.xlane v3, v6  }
0x14e: {  	v4 =	vperm.xlane v4, v6  }
0x14f: {  	vm1 =	vge.f32 v1, v3  }
0x150: {  	v1 =	vsel vm1, v1, v3;
	v2 =	vsel vm1, v2, v4  }
0x151: {  	(xrf1) =	vsort.dscd.msk.f32 $0xffff, v1, v2  }
0x152: {  	(xrf1) =	vsort.dscd.msk.f32 $0xffff, v5, v55;
	_ =	sdelay $0xc  }
0x153: {  	v1, v2, _ =	vpop (xrf1)  }
0x154: {  	v56 =	vld [tilespmem:$0x1FE80];
	v3, v4, _ =	vpop (xrf1)  }
0x155: {  	v5 =	vld [tilespmem:$0x230];
	v3 =	vperm.xlane v3, v6  }
0x156: {  	v4 =	vperm.xlane v4, v6  }
0x157: {  	vm1 =	vge.f32 v1, v3  }
0x158: {  	v1 =	vsel vm1, v1, v3;
	v2 =	vsel vm1, v2, v4  }
0x159: {  	(xrf1) =	vsort.dscd.msk.f32 $0xffff, v1, v2  }
0x15a: {  	(xrf1) =	vsort.dscd.msk.f32 $0xffff, v5, v56;
	_ =	sdelay $0xc  }
0x15b: {  	v1, v2, _ =	vpop (xrf1)  }
0x15c: {  	v57 =	vld [tilespmem:$0x1FE90];
	v3, v4, _ =	vpop (xrf1)  }
0x15d: {  	v5 =	vld [tilespmem:$0x240];
	v3 =	vperm.xlane v3, v6  }
0x15e: {  	v4 =	vperm.xlane v4, v6  }
0x15f: {  	vm1 =	vge.f32 v1, v3  }
0x160: {  	v1 =	vsel vm1, v1, v3;
	v2 =	vsel vm1, v2, v4  }
0x161: {  	(xrf1) =	vsort.dscd.msk.f32 $0xffff, v1, v2  }
0x162: {  	(xrf1) =	vsort.dscd.msk.f32 $0xffff, v5, v57;
	_ =	sdelay $0xc  }
0x163: {  	v1, v2, _ =	vpop (xrf1)  }
0x164: {  	v58 =	vld [tilespmem:$0x1FEA0];
	v3, v4, _ =	vpop (xrf1)  }
0x165: {  	v5 =	vld [tilespmem:$0x250];
	v3 =	vperm.xlane v3, v6  }
0x166: {  	v4 =	vperm.xlane v4, v6  }
0x167: {  	vm1 =	vge.f32 v1, v3  }
0x168: {  	v1 =	vsel vm1, v1, v3;
	v2 =	vsel vm1, v2, v4  }
0x169: {  	(xrf1) =	vsort.dscd.msk.f32 $0xffff, v1, v2  }
0x16a: {  	(xrf1) =	vsort.dscd.msk.f32 $0xffff, v5, v58;
	_ =	sdelay $0xc  }
0x16b: {  	v1, v2, _ =	vpop (xrf1)  }
0x16c: {  	v59 =	vld [tilespmem:$0x1FEB0];
	v3, v4, _ =	vpop (xrf1)  }
0x16d: {  	v5 =	vld [tilespmem:$0x260];
	v3 =	vperm.xlane v3, v6  }
0x16e: {  	v4 =	vperm.xlane v4, v6  }
0x16f: {  	vm1 =	vge.f32 v1, v3  }
0x170: {  	v1 =	vsel vm1, v1, v3;
	v2 =	vsel vm1, v2, v4  }
0x171: {  	(xrf1) =	vsort.dscd.msk.f32 $0xffff, v1, v2  }
0x172: {  	(xrf1) =	vsort.dscd.msk.f32 $0xffff, v5, v59;
	_ =	sdelay $0xc  }
0x173: {  	v1, v2, _ =	vpop (xrf1)  }
0x174: {  	v60 =	vld [tilespmem:$0x1FEC0];
	v3, v4, _ =	vpop (xrf1)  }
0x175: {  	v5 =	vld [tilespmem:$0x270];
	v3 =	vperm.xlane v3, v6  }
0x176: {  	v4 =	vperm.xlane v4, v6  }
0x177: {  	vm1 =	vge.f32 v1, v3  }
0x178: {  	v1 =	vsel vm1, v1, v3;
	v2 =	vsel vm1, v2, v4  }
0x179: {  	(xrf1) =	vsort.dscd.msk.f32 $0xffff, v1, v2  }
0x17a: {  	(xrf1) =	vsort.dscd.msk.f32 $0xffff, v5, v60;
	_ =	sdelay $0xc  }
0x17b: {  	v1, v2, _ =	vpop (xrf1)  }
0x17c: {  	v61 =	vld [tilespmem:$0x1FED0];
	v3, v4, _ =	vpop (xrf1)  }
0x17d: {  	v5 =	vld [tilespmem:$0x280];
	v3 =	vperm.xlane v3, v6  }
0x17e: {  	v4 =	vperm.xlane v4, v6  }
0x17f: {  	vm1 =	vge.f32 v1, v3  }
0x180: {  	v1 =	vsel vm1, v1, v3;
	v2 =	vsel vm1, v2, v4  }
0x181: {  	(xrf1) =	vsort.dscd.msk.f32 $0xffff, v1, v2  }
0x182: {  	(xrf1) =	vsort.dscd.msk.f32 $0xffff, v5, v61;
	_ =	sdelay $0xc  }
0x183: {  	v1, v2, _ =	vpop (xrf1)  }
0x184: {  	v62 =	vld [tilespmem:$0x1FEE0];
	v3, v4, _ =	vpop (xrf1)  }
0x185: {  	v5 =	vld [tilespmem:$0x290];
	v3 =	vperm.xlane v3, v6  }
0x186: {  	v4 =	vperm.xlane v4, v6  }
0x187: {  	vm1 =	vge.f32 v1, v3  }
0x188: {  	v1 =	vsel vm1, v1, v3;
	v2 =	vsel vm1, v2, v4  }
0x189: {  	(xrf1) =	vsort.dscd.msk.f32 $0xffff, v1, v2  }
0x18a: {  	(xrf1) =	vsort.dscd.msk.f32 $0xffff, v5, v62;
	_ =	sdelay $0xc  }
0x18b: {  	v1, v2, _ =	vpop (xrf1)  }
0x18c: {  	v63 =	vld [tilespmem:$0x1FEF0];
	v3, v4, _ =	vpop (xrf1)  }
0x18d: {  	v5 =	vld [tilespmem:$0x2A0];
	v3 =	vperm.xlane v3, v6  }
0x18e: {  	v4 =	vperm.xlane v4, v6  }
0x18f: {  	vm1 =	vge.f32 v1, v3  }
0x190: {  	v1 =	vsel vm1, v1, v3;
	v2 =	vsel vm1, v2, v4  }
0x191: {  	(xrf1) =	vsort.dscd.msk.f32 $0xffff, v1, v2  }
0x192: {  	(xrf1) =	vsort.dscd.msk.f32 $0xffff, v5, v63;
	_ =	sdelay $0xc  }
0x193: {  	v1, v2, _ =	vpop (xrf1)  }
0x194: {  	v3, v4, _ =	vpop (xrf1)  }
0x195: {  	v3 =	vperm.xlane v3, v6  }
0x196: {  	v4 =	vperm.xlane v4, v6  }
0x197: {  	vm1 =	vge.f32 v1, v3  }
0x198: {  	v5 =	vld [tilespmem:$0x2B0];
	v1 =	vsel vm1, v1, v3;
	v2 =	vsel vm1, v2, v4  }
0x199: {  	(xrf1) =	vsort.dscd.msk.f32 $0xffff, v1, v2;
	v1 =	vld [tilespmem:$0x1FF00];
	_ =	sdelay $0x4  }
0x19a: {  	(xrf1) =	vsort.dscd.msk.f32 $0xffff, v5, v1;
	_ =	sdelay $0xc  }
0x19b: {  	v1, v2, _ =	vpop (xrf1)  }
0x19c: {  	v3, v4, _ =	vpop (xrf1)  }
0x19d: {  	v3 =	vperm.xlane v3, v6  }
0x19e: {  	v4 =	vperm.xlane v4, v6  }
0x19f: {  	vm1 =	vge.f32 v1, v3  }
0x1a0: {  	v5 =	vld [tilespmem:$0x2C0];
	v1 =	vsel vm1, v1, v3;
	v2 =	vsel vm1, v2, v4  }
0x1a1: {  	(xrf1) =	vsort.dscd.msk.f32 $0xffff, v1, v2;
	v1 =	vld [tilespmem:$0x1FF10];
	_ =	sdelay $0x4  }
0x1a2: {  	(xrf1) =	vsort.dscd.msk.f32 $0xffff, v5, v1;
	_ =	sdelay $0xc  }
0x1a3: {  	v1, v2, _ =	vpop (xrf1)  }
0x1a4: {  	v3, v4, _ =	vpop (xrf1)  }
0x1a5: {  	v3 =	vperm.xlane v3, v6  }
0x1a6: {  	v4 =	vperm.xlane v4, v6  }
0x1a7: {  	vm1 =	vge.f32 v1, v3  }
0x1a8: {  	v5 =	vld [tilespmem:$0x2D0];
	v1 =	vsel vm1, v1, v3;
	v2 =	vsel vm1, v2, v4  }
0x1a9: {  	(xrf1) =	vsort.dscd.msk.f32 $0xffff, v1, v2;
	v1 =	vld [tilespmem:$0x1FF20];
	_ =	sdelay $0x4  }
0x1aa: {  	(xrf1) =	vsort.dscd.msk.f32 $0xffff, v5, v1;
	_ =	sdelay $0xc  }
0x1ab: {  	v1, v2, _ =	vpop (xrf1)  }
0x1ac: {  	v3, v4, _ =	vpop (xrf1)  }
0x1ad: {  	v3 =	vperm.xlane v3, v6  }
0x1ae: {  	v4 =	vperm.xlane v4, v6  }
0x1af: {  	vm1 =	vge.f32 v1, v3  }
0x1b0: {  	v5 =	vld [tilespmem:$0x2E0];
	v1 =	vsel vm1, v1, v3;
	v2 =	vsel vm1, v2, v4  }
0x1b1: {  	(xrf1) =	vsort.dscd.msk.f32 $0xffff, v1, v2;
	v1 =	vld [tilespmem:$0x1FF30];
	_ =	sdelay $0x4  }
0x1b2: {  	(xrf1) =	vsort.dscd.msk.f32 $0xffff, v5, v1;
	_ =	sdelay $0xc  }
0x1b3: {  	v1, v2, _ =	vpop (xrf1)  }
0x1b4: {  	v3, v4, _ =	vpop (xrf1)  }
0x1b5: {  	v3 =	vperm.xlane v3, v6  }
0x1b6: {  	v4 =	vperm.xlane v4, v6  }
0x1b7: {  	vm1 =	vge.f32 v1, v3  }
0x1b8: {  	v5 =	vld [tilespmem:$0x2F0];
	v1 =	vsel vm1, v1, v3;
	v2 =	vsel vm1, v2, v4  }
0x1b9: {  	(xrf1) =	vsort.dscd.msk.f32 $0xffff, v1, v2;
	v1 =	vld [tilespmem:$0x1FF40];
	_ =	sdelay $0x4  }
0x1ba: {  	(xrf1) =	vsort.dscd.msk.f32 $0xffff, v5, v1;
	_ =	sdelay $0xc  }
0x1bb: {  	v1, v2, _ =	vpop (xrf1)  }
0x1bc: {  	v3, v4, _ =	vpop (xrf1)  }
0x1bd: {  	v3 =	vperm.xlane v3, v6  }
0x1be: {  	v4 =	vperm.xlane v4, v6  }
0x1bf: {  	vm1 =	vge.f32 v1, v3  }
0x1c0: {  	v5 =	vld [tilespmem:$0x300];
	v1 =	vsel vm1, v1, v3;
	v2 =	vsel vm1, v2, v4  }
0x1c1: {  	(xrf1) =	vsort.dscd.msk.f32 $0xffff, v1, v2;
	v1 =	vld [tilespmem:$0x1FF50];
	_ =	sdelay $0x4  }
0x1c2: {  	(xrf1) =	vsort.dscd.msk.f32 $0xffff, v5, v1;
	_ =	sdelay $0xc  }
0x1c3: {  	v1, v2, _ =	vpop (xrf1)  }
0x1c4: {  	v3, v4, _ =	vpop (xrf1)  }
0x1c5: {  	v3 =	vperm.xlane v3, v6  }
0x1c6: {  	v4 =	vperm.xlane v4, v6  }
0x1c7: {  	vm1 =	vge.f32 v1, v3  }
0x1c8: {  	v1 =	vsel vm1, v1, v3;
	v2 =	vsel vm1, v2, v4  }
0x1c9: {  	(xrf1) =	vsort.dscd.msk.f32 $0xffff, v1, v2;
	_ =	sdelay $0x7  }
0x1ca: {  	v23 =	vld [tilespmem:$0x1FF60]  }
0x1cb: {  	v3 =	vld [tilespmem:$0x310];
	_ =	sdelay $0x4  }
0x1cc: {  	v1, v2, _ =	vpop (xrf1);
	(xrf1) =	vsort.dscd.msk.f32 $0xffff, v3, v23;
	_ =	sdelay $0xd  }
0x1cd: {  	v3, v4, _ =	vpop (xrf1)  }
0x1ce: {  	v3 =	vperm.xlane v3, v6  }
0x1cf: {  	v4 =	vperm.xlane v4, v6  }
0x1d0: {  	vm1 =	vge.f32 v1, v3  }
0x1d1: {  	v5 =	vld [tilespmem:$0x320];
	v1 =	vsel vm1, v1, v3;
	v2 =	vsel vm1, v2, v4  }
0x1d2: {  	(xrf1) =	vsort.dscd.msk.f32 $0xffff, v1, v2;
	v1 =	vld [tilespmem:$0x1FF70];
	_ =	sdelay $0x4  }
0x1d3: {  	(xrf1) =	vsort.dscd.msk.f32 $0xffff, v5, v1;
	_ =	sdelay $0xc  }
0x1d4: {  	v1, v2, _ =	vpop (xrf1)  }
0x1d5: {  	v3, v4, _ =	vpop (xrf1)  }
0x1d6: {  	v3 =	vperm.xlane v3, v6  }
0x1d7: {  	v4 =	vperm.xlane v4, v6  }
0x1d8: {  	vm1 =	vge.f32 v1, v3  }
0x1d9: {  	v5 =	vld [tilespmem:$0x330];
	v1 =	vsel vm1, v1, v3;
	v2 =	vsel vm1, v2, v4  }
0x1da: {  	(xrf1) =	vsort.dscd.msk.f32 $0xffff, v1, v2;
	v1 =	vld [tilespmem:$0x1FF80];
	_ =	sdelay $0x4  }
0x1db: {  	(xrf1) =	vsort.dscd.msk.f32 $0xffff, v5, v1;
	_ =	sdelay $0xc  }
0x1dc: {  	v1, v2, _ =	vpop (xrf1)  }
0x1dd: {  	v3, v4, _ =	vpop (xrf1)  }
0x1de: {  	v3 =	vperm.xlane v3, v6  }
0x1df: {  	v4 =	vperm.xlane v4, v6  }
0x1e0: {  	vm1 =	vge.f32 v1, v3  }
0x1e1: {  	v5 =	vld [tilespmem:$0x340];
	v1 =	vsel vm1, v1, v3;
	v2 =	vsel vm1, v2, v4  }
0x1e2: {  	(xrf1) =	vsort.dscd.msk.f32 $0xffff, v1, v2;
	v1 =	vld [tilespmem:$0x1FF90];
	_ =	sdelay $0x4  }
0x1e3: {  	(xrf1) =	vsort.dscd.msk.f32 $0xffff, v5, v1;
	_ =	sdelay $0xc  }
0x1e4: {  	v1, v2, _ =	vpop (xrf1)  }
0x1e5: {  	v3, v4, _ =	vpop (xrf1)  }
0x1e6: {  	v3 =	vperm.xlane v3, v6  }
0x1e7: {  	v4 =	vperm.xlane v4, v6  }
0x1e8: {  	vm1 =	vge.f32 v1, v3  }
0x1e9: {  	v5 =	vld [tilespmem:$0x350];
	v1 =	vsel vm1, v1, v3;
	v2 =	vsel vm1, v2, v4  }
0x1ea: {  	(xrf1) =	vsort.dscd.msk.f32 $0xffff, v1, v2;
	v1 =	vld [tilespmem:$0x1FFA0];
	_ =	sdelay $0x4  }
0x1eb: {  	(xrf1) =	vsort.dscd.msk.f32 $0xffff, v5, v1;
	_ =	sdelay $0xc  }
0x1ec: {  	v1, v2, _ =	vpop (xrf1)  }
0x1ed: {  	v3, v4, _ =	vpop (xrf1)  }
0x1ee: {  	v3 =	vperm.xlane v3, v6  }
0x1ef: {  	v4 =	vperm.xlane v4, v6  }
0x1f0: {  	vm1 =	vge.f32 v1, v3  }
0x1f1: {  	v1 =	vsel vm1, v1, v3;
	v2 =	vsel vm1, v2, v4  }
0x1f2: {  	v5 =	vld [tilespmem:$0x360];
	(xrf1) =	vsort.dscd.msk.f32 $0xffff, v1, v2  }
0x1f3: {  	v1 =	vld [tilespmem:$0x1FFB0];
	_ =	sdelay $0x4  }
0x1f4: {  	(xrf1) =	vsort.dscd.msk.f32 $0xffff, v5, v1;
	_ =	sdelay $0xc  }
0x1f5: {  	v1, v2, _ =	vpop (xrf1)  }
0x1f6: {  	v3, v4, _ =	vpop (xrf1)  }
0x1f7: {  	v3 =	vperm.xlane v3, v6  }
0x1f8: {  	v4 =	vperm.xlane v4, v6  }
0x1f9: {  	vm1 =	vge.f32 v1, v3  }
0x1fa: {  	v5 =	vld [tilespmem:$0x370];
	v1 =	vsel vm1, v1, v3;
	v2 =	vsel vm1, v2, v4  }
0x1fb: {  	(xrf1) =	vsort.dscd.msk.f32 $0xffff, v1, v2;
	v1 =	vld [tilespmem:$0x1FFC0];
	_ =	sdelay $0x4  }
0x1fc: {  	(xrf1) =	vsort.dscd.msk.f32 $0xffff, v5, v1;
	_ =	sdelay $0xc  }
0x1fd: {  	v1, v2, _ =	vpop (xrf1)  }
0x1fe: {  	v3, v4, _ =	vpop (xrf1)  }
0x1ff: {  	v3 =	vperm.xlane v3, v6  }
0x200: {  	v4 =	vperm.xlane v4, v6  }
0x201: {  	vm1 =	vge.f32 v1, v3  }
0x202: {  	v5 =	vld [tilespmem:$0x380];
	v1 =	vsel vm1, v1, v3;
	v2 =	vsel vm1, v2, v4  }
0x203: {  	(xrf1) =	vsort.dscd.msk.f32 $0xffff, v1, v2;
	v1 =	vld [tilespmem:$0x1FFD0];
	_ =	sdelay $0x4  }
0x204: {  	(xrf1) =	vsort.dscd.msk.f32 $0xffff, v5, v1;
	_ =	sdelay $0xc  }
0x205: {  	v1, v2, _ =	vpop (xrf1)  }
0x206: {  	v3, v4, _ =	vpop (xrf1)  }
0x207: {  	v3 =	vperm.xlane v3, v6  }
0x208: {  	v4 =	vperm.xlane v4, v6  }
0x209: {  	vm1 =	vge.f32 v1, v3  }
0x20a: {  	v5 =	vld [tilespmem:$0x390];
	v1 =	vsel vm1, v1, v3;
	v2 =	vsel vm1, v2, v4  }
0x20b: {  	(xrf1) =	vsort.dscd.msk.f32 $0xffff, v1, v2;
	v1 =	vld [tilespmem:$0x1FFE0];
	_ =	sdelay $0x4  }
0x20c: {  	(xrf1) =	vsort.dscd.msk.f32 $0xffff, v5, v1;
	_ =	sdelay $0xc  }
0x20d: {  	v1, v2, _ =	vpop (xrf1)  }
0x20e: {  	v3, v4, _ =	vpop (xrf1)  }
0x20f: {  	v3 =	vperm.xlane v3, v6  }
0x210: {  	v4 =	vperm.xlane v4, v6  }
0x211: {  	vm1 =	vge.f32 v1, v3  }
0x212: {  	v5 =	vld [tilespmem:$0x3A0];
	v1 =	vsel vm1, v1, v3;
	v2 =	vsel vm1, v2, v4  }
0x213: {  	(xrf1) =	vsort.dscd.msk.f32 $0xffff, v1, v2;
	v1 =	vld [tilespmem:$0x1FFF0];
	_ =	sdelay $0x4  }
0x214: {  	(xrf1) =	vsort.dscd.msk.f32 $0xffff, v5, v1;
	_ =	sdelay $0xc  }
0x215: {  	v1, v2, _ =	vpop (xrf1)  }
0x216: {  	v3, v4, _ =	vpop (xrf1)  }
0x217: {  	v5 =	vld [tilespmem:$0x3B0];
	v3 =	vperm.xlane v3, v6  }
0x218: {  	v4 =	vperm.xlane v4, v6  }
0x219: {  	vm1 =	vge.f32 v1, v3  }
0x21a: {  	v1 =	vsel vm1, v1, v3;
	v2 =	vsel vm1, v2, v4  }
0x21b: {  	v3 =	vor.u32 $0x3B0, v0;
	(xrf1) =	vsort.dscd.msk.f32 $0xffff, v1, v2  }
0x21c: {  	(xrf1) =	vsort.dscd.msk.f32 $0xffff, v5, v3;
	_ =	sdelay $0xc  }
0x21d: {  	v1, v2, _ =	vpop (xrf1)  }
0x21e: {  	v4, v5, _ =	vpop (xrf1)  }
0x21f: {  	v7 =	vld [tilespmem:$0x3C0];
	v4 =	vperm.xlane v4, v6  }
0x220: {  	v5 =	vperm.xlane v5, v6  }
0x221: {  	vm1 =	vge.f32 v1, v4  }
0x222: {  	v1 =	vsel vm1, v1, v4;
	v2 =	vsel vm1, v2, v5  }
0x223: {  	v4 =	vor.u32 $0x3C0, v0;
	(xrf1) =	vsort.dscd.msk.f32 $0xffff, v1, v2  }
0x224: {  	(xrf1) =	vsort.dscd.msk.f32 $0xffff, v7, v4;
	_ =	sdelay $0xc  }
0x225: {  	v1, v2, _ =	vpop (xrf1)  }
0x226: {  	v5, v7, _ =	vpop (xrf1)  }
0x227: {  	v8 =	vld [tilespmem:$0x3D0];
	v5 =	vperm.xlane v5, v6  }
0x228: {  	v7 =	vperm.xlane v7, v6  }
0x229: {  	vm1 =	vge.f32 v1, v5  }
0x22a: {  	v1 =	vsel vm1, v1, v5;
	v2 =	vsel vm1, v2, v7  }
0x22b: {  	(xrf1) =	vsort.dscd.msk.f32 $0xffff, v1, v2;
	v1 =	vor.u32 $0x3D0, v0  }
0x22c: {  	(xrf1) =	vsort.dscd.msk.f32 $0xffff, v8, v1;
	_ =	sdelay $0xc  }
0x22d: {  	v2, v5, _ =	vpop (xrf1)  }
0x22e: {  	v7, v8, _ =	vpop (xrf1)  }
0x22f: {  	v9 =	vld [tilespmem:$0x3E0];
	v7 =	vperm.xlane v7, v6  }
0x230: {  	v8 =	vperm.xlane v8, v6  }
0x231: {  	vm1 =	vge.f32 v2, v7  }
0x232: {  	v2 =	vsel vm1, v2, v7;
	v5 =	vsel vm1, v5, v8  }
0x233: {  	(xrf1) =	vsort.dscd.msk.f32 $0xffff, v2, v5;
	v2 =	vor.u32 $0x3E0, v0  }
0x234: {  	(xrf1) =	vsort.dscd.msk.f32 $0xffff, v9, v2;
	_ =	sdelay $0xc  }
0x235: {  	v5, v7, _ =	vpop (xrf1)  }
0x236: {  	v8, v9, _ =	vpop (xrf1)  }
0x237: {  	v10 =	vld [tilespmem:$0x3F0];
	v8 =	vperm.xlane v8, v6  }
0x238: {  	v9 =	vperm.xlane v9, v6  }
0x239: {  	vm1 =	vge.f32 v5, v8  }
0x23a: {  	v5 =	vsel vm1, v5, v8;
	v7 =	vsel vm1, v7, v9  }
0x23b: {  	(xrf1) =	vsort.dscd.msk.f32 $0xffff, v5, v7;
	v5 =	vor.u32 $0x3F0, v0  }
0x23c: {  	(xrf1) =	vsort.dscd.msk.f32 $0xffff, v10, v5;
	_ =	sdelay $0xc  }
0x23d: {  	v7, v8, _ =	vpop (xrf1)  }
0x23e: {  	v18, v10, _ =	vpop (xrf1)  }
0x23f: {  	v11 =	vld [tilespmem:$0x400];
	v9 =	vperm.xlane v18, v6  }
0x240: {  	v10 =	vperm.xlane v10, v6  }
0x241: {  	vm1 =	vge.f32 v7, v9  }
0x242: {  	v7 =	vsel vm1, v7, v9;
	v8 =	vsel vm1, v8, v10  }
0x243: {  	(xrf1) =	vsort.dscd.msk.f32 $0xffff, v7, v8;
	v7 =	vor.u32 $0x400, v0  }
0x244: {  	(xrf1) =	vsort.dscd.msk.f32 $0xffff, v11, v7;
	_ =	sdelay $0xc  }
0x245: {  	v8, v19, _ =	vpop (xrf1)  }
0x246: {  	v20, v11, _ =	vpop (xrf1)  }
0x247: {  	v12 =	vld [tilespmem:$0x410];
	v10 =	vperm.xlane v20, v6  }
0x248: {  	v11 =	vperm.xlane v11, v6  }
0x249: {  	vm1 =	vge.f32 v8, v10  }
0x24a: {  	v8 =	vsel vm1, v8, v10;
	v9 =	vsel vm1, v19, v11  }
0x24b: {  	(xrf1) =	vsort.dscd.msk.f32 $0xffff, v8, v9;
	v8 =	vor.u32 $0x410, v0  }
0x24c: {  	(xrf1) =	vsort.dscd.msk.f32 $0xffff, v12, v8;
	_ =	sdelay $0xc  }
0x24d: {  	v9, v22, _ =	vpop (xrf1)  }
0x24e: {  	v16, v12, _ =	vpop (xrf1)  }
0x24f: {  	v13 =	vld [tilespmem:$0x420];
	v11 =	vperm.xlane v16, v6  }
0x250: {  	v12 =	vperm.xlane v12, v6  }
0x251: {  	vm1 =	vge.f32 v9, v11  }
0x252: {  	v9 =	vsel vm1, v9, v11;
	v10 =	vsel vm1, v22, v12  }
0x253: {  	(xrf1) =	vsort.dscd.msk.f32 $0xffff, v9, v10;
	v9 =	vor.u32 $0x420, v0  }
0x254: {  	(xrf1) =	vsort.dscd.msk.f32 $0xffff, v13, v9;
	_ =	sdelay $0xc  }
0x255: {  	v10, v17, _ =	vpop (xrf1)  }
0x256: {  	v18, v13, _ =	vpop (xrf1)  }
0x257: {  	v14 =	vld [tilespmem:$0x430];
	v12 =	vperm.xlane v18, v6  }
0x258: {  	v13 =	vperm.xlane v13, v6  }
0x259: {  	vm1 =	vge.f32 v10, v12  }
0x25a: {  	v10 =	vsel vm1, v10, v12;
	v11 =	vsel vm1, v17, v13  }
0x25b: {  	(xrf1) =	vsort.dscd.msk.f32 $0xffff, v10, v11;
	v10 =	vor.u32 $0x430, v0  }
0x25c: {  	(xrf1) =	vsort.dscd.msk.f32 $0xffff, v14, v10;
	_ =	sdelay $0xc  }
0x25d: {  	v11, v19, _ =	vpop (xrf1)  }
0x25e: {  	v20, v14, _ =	vpop (xrf1)  }
0x25f: {  	v15 =	vld [tilespmem:$0x440];
	v13 =	vperm.xlane v20, v6  }
0x260: {  	v14 =	vperm.xlane v14, v6  }
0x261: {  	vm1 =	vge.f32 v11, v13  }
0x262: {  	v11 =	vsel vm1, v11, v13;
	v12 =	vsel vm1, v19, v14  }
0x263: {  	(xrf1) =	vsort.dscd.msk.f32 $0xffff, v11, v12;
	v11 =	vor.u32 $0x440, v0  }
0x264: {  	(xrf1) =	vsort.dscd.msk.f32 $0xffff, v15, v11;
	_ =	sdelay $0xc  }
0x265: {  	v12, v22, _ =	vpop (xrf1)  }
0x266: {  	v20, v15, _ =	vpop (xrf1)  }
0x267: {  	v16 =	vld [tilespmem:$0x450];
	v14 =	vperm.xlane v20, v6  }
0x268: {  	v15 =	vperm.xlane v15, v6  }
0x269: {  	vm1 =	vge.f32 v12, v14  }
0x26a: {  	v12 =	vsel vm1, v12, v14;
	v13 =	vsel vm1, v22, v15  }
0x26b: {  	(xrf1) =	vsort.dscd.msk.f32 $0xffff, v12, v13;
	v12 =	vor.u32 $0x450, v0  }
0x26c: {  	(xrf1) =	vsort.dscd.msk.f32 $0xffff, v16, v12;
	_ =	sdelay $0xc  }
0x26d: {  	v13, v22, _ =	vpop (xrf1)  }
0x26e: {  	v20, v16, _ =	vpop (xrf1)  }
0x26f: {  	v17 =	vld [tilespmem:$0x460];
	v15 =	vperm.xlane v20, v6  }
0x270: {  	v16 =	vperm.xlane v16, v6  }
0x271: {  	vm1 =	vge.f32 v13, v15  }
0x272: {  	v13 =	vsel vm1, v13, v15;
	v14 =	vsel vm1, v22, v16  }
0x273: {  	(xrf1) =	vsort.dscd.msk.f32 $0xffff, v13, v14;
	v13 =	vor.u32 $0x460, v0  }
0x274: {  	(xrf1) =	vsort.dscd.msk.f32 $0xffff, v17, v13;
	_ =	sdelay $0xc  }
0x275: {  	v14, v22, _ =	vpop (xrf1)  }
0x276: {  	v20, v17, _ =	vpop (xrf1)  }
0x277: {  	v18 =	vld [tilespmem:$0x470];
	v16 =	vperm.xlane v20, v6  }
0x278: {  	v17 =	vperm.xlane v17, v6  }
0x279: {  	vm1 =	vge.f32 v14, v16  }
0x27a: {  	v14 =	vsel vm1, v14, v16;
	v15 =	vsel vm1, v22, v17  }
0x27b: {  	(xrf1) =	vsort.dscd.msk.f32 $0xffff, v14, v15;
	v15 =	vor.u32 $0x470, v0  }
0x27c: {  	(xrf1) =	vsort.dscd.msk.f32 $0xffff, v18, v15;
	_ =	sdelay $0xc  }
0x27d: {  	v14, v16, _ =	vpop (xrf1)  }
0x27e: {  	v22, v18, _ =	vpop (xrf1)  }
0x27f: {  	v17 =	vperm.xlane v22, v6  }
0x280: {  	v18 =	vperm.xlane v18, v6  }
0x281: {  	vm1 =	vge.f32 v14, v17  }
0x282: {  	v14 =	vsel vm1, v14, v17;
	v16 =	vsel vm1, v16, v18  }
0x283: {  	(xrf1) =	vsort.dscd.msk.f32 $0xffff, v14, v16;
	_ =	sdelay $0xa  }
0x284: {  	v22 =	vld [tilespmem:$0x1FC20];
	_ =	sdelay $0x2  }
0x285: {  	_, v14, _ =	vpop (xrf1)  }
0x286: {  	v20 =	vld [tilespmem:$0x1FC30];
	v14 =	vshll.u32 v14, $0x6  }
0x287: {  	v18 =	vor.u32 v22, v14  }
0x288: {  	v14 =	vshrl.u32 v18, $0x3  }
0x289: {  	v14 =	vmul.u32 $0x30, v14;
	_ =	sdelay $0x1  }
0x28a: {  	v16 =	vand.u32 $0x7, v0;
	v22 =	vshrl.u32 v0, $0x3;
	v19 =	vor.u32 v20, v14  }
0x28b: {  	v14 =	vmul.u32 $0x8, v22;
	v20 =	vperm.xlane v19, v16;
	_ =	sdelay $0x1  }
0x28c: {  	v20 =	vadd.s32 v14, v20;
	_ =	sdelay $0x2  }
0x28d: {  	v17 =	vor.u32 $0x8, v0  }
0x28e: {  	[tilespmem:$0x480] =	vst v18;
	v22 =	vperm.xlane v19, v17  }
0x28f: {  	[tilespmem:s14], [sflag:$0x1] =	stream.indirect_vreg.gather [hbm4b:s1+s3], $0x80, v20, vm0, $0xb8;
	[tilespmem:$0x3500] =	vst v63  }
0x290: {  	v18 =	vadd.s32 v14, v22  }
0x291: {  	[tilespmem:s15], [sflag:$0x1] =	stream.indirect_vreg.gather [hbm4b:s5+s3], $0x80, v20, vm0, $0xb8;
	[tilespmem:$0x3500] =	vst v63  }
0x292: {  	_ = 	snop  }
0x293: {  	[tilespmem:s16], [sflag:$0x1] =	stream.indirect_vreg.gather [hbm4b:s6+s3], $0x80, v20, vm0, $0xb8;
	[tilespmem:$0x3500] =	vst v63  }
0x294: {  	_ = 	snop  }
0x295: {  	[tilespmem:s17], [sflag:$0x1] =	stream.indirect_vreg.gather [hbm4b:s1+s3], $0x80, v18, vm0, $0xb8;
	[tilespmem:$0x3500] =	vst v63  }
0x296: {  	_ = 	snop  }
0x297: {  	[tilespmem:s18], [sflag:$0x1] =	stream.indirect_vreg.gather [hbm4b:s5+s3], $0x80, v18, vm0, $0xb8;
	[tilespmem:$0x3500] =	vst v63  }
0x298: {  	_ = 	snop  }
0x299: {  	[tilespmem:s19], [sflag:$0x1] =	stream.indirect_vreg.gather [hbm4b:s6+s3], $0x80, v18, vm0, $0xb8;
	[tilespmem:$0x3500] =	vst v63  }
0x29a: {  	_ =	swait.ge [sflag:s20], $0x3000  }
0x29b: {  	[sflag:s20] =	ssyncset.done $0x0  }
0x29c: {  	[sflag:s20] =	ssyncadd.s32 $0xFFFFD000  }
0x29d: {  	[hbm4b:s7+s3] =	stream.linear.scatter [tilespmem:s14], [sflag:$0x2], $0x1800, $0x38;
	[tilespmem:$0x3500] =	vst v63  }
0x29e: {  	_ =	swait.ge [sflag:s13], $0x1800  }
0x29f: {  	[sflag:s13] =	ssyncset.done $0x0  }
0x2a0: {  	[sflag:s13] =	ssyncadd.s32 $0xFFFFE800  }
0x2a1: {  	[tilespmem:s3], [sflag:$0x2] =	stream.strided.gather [hbm4b:s8+s11], $0x480, s12, s11, $0x38;
	[tilespmem:$0x3500] =	vst v63  }
0x2a2: {  	_ =	swait.ge [sflag:s13], $0x480  }
0x2a3: {  	[sflag:s13] =	ssyncset.done $0x0  }
0x2a4: {  	[sflag:s13] =	ssyncadd.s32 $0xFFFFFB80  }
0x2a5: {  	v18 =	vld [tilespmem:$0x0]  }
0x2a6: {  	v22 =	vld [tilespmem:$0x10];
	_ =	sdelay $0x3  }
0x2a7: {  	(xrf1) =	vsort.dscd.msk.f32 $0xffff, v18, v0  }
0x2a8: {  	(xrf1) =	vsort.dscd.msk.f32 $0xffff, v22, v21;
	_ =	sdelay $0xc  }
0x2a9: {  	v18, v19, _ =	vpop (xrf1)  }
0x2aa: {  	v20, v21, _ =	vpop (xrf1)  }
0x2ab: {  	v20 =	vperm.xlane v20, v6  }
0x2ac: {  	v21 =	vperm.xlane v21, v6  }
0x2ad: {  	v22 =	vld [tilespmem:$0x20];
	vm1 =	vge.f32 v18, v20  }
0x2ae: {  	v19 =	vsel vm1, v19, v21;
	v21 =	vld [tilespmem:$0x1FC70];
	_ =	sdelay $0x2  }
0x2af: {  	v18 =	vsel vm1, v18, v20  }
0x2b0: {  	(xrf1) =	vsort.dscd.msk.f32 $0xffff, v18, v19  }
0x2b1: {  	(xrf1) =	vsort.dscd.msk.f32 $0xffff, v22, v21;
	_ =	sdelay $0xc  }
0x2b2: {  	v18, v19, _ =	vpop (xrf1)  }
0x2b3: {  	v20, v21, _ =	vpop (xrf1)  }
0x2b4: {  	v22 =	vld [tilespmem:$0x30];
	v20 =	vperm.xlane v20, v6  }
0x2b5: {  	v21 =	vperm.xlane v21, v6  }
0x2b6: {  	vm1 =	vge.f32 v18, v20  }
0x2b7: {  	v18 =	vsel vm1, v18, v20;
	v19 =	vsel vm1, v19, v21  }
0x2b8: {  	(xrf1) =	vsort.dscd.msk.f32 $0xffff, v18, v19  }
0x2b9: {  	(xrf1) =	vsort.dscd.msk.f32 $0xffff, v22, v24;
	_ =	sdelay $0xc  }
0x2ba: {  	v18, v19, _ =	vpop (xrf1)  }
0x2bb: {  	v24, v21, _ =	vpop (xrf1)  }
0x2bc: {  	v20 =	vperm.xlane v24, v6;
	v24 =	vld [tilespmem:$0x40]  }
0x2bd: {  	v21 =	vperm.xlane v21, v6  }
0x2be: {  	vm1 =	vge.f32 v18, v20  }
0x2bf: {  	v18 =	vsel vm1, v18, v20;
	v19 =	vsel vm1, v19, v21  }
0x2c0: {  	(xrf1) =	vsort.dscd.msk.f32 $0xffff, v18, v19  }
0x2c1: {  	(xrf1) =	vsort.dscd.msk.f32 $0xffff, v24, v25;
	_ =	sdelay $0xc  }
0x2c2: {  	v18, v19, _ =	vpop (xrf1)  }
0x2c3: {  	v25, v24, _ =	vpop (xrf1)  }
0x2c4: {  	v20 =	vperm.xlane v25, v6;
	v25 =	vld [tilespmem:$0x50]  }
0x2c5: {  	v21 =	vperm.xlane v24, v6  }
0x2c6: {  	vm1 =	vge.f32 v18, v20  }
0x2c7: {  	v18 =	vsel vm1, v18, v20;
	v19 =	vsel vm1, v19, v21  }
0x2c8: {  	(xrf1) =	vsort.dscd.msk.f32 $0xffff, v18, v19  }
0x2c9: {  	(xrf1) =	vsort.dscd.msk.f32 $0xffff, v25, v26;
	_ =	sdelay $0xc  }
0x2ca: {  	v18, v19, _ =	vpop (xrf1)  }
0x2cb: {  	v24, v25, _ =	vpop (xrf1)  }
0x2cc: {  	v26 =	vld [tilespmem:$0x60];
	v20 =	vperm.xlane v24, v6  }
0x2cd: {  	v21 =	vperm.xlane v25, v6  }
0x2ce: {  	vm1 =	vge.f32 v18, v20  }
0x2cf: {  	v18 =	vsel vm1, v18, v20;
	v19 =	vsel vm1, v19, v21  }
0x2d0: {  	(xrf1) =	vsort.dscd.msk.f32 $0xffff, v18, v19  }
0x2d1: {  	(xrf1) =	vsort.dscd.msk.f32 $0xffff, v26, v27;
	_ =	sdelay $0xc  }
0x2d2: {  	v18, v19, _ =	vpop (xrf1)  }
0x2d3: {  	v27, v24, _ =	vpop (xrf1)  }
0x2d4: {  	v25 =	vld [tilespmem:$0x70];
	v20 =	vperm.xlane v27, v6  }
0x2d5: {  	v21 =	vperm.xlane v24, v6  }
0x2d6: {  	vm1 =	vge.f32 v18, v20  }
0x2d7: {  	v18 =	vsel vm1, v18, v20;
	v19 =	vsel vm1, v19, v21  }
0x2d8: {  	(xrf1) =	vsort.dscd.msk.f32 $0xffff, v18, v19  }
0x2d9: {  	(xrf1) =	vsort.dscd.msk.f32 $0xffff, v25, v28;
	_ =	sdelay $0xc  }
0x2da: {  	v18, v19, _ =	vpop (xrf1)  }
0x2db: {  	v26, v27, _ =	vpop (xrf1)  }
0x2dc: {  	v28 =	vld [tilespmem:$0x80];
	v20 =	vperm.xlane v26, v6  }
0x2dd: {  	v21 =	vperm.xlane v27, v6  }
0x2de: {  	vm1 =	vge.f32 v18, v20  }
0x2df: {  	v18 =	vsel vm1, v18, v20;
	v19 =	vsel vm1, v19, v21  }
0x2e0: {  	(xrf1) =	vsort.dscd.msk.f32 $0xffff, v18, v19  }
0x2e1: {  	(xrf1) =	vsort.dscd.msk.f32 $0xffff, v28, v29;
	_ =	sdelay $0xc  }
0x2e2: {  	v18, v19, _ =	vpop (xrf1)  }
0x2e3: {  	v29, v24, _ =	vpop (xrf1)  }
0x2e4: {  	v25 =	vld [tilespmem:$0x90];
	v20 =	vperm.xlane v29, v6  }
0x2e5: {  	v21 =	vperm.xlane v24, v6  }
0x2e6: {  	vm1 =	vge.f32 v18, v20  }
0x2e7: {  	v18 =	vsel vm1, v18, v20;
	v19 =	vsel vm1, v19, v21  }
0x2e8: {  	(xrf1) =	vsort.dscd.msk.f32 $0xffff, v18, v19  }
0x2e9: {  	(xrf1) =	vsort.dscd.msk.f32 $0xffff, v25, v30;
	_ =	sdelay $0xc  }
0x2ea: {  	v18, v19, _ =	vpop (xrf1)  }
0x2eb: {  	v26, v27, _ =	vpop (xrf1)  }
0x2ec: {  	v28 =	vld [tilespmem:$0xA0];
	v20 =	vperm.xlane v26, v6  }
0x2ed: {  	v21 =	vperm.xlane v27, v6  }
0x2ee: {  	vm1 =	vge.f32 v18, v20  }
0x2ef: {  	v18 =	vsel vm1, v18, v20;
	v19 =	vsel vm1, v19, v21  }
0x2f0: {  	(xrf1) =	vsort.dscd.msk.f32 $0xffff, v18, v19  }
0x2f1: {  	(xrf1) =	vsort.dscd.msk.f32 $0xffff, v28, v31;
	_ =	sdelay $0xc  }
0x2f2: {  	v18, v19, _ =	vpop (xrf1)  }
0x2f3: {  	v29, v30, _ =	vpop (xrf1)  }
0x2f4: {  	v31 =	vld [tilespmem:$0xB0];
	v20 =	vperm.xlane v29, v6  }
0x2f5: {  	v21 =	vperm.xlane v30, v6  }
0x2f6: {  	vm1 =	vge.f32 v18, v20  }
0x2f7: {  	v18 =	vsel vm1, v18, v20;
	v19 =	vsel vm1, v19, v21  }
0x2f8: {  	(xrf1) =	vsort.dscd.msk.f32 $0xffff, v18, v19  }
0x2f9: {  	(xrf1) =	vsort.dscd.msk.f32 $0xffff, v31, v32;
	_ =	sdelay $0xc  }
0x2fa: {  	v18, v19, _ =	vpop (xrf1)  }
0x2fb: {  	v32, v24, _ =	vpop (xrf1)  }
0x2fc: {  	v25 =	vld [tilespmem:$0xC0];
	v20 =	vperm.xlane v32, v6  }
0x2fd: {  	v21 =	vperm.xlane v24, v6  }
0x2fe: {  	vm1 =	vge.f32 v18, v20  }
0x2ff: {  	v18 =	vsel vm1, v18, v20;
	v19 =	vsel vm1, v19, v21  }
0x300: {  	(xrf1) =	vsort.dscd.msk.f32 $0xffff, v18, v19  }
0x301: {  	(xrf1) =	vsort.dscd.msk.f32 $0xffff, v25, v33;
	_ =	sdelay $0xc  }
0x302: {  	v18, v19, _ =	vpop (xrf1)  }
0x303: {  	v26, v27, _ =	vpop (xrf1)  }
0x304: {  	v28 =	vld [tilespmem:$0xD0];
	v20 =	vperm.xlane v26, v6  }
0x305: {  	v21 =	vperm.xlane v27, v6  }
0x306: {  	vm1 =	vge.f32 v18, v20  }
0x307: {  	v18 =	vsel vm1, v18, v20;
	v19 =	vsel vm1, v19, v21  }
0x308: {  	(xrf1) =	vsort.dscd.msk.f32 $0xffff, v18, v19  }
0x309: {  	(xrf1) =	vsort.dscd.msk.f32 $0xffff, v28, v34;
	_ =	sdelay $0xc  }
0x30a: {  	v18, v19, _ =	vpop (xrf1)  }
0x30b: {  	v29, v30, _ =	vpop (xrf1)  }
0x30c: {  	v31 =	vld [tilespmem:$0xE0];
	v20 =	vperm.xlane v29, v6  }
0x30d: {  	v21 =	vperm.xlane v30, v6  }
0x30e: {  	vm1 =	vge.f32 v18, v20  }
0x30f: {  	v18 =	vsel vm1, v18, v20;
	v19 =	vsel vm1, v19, v21  }
0x310: {  	(xrf1) =	vsort.dscd.msk.f32 $0xffff, v18, v19  }
0x311: {  	(xrf1) =	vsort.dscd.msk.f32 $0xffff, v31, v35;
	_ =	sdelay $0xc  }
0x312: {  	v18, v19, _ =	vpop (xrf1)  }
0x313: {  	v32, v33, _ =	vpop (xrf1)  }
0x314: {  	v34 =	vld [tilespmem:$0xF0];
	v20 =	vperm.xlane v32, v6  }
0x315: {  	v21 =	vperm.xlane v33, v6  }
0x316: {  	vm1 =	vge.f32 v18, v20  }
0x317: {  	v18 =	vsel vm1, v18, v20;
	v19 =	vsel vm1, v19, v21  }
0x318: {  	(xrf1) =	vsort.dscd.msk.f32 $0xffff, v18, v19  }
0x319: {  	(xrf1) =	vsort.dscd.msk.f32 $0xffff, v34, v36;
	_ =	sdelay $0xc  }
0x31a: {  	v18, v19, _ =	vpop (xrf1)  }
0x31b: {  	v35, v36, _ =	vpop (xrf1)  }
0x31c: {  	v24 =	vld [tilespmem:$0x100];
	v20 =	vperm.xlane v35, v6  }
0x31d: {  	v21 =	vperm.xlane v36, v6  }
0x31e: {  	vm1 =	vge.f32 v18, v20  }
0x31f: {  	v18 =	vsel vm1, v18, v20;
	v19 =	vsel vm1, v19, v21  }
0x320: {  	(xrf1) =	vsort.dscd.msk.f32 $0xffff, v18, v19  }
0x321: {  	(xrf1) =	vsort.dscd.msk.f32 $0xffff, v24, v37;
	_ =	sdelay $0xc  }
0x322: {  	v18, v19, _ =	vpop (xrf1)  }
0x323: {  	v25, v26, _ =	vpop (xrf1)  }
0x324: {  	v27 =	vld [tilespmem:$0x110];
	v20 =	vperm.xlane v25, v6  }
0x325: {  	v21 =	vperm.xlane v26, v6  }
0x326: {  	vm1 =	vge.f32 v18, v20  }
0x327: {  	v18 =	vsel vm1, v18, v20;
	v19 =	vsel vm1, v19, v21  }
0x328: {  	(xrf1) =	vsort.dscd.msk.f32 $0xffff, v18, v19  }
0x329: {  	(xrf1) =	vsort.dscd.msk.f32 $0xffff, v27, v38;
	_ =	sdelay $0xc  }
0x32a: {  	v18, v19, _ =	vpop (xrf1)  }
0x32b: {  	v28, v29, _ =	vpop (xrf1)  }
0x32c: {  	v30 =	vld [tilespmem:$0x120];
	v20 =	vperm.xlane v28, v6  }
0x32d: {  	v21 =	vperm.xlane v29, v6  }
0x32e: {  	vm1 =	vge.f32 v18, v20  }
0x32f: {  	v18 =	vsel vm1, v18, v20;
	v19 =	vsel vm1, v19, v21  }
0x330: {  	(xrf1) =	vsort.dscd.msk.f32 $0xffff, v18, v19  }
0x331: {  	(xrf1) =	vsort.dscd.msk.f32 $0xffff, v30, v39;
	_ =	sdelay $0xc  }
0x332: {  	v18, v19, _ =	vpop (xrf1)  }
0x333: {  	v31, v32, _ =	vpop (xrf1)  }
0x334: {  	v33 =	vld [tilespmem:$0x130];
	v20 =	vperm.xlane v31, v6  }
0x335: {  	v21 =	vperm.xlane v32, v6  }
0x336: {  	vm1 =	vge.f32 v18, v20  }
0x337: {  	v18 =	vsel vm1, v18, v20;
	v19 =	vsel vm1, v19, v21  }
0x338: {  	(xrf1) =	vsort.dscd.msk.f32 $0xffff, v18, v19  }
0x339: {  	(xrf1) =	vsort.dscd.msk.f32 $0xffff, v33, v40;
	_ =	sdelay $0xc  }
0x33a: {  	v18, v19, _ =	vpop (xrf1)  }
0x33b: {  	v34, v35, _ =	vpop (xrf1)  }
0x33c: {  	v36 =	vld [tilespmem:$0x140];
	v20 =	vperm.xlane v34, v6  }
0x33d: {  	v21 =	vperm.xlane v35, v6  }
0x33e: {  	vm1 =	vge.f32 v18, v20  }
0x33f: {  	v18 =	vsel vm1, v18, v20;
	v19 =	vsel vm1, v19, v21  }
0x340: {  	(xrf1) =	vsort.dscd.msk.f32 $0xffff, v18, v19  }
0x341: {  	(xrf1) =	vsort.dscd.msk.f32 $0xffff, v36, v41;
	_ =	sdelay $0xc  }
0x342: {  	v18, v19, _ =	vpop (xrf1)  }
0x343: {  	v37, v38, _ =	vpop (xrf1)  }
0x344: {  	v39 =	vld [tilespmem:$0x150];
	v20 =	vperm.xlane v37, v6  }
0x345: {  	v21 =	vperm.xlane v38, v6  }
0x346: {  	vm1 =	vge.f32 v18, v20  }
0x347: {  	v18 =	vsel vm1, v18, v20;
	v19 =	vsel vm1, v19, v21  }
0x348: {  	(xrf1) =	vsort.dscd.msk.f32 $0xffff, v18, v19  }
0x349: {  	(xrf1) =	vsort.dscd.msk.f32 $0xffff, v39, v42;
	_ =	sdelay $0xc  }
0x34a: {  	v18, v19, _ =	vpop (xrf1)  }
0x34b: {  	v40, v41, _ =	vpop (xrf1)  }
0x34c: {  	v42 =	vld [tilespmem:$0x160];
	v20 =	vperm.xlane v40, v6  }
0x34d: {  	v21 =	vperm.xlane v41, v6  }
0x34e: {  	vm1 =	vge.f32 v18, v20  }
0x34f: {  	v18 =	vsel vm1, v18, v20;
	v19 =	vsel vm1, v19, v21  }
0x350: {  	(xrf1) =	vsort.dscd.msk.f32 $0xffff, v18, v19  }
0x351: {  	(xrf1) =	vsort.dscd.msk.f32 $0xffff, v42, v43;
	_ =	sdelay $0xc  }
0x352: {  	v18, v19, _ =	vpop (xrf1)  }
0x353: {  	v43, v24, _ =	vpop (xrf1)  }
0x354: {  	v25 =	vld [tilespmem:$0x170];
	v20 =	vperm.xlane v43, v6  }
0x355: {  	v21 =	vperm.xlane v24, v6  }
0x356: {  	vm1 =	vge.f32 v18, v20  }
0x357: {  	v18 =	vsel vm1, v18, v20;
	v19 =	vsel vm1, v19, v21  }
0x358: {  	(xrf1) =	vsort.dscd.msk.f32 $0xffff, v18, v19  }
0x359: {  	(xrf1) =	vsort.dscd.msk.f32 $0xffff, v25, v44;
	_ =	sdelay $0xc  }
0x35a: {  	v18, v19, _ =	vpop (xrf1)  }
0x35b: {  	v26, v27, _ =	vpop (xrf1)  }
0x35c: {  	v28 =	vld [tilespmem:$0x180];
	v20 =	vperm.xlane v26, v6  }
0x35d: {  	v21 =	vperm.xlane v27, v6  }
0x35e: {  	vm1 =	vge.f32 v18, v20  }
0x35f: {  	v18 =	vsel vm1, v18, v20;
	v19 =	vsel vm1, v19, v21  }
0x360: {  	(xrf1) =	vsort.dscd.msk.f32 $0xffff, v18, v19  }
0x361: {  	(xrf1) =	vsort.dscd.msk.f32 $0xffff, v28, v45;
	_ =	sdelay $0xc  }
0x362: {  	v18, v19, _ =	vpop (xrf1)  }
0x363: {  	v29, v30, _ =	vpop (xrf1)  }
0x364: {  	v31 =	vld [tilespmem:$0x190];
	v20 =	vperm.xlane v29, v6  }
0x365: {  	v21 =	vperm.xlane v30, v6  }
0x366: {  	vm1 =	vge.f32 v18, v20  }
0x367: {  	v18 =	vsel vm1, v18, v20;
	v19 =	vsel vm1, v19, v21  }
0x368: {  	(xrf1) =	vsort.dscd.msk.f32 $0xffff, v18, v19  }
0x369: {  	(xrf1) =	vsort.dscd.msk.f32 $0xffff, v31, v46;
	_ =	sdelay $0xc  }
0x36a: {  	v18, v19, _ =	vpop (xrf1)  }
0x36b: {  	v32, v33, _ =	vpop (xrf1)  }
0x36c: {  	v34 =	vld [tilespmem:$0x1A0];
	v20 =	vperm.xlane v32, v6  }
0x36d: {  	v21 =	vperm.xlane v33, v6  }
0x36e: {  	vm1 =	vge.f32 v18, v20  }
0x36f: {  	v18 =	vsel vm1, v18, v20;
	v19 =	vsel vm1, v19, v21  }
0x370: {  	(xrf1) =	vsort.dscd.msk.f32 $0xffff, v18, v19  }
0x371: {  	(xrf1) =	vsort.dscd.msk.f32 $0xffff, v34, v47;
	_ =	sdelay $0xc  }
0x372: {  	v18, v19, _ =	vpop (xrf1)  }
0x373: {  	v35, v36, _ =	vpop (xrf1)  }
0x374: {  	v37 =	vld [tilespmem:$0x1B0];
	v20 =	vperm.xlane v35, v6  }
0x375: {  	v21 =	vperm.xlane v36, v6  }
0x376: {  	vm1 =	vge.f32 v18, v20  }
0x377: {  	v18 =	vsel vm1, v18, v20;
	v19 =	vsel vm1, v19, v21  }
0x378: {  	(xrf1) =	vsort.dscd.msk.f32 $0xffff, v18, v19  }
0x379: {  	(xrf1) =	vsort.dscd.msk.f32 $0xffff, v37, v48;
	_ =	sdelay $0xc  }
0x37a: {  	v18, v19, _ =	vpop (xrf1)  }
0x37b: {  	v38, v39, _ =	vpop (xrf1)  }
0x37c: {  	v40 =	vld [tilespmem:$0x1C0];
	v20 =	vperm.xlane v38, v6  }
0x37d: {  	v21 =	vperm.xlane v39, v6  }
0x37e: {  	vm1 =	vge.f32 v18, v20  }
0x37f: {  	v18 =	vsel vm1, v18, v20;
	v19 =	vsel vm1, v19, v21  }
0x380: {  	(xrf1) =	vsort.dscd.msk.f32 $0xffff, v18, v19  }
0x381: {  	(xrf1) =	vsort.dscd.msk.f32 $0xffff, v40, v49;
	_ =	sdelay $0xc  }
0x382: {  	v18, v19, _ =	vpop (xrf1)  }
0x383: {  	v41, v42, _ =	vpop (xrf1)  }
0x384: {  	v43 =	vld [tilespmem:$0x1D0];
	v20 =	vperm.xlane v41, v6  }
0x385: {  	v21 =	vperm.xlane v42, v6  }
0x386: {  	vm1 =	vge.f32 v18, v20  }
0x387: {  	v18 =	vsel vm1, v18, v20;
	v19 =	vsel vm1, v19, v21  }
0x388: {  	(xrf1) =	vsort.dscd.msk.f32 $0xffff, v18, v19  }
0x389: {  	(xrf1) =	vsort.dscd.msk.f32 $0xffff, v43, v50;
	_ =	sdelay $0xc  }
0x38a: {  	v18, v19, _ =	vpop (xrf1)  }
0x38b: {  	v44, v45, _ =	vpop (xrf1)  }
0x38c: {  	v46 =	vld [tilespmem:$0x1E0];
	v20 =	vperm.xlane v44, v6  }
0x38d: {  	v21 =	vperm.xlane v45, v6  }
0x38e: {  	vm1 =	vge.f32 v18, v20  }
0x38f: {  	v18 =	vsel vm1, v18, v20;
	v19 =	vsel vm1, v19, v21  }
0x390: {  	(xrf1) =	vsort.dscd.msk.f32 $0xffff, v18, v19  }
0x391: {  	(xrf1) =	vsort.dscd.msk.f32 $0xffff, v46, v51;
	_ =	sdelay $0xc  }
0x392: {  	v18, v19, _ =	vpop (xrf1)  }
0x393: {  	v47, v48, _ =	vpop (xrf1)  }
0x394: {  	v49 =	vld [tilespmem:$0x1F0];
	v20 =	vperm.xlane v47, v6  }
0x395: {  	v21 =	vperm.xlane v48, v6  }
0x396: {  	vm1 =	vge.f32 v18, v20  }
0x397: {  	v18 =	vsel vm1, v18, v20;
	v19 =	vsel vm1, v19, v21  }
0x398: {  	(xrf1) =	vsort.dscd.msk.f32 $0xffff, v18, v19  }
0x399: {  	(xrf1) =	vsort.dscd.msk.f32 $0xffff, v49, v52;
	_ =	sdelay $0xc  }
0x39a: {  	v18, v19, _ =	vpop (xrf1)  }
0x39b: {  	v50, v51, _ =	vpop (xrf1)  }
0x39c: {  	v52 =	vld [tilespmem:$0x200];
	v20 =	vperm.xlane v50, v6  }
0x39d: {  	v21 =	vperm.xlane v51, v6  }
0x39e: {  	vm1 =	vge.f32 v18, v20  }
0x39f: {  	v18 =	vsel vm1, v18, v20;
	v19 =	vsel vm1, v19, v21  }
0x3a0: {  	(xrf1) =	vsort.dscd.msk.f32 $0xffff, v18, v19  }
0x3a1: {  	(xrf1) =	vsort.dscd.msk.f32 $0xffff, v52, v53;
	_ =	sdelay $0xc  }
0x3a2: {  	v18, v19, _ =	vpop (xrf1)  }
0x3a3: {  	v24, v25, _ =	vpop (xrf1)  }
0x3a4: {  	v26 =	vld [tilespmem:$0x210];
	v20 =	vperm.xlane v24, v6  }
0x3a5: {  	v21 =	vperm.xlane v25, v6  }
0x3a6: {  	vm1 =	vge.f32 v18, v20  }
0x3a7: {  	v18 =	vsel vm1, v18, v20;
	v19 =	vsel vm1, v19, v21  }
0x3a8: {  	(xrf1) =	vsort.dscd.msk.f32 $0xffff, v18, v19  }
0x3a9: {  	(xrf1) =	vsort.dscd.msk.f32 $0xffff, v26, v54;
	_ =	sdelay $0xc  }
0x3aa: {  	v18, v19, _ =	vpop (xrf1)  }
0x3ab: {  	v27, v28, _ =	vpop (xrf1)  }
0x3ac: {  	v29 =	vld [tilespmem:$0x220];
	v20 =	vperm.xlane v27, v6  }
0x3ad: {  	v21 =	vperm.xlane v28, v6  }
0x3ae: {  	vm1 =	vge.f32 v18, v20  }
0x3af: {  	v18 =	vsel vm1, v18, v20;
	v19 =	vsel vm1, v19, v21  }
0x3b0: {  	(xrf1) =	vsort.dscd.msk.f32 $0xffff, v18, v19  }
0x3b1: {  	(xrf1) =	vsort.dscd.msk.f32 $0xffff, v29, v55;
	_ =	sdelay $0xc  }
0x3b2: {  	v18, v19, _ =	vpop (xrf1)  }
0x3b3: {  	v30, v31, _ =	vpop (xrf1)  }
0x3b4: {  	v32 =	vld [tilespmem:$0x230];
	v20 =	vperm.xlane v30, v6  }
0x3b5: {  	v21 =	vperm.xlane v31, v6  }
0x3b6: {  	vm1 =	vge.f32 v18, v20  }
0x3b7: {  	v18 =	vsel vm1, v18, v20;
	v19 =	vsel vm1, v19, v21  }
0x3b8: {  	(xrf1) =	vsort.dscd.msk.f32 $0xffff, v18, v19  }
0x3b9: {  	(xrf1) =	vsort.dscd.msk.f32 $0xffff, v32, v56;
	_ =	sdelay $0xc  }
0x3ba: {  	v18, v19, _ =	vpop (xrf1)  }
0x3bb: {  	v33, v34, _ =	vpop (xrf1)  }
0x3bc: {  	v35 =	vld [tilespmem:$0x240];
	v20 =	vperm.xlane v33, v6  }
0x3bd: {  	v21 =	vperm.xlane v34, v6  }
0x3be: {  	vm1 =	vge.f32 v18, v20  }
0x3bf: {  	v18 =	vsel vm1, v18, v20;
	v19 =	vsel vm1, v19, v21  }
0x3c0: {  	(xrf1) =	vsort.dscd.msk.f32 $0xffff, v18, v19  }
0x3c1: {  	(xrf1) =	vsort.dscd.msk.f32 $0xffff, v35, v57;
	_ =	sdelay $0xc  }
0x3c2: {  	v18, v19, _ =	vpop (xrf1)  }
0x3c3: {  	v36, v37, _ =	vpop (xrf1)  }
0x3c4: {  	v38 =	vld [tilespmem:$0x250];
	v20 =	vperm.xlane v36, v6  }
0x3c5: {  	v21 =	vperm.xlane v37, v6  }
0x3c6: {  	vm1 =	vge.f32 v18, v20  }
0x3c7: {  	v18 =	vsel vm1, v18, v20;
	v19 =	vsel vm1, v19, v21  }
0x3c8: {  	(xrf1) =	vsort.dscd.msk.f32 $0xffff, v18, v19  }
0x3c9: {  	(xrf1) =	vsort.dscd.msk.f32 $0xffff, v38, v58;
	_ =	sdelay $0xc  }
0x3ca: {  	v18, v19, _ =	vpop (xrf1)  }
0x3cb: {  	v39, v40, _ =	vpop (xrf1)  }
0x3cc: {  	v41 =	vld [tilespmem:$0x260];
	v20 =	vperm.xlane v39, v6  }
0x3cd: {  	v21 =	vperm.xlane v40, v6  }
0x3ce: {  	vm1 =	vge.f32 v18, v20  }
0x3cf: {  	v18 =	vsel vm1, v18, v20;
	v19 =	vsel vm1, v19, v21  }
0x3d0: {  	(xrf1) =	vsort.dscd.msk.f32 $0xffff, v18, v19  }
0x3d1: {  	(xrf1) =	vsort.dscd.msk.f32 $0xffff, v41, v59;
	_ =	sdelay $0xc  }
0x3d2: {  	v18, v19, _ =	vpop (xrf1)  }
0x3d3: {  	v42, v43, _ =	vpop (xrf1)  }
0x3d4: {  	v44 =	vld [tilespmem:$0x270];
	v20 =	vperm.xlane v42, v6  }
0x3d5: {  	v21 =	vperm.xlane v43, v6  }
0x3d6: {  	vm1 =	vge.f32 v18, v20  }
0x3d7: {  	v18 =	vsel vm1, v18, v20;
	v19 =	vsel vm1, v19, v21  }
0x3d8: {  	(xrf1) =	vsort.dscd.msk.f32 $0xffff, v18, v19  }
0x3d9: {  	(xrf1) =	vsort.dscd.msk.f32 $0xffff, v44, v60;
	_ =	sdelay $0xc  }
0x3da: {  	v18, v19, _ =	vpop (xrf1)  }
0x3db: {  	v45, v46, _ =	vpop (xrf1)  }
0x3dc: {  	v47 =	vld [tilespmem:$0x280];
	v20 =	vperm.xlane v45, v6  }
0x3dd: {  	v21 =	vperm.xlane v46, v6  }
0x3de: {  	vm1 =	vge.f32 v18, v20  }
0x3df: {  	v18 =	vsel vm1, v18, v20;
	v19 =	vsel vm1, v19, v21  }
0x3e0: {  	(xrf1) =	vsort.dscd.msk.f32 $0xffff, v18, v19  }
0x3e1: {  	(xrf1) =	vsort.dscd.msk.f32 $0xffff, v47, v61;
	_ =	sdelay $0xc  }
0x3e2: {  	v18, v19, _ =	vpop (xrf1)  }
0x3e3: {  	v48, v49, _ =	vpop (xrf1)  }
0x3e4: {  	v50 =	vld [tilespmem:$0x290];
	v20 =	vperm.xlane v48, v6  }
0x3e5: {  	v21 =	vperm.xlane v49, v6  }
0x3e6: {  	vm1 =	vge.f32 v18, v20  }
0x3e7: {  	v18 =	vsel vm1, v18, v20;
	v19 =	vsel vm1, v19, v21  }
0x3e8: {  	(xrf1) =	vsort.dscd.msk.f32 $0xffff, v18, v19  }
0x3e9: {  	(xrf1) =	vsort.dscd.msk.f32 $0xffff, v50, v62;
	_ =	sdelay $0xc  }
0x3ea: {  	v18, v19, _ =	vpop (xrf1)  }
0x3eb: {  	v51, v52, _ =	vpop (xrf1)  }
0x3ec: {  	v53 =	vld [tilespmem:$0x2A0];
	v20 =	vperm.xlane v51, v6  }
0x3ed: {  	v21 =	vperm.xlane v52, v6  }
0x3ee: {  	vm1 =	vge.f32 v18, v20  }
0x3ef: {  	v18 =	vsel vm1, v18, v20;
	v19 =	vsel vm1, v19, v21  }
0x3f0: {  	(xrf1) =	vsort.dscd.msk.f32 $0xffff, v18, v19  }
0x3f1: {  	(xrf1) =	vsort.dscd.msk.f32 $0xffff, v53, v63;
	_ =	sdelay $0xc  }
0x3f2: {  	v18, v19, _ =	vpop (xrf1)  }
0x3f3: {  	v56 =	vld [tilespmem:$0x2B0];
	v54, v55, _ =	vpop (xrf1)  }
0x3f4: {  	v57 =	vld [tilespmem:$0x1FF00];
	v20 =	vperm.xlane v54, v6  }
0x3f5: {  	v21 =	vperm.xlane v55, v6  }
0x3f6: {  	vm1 =	vge.f32 v18, v20  }
0x3f7: {  	v18 =	vsel vm1, v18, v20;
	v19 =	vsel vm1, v19, v21  }
0x3f8: {  	(xrf1) =	vsort.dscd.msk.f32 $0xffff, v18, v19  }
0x3f9: {  	(xrf1) =	vsort.dscd.msk.f32 $0xffff, v56, v57;
	_ =	sdelay $0xc  }
0x3fa: {  	v58, v19, _ =	vpop (xrf1)  }
0x3fb: {  	v61 =	vld [tilespmem:$0x2C0];
	v59, v60, _ =	vpop (xrf1)  }
0x3fc: {  	v62 =	vld [tilespmem:$0x1FF10];
	v20 =	vperm.xlane v59, v6  }
0x3fd: {  	v21 =	vperm.xlane v60, v6  }
0x3fe: {  	vm1 =	vge.f32 v58, v20  }
0x3ff: {  	v18 =	vsel vm1, v58, v20;
	v19 =	vsel vm1, v19, v21  }
0x400: {  	(xrf1) =	vsort.dscd.msk.f32 $0xffff, v18, v19  }
0x401: {  	(xrf1) =	vsort.dscd.msk.f32 $0xffff, v61, v62;
	_ =	sdelay $0xc  }
0x402: {  	v63, v19, _ =	vpop (xrf1)  }
0x403: {  	v26 =	vld [tilespmem:$0x2D0];
	v24, v25, _ =	vpop (xrf1)  }
0x404: {  	v27 =	vld [tilespmem:$0x1FF20];
	v20 =	vperm.xlane v24, v6  }
0x405: {  	v21 =	vperm.xlane v25, v6  }
0x406: {  	vm1 =	vge.f32 v63, v20  }
0x407: {  	v18 =	vsel vm1, v63, v20;
	v19 =	vsel vm1, v19, v21  }
0x408: {  	(xrf1) =	vsort.dscd.msk.f32 $0xffff, v18, v19  }
0x409: {  	(xrf1) =	vsort.dscd.msk.f32 $0xffff, v26, v27;
	_ =	sdelay $0xc  }
0x40a: {  	v28, v19, _ =	vpop (xrf1)  }
0x40b: {  	v31 =	vld [tilespmem:$0x2E0];
	v29, v30, _ =	vpop (xrf1)  }
0x40c: {  	v32 =	vld [tilespmem:$0x1FF30];
	v20 =	vperm.xlane v29, v6  }
0x40d: {  	v21 =	vperm.xlane v30, v6  }
0x40e: {  	vm1 =	vge.f32 v28, v20  }
0x40f: {  	v18 =	vsel vm1, v28, v20;
	v19 =	vsel vm1, v19, v21  }
0x410: {  	(xrf1) =	vsort.dscd.msk.f32 $0xffff, v18, v19  }
0x411: {  	(xrf1) =	vsort.dscd.msk.f32 $0xffff, v31, v32;
	_ =	sdelay $0xc  }
0x412: {  	v33, v19, _ =	vpop (xrf1)  }
0x413: {  	v36 =	vld [tilespmem:$0x2F0];
	v34, v35, _ =	vpop (xrf1)  }
0x414: {  	v37 =	vld [tilespmem:$0x1FF40];
	v20 =	vperm.xlane v34, v6  }
0x415: {  	v21 =	vperm.xlane v35, v6  }
0x416: {  	vm1 =	vge.f32 v33, v20  }
0x417: {  	v18 =	vsel vm1, v33, v20;
	v19 =	vsel vm1, v19, v21  }
0x418: {  	(xrf1) =	vsort.dscd.msk.f32 $0xffff, v18, v19  }
0x419: {  	(xrf1) =	vsort.dscd.msk.f32 $0xffff, v36, v37;
	_ =	sdelay $0xc  }
0x41a: {  	v38, v19, _ =	vpop (xrf1)  }
0x41b: {  	v41 =	vld [tilespmem:$0x300];
	v39, v40, _ =	vpop (xrf1)  }
0x41c: {  	v42 =	vld [tilespmem:$0x1FF50];
	v20 =	vperm.xlane v39, v6  }
0x41d: {  	v21 =	vperm.xlane v40, v6  }
0x41e: {  	vm1 =	vge.f32 v38, v20  }
0x41f: {  	v18 =	vsel vm1, v38, v20;
	v19 =	vsel vm1, v19, v21  }
0x420: {  	(xrf1) =	vsort.dscd.msk.f32 $0xffff, v18, v19  }
0x421: {  	(xrf1) =	vsort.dscd.msk.f32 $0xffff, v41, v42;
	_ =	sdelay $0xc  }
0x422: {  	v43, v19, _ =	vpop (xrf1)  }
0x423: {  	v44, v45, _ =	vpop (xrf1)  }
0x424: {  	v46 =	vld [tilespmem:$0x310];
	v20 =	vperm.xlane v44, v6  }
0x425: {  	v21 =	vperm.xlane v45, v6  }
0x426: {  	vm1 =	vge.f32 v43, v20  }
0x427: {  	v18 =	vsel vm1, v43, v20;
	v19 =	vsel vm1, v19, v21  }
0x428: {  	(xrf1) =	vsort.dscd.msk.f32 $0xffff, v18, v19  }
0x429: {  	(xrf1) =	vsort.dscd.msk.f32 $0xffff, v46, v23;
	_ =	sdelay $0xc  }
0x42a: {  	v18, v19, _ =	vpop (xrf1)  }
0x42b: {  	v49 =	vld [tilespmem:$0x320];
	v47, v48, _ =	vpop (xrf1)  }
0x42c: {  	v50 =	vld [tilespmem:$0x1FF70];
	v20 =	vperm.xlane v47, v6  }
0x42d: {  	v21 =	vperm.xlane v48, v6  }
0x42e: {  	vm1 =	vge.f32 v18, v20  }
0x42f: {  	v18 =	vsel vm1, v18, v20;
	v19 =	vsel vm1, v19, v21  }
0x430: {  	(xrf1) =	vsort.dscd.msk.f32 $0xffff, v18, v19  }
0x431: {  	(xrf1) =	vsort.dscd.msk.f32 $0xffff, v49, v50;
	_ =	sdelay $0xc  }
0x432: {  	v51, v19, _ =	vpop (xrf1)  }
0x433: {  	v54 =	vld [tilespmem:$0x330];
	v52, v53, _ =	vpop (xrf1)  }
0x434: {  	v55 =	vld [tilespmem:$0x1FF80];
	v20 =	vperm.xlane v52, v6  }
0x435: {  	v21 =	vperm.xlane v53, v6  }
0x436: {  	vm1 =	vge.f32 v51, v20  }
0x437: {  	v18 =	vsel vm1, v51, v20;
	v19 =	vsel vm1, v19, v21  }
0x438: {  	(xrf1) =	vsort.dscd.msk.f32 $0xffff, v18, v19  }
0x439: {  	(xrf1) =	vsort.dscd.msk.f32 $0xffff, v54, v55;
	_ =	sdelay $0xc  }
0x43a: {  	v56, v19, _ =	vpop (xrf1)  }
0x43b: {  	v59 =	vld [tilespmem:$0x340];
	v57, v58, _ =	vpop (xrf1)  }
0x43c: {  	v60 =	vld [tilespmem:$0x1FF90];
	v20 =	vperm.xlane v57, v6  }
0x43d: {  	v21 =	vperm.xlane v58, v6  }
0x43e: {  	vm1 =	vge.f32 v56, v20  }
0x43f: {  	v18 =	vsel vm1, v56, v20;
	v19 =	vsel vm1, v19, v21  }
0x440: {  	(xrf1) =	vsort.dscd.msk.f32 $0xffff, v18, v19  }
0x441: {  	(xrf1) =	vsort.dscd.msk.f32 $0xffff, v59, v60;
	_ =	sdelay $0xc  }
0x442: {  	v61, v19, _ =	vpop (xrf1)  }
0x443: {  	v24 =	vld [tilespmem:$0x350];
	v62, v63, _ =	vpop (xrf1)  }
0x444: {  	v25 =	vld [tilespmem:$0x1FFA0];
	v20 =	vperm.xlane v62, v6  }
0x445: {  	v21 =	vperm.xlane v63, v6  }
0x446: {  	vm1 =	vge.f32 v61, v20  }
0x447: {  	v18 =	vsel vm1, v61, v20;
	v19 =	vsel vm1, v19, v21  }
0x448: {  	(xrf1) =	vsort.dscd.msk.f32 $0xffff, v18, v19  }
0x449: {  	(xrf1) =	vsort.dscd.msk.f32 $0xffff, v24, v25;
	_ =	sdelay $0xc  }
0x44a: {  	v26, v19, _ =	vpop (xrf1)  }
0x44b: {  	v29 =	vld [tilespmem:$0x360];
	v27, v28, _ =	vpop (xrf1)  }
0x44c: {  	v30 =	vld [tilespmem:$0x1FFB0];
	v20 =	vperm.xlane v27, v6  }
0x44d: {  	v21 =	vperm.xlane v28, v6  }
0x44e: {  	vm1 =	vge.f32 v26, v20  }
0x44f: {  	v18 =	vsel vm1, v26, v20;
	v19 =	vsel vm1, v19, v21  }
0x450: {  	(xrf1) =	vsort.dscd.msk.f32 $0xffff, v18, v19  }
0x451: {  	(xrf1) =	vsort.dscd.msk.f32 $0xffff, v29, v30;
	_ =	sdelay $0xc  }
0x452: {  	v31, v19, _ =	vpop (xrf1)  }
0x453: {  	v34 =	vld [tilespmem:$0x370];
	v32, v33, _ =	vpop (xrf1)  }
0x454: {  	v35 =	vld [tilespmem:$0x1FFC0];
	v20 =	vperm.xlane v32, v6  }
0x455: {  	v21 =	vperm.xlane v33, v6  }
0x456: {  	vm1 =	vge.f32 v31, v20  }
0x457: {  	v18 =	vsel vm1, v31, v20;
	v19 =	vsel vm1, v19, v21  }
0x458: {  	(xrf1) =	vsort.dscd.msk.f32 $0xffff, v18, v19  }
0x459: {  	(xrf1) =	vsort.dscd.msk.f32 $0xffff, v34, v35;
	_ =	sdelay $0xc  }
0x45a: {  	v36, v19, _ =	vpop (xrf1)  }
0x45b: {  	v39 =	vld [tilespmem:$0x380];
	v37, v38, _ =	vpop (xrf1)  }
0x45c: {  	v40 =	vld [tilespmem:$0x1FFD0];
	v20 =	vperm.xlane v37, v6  }
0x45d: {  	v21 =	vperm.xlane v38, v6  }
0x45e: {  	vm1 =	vge.f32 v36, v20  }
0x45f: {  	v18 =	vsel vm1, v36, v20;
	v19 =	vsel vm1, v19, v21  }
0x460: {  	(xrf1) =	vsort.dscd.msk.f32 $0xffff, v18, v19  }
0x461: {  	(xrf1) =	vsort.dscd.msk.f32 $0xffff, v39, v40;
	_ =	sdelay $0xc  }
0x462: {  	v41, v19, _ =	vpop (xrf1)  }
0x463: {  	v44 =	vld [tilespmem:$0x390];
	v42, v43, _ =	vpop (xrf1)  }
0x464: {  	v45 =	vld [tilespmem:$0x1FFE0];
	v20 =	vperm.xlane v42, v6  }
0x465: {  	v21 =	vperm.xlane v43, v6  }
0x466: {  	vm1 =	vge.f32 v41, v20  }
0x467: {  	v18 =	vsel vm1, v41, v20;
	v19 =	vsel vm1, v19, v21  }
0x468: {  	(xrf1) =	vsort.dscd.msk.f32 $0xffff, v18, v19  }
0x469: {  	(xrf1) =	vsort.dscd.msk.f32 $0xffff, v44, v45;
	_ =	sdelay $0xc  }
0x46a: {  	v46, v19, _ =	vpop (xrf1)  }
0x46b: {  	v49 =	vld [tilespmem:$0x3A0];
	v47, v48, _ =	vpop (xrf1)  }
0x46c: {  	v50 =	vld [tilespmem:$0x1FFF0];
	v20 =	vperm.xlane v47, v6  }
0x46d: {  	v21 =	vperm.xlane v48, v6  }
0x46e: {  	vm1 =	vge.f32 v46, v20  }
0x46f: {  	v18 =	vsel vm1, v46, v20;
	v19 =	vsel vm1, v19, v21  }
0x470: {  	(xrf1) =	vsort.dscd.msk.f32 $0xffff, v18, v19  }
0x471: {  	(xrf1) =	vsort.dscd.msk.f32 $0xffff, v49, v50;
	_ =	sdelay $0xc  }
0x472: {  	v51, v19, _ =	vpop (xrf1)  }
0x473: {  	v52, v53, _ =	vpop (xrf1)  }
0x474: {  	v54 =	vld [tilespmem:$0x3B0];
	v20 =	vperm.xlane v52, v6  }
0x475: {  	v21 =	vperm.xlane v53, v6  }
0x476: {  	vm1 =	vge.f32 v51, v20  }
0x477: {  	v18 =	vsel vm1, v51, v20;
	v19 =	vsel vm1, v19, v21  }
0x478: {  	(xrf1) =	vsort.dscd.msk.f32 $0xffff, v18, v19  }
0x479: {  	(xrf1) =	vsort.dscd.msk.f32 $0xffff, v54, v3;
	_ =	sdelay $0xc  }
0x47a: {  	v3, v18, _ =	vpop (xrf1)  }
0x47b: {  	v56, v55, _ =	vpop (xrf1)  }
0x47c: {  	v57 =	vld [tilespmem:$0x3C0];
	v19 =	vperm.xlane v56, v6  }
0x47d: {  	v20 =	vperm.xlane v55, v6  }
0x47e: {  	vm1 =	vge.f32 v3, v19  }
0x47f: {  	v3 =	vsel vm1, v3, v19;
	v18 =	vsel vm1, v18, v20  }
0x480: {  	(xrf1) =	vsort.dscd.msk.f32 $0xffff, v3, v18  }
0x481: {  	(xrf1) =	vsort.dscd.msk.f32 $0xffff, v57, v4;
	_ =	sdelay $0xc  }
0x482: {  	v3, v4, _ =	vpop (xrf1)  }
0x483: {  	v59, v58, _ =	vpop (xrf1)  }
0x484: {  	v60 =	vld [tilespmem:$0x3D0];
	v18 =	vperm.xlane v59, v6  }
0x485: {  	v19 =	vperm.xlane v58, v6  }
0x486: {  	vm1 =	vge.f32 v3, v18  }
0x487: {  	v3 =	vsel vm1, v3, v18;
	v4 =	vsel vm1, v4, v19  }
0x488: {  	(xrf1) =	vsort.dscd.msk.f32 $0xffff, v3, v4  }
0x489: {  	(xrf1) =	vsort.dscd.msk.f32 $0xffff, v60, v1;
	_ =	sdelay $0xc  }
0x48a: {  	v1, v3, _ =	vpop (xrf1)  }
0x48b: {  	v4, v61, _ =	vpop (xrf1)  }
0x48c: {  	v62 =	vld [tilespmem:$0x3E0];
	v4 =	vperm.xlane v4, v6  }
0x48d: {  	v18 =	vperm.xlane v61, v6  }
0x48e: {  	vm1 =	vge.f32 v1, v4  }
0x48f: {  	v1 =	vsel vm1, v1, v4;
	v3 =	vsel vm1, v3, v18  }
0x490: {  	(xrf1) =	vsort.dscd.msk.f32 $0xffff, v1, v3  }
0x491: {  	(xrf1) =	vsort.dscd.msk.f32 $0xffff, v62, v2;
	_ =	sdelay $0xc  }
0x492: {  	v1, v2, _ =	vpop (xrf1)  }
0x493: {  	v3, v4, _ =	vpop (xrf1)  }
0x494: {  	v63 =	vld [tilespmem:$0x3F0];
	v3 =	vperm.xlane v3, v6  }
0x495: {  	v4 =	vperm.xlane v4, v6  }
0x496: {  	vm1 =	vge.f32 v1, v3  }
0x497: {  	v1 =	vsel vm1, v1, v3;
	v2 =	vsel vm1, v2, v4  }
0x498: {  	(xrf1) =	vsort.dscd.msk.f32 $0xffff, v1, v2  }
0x499: {  	(xrf1) =	vsort.dscd.msk.f32 $0xffff, v63, v5;
	_ =	sdelay $0xc  }
0x49a: {  	v1, v2, _ =	vpop (xrf1)  }
0x49b: {  	v3, v4, _ =	vpop (xrf1)  }
0x49c: {  	v5 =	vld [tilespmem:$0x400];
	v3 =	vperm.xlane v3, v6  }
0x49d: {  	v4 =	vperm.xlane v4, v6  }
0x49e: {  	vm1 =	vge.f32 v1, v3  }
0x49f: {  	v1 =	vsel vm1, v1, v3;
	v2 =	vsel vm1, v2, v4  }
0x4a0: {  	(xrf1) =	vsort.dscd.msk.f32 $0xffff, v1, v2  }
0x4a1: {  	(xrf1) =	vsort.dscd.msk.f32 $0xffff, v5, v7;
	_ =	sdelay $0xc  }
0x4a2: {  	v1, v2, _ =	vpop (xrf1)  }
0x4a3: {  	v3, v4, _ =	vpop (xrf1)  }
0x4a4: {  	v5 =	vld [tilespmem:$0x410];
	v3 =	vperm.xlane v3, v6  }
0x4a5: {  	v4 =	vperm.xlane v4, v6  }
0x4a6: {  	vm1 =	vge.f32 v1, v3  }
0x4a7: {  	v1 =	vsel vm1, v1, v3;
	v2 =	vsel vm1, v2, v4  }
0x4a8: {  	(xrf1) =	vsort.dscd.msk.f32 $0xffff, v1, v2  }
0x4a9: {  	(xrf1) =	vsort.dscd.msk.f32 $0xffff, v5, v8;
	_ =	sdelay $0xc  }
0x4aa: {  	v1, v2, _ =	vpop (xrf1)  }
0x4ab: {  	v3, v4, _ =	vpop (xrf1)  }
0x4ac: {  	v5 =	vld [tilespmem:$0x420];
	v3 =	vperm.xlane v3, v6  }
0x4ad: {  	v4 =	vperm.xlane v4, v6  }
0x4ae: {  	vm1 =	vge.f32 v1, v3  }
0x4af: {  	v1 =	vsel vm1, v1, v3;
	v2 =	vsel vm1, v2, v4  }
0x4b0: {  	(xrf1) =	vsort.dscd.msk.f32 $0xffff, v1, v2  }
0x4b1: {  	(xrf1) =	vsort.dscd.msk.f32 $0xffff, v5, v9;
	_ =	sdelay $0xc  }
0x4b2: {  	v1, v2, _ =	vpop (xrf1)  }
0x4b3: {  	v3, v4, _ =	vpop (xrf1)  }
0x4b4: {  	v5 =	vld [tilespmem:$0x430];
	v3 =	vperm.xlane v3, v6  }
0x4b5: {  	v4 =	vperm.xlane v4, v6  }
0x4b6: {  	vm1 =	vge.f32 v1, v3  }
0x4b7: {  	v1 =	vsel vm1, v1, v3;
	v2 =	vsel vm1, v2, v4  }
0x4b8: {  	(xrf1) =	vsort.dscd.msk.f32 $0xffff, v1, v2  }
0x4b9: {  	(xrf1) =	vsort.dscd.msk.f32 $0xffff, v5, v10;
	_ =	sdelay $0xc  }
0x4ba: {  	v1, v2, _ =	vpop (xrf1)  }
0x4bb: {  	v3, v4, _ =	vpop (xrf1)  }
0x4bc: {  	v5 =	vld [tilespmem:$0x440];
	v3 =	vperm.xlane v3, v6  }
0x4bd: {  	v4 =	vperm.xlane v4, v6  }
0x4be: {  	vm1 =	vge.f32 v1, v3  }
0x4bf: {  	v1 =	vsel vm1, v1, v3;
	v2 =	vsel vm1, v2, v4  }
0x4c0: {  	(xrf1) =	vsort.dscd.msk.f32 $0xffff, v1, v2  }
0x4c1: {  	(xrf1) =	vsort.dscd.msk.f32 $0xffff, v5, v11;
	_ =	sdelay $0xc  }
0x4c2: {  	v1, v2, _ =	vpop (xrf1)  }
0x4c3: {  	v3, v4, _ =	vpop (xrf1)  }
0x4c4: {  	v5 =	vld [tilespmem:$0x450];
	v3 =	vperm.xlane v3, v6  }
0x4c5: {  	v4 =	vperm.xlane v4, v6  }
0x4c6: {  	vm1 =	vge.f32 v1, v3  }
0x4c7: {  	v1 =	vsel vm1, v1, v3;
	v2 =	vsel vm1, v2, v4  }
0x4c8: {  	(xrf1) =	vsort.dscd.msk.f32 $0xffff, v1, v2  }
0x4c9: {  	(xrf1) =	vsort.dscd.msk.f32 $0xffff, v5, v12;
	_ =	sdelay $0xc  }
0x4ca: {  	v1, v2, _ =	vpop (xrf1)  }
0x4cb: {  	v3, v4, _ =	vpop (xrf1)  }
0x4cc: {  	v5 =	vld [tilespmem:$0x460];
	v3 =	vperm.xlane v3, v6  }
0x4cd: {  	v4 =	vperm.xlane v4, v6  }
0x4ce: {  	vm1 =	vge.f32 v1, v3  }
0x4cf: {  	v1 =	vsel vm1, v1, v3;
	v2 =	vsel vm1, v2, v4  }
0x4d0: {  	(xrf1) =	vsort.dscd.msk.f32 $0xffff, v1, v2  }
0x4d1: {  	(xrf1) =	vsort.dscd.msk.f32 $0xffff, v5, v13;
	_ =	sdelay $0xc  }
0x4d2: {  	v1, v2, _ =	vpop (xrf1)  }
0x4d3: {  	v3, v4, _ =	vpop (xrf1)  }
0x4d4: {  	v5 =	vld [tilespmem:$0x470];
	v3 =	vperm.xlane v3, v6  }
0x4d5: {  	v4 =	vperm.xlane v4, v6  }
0x4d6: {  	vm1 =	vge.f32 v1, v3  }
0x4d7: {  	v1 =	vsel vm1, v1, v3;
	v2 =	vsel vm1, v2, v4  }
0x4d8: {  	(xrf1) =	vsort.dscd.msk.f32 $0xffff, v1, v2  }
0x4d9: {  	(xrf1) =	vsort.dscd.msk.f32 $0xffff, v5, v15;
	_ =	sdelay $0xc  }
0x4da: {  	v1, v2, _ =	vpop (xrf1)  }
0x4db: {  	v3, v4, _ =	vpop (xrf1)  }
0x4dc: {  	v3 =	vperm.xlane v3, v6  }
0x4dd: {  	v4 =	vperm.xlane v4, v6  }
0x4de: {  	vm1 =	vge.f32 v1, v3  }
0x4df: {  	v1 =	vsel vm1, v1, v3;
	v2 =	vsel vm1, v2, v4  }
0x4e0: {  	(xrf1) =	vsort.dscd.msk.f32 $0xffff, v1, v2;
	_ =	sdelay $0xa  }
0x4e1: {  	v2 =	vld [tilespmem:$0x1FC40];
	_ =	sdelay $0x2  }
0x4e2: {  	_, v1, _ =	vpop (xrf1)  }
0x4e3: {  	v3 =	vld [tilespmem:$0x1FC50];
	v1 =	vshll.u32 v1, $0x6  }
0x4e4: {  	v1 =	vor.u32 v2, v1  }
0x4e5: {  	v2 =	vshrl.u32 v1, $0x3  }
0x4e6: {  	v2 =	vmul.u32 $0x30, v2;
	_ =	sdelay $0x1  }
0x4e7: {  	v2 =	vor.u32 v3, v2  }
0x4e8: {  	v3 =	vperm.xlane v2, v16;
	_ =	sdelay $0x1  }
0x4e9: {  	v3 =	vadd.s32 v14, v3;
	_ =	sdelay $0x3  }
0x4ea: {  	[tilespmem:$0x480] =	vst v1;
	v1 =	vperm.xlane v2, v17  }
0x4eb: {  	[tilespmem:s14], [sflag:$0x1] =	stream.indirect_vreg.gather [hbm4b:s1+s3], $0x80, v3, vm0, $0xb8;
	[tilespmem:$0x3500] =	vst v63  }
0x4ec: {  	v1 =	vadd.s32 v14, v1  }
0x4ed: {  	[tilespmem:s15], [sflag:$0x1] =	stream.indirect_vreg.gather [hbm4b:s5+s3], $0x80, v3, vm0, $0xb8;
	[tilespmem:$0x3500] =	vst v63  }
0x4ee: {  	_ = 	snop  }
0x4ef: {  	[tilespmem:s16], [sflag:$0x1] =	stream.indirect_vreg.gather [hbm4b:s6+s3], $0x80, v3, vm0, $0xb8;
	[tilespmem:$0x3500] =	vst v63  }
0x4f0: {  	_ = 	snop  }
0x4f1: {  	[tilespmem:s17], [sflag:$0x1] =	stream.indirect_vreg.gather [hbm4b:s1+s3], $0x80, v1, vm0, $0xb8;
	[tilespmem:$0x3500] =	vst v63  }
0x4f2: {  	_ = 	snop  }
0x4f3: {  	[tilespmem:s18], [sflag:$0x1] =	stream.indirect_vreg.gather [hbm4b:s5+s3], $0x80, v1, vm0, $0xb8;
	[tilespmem:$0x3500] =	vst v63  }
0x4f4: {  	_ = 	snop  }
0x4f5: {  	[tilespmem:s19], [sflag:$0x1] =	stream.indirect_vreg.gather [hbm4b:s6+s3], $0x80, v1, vm0, $0xb8;
	[tilespmem:$0x3500] =	vst v63  }
0x4f6: {  	_ =	swait.ge [sflag:s20], $0x3000  }
0x4f7: {  	p0 =	sne.s32 s10, $0x1;
	[sflag:s20] =	ssyncset.done $0x0  }
.Ltmp0:
0x4f8: {  	[sflag:s20] =	ssyncadd.s32 $0xFFFFD000;
	(pc) =	sbr.rel @p0 .LBB2_1-.Ltmp0, $4  }
0x4f9: {  	[hbm4b:s9+s3] =	stream.linear.scatter [tilespmem:s14], [sflag:$0x2], $0x1800, $0x38;
	[tilespmem:$0x3500] =	vst v63  }
0x4fa: {  	_ =	swait.ge [sflag:s13], $0x1800  }
0x4fb: {  	[sflag:s13] =	ssyncset.done $0x0  }
0x4fc: {  	s10 =	sadd.s32 $0xFFFFFFFF, s10;
	[sflag:s13] =	ssyncadd.s32 $0xFFFFE800  }
0x4fd: {  	_ =	sfence.sel $0x180000  }
0x4fe: {  	[bflag:$0x0] =	sbarrier.arrive $0xFFFF  }
0x4ff: {  	p0 =	sne.s32 s0, $0x0;
	_ =	strace $0x90000047  }
0x500: {  	s0 =	sadd.s32 @!p0 $0x100000, s2;
	[bflag:$0x2] =	sbarrier.arrive $0xFFFF  }
0x501: {  	[sflag:s0] =	ssyncadd.tile.s32 @!p0 $0x1;
	_ =	shalt  }
.Lfunc_end2:
_tile_overlayer_lowered:
.L_overlay_start_2:
0x502: {  	(tag) =	ssettag $0x2  }
0x503: {  	s0 =	rddreg [dreg:$0x0];
	s2 =	stileid.u32  }
0x504: {  	s1 =	rddreg [dreg:$0x1];
	p0 =	sne.s32 s2, $0x0  }
0x505: {  	s3 =	rddreg [dreg:$0x2];
	[bflag:$0x3] =	sbarrier.arrive $0xFFFF;
	s2 =	simm.s32 @!p0 $0x1C02  }
0x506: {  	[timem:s3], [sflag:s2] =	dma.local @!p0 [hbm:s0], s1  }
0x507: {  	s0 =	simm.s32 @!p0 $0x2  }
0x508: {  	_ =	swait.ge @!p0 [sflag:s0], s1  }
0x509: {  	s1 =	ssub.s32 @!p0 $0x0, s1;
	[sflag:s0] =	ssyncset.done @!p0 $0x0  }
0x50a: {  	[sflag:s0] =	ssyncadd.s32 @!p0 s1  }
0x50b: {  	[bflag:$0x3] =	sbarrier.arrive $0xFFFF  }
0x50c: {  	_ =	shalt  }

</sc_bundles>
